<compile_context>
chip_gen: v7x
topology: tpu7x:2x2x1
jax: 0.10.2.dev20260603
libtpu: 0.0.44.dev20260713+nightly
codegen_flags: <defaults>
</compile_context>

<pallas_src>
import jax
import jax.numpy as jnp
from jax import lax
from jax.experimental import pallas as pl
from jax.experimental.pallas import tpu as pltpu
from jax.experimental.pallas import tpu_sc as plsc

_L = 16
_W = 3072
_NW = 32
_G = 6
_SCROWS = 8 * _G
_MAIN = _NW * _W
_REM = 1696
_TC_RING = 4


def _tanh16(v):
    t = jnp.exp(v + v)
    return 1.0 - 2.0 / (t + 1.0)


def _sc_body(x_hbm, o_hbm, ib0, ib1, ob0, ob1, is0, is1, os0, os1):
    wid = lax.axis_index("s") * 2 + lax.axis_index("c")
    col = pl.multiple_of(wid * _W, 128)
    ibufs, obufs = (ib0, ib1), (ob0, ob1)
    isems, osems = (is0, is1), (os0, os1)

    def in_cp(g, b):
        r0 = pl.multiple_of(g * 8, 8)
        return pltpu.make_async_copy(
            x_hbm.at[pl.ds(r0, 8), pl.ds(col, _W)], ibufs[b], isems[b])

    def out_cp(g, b):
        r0 = pl.multiple_of(g * 8, 8)
        return pltpu.make_async_copy(
            obufs[b], o_hbm.at[pl.ds(r0, 8), pl.ds(col, _W)], osems[b])

    def compute(b):
        @plsc.parallel_loop(0, _W // _L, 1, unroll=4)
        def _(j, b=b):
            c = pl.multiple_of(j * _L, _L)
            for r in range(8):
                obufs[b][r, pl.ds(c, _L)] = _tanh16(
                    ibufs[b][r, pl.ds(c, _L)])

    in_cp(0, 0).start()
    in_cp(1, 1).start()

    def step(s, _):
        for b in range(2):
            g = 2 * s + b
            in_cp(g, b).wait()

            @pl.when(s > 0)
            def _():
                out_cp(g - 2, b).wait()

            compute(b)
            out_cp(g, b).start()

            @pl.when(s < _G // 2 - 1)
            def _():
                in_cp(g + 2, b).start()
        return 0

    lax.fori_loop(0, _G // 2, step, 0, unroll=False)
    out_cp(_G - 2, 0).wait()
    out_cp(_G - 1, 1).wait()


def _tc_body(o_in_hbm, x_hbm, o_hbm, *scratch):
    del o_in_hbm
    ibufs = scratch[:_TC_RING]
    obufs = scratch[_TC_RING:2 * _TC_RING]
    tbuf = scratch[2 * _TC_RING]
    isems = scratch[2 * _TC_RING + 1]
    osems = scratch[2 * _TC_RING + 2]
    tsem_i = scratch[2 * _TC_RING + 3]
    tsem_o = scratch[2 * _TC_RING + 4]
    nchunk = (o_hbm.shape[0] - _SCROWS) // 8

    def in_cp(c, s):
        return pltpu.make_async_copy(
            x_hbm.at[pl.ds(_SCROWS + c * 8, 8), :], ibufs[s], isems.at[s])

    def out_cp(c, s):
        return pltpu.make_async_copy(
            obufs[s], o_hbm.at[pl.ds(_SCROWS + c * 8, 8), :], osems.at[s])

    def tail_in():
        return pltpu.make_async_copy(
            x_hbm.at[pl.ds(0, _SCROWS), pl.ds(_MAIN, _REM)], tbuf, tsem_i)

    def tail_out():
        return pltpu.make_async_copy(
            tbuf, o_hbm.at[pl.ds(0, _SCROWS), pl.ds(_MAIN, _REM)], tsem_o)

    tail_in().start()
    for c in range(min(_TC_RING, nchunk)):
        in_cp(c, c).start()
    for c in range(nchunk):
        s = c % _TC_RING
        in_cp(c, s).wait()
        if c >= _TC_RING:
            out_cp(c - _TC_RING, s).wait()
        obufs[s][...] = jnp.tanh(ibufs[s][...])
        out_cp(c, s).start()
        nc = c + _TC_RING
        if nc < nchunk:
            in_cp(nc, s).start()
    tail_in().wait()
    tbuf[...] = jnp.tanh(tbuf[...])
    tail_out().start()
    tail_out().wait()
    for c in range(max(nchunk - _TC_RING, 0), nchunk):
        out_cp(c, c % _TC_RING).wait()


def kernel(mean, stddev):
    del stddev
    m, n = mean.shape
    mesh = plsc.VectorSubcoreMesh(core_axis_name="c", subcore_axis_name="s")
    sc = pl.kernel(
        _sc_body,
        out_type=jax.ShapeDtypeStruct((m, n), jnp.float32),
        mesh=mesh,
        scratch_types=(
            [pltpu.VMEM((8, _W), jnp.float32) for _ in range(4)]
            + [pltpu.SemaphoreType.DMA for _ in range(4)]
        ),
    )
    sc_out = sc(mean)

    return pl.pallas_call(
        _tc_body,
        in_specs=[pl.BlockSpec(memory_space=pl.ANY),
                  pl.BlockSpec(memory_space=pl.ANY)],
        out_specs=pl.BlockSpec(memory_space=pl.ANY),
        out_shape=jax.ShapeDtypeStruct((m, n), jnp.float32),
        input_output_aliases={0: 0},
        scratch_shapes=(
            [pltpu.VMEM((8, n), jnp.float32) for _ in range(2 * _TC_RING)]
            + [pltpu.VMEM((_SCROWS, _REM), jnp.float32)]
            + [pltpu.SemaphoreType.DMA((_TC_RING,)),
               pltpu.SemaphoreType.DMA((_TC_RING,)),
               pltpu.SemaphoreType.DMA,
               pltpu.SemaphoreType.DMA]
        ),
    )(sc_out, mean)

# --- scband reference (transcript-rebuilt; emitter-appended) ---
"""Pipeline reference for scband-monte-carlo-policy-34557306863885 (READ-ONLY COPY).

The authoritative reference and input builder live on the scoring server;
editing this copy changes nothing except your own understanding.
"""

import jax, jax.numpy as jnp
import numpy as np

LOW = -1.0
HIGH = 1.0

def setup_inputs(seed: int = 0) -> dict:
    key = jax.random.key(seed)
    k1, k2 = jax.random.split(key)
    mean = jax.random.normal(k1, (128, 100000), dtype=jnp.float32)
    stddev = jax.random.uniform(k2, (128, 100000), dtype=jnp.float32)
    return {"mean": mean, "stddev": stddev}

def reference(mean, stddev):
    # Non-discrete branch of MonteCarloPolicy.forward with low/high set:
    # mean = (tanh(mean) + 1) / 2 * (high - low) + low
    # The TruncatedNormal distribution is parameterized by (trans_mean, stddev);
    # forward's deterministic computation is the mean squashing, which we return.
    trans_mean = (jnp.tanh(mean) + 1.0) / 2.0 * (HIGH - LOW) + LOW
    return trans_mean

if __name__ == "__main__":
    import jax
    _d = setup_inputs()
    print(jax.jit(kernel)(*tuple(_d.values())))

</pallas_src>

<mosaic_0001>
#map = affine_map<(d0, d1) -> (0, 0)>
module attributes {stable_mosaic.version = 14 : i64} {
  func.func @_sc_body(%arg0: i32, %arg1: i32, %arg2: memref<128x100000xf32, #tpu.memory_space<hbm>>, %arg3: memref<128x100000xf32, #tpu.memory_space<hbm>>, %arg4: memref<8x3072xf32, #tpu.memory_space<vmem>>, %arg5: memref<8x3072xf32, #tpu.memory_space<vmem>>, %arg6: memref<8x3072xf32, #tpu.memory_space<vmem>>, %arg7: memref<8x3072xf32, #tpu.memory_space<vmem>>, %arg8: memref<!tpu.dma_semaphore, #tpu.memory_space<semaphore_mem>>, %arg9: memref<!tpu.dma_semaphore, #tpu.memory_space<semaphore_mem>>, %arg10: memref<!tpu.dma_semaphore, #tpu.memory_space<semaphore_mem>>, %arg11: memref<!tpu.dma_semaphore, #tpu.memory_space<semaphore_mem>>) attributes {dimension_semantics = [#tpu.dimension_semantics<core_parallel>, #tpu.dimension_semantics<subcore_parallel>], iteration_bounds = array<i64: 2, 16>, scalar_prefetch = 0 : i64, scratch_operands = 8 : i64, tpu.core_type = #tpu.core_type<sc_vector_subcore>, window_params = [{transform_indices = #map}, {transform_indices = #map}]} {
    %mul3A = arith.constant 2 : i32
    %mul3A_0 = arith.muli %arg1, %mul3A : i32
    %add3A = arith.addi %mul3A_0, %arg0 : i32
    %mul3A_1 = arith.constant 3072 : i32
    %mul3A_2 = arith.muli %add3A, %mul3A_1 : i32
    %multiple_of3A = tpu.assume_multiple %mul3A_2, 128 : i32
    %multiple_of3A_3 = arith.constant 0 : i32
    %multiple_of3A_4 = tpu.assume_multiple %multiple_of3A_3, 8 : i32
    %dma_start3A = tpu.memref_slice %arg2[%multiple_of3A_4, %multiple_of3A] : memref<128x100000xf32, #tpu.memory_space<hbm>> -> memref<8x3072xf32, #tpu.memory_space<hbm>>
    %dma_start3A_5 = tpu.memref_slice %arg2[%multiple_of3A_4, %multiple_of3A] : memref<128x100000xf32, #tpu.memory_space<hbm>> -> memref<8x3072xf32, #tpu.memory_space<hbm>>
    tpu.enqueue_dma source(%dma_start3A_5 : memref<8x3072xf32, #tpu.memory_space<hbm>>) target(%arg4 : memref<8x3072xf32, #tpu.memory_space<vmem>>) target_semaphore(%arg8 : memref<!tpu.dma_semaphore, #tpu.memory_space<semaphore_mem>>)
    %multiple_of3A_6 = arith.constant 8 : i32
    %multiple_of3A_7 = tpu.assume_multiple %multiple_of3A_6, 8 : i32
    %dma_start3A_8 = tpu.memref_slice %arg2[%multiple_of3A_7, %multiple_of3A] : memref<128x100000xf32, #tpu.memory_space<hbm>> -> memref<8x3072xf32, #tpu.memory_space<hbm>>
    %dma_start3A_9 = tpu.memref_slice %arg2[%multiple_of3A_7, %multiple_of3A] : memref<128x100000xf32, #tpu.memory_space<hbm>> -> memref<8x3072xf32, #tpu.memory_space<hbm>>
    tpu.enqueue_dma source(%dma_start3A_9 : memref<8x3072xf32, #tpu.memory_space<hbm>>) target(%arg5 : memref<8x3072xf32, #tpu.memory_space<vmem>>) target_semaphore(%arg9 : memref<!tpu.dma_semaphore, #tpu.memory_space<semaphore_mem>>)
    %scan3A = arith.constant 0 : i32
    %scan3A_10 = arith.constant 0 : i32
    %scan3A_11 = arith.constant 3 : i32
    %scan3A_12 = arith.addi %scan3A_10, %scan3A_11 : i32
    %scan3A_13 = arith.constant 1 : i32
    %scan3A_14 = scf.for %scan3A_23 = %scan3A_10 to %scan3A_12 step %scan3A_13 iter_args(%scan3A_24 = %scan3A) -> (i32)  : i32 {
      %mul3A_25 = arith.constant 2 : i32
      %mul3A_26 = arith.muli %mul3A_25, %scan3A_23 : i32
      %add3A_27 = arith.constant 0 : i32
      %add3A_28 = arith.addi %mul3A_26, %add3A_27 : i32
      %mul3A_29 = arith.constant 8 : i32
      %mul3A_30 = arith.muli %add3A_28, %mul3A_29 : i32
      %multiple_of3A_31 = tpu.assume_multiple %mul3A_30, 8 : i32
      %dma_wait3A_32 = tpu.memref_slice %arg2[%multiple_of3A_31, %multiple_of3A] : memref<128x100000xf32, #tpu.memory_space<hbm>> -> memref<8x3072xf32, #tpu.memory_space<hbm>>
      %dma_wait3A_33 = tpu.memref_slice %arg2[%multiple_of3A_31, %multiple_of3A] : memref<128x100000xf32, #tpu.memory_space<hbm>> -> memref<8x3072xf32, #tpu.memory_space<hbm>>
      tpu.wait_dma2 semaphore(%arg8 : memref<!tpu.dma_semaphore, #tpu.memory_space<semaphore_mem>>) src(%dma_wait3A_33 : memref<8x3072xf32, #tpu.memory_space<hbm>>) dst(%arg4 : memref<8x3072xf32, #tpu.memory_space<vmem>>)
      %gt3A = arith.constant 0 : i32
      %gt3A_34 = arith.cmpi sgt, %scan3A_23, %gt3A : i32
      %convert_element_type3A = arith.extui %gt3A_34 : i1 to i32
      %cond3A = arith.constant 0 : i32
      %cond3A_35 = arith.cmpi ne, %convert_element_type3A, %cond3A : i32
      scf.if %cond3A_35 {
        %sub3A = arith.constant 2 : i32
        %sub3A_75 = arith.subi %add3A_28, %sub3A : i32
        %mul3A_76 = arith.constant 8 : i32
        %mul3A_77 = arith.muli %sub3A_75, %mul3A_76 : i32
        %multiple_of3A_78 = tpu.assume_multiple %mul3A_77, 8 : i32
        %dma_wait3A_79 = tpu.memref_slice %arg3[%multiple_of3A_78, %multiple_of3A] : memref<128x100000xf32, #tpu.memory_space<hbm>> -> memref<8x3072xf32, #tpu.memory_space<hbm>>
        %dma_wait3A_80 = tpu.memref_slice %arg3[%multiple_of3A_78, %multiple_of3A] : memref<128x100000xf32, #tpu.memory_space<hbm>> -> memref<8x3072xf32, #tpu.memory_space<hbm>>
        tpu.wait_dma2 semaphore(%arg10 : memref<!tpu.dma_semaphore, #tpu.memory_space<semaphore_mem>>) src(%arg6 : memref<8x3072xf32, #tpu.memory_space<vmem>>) dst(%dma_wait3A_80 : memref<8x3072xf32, #tpu.memory_space<hbm>>)
      } else {
      }
      %parallel_loop3A = arith.constant 0 : i32
      %parallel_loop3A_36 = arith.constant 192 : i32
      %parallel_loop3A_37 = arith.constant 1 : i32
      scf.for %parallel_loop3A_75 = %parallel_loop3A to %parallel_loop3A_36 step %parallel_loop3A_37  : i32 {
        %parallel_loop3A_76 = arith.constant 16 : i32
        %parallel_loop3A_77 = arith.muli %parallel_loop3A_75, %parallel_loop3A_76 : i32
        %parallel_loop3A_78 = tpu.assume_multiple %parallel_loop3A_77, 16 : i32
        %parallel_loop3A_79 = arith.constant 0 : i32
        %parallel_loop3A_80 = arith.index_cast %parallel_loop3A_79 : i32 to index
        %parallel_loop3A_81 = arith.index_cast %parallel_loop3A_78 : i32 to index
        %parallel_loop3A_82 = tpu.vector_load %arg4[%parallel_loop3A_80, %parallel_loop3A_81] {strides = array<i32>} : memref<8x3072xf32, #tpu.memory_space<vmem>>, vector<1x16xf32>,
        %parallel_loop3A_83 = vector.shape_cast %parallel_loop3A_82 : vector<1x16xf32> to vector<16xf32>
        %parallel_loop3A_84 = arith.addf %parallel_loop3A_83, %parallel_loop3A_83 : vector<16xf32>
        %parallel_loop3A_85 = math.exp %parallel_loop3A_84 : vector<16xf32>
        %parallel_loop3A_86 = arith.constant 1.000000e+00 : f32
        %parallel_loop3A_87 = vector.broadcast %parallel_loop3A_86 : f32 to vector<16xf32>
        %parallel_loop3A_88 = arith.addf %parallel_loop3A_85, %parallel_loop3A_87 : vector<16xf32>
        %parallel_loop3A_89 = arith.constant 2.000000e+00 : f32
        %parallel_loop3A_90 = vector.broadcast %parallel_loop3A_89 : f32 to vector<16xf32>
        %parallel_loop3A_91 = arith.divf %parallel_loop3A_90, %parallel_loop3A_88 : vector<16xf32>
        %parallel_loop3A_92 = arith.constant 1.000000e+00 : f32
        %parallel_loop3A_93 = vector.broadcast %parallel_loop3A_92 : f32 to vector<16xf32>
        %parallel_loop3A_94 = arith.subf %parallel_loop3A_93, %parallel_loop3A_91 : vector<16xf32>
        %parallel_loop3A_95 = arith.constant 0 : i32
        %parallel_loop3A_96 = arith.index_cast %parallel_loop3A_95 : i32 to index
        %parallel_loop3A_97 = arith.index_cast %parallel_loop3A_78 : i32 to index
        %parallel_loop3A_98 = tpu.vector_load %arg6[%parallel_loop3A_96, %parallel_loop3A_97] {strides = array<i32>} : memref<8x3072xf32, #tpu.memory_space<vmem>>, vector<1x16xf32>,
        %parallel_loop3A_99 = vector.shape_cast %parallel_loop3A_98 : vector<1x16xf32> to vector<16xf32>
        %parallel_loop3A_100 = vector.shape_cast %parallel_loop3A_94 : vector<16xf32> to vector<1x16xf32>
        tpu.vector_store %arg6[%parallel_loop3A_96, %parallel_loop3A_97], %parallel_loop3A_100 {strides = array<i32>} : memref<8x3072xf32, #tpu.memory_space<vmem>>, vector<1x16xf32>,
        %parallel_loop3A_101 = arith.constant 1 : i32
        %parallel_loop3A_102 = arith.index_cast %parallel_loop3A_101 : i32 to index
        %parallel_loop3A_103 = arith.index_cast %parallel_loop3A_78 : i32 to index
        %parallel_loop3A_104 = tpu.vector_load %arg4[%parallel_loop3A_102, %parallel_loop3A_103] {strides = array<i32>} : memref<8x3072xf32, #tpu.memory_space<vmem>>, vector<1x16xf32>,
        %parallel_loop3A_105 = vector.shape_cast %parallel_loop3A_104 : vector<1x16xf32> to vector<16xf32>
        %parallel_loop3A_106 = arith.addf %parallel_loop3A_105, %parallel_loop3A_105 : vector<16xf32>
        %parallel_loop3A_107 = math.exp %parallel_loop3A_106 : vector<16xf32>
        %parallel_loop3A_108 = arith.constant 1.000000e+00 : f32
        %parallel_loop3A_109 = vector.broadcast %parallel_loop3A_108 : f32 to vector<16xf32>
        %parallel_loop3A_110 = arith.addf %parallel_loop3A_107, %parallel_loop3A_109 : vector<16xf32>
        %parallel_loop3A_111 = arith.constant 2.000000e+00 : f32
        %parallel_loop3A_112 = vector.broadcast %parallel_loop3A_111 : f32 to vector<16xf32>
        %parallel_loop3A_113 = arith.divf %parallel_loop3A_112, %parallel_loop3A_110 : vector<16xf32>
        %parallel_loop3A_114 = arith.constant 1.000000e+00 : f32
        %parallel_loop3A_115 = vector.broadcast %parallel_loop3A_114 : f32 to vector<16xf32>
        %parallel_loop3A_116 = arith.subf %parallel_loop3A_115, %parallel_loop3A_113 : vector<16xf32>
        %parallel_loop3A_117 = arith.constant 1 : i32
        %parallel_loop3A_118 = arith.index_cast %parallel_loop3A_117 : i32 to index
        %parallel_loop3A_119 = arith.index_cast %parallel_loop3A_78 : i32 to index
        %parallel_loop3A_120 = tpu.vector_load %arg6[%parallel_loop3A_118, %parallel_loop3A_119] {strides = array<i32>} : memref<8x3072xf32, #tpu.memory_space<vmem>>, vector<1x16xf32>,
        %parallel_loop3A_121 = vector.shape_cast %parallel_loop3A_120 : vector<1x16xf32> to vector<16xf32>
        %parallel_loop3A_122 = vector.shape_cast %parallel_loop3A_116 : vector<16xf32> to vector<1x16xf32>
        tpu.vector_store %arg6[%parallel_loop3A_118, %parallel_loop3A_119], %parallel_loop3A_122 {strides = array<i32>} : memref<8x3072xf32, #tpu.memory_space<vmem>>, vector<1x16xf32>,
        %parallel_loop3A_123 = arith.constant 2 : i32
        %parallel_loop3A_124 = arith.index_cast %parallel_loop3A_123 : i32 to index
        %parallel_loop3A_125 = arith.index_cast %parallel_loop3A_78 : i32 to index
        %parallel_loop3A_126 = tpu.vector_load %arg4[%parallel_loop3A_124, %parallel_loop3A_125] {strides = array<i32>} : memref<8x3072xf32, #tpu.memory_space<vmem>>, vector<1x16xf32>,
        %parallel_loop3A_127 = vector.shape_cast %parallel_loop3A_126 : vector<1x16xf32> to vector<16xf32>
        %parallel_loop3A_128 = arith.addf %parallel_loop3A_127, %parallel_loop3A_127 : vector<16xf32>
        %parallel_loop3A_129 = math.exp %parallel_loop3A_128 : vector<16xf32>
        %parallel_loop3A_130 = arith.constant 1.000000e+00 : f32
        %parallel_loop3A_131 = vector.broadcast %parallel_loop3A_130 : f32 to vector<16xf32>
        %parallel_loop3A_132 = arith.addf %parallel_loop3A_129, %parallel_loop3A_131 : vector<16xf32>
        %parallel_loop3A_133 = arith.constant 2.000000e+00 : f32
        %parallel_loop3A_134 = vector.broadcast %parallel_loop3A_133 : f32 to vector<16xf32>
        %parallel_loop3A_135 = arith.divf %parallel_loop3A_134, %parallel_loop3A_132 : vector<16xf32>
        %parallel_loop3A_136 = arith.constant 1.000000e+00 : f32
        %parallel_loop3A_137 = vector.broadcast %parallel_loop3A_136 : f32 to vector<16xf32>
        %parallel_loop3A_138 = arith.subf %parallel_loop3A_137, %parallel_loop3A_135 : vector<16xf32>
        %parallel_loop3A_139 = arith.constant 2 : i32
        %parallel_loop3A_140 = arith.index_cast %parallel_loop3A_139 : i32 to index
        %parallel_loop3A_141 = arith.index_cast %parallel_loop3A_78 : i32 to index
        %parallel_loop3A_142 = tpu.vector_load %arg6[%parallel_loop3A_140, %parallel_loop3A_141] {strides = array<i32>} : memref<8x3072xf32, #tpu.memory_space<vmem>>, vector<1x16xf32>,
        %parallel_loop3A_143 = vector.shape_cast %parallel_loop3A_142 : vector<1x16xf32> to vector<16xf32>
        %parallel_loop3A_144 = vector.shape_cast %parallel_loop3A_138 : vector<16xf32> to vector<1x16xf32>
        tpu.vector_store %arg6[%parallel_loop3A_140, %parallel_loop3A_141], %parallel_loop3A_144 {strides = array<i32>} : memref<8x3072xf32, #tpu.memory_space<vmem>>, vector<1x16xf32>,
        %parallel_loop3A_145 = arith.constant 3 : i32
        %parallel_loop3A_146 = arith.index_cast %parallel_loop3A_145 : i32 to index
        %parallel_loop3A_147 = arith.index_cast %parallel_loop3A_78 : i32 to index
        %parallel_loop3A_148 = tpu.vector_load %arg4[%parallel_loop3A_146, %parallel_loop3A_147] {strides = array<i32>} : memref<8x3072xf32, #tpu.memory_space<vmem>>, vector<1x16xf32>,
        %parallel_loop3A_149 = vector.shape_cast %parallel_loop3A_148 : vector<1x16xf32> to vector<16xf32>
        %parallel_loop3A_150 = arith.addf %parallel_loop3A_149, %parallel_loop3A_149 : vector<16xf32>
        %parallel_loop3A_151 = math.exp %parallel_loop3A_150 : vector<16xf32>
        %parallel_loop3A_152 = arith.constant 1.000000e+00 : f32
        %parallel_loop3A_153 = vector.broadcast %parallel_loop3A_152 : f32 to vector<16xf32>
        %parallel_loop3A_154 = arith.addf %parallel_loop3A_151, %parallel_loop3A_153 : vector<16xf32>
        %parallel_loop3A_155 = arith.constant 2.000000e+00 : f32
        %parallel_loop3A_156 = vector.broadcast %parallel_loop3A_155 : f32 to vector<16xf32>
        %parallel_loop3A_157 = arith.divf %parallel_loop3A_156, %parallel_loop3A_154 : vector<16xf32>
        %parallel_loop3A_158 = arith.constant 1.000000e+00 : f32
        %parallel_loop3A_159 = vector.broadcast %parallel_loop3A_158 : f32 to vector<16xf32>
        %parallel_loop3A_160 = arith.subf %parallel_loop3A_159, %parallel_loop3A_157 : vector<16xf32>
        %parallel_loop3A_161 = arith.constant 3 : i32
        %parallel_loop3A_162 = arith.index_cast %parallel_loop3A_161 : i32 to index
        %parallel_loop3A_163 = arith.index_cast %parallel_loop3A_78 : i32 to index
        %parallel_loop3A_164 = tpu.vector_load %arg6[%parallel_loop3A_162, %parallel_loop3A_163] {strides = array<i32>} : memref<8x3072xf32, #tpu.memory_space<vmem>>, vector<1x16xf32>,
        %parallel_loop3A_165 = vector.shape_cast %parallel_loop3A_164 : vector<1x16xf32> to vector<16xf32>
        %parallel_loop3A_166 = vector.shape_cast %parallel_loop3A_160 : vector<16xf32> to vector<1x16xf32>
        tpu.vector_store %arg6[%parallel_loop3A_162, %parallel_loop3A_163], %parallel_loop3A_166 {strides = array<i32>} : memref<8x3072xf32, #tpu.memory_space<vmem>>, vector<1x16xf32>,
        %parallel_loop3A_167 = arith.constant 4 : i32
        %parallel_loop3A_168 = arith.index_cast %parallel_loop3A_167 : i32 to index
        %parallel_loop3A_169 = arith.index_cast %parallel_loop3A_78 : i32 to index
        %parallel_loop3A_170 = tpu.vector_load %arg4[%parallel_loop3A_168, %parallel_loop3A_169] {strides = array<i32>} : memref<8x3072xf32, #tpu.memory_space<vmem>>, vector<1x16xf32>,
        %parallel_loop3A_171 = vector.shape_cast %parallel_loop3A_170 : vector<1x16xf32> to vector<16xf32>
        %parallel_loop3A_172 = arith.addf %parallel_loop3A_171, %parallel_loop3A_171 : vector<16xf32>
        %parallel_loop3A_173 = math.exp %parallel_loop3A_172 : vector<16xf32>
        %parallel_loop3A_174 = arith.constant 1.000000e+00 : f32
        %parallel_loop3A_175 = vector.broadcast %parallel_loop3A_174 : f32 to vector<16xf32>
        %parallel_loop3A_176 = arith.addf %parallel_loop3A_173, %parallel_loop3A_175 : vector<16xf32>
        %parallel_loop3A_177 = arith.constant 2.000000e+00 : f32
        %parallel_loop3A_178 = vector.broadcast %parallel_loop3A_177 : f32 to vector<16xf32>
        %parallel_loop3A_179 = arith.divf %parallel_loop3A_178, %parallel_loop3A_176 : vector<16xf32>
        %parallel_loop3A_180 = arith.constant 1.000000e+00 : f32
        %parallel_loop3A_181 = vector.broadcast %parallel_loop3A_180 : f32 to vector<16xf32>
        %parallel_loop3A_182 = arith.subf %parallel_loop3A_181, %parallel_loop3A_179 : vector<16xf32>
        %parallel_loop3A_183 = arith.constant 4 : i32
        %parallel_loop3A_184 = arith.index_cast %parallel_loop3A_183 : i32 to index
        %parallel_loop3A_185 = arith.index_cast %parallel_loop3A_78 : i32 to index
        %parallel_loop3A_186 = tpu.vector_load %arg6[%parallel_loop3A_184, %parallel_loop3A_185] {strides = array<i32>} : memref<8x3072xf32, #tpu.memory_space<vmem>>, vector<1x16xf32>,
        %parallel_loop3A_187 = vector.shape_cast %parallel_loop3A_186 : vector<1x16xf32> to vector<16xf32>
        %parallel_loop3A_188 = vector.shape_cast %parallel_loop3A_182 : vector<16xf32> to vector<1x16xf32>
        tpu.vector_store %arg6[%parallel_loop3A_184, %parallel_loop3A_185], %parallel_loop3A_188 {strides = array<i32>} : memref<8x3072xf32, #tpu.memory_space<vmem>>, vector<1x16xf32>,
        %parallel_loop3A_189 = arith.constant 5 : i32
        %parallel_loop3A_190 = arith.index_cast %parallel_loop3A_189 : i32 to index
        %parallel_loop3A_191 = arith.index_cast %parallel_loop3A_78 : i32 to index
        %parallel_loop3A_192 = tpu.vector_load %arg4[%parallel_loop3A_190, %parallel_loop3A_191] {strides = array<i32>} : memref<8x3072xf32, #tpu.memory_space<vmem>>, vector<1x16xf32>,
        %parallel_loop3A_193 = vector.shape_cast %parallel_loop3A_192 : vector<1x16xf32> to vector<16xf32>
        %parallel_loop3A_194 = arith.addf %parallel_loop3A_193, %parallel_loop3A_193 : vector<16xf32>
        %parallel_loop3A_195 = math.exp %parallel_loop3A_194 : vector<16xf32>
        %parallel_loop3A_196 = arith.constant 1.000000e+00 : f32
        %parallel_loop3A_197 = vector.broadcast %parallel_loop3A_196 : f32 to vector<16xf32>
        %parallel_loop3A_198 = arith.addf %parallel_loop3A_195, %parallel_loop3A_197 : vector<16xf32>
        %parallel_loop3A_199 = arith.constant 2.000000e+00 : f32
        %parallel_loop3A_200 = vector.broadcast %parallel_loop3A_199 : f32 to vector<16xf32>
        %parallel_loop3A_201 = arith.divf %parallel_loop3A_200, %parallel_loop3A_198 : vector<16xf32>
        %parallel_loop3A_202 = arith.constant 1.000000e+00 : f32
        %parallel_loop3A_203 = vector.broadcast %parallel_loop3A_202 : f32 to vector<16xf32>
        %parallel_loop3A_204 = arith.subf %parallel_loop3A_203, %parallel_loop3A_201 : vector<16xf32>
        %parallel_loop3A_205 = arith.constant 5 : i32
        %parallel_loop3A_206 = arith.index_cast %parallel_loop3A_205 : i32 to index
        %parallel_loop3A_207 = arith.index_cast %parallel_loop3A_78 : i32 to index
        %parallel_loop3A_208 = tpu.vector_load %arg6[%parallel_loop3A_206, %parallel_loop3A_207] {strides = array<i32>} : memref<8x3072xf32, #tpu.memory_space<vmem>>, vector<1x16xf32>,
        %parallel_loop3A_209 = vector.shape_cast %parallel_loop3A_208 : vector<1x16xf32> to vector<16xf32>
        %parallel_loop3A_210 = vector.shape_cast %parallel_loop3A_204 : vector<16xf32> to vector<1x16xf32>
        tpu.vector_store %arg6[%parallel_loop3A_206, %parallel_loop3A_207], %parallel_loop3A_210 {strides = array<i32>} : memref<8x3072xf32, #tpu.memory_space<vmem>>, vector<1x16xf32>,
        %parallel_loop3A_211 = arith.constant 6 : i32
        %parallel_loop3A_212 = arith.index_cast %parallel_loop3A_211 : i32 to index
        %parallel_loop3A_213 = arith.index_cast %parallel_loop3A_78 : i32 to index
        %parallel_loop3A_214 = tpu.vector_load %arg4[%parallel_loop3A_212, %parallel_loop3A_213] {strides = array<i32>} : memref<8x3072xf32, #tpu.memory_space<vmem>>, vector<1x16xf32>,
        %parallel_loop3A_215 = vector.shape_cast %parallel_loop3A_214 : vector<1x16xf32> to vector<16xf32>
        %parallel_loop3A_216 = arith.addf %parallel_loop3A_215, %parallel_loop3A_215 : vector<16xf32>
        %parallel_loop3A_217 = math.exp %parallel_loop3A_216 : vector<16xf32>
        %parallel_loop3A_218 = arith.constant 1.000000e+00 : f32
        %parallel_loop3A_219 = vector.broadcast %parallel_loop3A_218 : f32 to vector<16xf32>
        %parallel_loop3A_220 = arith.addf %parallel_loop3A_217, %parallel_loop3A_219 : vector<16xf32>
        %parallel_loop3A_221 = arith.constant 2.000000e+00 : f32
        %parallel_loop3A_222 = vector.broadcast %parallel_loop3A_221 : f32 to vector<16xf32>
        %parallel_loop3A_223 = arith.divf %parallel_loop3A_222, %parallel_loop3A_220 : vector<16xf32>
        %parallel_loop3A_224 = arith.constant 1.000000e+00 : f32
        %parallel_loop3A_225 = vector.broadcast %parallel_loop3A_224 : f32 to vector<16xf32>
        %parallel_loop3A_226 = arith.subf %parallel_loop3A_225, %parallel_loop3A_223 : vector<16xf32>
        %parallel_loop3A_227 = arith.constant 6 : i32
        %parallel_loop3A_228 = arith.index_cast %parallel_loop3A_227 : i32 to index
        %parallel_loop3A_229 = arith.index_cast %parallel_loop3A_78 : i32 to index
        %parallel_loop3A_230 = tpu.vector_load %arg6[%parallel_loop3A_228, %parallel_loop3A_229] {strides = array<i32>} : memref<8x3072xf32, #tpu.memory_space<vmem>>, vector<1x16xf32>,
        %parallel_loop3A_231 = vector.shape_cast %parallel_loop3A_230 : vector<1x16xf32> to vector<16xf32>
        %parallel_loop3A_232 = vector.shape_cast %parallel_loop3A_226 : vector<16xf32> to vector<1x16xf32>
        tpu.vector_store %arg6[%parallel_loop3A_228, %parallel_loop3A_229], %parallel_loop3A_232 {strides = array<i32>} : memref<8x3072xf32, #tpu.memory_space<vmem>>, vector<1x16xf32>,
        %parallel_loop3A_233 = arith.constant 7 : i32
        %parallel_loop3A_234 = arith.index_cast %parallel_loop3A_233 : i32 to index
        %parallel_loop3A_235 = arith.index_cast %parallel_loop3A_78 : i32 to index
        %parallel_loop3A_236 = tpu.vector_load %arg4[%parallel_loop3A_234, %parallel_loop3A_235] {strides = array<i32>} : memref<8x3072xf32, #tpu.memory_space<vmem>>, vector<1x16xf32>,
        %parallel_loop3A_237 = vector.shape_cast %parallel_loop3A_236 : vector<1x16xf32> to vector<16xf32>
        %parallel_loop3A_238 = arith.addf %parallel_loop3A_237, %parallel_loop3A_237 : vector<16xf32>
        %parallel_loop3A_239 = math.exp %parallel_loop3A_238 : vector<16xf32>
        %parallel_loop3A_240 = arith.constant 1.000000e+00 : f32
        %parallel_loop3A_241 = vector.broadcast %parallel_loop3A_240 : f32 to vector<16xf32>
        %parallel_loop3A_242 = arith.addf %parallel_loop3A_239, %parallel_loop3A_241 : vector<16xf32>
        %parallel_loop3A_243 = arith.constant 2.000000e+00 : f32
        %parallel_loop3A_244 = vector.broadcast %parallel_loop3A_243 : f32 to vector<16xf32>
        %parallel_loop3A_245 = arith.divf %parallel_loop3A_244, %parallel_loop3A_242 : vector<16xf32>
        %parallel_loop3A_246 = arith.constant 1.000000e+00 : f32
        %parallel_loop3A_247 = vector.broadcast %parallel_loop3A_246 : f32 to vector<16xf32>
        %parallel_loop3A_248 = arith.subf %parallel_loop3A_247, %parallel_loop3A_245 : vector<16xf32>
        %parallel_loop3A_249 = arith.constant 7 : i32
        %parallel_loop3A_250 = arith.index_cast %parallel_loop3A_249 : i32 to index
        %parallel_loop3A_251 = arith.index_cast %parallel_loop3A_78 : i32 to index
        %parallel_loop3A_252 = tpu.vector_load %arg6[%parallel_loop3A_250, %parallel_loop3A_251] {strides = array<i32>} : memref<8x3072xf32, #tpu.memory_space<vmem>>, vector<1x16xf32>,
        %parallel_loop3A_253 = vector.shape_cast %parallel_loop3A_252 : vector<1x16xf32> to vector<16xf32>
        %parallel_loop3A_254 = vector.shape_cast %parallel_loop3A_248 : vector<16xf32> to vector<1x16xf32>
        tpu.vector_store %arg6[%parallel_loop3A_250, %parallel_loop3A_251], %parallel_loop3A_254 {strides = array<i32>} : memref<8x3072xf32, #tpu.memory_space<vmem>>, vector<1x16xf32>,
      } {sc.loop_unroll_factor = 4 : i64, sc.parallel_access}
      %mul3A_38 = arith.constant 8 : i32
      %mul3A_39 = arith.muli %add3A_28, %mul3A_38 : i32
      %multiple_of3A_40 = tpu.assume_multiple %mul3A_39, 8 : i32
      %dma_start3A_41 = tpu.memref_slice %arg3[%multiple_of3A_40, %multiple_of3A] : memref<128x100000xf32, #tpu.memory_space<hbm>> -> memref<8x3072xf32, #tpu.memory_space<hbm>>
      %dma_start3A_42 = tpu.memref_slice %arg3[%multiple_of3A_40, %multiple_of3A] : memref<128x100000xf32, #tpu.memory_space<hbm>> -> memref<8x3072xf32, #tpu.memory_space<hbm>>
      tpu.enqueue_dma source(%arg6 : memref<8x3072xf32, #tpu.memory_space<vmem>>) target(%dma_start3A_42 : memref<8x3072xf32, #tpu.memory_space<hbm>>) target_semaphore(%arg10 : memref<!tpu.dma_semaphore, #tpu.memory_space<semaphore_mem>>)
      %lt3A = arith.constant 2 : i32
      %lt3A_43 = arith.cmpi slt, %scan3A_23, %lt3A : i32
      %convert_element_type3A_44 = arith.extui %lt3A_43 : i1 to i32
      %cond3A_45 = arith.constant 0 : i32
      %cond3A_46 = arith.cmpi ne, %convert_element_type3A_44, %cond3A_45 : i32
      scf.if %cond3A_46 {
        %add3A_75 = arith.constant 2 : i32
        %add3A_76 = arith.addi %add3A_28, %add3A_75 : i32
        %mul3A_77 = arith.constant 8 : i32
        %mul3A_78 = arith.muli %add3A_76, %mul3A_77 : i32
        %multiple_of3A_79 = tpu.assume_multiple %mul3A_78, 8 : i32
        %dma_start3A_80 = tpu.memref_slice %arg2[%multiple_of3A_79, %multiple_of3A] : memref<128x100000xf32, #tpu.memory_space<hbm>> -> memref<8x3072xf32, #tpu.memory_space<hbm>>
        %dma_start3A_81 = tpu.memref_slice %arg2[%multiple_of3A_79, %multiple_of3A] : memref<128x100000xf32, #tpu.memory_space<hbm>> -> memref<8x3072xf32, #tpu.memory_space<hbm>>
        tpu.enqueue_dma source(%dma_start3A_81 : memref<8x3072xf32, #tpu.memory_space<hbm>>) target(%arg4 : memref<8x3072xf32, #tpu.memory_space<vmem>>) target_semaphore(%arg8 : memref<!tpu.dma_semaphore, #tpu.memory_space<semaphore_mem>>)
      } else {
      }
      %mul3A_47 = arith.constant 2 : i32
      %mul3A_48 = arith.muli %mul3A_47, %scan3A_23 : i32
      %add3A_49 = arith.constant 1 : i32
      %add3A_50 = arith.addi %mul3A_48, %add3A_49 : i32
      %mul3A_51 = arith.constant 8 : i32
      %mul3A_52 = arith.muli %add3A_50, %mul3A_51 : i32
      %multiple_of3A_53 = tpu.assume_multiple %mul3A_52, 8 : i32
      %dma_wait3A_54 = tpu.memref_slice %arg2[%multiple_of3A_53, %multiple_of3A] : memref<128x100000xf32, #tpu.memory_space<hbm>> -> memref<8x3072xf32, #tpu.memory_space<hbm>>
      %dma_wait3A_55 = tpu.memref_slice %arg2[%multiple_of3A_53, %multiple_of3A] : memref<128x100000xf32, #tpu.memory_space<hbm>> -> memref<8x3072xf32, #tpu.memory_space<hbm>>
      tpu.wait_dma2 semaphore(%arg9 : memref<!tpu.dma_semaphore, #tpu.memory_space<semaphore_mem>>) src(%dma_wait3A_55 : memref<8x3072xf32, #tpu.memory_space<hbm>>) dst(%arg5 : memref<8x3072xf32, #tpu.memory_space<vmem>>)
      %gt3A_56 = arith.constant 0 : i32
      %gt3A_57 = arith.cmpi sgt, %scan3A_23, %gt3A_56 : i32
      %convert_element_type3A_58 = arith.extui %gt3A_57 : i1 to i32
      %cond3A_59 = arith.constant 0 : i32
      %cond3A_60 = arith.cmpi ne, %convert_element_type3A_58, %cond3A_59 : i32
      scf.if %cond3A_60 {
        %sub3A = arith.constant 2 : i32
        %sub3A_75 = arith.subi %add3A_50, %sub3A : i32
        %mul3A_76 = arith.constant 8 : i32
        %mul3A_77 = arith.muli %sub3A_75, %mul3A_76 : i32
        %multiple_of3A_78 = tpu.assume_multiple %mul3A_77, 8 : i32
        %dma_wait3A_79 = tpu.memref_slice %arg3[%multiple_of3A_78, %multiple_of3A] : memref<128x100000xf32, #tpu.memory_space<hbm>> -> memref<8x3072xf32, #tpu.memory_space<hbm>>
        %dma_wait3A_80 = tpu.memref_slice %arg3[%multiple_of3A_78, %multiple_of3A] : memref<128x100000xf32, #tpu.memory_space<hbm>> -> memref<8x3072xf32, #tpu.memory_space<hbm>>
        tpu.wait_dma2 semaphore(%arg11 : memref<!tpu.dma_semaphore, #tpu.memory_space<semaphore_mem>>) src(%arg7 : memref<8x3072xf32, #tpu.memory_space<vmem>>) dst(%dma_wait3A_80 : memref<8x3072xf32, #tpu.memory_space<hbm>>)
      } else {
      }
      %parallel_loop3A_61 = arith.constant 0 : i32
      %parallel_loop3A_62 = arith.constant 192 : i32
      %parallel_loop3A_63 = arith.constant 1 : i32
      scf.for %parallel_loop3A_75 = %parallel_loop3A_61 to %parallel_loop3A_62 step %parallel_loop3A_63  : i32 {
        %parallel_loop3A_76 = arith.constant 16 : i32
        %parallel_loop3A_77 = arith.muli %parallel_loop3A_75, %parallel_loop3A_76 : i32
        %parallel_loop3A_78 = tpu.assume_multiple %parallel_loop3A_77, 16 : i32
        %parallel_loop3A_79 = arith.constant 0 : i32
        %parallel_loop3A_80 = arith.index_cast %parallel_loop3A_79 : i32 to index
        %parallel_loop3A_81 = arith.index_cast %parallel_loop3A_78 : i32 to index
        %parallel_loop3A_82 = tpu.vector_load %arg5[%parallel_loop3A_80, %parallel_loop3A_81] {strides = array<i32>} : memref<8x3072xf32, #tpu.memory_space<vmem>>, vector<1x16xf32>,
        %parallel_loop3A_83 = vector.shape_cast %parallel_loop3A_82 : vector<1x16xf32> to vector<16xf32>
        %parallel_loop3A_84 = arith.addf %parallel_loop3A_83, %parallel_loop3A_83 : vector<16xf32>
        %parallel_loop3A_85 = math.exp %parallel_loop3A_84 : vector<16xf32>
        %parallel_loop3A_86 = arith.constant 1.000000e+00 : f32
        %parallel_loop3A_87 = vector.broadcast %parallel_loop3A_86 : f32 to vector<16xf32>
        %parallel_loop3A_88 = arith.addf %parallel_loop3A_85, %parallel_loop3A_87 : vector<16xf32>
        %parallel_loop3A_89 = arith.constant 2.000000e+00 : f32
        %parallel_loop3A_90 = vector.broadcast %parallel_loop3A_89 : f32 to vector<16xf32>
        %parallel_loop3A_91 = arith.divf %parallel_loop3A_90, %parallel_loop3A_88 : vector<16xf32>
        %parallel_loop3A_92 = arith.constant 1.000000e+00 : f32
        %parallel_loop3A_93 = vector.broadcast %parallel_loop3A_92 : f32 to vector<16xf32>
        %parallel_loop3A_94 = arith.subf %parallel_loop3A_93, %parallel_loop3A_91 : vector<16xf32>
        %parallel_loop3A_95 = arith.constant 0 : i32
        %parallel_loop3A_96 = arith.index_cast %parallel_loop3A_95 : i32 to index
        %parallel_loop3A_97 = arith.index_cast %parallel_loop3A_78 : i32 to index
        %parallel_loop3A_98 = tpu.vector_load %arg7[%parallel_loop3A_96, %parallel_loop3A_97] {strides = array<i32>} : memref<8x3072xf32, #tpu.memory_space<vmem>>, vector<1x16xf32>,
        %parallel_loop3A_99 = vector.shape_cast %parallel_loop3A_98 : vector<1x16xf32> to vector<16xf32>
        %parallel_loop3A_100 = vector.shape_cast %parallel_loop3A_94 : vector<16xf32> to vector<1x16xf32>
        tpu.vector_store %arg7[%parallel_loop3A_96, %parallel_loop3A_97], %parallel_loop3A_100 {strides = array<i32>} : memref<8x3072xf32, #tpu.memory_space<vmem>>, vector<1x16xf32>,
        %parallel_loop3A_101 = arith.constant 1 : i32
        %parallel_loop3A_102 = arith.index_cast %parallel_loop3A_101 : i32 to index
        %parallel_loop3A_103 = arith.index_cast %parallel_loop3A_78 : i32 to index
        %parallel_loop3A_104 = tpu.vector_load %arg5[%parallel_loop3A_102, %parallel_loop3A_103] {strides = array<i32>} : memref<8x3072xf32, #tpu.memory_space<vmem>>, vector<1x16xf32>,
        %parallel_loop3A_105 = vector.shape_cast %parallel_loop3A_104 : vector<1x16xf32> to vector<16xf32>
        %parallel_loop3A_106 = arith.addf %parallel_loop3A_105, %parallel_loop3A_105 : vector<16xf32>
        %parallel_loop3A_107 = math.exp %parallel_loop3A_106 : vector<16xf32>
        %parallel_loop3A_108 = arith.constant 1.000000e+00 : f32
        %parallel_loop3A_109 = vector.broadcast %parallel_loop3A_108 : f32 to vector<16xf32>
        %parallel_loop3A_110 = arith.addf %parallel_loop3A_107, %parallel_loop3A_109 : vector<16xf32>
        %parallel_loop3A_111 = arith.constant 2.000000e+00 : f32
        %parallel_loop3A_112 = vector.broadcast %parallel_loop3A_111 : f32 to vector<16xf32>
        %parallel_loop3A_113 = arith.divf %parallel_loop3A_112, %parallel_loop3A_110 : vector<16xf32>
        %parallel_loop3A_114 = arith.constant 1.000000e+00 : f32
        %parallel_loop3A_115 = vector.broadcast %parallel_loop3A_114 : f32 to vector<16xf32>
        %parallel_loop3A_116 = arith.subf %parallel_loop3A_115, %parallel_loop3A_113 : vector<16xf32>
        %parallel_loop3A_117 = arith.constant 1 : i32
        %parallel_loop3A_118 = arith.index_cast %parallel_loop3A_117 : i32 to index
        %parallel_loop3A_119 = arith.index_cast %parallel_loop3A_78 : i32 to index
        %parallel_loop3A_120 = tpu.vector_load %arg7[%parallel_loop3A_118, %parallel_loop3A_119] {strides = array<i32>} : memref<8x3072xf32, #tpu.memory_space<vmem>>, vector<1x16xf32>,
        %parallel_loop3A_121 = vector.shape_cast %parallel_loop3A_120 : vector<1x16xf32> to vector<16xf32>
        %parallel_loop3A_122 = vector.shape_cast %parallel_loop3A_116 : vector<16xf32> to vector<1x16xf32>
        tpu.vector_store %arg7[%parallel_loop3A_118, %parallel_loop3A_119], %parallel_loop3A_122 {strides = array<i32>} : memref<8x3072xf32, #tpu.memory_space<vmem>>, vector<1x16xf32>,
        %parallel_loop3A_123 = arith.constant 2 : i32
        %parallel_loop3A_124 = arith.index_cast %parallel_loop3A_123 : i32 to index
        %parallel_loop3A_125 = arith.index_cast %parallel_loop3A_78 : i32 to index
        %parallel_loop3A_126 = tpu.vector_load %arg5[%parallel_loop3A_124, %parallel_loop3A_125] {strides = array<i32>} : memref<8x3072xf32, #tpu.memory_space<vmem>>, vector<1x16xf32>,
        %parallel_loop3A_127 = vector.shape_cast %parallel_loop3A_126 : vector<1x16xf32> to vector<16xf32>
        %parallel_loop3A_128 = arith.addf %parallel_loop3A_127, %parallel_loop3A_127 : vector<16xf32>
        %parallel_loop3A_129 = math.exp %parallel_loop3A_128 : vector<16xf32>
        %parallel_loop3A_130 = arith.constant 1.000000e+00 : f32
        %parallel_loop3A_131 = vector.broadcast %parallel_loop3A_130 : f32 to vector<16xf32>
        %parallel_loop3A_132 = arith.addf %parallel_loop3A_129, %parallel_loop3A_131 : vector<16xf32>
        %parallel_loop3A_133 = arith.constant 2.000000e+00 : f32
        %parallel_loop3A_134 = vector.broadcast %parallel_loop3A_133 : f32 to vector<16xf32>
        %parallel_loop3A_135 = arith.divf %parallel_loop3A_134, %parallel_loop3A_132 : vector<16xf32>
        %parallel_loop3A_136 = arith.constant 1.000000e+00 : f32
        %parallel_loop3A_137 = vector.broadcast %parallel_loop3A_136 : f32 to vector<16xf32>
        %parallel_loop3A_138 = arith.subf %parallel_loop3A_137, %parallel_loop3A_135 : vector<16xf32>
        %parallel_loop3A_139 = arith.constant 2 : i32
        %parallel_loop3A_140 = arith.index_cast %parallel_loop3A_139 : i32 to index
        %parallel_loop3A_141 = arith.index_cast %parallel_loop3A_78 : i32 to index
        %parallel_loop3A_142 = tpu.vector_load %arg7[%parallel_loop3A_140, %parallel_loop3A_141] {strides = array<i32>} : memref<8x3072xf32, #tpu.memory_space<vmem>>, vector<1x16xf32>,
        %parallel_loop3A_143 = vector.shape_cast %parallel_loop3A_142 : vector<1x16xf32> to vector<16xf32>
        %parallel_loop3A_144 = vector.shape_cast %parallel_loop3A_138 : vector<16xf32> to vector<1x16xf32>
        tpu.vector_store %arg7[%parallel_loop3A_140, %parallel_loop3A_141], %parallel_loop3A_144 {strides = array<i32>} : memref<8x3072xf32, #tpu.memory_space<vmem>>, vector<1x16xf32>,
        %parallel_loop3A_145 = arith.constant 3 : i32
        %parallel_loop3A_146 = arith.index_cast %parallel_loop3A_145 : i32 to index
        %parallel_loop3A_147 = arith.index_cast %parallel_loop3A_78 : i32 to index
        %parallel_loop3A_148 = tpu.vector_load %arg5[%parallel_loop3A_146, %parallel_loop3A_147] {strides = array<i32>} : memref<8x3072xf32, #tpu.memory_space<vmem>>, vector<1x16xf32>,
        %parallel_loop3A_149 = vector.shape_cast %parallel_loop3A_148 : vector<1x16xf32> to vector<16xf32>
        %parallel_loop3A_150 = arith.addf %parallel_loop3A_149, %parallel_loop3A_149 : vector<16xf32>
        %parallel_loop3A_151 = math.exp %parallel_loop3A_150 : vector<16xf32>
        %parallel_loop3A_152 = arith.constant 1.000000e+00 : f32
        %parallel_loop3A_153 = vector.broadcast %parallel_loop3A_152 : f32 to vector<16xf32>
        %parallel_loop3A_154 = arith.addf %parallel_loop3A_151, %parallel_loop3A_153 : vector<16xf32>
        %parallel_loop3A_155 = arith.constant 2.000000e+00 : f32
        %parallel_loop3A_156 = vector.broadcast %parallel_loop3A_155 : f32 to vector<16xf32>
        %parallel_loop3A_157 = arith.divf %parallel_loop3A_156, %parallel_loop3A_154 : vector<16xf32>
        %parallel_loop3A_158 = arith.constant 1.000000e+00 : f32
        %parallel_loop3A_159 = vector.broadcast %parallel_loop3A_158 : f32 to vector<16xf32>
        %parallel_loop3A_160 = arith.subf %parallel_loop3A_159, %parallel_loop3A_157 : vector<16xf32>
        %parallel_loop3A_161 = arith.constant 3 : i32
        %parallel_loop3A_162 = arith.index_cast %parallel_loop3A_161 : i32 to index
        %parallel_loop3A_163 = arith.index_cast %parallel_loop3A_78 : i32 to index
        %parallel_loop3A_164 = tpu.vector_load %arg7[%parallel_loop3A_162, %parallel_loop3A_163] {strides = array<i32>} : memref<8x3072xf32, #tpu.memory_space<vmem>>, vector<1x16xf32>,
        %parallel_loop3A_165 = vector.shape_cast %parallel_loop3A_164 : vector<1x16xf32> to vector<16xf32>
        %parallel_loop3A_166 = vector.shape_cast %parallel_loop3A_160 : vector<16xf32> to vector<1x16xf32>
        tpu.vector_store %arg7[%parallel_loop3A_162, %parallel_loop3A_163], %parallel_loop3A_166 {strides = array<i32>} : memref<8x3072xf32, #tpu.memory_space<vmem>>, vector<1x16xf32>,
        %parallel_loop3A_167 = arith.constant 4 : i32
        %parallel_loop3A_168 = arith.index_cast %parallel_loop3A_167 : i32 to index
        %parallel_loop3A_169 = arith.index_cast %parallel_loop3A_78 : i32 to index
        %parallel_loop3A_170 = tpu.vector_load %arg5[%parallel_loop3A_168, %parallel_loop3A_169] {strides = array<i32>} : memref<8x3072xf32, #tpu.memory_space<vmem>>, vector<1x16xf32>,
        %parallel_loop3A_171 = vector.shape_cast %parallel_loop3A_170 : vector<1x16xf32> to vector<16xf32>
        %parallel_loop3A_172 = arith.addf %parallel_loop3A_171, %parallel_loop3A_171 : vector<16xf32>
        %parallel_loop3A_173 = math.exp %parallel_loop3A_172 : vector<16xf32>
        %parallel_loop3A_174 = arith.constant 1.000000e+00 : f32
        %parallel_loop3A_175 = vector.broadcast %parallel_loop3A_174 : f32 to vector<16xf32>
        %parallel_loop3A_176 = arith.addf %parallel_loop3A_173, %parallel_loop3A_175 : vector<16xf32>
        %parallel_loop3A_177 = arith.constant 2.000000e+00 : f32
        %parallel_loop3A_178 = vector.broadcast %parallel_loop3A_177 : f32 to vector<16xf32>
        %parallel_loop3A_179 = arith.divf %parallel_loop3A_178, %parallel_loop3A_176 : vector<16xf32>
        %parallel_loop3A_180 = arith.constant 1.000000e+00 : f32
        %parallel_loop3A_181 = vector.broadcast %parallel_loop3A_180 : f32 to vector<16xf32>
        %parallel_loop3A_182 = arith.subf %parallel_loop3A_181, %parallel_loop3A_179 : vector<16xf32>
        %parallel_loop3A_183 = arith.constant 4 : i32
        %parallel_loop3A_184 = arith.index_cast %parallel_loop3A_183 : i32 to index
        %parallel_loop3A_185 = arith.index_cast %parallel_loop3A_78 : i32 to index
        %parallel_loop3A_186 = tpu.vector_load %arg7[%parallel_loop3A_184, %parallel_loop3A_185] {strides = array<i32>} : memref<8x3072xf32, #tpu.memory_space<vmem>>, vector<1x16xf32>,
        %parallel_loop3A_187 = vector.shape_cast %parallel_loop3A_186 : vector<1x16xf32> to vector<16xf32>
        %parallel_loop3A_188 = vector.shape_cast %parallel_loop3A_182 : vector<16xf32> to vector<1x16xf32>
        tpu.vector_store %arg7[%parallel_loop3A_184, %parallel_loop3A_185], %parallel_loop3A_188 {strides = array<i32>} : memref<8x3072xf32, #tpu.memory_space<vmem>>, vector<1x16xf32>,
        %parallel_loop3A_189 = arith.constant 5 : i32
        %parallel_loop3A_190 = arith.index_cast %parallel_loop3A_189 : i32 to index
        %parallel_loop3A_191 = arith.index_cast %parallel_loop3A_78 : i32 to index
        %parallel_loop3A_192 = tpu.vector_load %arg5[%parallel_loop3A_190, %parallel_loop3A_191] {strides = array<i32>} : memref<8x3072xf32, #tpu.memory_space<vmem>>, vector<1x16xf32>,
        %parallel_loop3A_193 = vector.shape_cast %parallel_loop3A_192 : vector<1x16xf32> to vector<16xf32>
        %parallel_loop3A_194 = arith.addf %parallel_loop3A_193, %parallel_loop3A_193 : vector<16xf32>
        %parallel_loop3A_195 = math.exp %parallel_loop3A_194 : vector<16xf32>
        %parallel_loop3A_196 = arith.constant 1.000000e+00 : f32
        %parallel_loop3A_197 = vector.broadcast %parallel_loop3A_196 : f32 to vector<16xf32>
        %parallel_loop3A_198 = arith.addf %parallel_loop3A_195, %parallel_loop3A_197 : vector<16xf32>
        %parallel_loop3A_199 = arith.constant 2.000000e+00 : f32
        %parallel_loop3A_200 = vector.broadcast %parallel_loop3A_199 : f32 to vector<16xf32>
        %parallel_loop3A_201 = arith.divf %parallel_loop3A_200, %parallel_loop3A_198 : vector<16xf32>
        %parallel_loop3A_202 = arith.constant 1.000000e+00 : f32
        %parallel_loop3A_203 = vector.broadcast %parallel_loop3A_202 : f32 to vector<16xf32>
        %parallel_loop3A_204 = arith.subf %parallel_loop3A_203, %parallel_loop3A_201 : vector<16xf32>
        %parallel_loop3A_205 = arith.constant 5 : i32
        %parallel_loop3A_206 = arith.index_cast %parallel_loop3A_205 : i32 to index
        %parallel_loop3A_207 = arith.index_cast %parallel_loop3A_78 : i32 to index
        %parallel_loop3A_208 = tpu.vector_load %arg7[%parallel_loop3A_206, %parallel_loop3A_207] {strides = array<i32>} : memref<8x3072xf32, #tpu.memory_space<vmem>>, vector<1x16xf32>,
        %parallel_loop3A_209 = vector.shape_cast %parallel_loop3A_208 : vector<1x16xf32> to vector<16xf32>
        %parallel_loop3A_210 = vector.shape_cast %parallel_loop3A_204 : vector<16xf32> to vector<1x16xf32>
        tpu.vector_store %arg7[%parallel_loop3A_206, %parallel_loop3A_207], %parallel_loop3A_210 {strides = array<i32>} : memref<8x3072xf32, #tpu.memory_space<vmem>>, vector<1x16xf32>,
        %parallel_loop3A_211 = arith.constant 6 : i32
        %parallel_loop3A_212 = arith.index_cast %parallel_loop3A_211 : i32 to index
        %parallel_loop3A_213 = arith.index_cast %parallel_loop3A_78 : i32 to index
        %parallel_loop3A_214 = tpu.vector_load %arg5[%parallel_loop3A_212, %parallel_loop3A_213] {strides = array<i32>} : memref<8x3072xf32, #tpu.memory_space<vmem>>, vector<1x16xf32>,
        %parallel_loop3A_215 = vector.shape_cast %parallel_loop3A_214 : vector<1x16xf32> to vector<16xf32>
        %parallel_loop3A_216 = arith.addf %parallel_loop3A_215, %parallel_loop3A_215 : vector<16xf32>
        %parallel_loop3A_217 = math.exp %parallel_loop3A_216 : vector<16xf32>
        %parallel_loop3A_218 = arith.constant 1.000000e+00 : f32
        %parallel_loop3A_219 = vector.broadcast %parallel_loop3A_218 : f32 to vector<16xf32>
        %parallel_loop3A_220 = arith.addf %parallel_loop3A_217, %parallel_loop3A_219 : vector<16xf32>
        %parallel_loop3A_221 = arith.constant 2.000000e+00 : f32
        %parallel_loop3A_222 = vector.broadcast %parallel_loop3A_221 : f32 to vector<16xf32>
        %parallel_loop3A_223 = arith.divf %parallel_loop3A_222, %parallel_loop3A_220 : vector<16xf32>
        %parallel_loop3A_224 = arith.constant 1.000000e+00 : f32
        %parallel_loop3A_225 = vector.broadcast %parallel_loop3A_224 : f32 to vector<16xf32>
        %parallel_loop3A_226 = arith.subf %parallel_loop3A_225, %parallel_loop3A_223 : vector<16xf32>
        %parallel_loop3A_227 = arith.constant 6 : i32
        %parallel_loop3A_228 = arith.index_cast %parallel_loop3A_227 : i32 to index
        %parallel_loop3A_229 = arith.index_cast %parallel_loop3A_78 : i32 to index
        %parallel_loop3A_230 = tpu.vector_load %arg7[%parallel_loop3A_228, %parallel_loop3A_229] {strides = array<i32>} : memref<8x3072xf32, #tpu.memory_space<vmem>>, vector<1x16xf32>,
        %parallel_loop3A_231 = vector.shape_cast %parallel_loop3A_230 : vector<1x16xf32> to vector<16xf32>
        %parallel_loop3A_232 = vector.shape_cast %parallel_loop3A_226 : vector<16xf32> to vector<1x16xf32>
        tpu.vector_store %arg7[%parallel_loop3A_228, %parallel_loop3A_229], %parallel_loop3A_232 {strides = array<i32>} : memref<8x3072xf32, #tpu.memory_space<vmem>>, vector<1x16xf32>,
        %parallel_loop3A_233 = arith.constant 7 : i32
        %parallel_loop3A_234 = arith.index_cast %parallel_loop3A_233 : i32 to index
        %parallel_loop3A_235 = arith.index_cast %parallel_loop3A_78 : i32 to index
        %parallel_loop3A_236 = tpu.vector_load %arg5[%parallel_loop3A_234, %parallel_loop3A_235] {strides = array<i32>} : memref<8x3072xf32, #tpu.memory_space<vmem>>, vector<1x16xf32>,
        %parallel_loop3A_237 = vector.shape_cast %parallel_loop3A_236 : vector<1x16xf32> to vector<16xf32>
        %parallel_loop3A_238 = arith.addf %parallel_loop3A_237, %parallel_loop3A_237 : vector<16xf32>
        %parallel_loop3A_239 = math.exp %parallel_loop3A_238 : vector<16xf32>
        %parallel_loop3A_240 = arith.constant 1.000000e+00 : f32
        %parallel_loop3A_241 = vector.broadcast %parallel_loop3A_240 : f32 to vector<16xf32>
        %parallel_loop3A_242 = arith.addf %parallel_loop3A_239, %parallel_loop3A_241 : vector<16xf32>
        %parallel_loop3A_243 = arith.constant 2.000000e+00 : f32
        %parallel_loop3A_244 = vector.broadcast %parallel_loop3A_243 : f32 to vector<16xf32>
        %parallel_loop3A_245 = arith.divf %parallel_loop3A_244, %parallel_loop3A_242 : vector<16xf32>
        %parallel_loop3A_246 = arith.constant 1.000000e+00 : f32
        %parallel_loop3A_247 = vector.broadcast %parallel_loop3A_246 : f32 to vector<16xf32>
        %parallel_loop3A_248 = arith.subf %parallel_loop3A_247, %parallel_loop3A_245 : vector<16xf32>
        %parallel_loop3A_249 = arith.constant 7 : i32
        %parallel_loop3A_250 = arith.index_cast %parallel_loop3A_249 : i32 to index
        %parallel_loop3A_251 = arith.index_cast %parallel_loop3A_78 : i32 to index
        %parallel_loop3A_252 = tpu.vector_load %arg7[%parallel_loop3A_250, %parallel_loop3A_251] {strides = array<i32>} : memref<8x3072xf32, #tpu.memory_space<vmem>>, vector<1x16xf32>,
        %parallel_loop3A_253 = vector.shape_cast %parallel_loop3A_252 : vector<1x16xf32> to vector<16xf32>
        %parallel_loop3A_254 = vector.shape_cast %parallel_loop3A_248 : vector<16xf32> to vector<1x16xf32>
        tpu.vector_store %arg7[%parallel_loop3A_250, %parallel_loop3A_251], %parallel_loop3A_254 {strides = array<i32>} : memref<8x3072xf32, #tpu.memory_space<vmem>>, vector<1x16xf32>,
      } {sc.loop_unroll_factor = 4 : i64, sc.parallel_access}
      %mul3A_64 = arith.constant 8 : i32
      %mul3A_65 = arith.muli %add3A_50, %mul3A_64 : i32
      %multiple_of3A_66 = tpu.assume_multiple %mul3A_65, 8 : i32
      %dma_start3A_67 = tpu.memref_slice %arg3[%multiple_of3A_66, %multiple_of3A] : memref<128x100000xf32, #tpu.memory_space<hbm>> -> memref<8x3072xf32, #tpu.memory_space<hbm>>
      %dma_start3A_68 = tpu.memref_slice %arg3[%multiple_of3A_66, %multiple_of3A] : memref<128x100000xf32, #tpu.memory_space<hbm>> -> memref<8x3072xf32, #tpu.memory_space<hbm>>
      tpu.enqueue_dma source(%arg7 : memref<8x3072xf32, #tpu.memory_space<vmem>>) target(%dma_start3A_68 : memref<8x3072xf32, #tpu.memory_space<hbm>>) target_semaphore(%arg11 : memref<!tpu.dma_semaphore, #tpu.memory_space<semaphore_mem>>)
      %lt3A_69 = arith.constant 2 : i32
      %lt3A_70 = arith.cmpi slt, %scan3A_23, %lt3A_69 : i32
      %convert_element_type3A_71 = arith.extui %lt3A_70 : i1 to i32
      %cond3A_72 = arith.constant 0 : i32
      %cond3A_73 = arith.cmpi ne, %convert_element_type3A_71, %cond3A_72 : i32
      scf.if %cond3A_73 {
        %add3A_75 = arith.constant 2 : i32
        %add3A_76 = arith.addi %add3A_50, %add3A_75 : i32
        %mul3A_77 = arith.constant 8 : i32
        %mul3A_78 = arith.muli %add3A_76, %mul3A_77 : i32
        %multiple_of3A_79 = tpu.assume_multiple %mul3A_78, 8 : i32
        %dma_start3A_80 = tpu.memref_slice %arg2[%multiple_of3A_79, %multiple_of3A] : memref<128x100000xf32, #tpu.memory_space<hbm>> -> memref<8x3072xf32, #tpu.memory_space<hbm>>
        %dma_start3A_81 = tpu.memref_slice %arg2[%multiple_of3A_79, %multiple_of3A] : memref<128x100000xf32, #tpu.memory_space<hbm>> -> memref<8x3072xf32, #tpu.memory_space<hbm>>
        tpu.enqueue_dma source(%dma_start3A_81 : memref<8x3072xf32, #tpu.memory_space<hbm>>) target(%arg5 : memref<8x3072xf32, #tpu.memory_space<vmem>>) target_semaphore(%arg9 : memref<!tpu.dma_semaphore, #tpu.memory_space<semaphore_mem>>)
      } else {
      }
      %scan3A_74 = arith.constant 0 : i32
      scf.yield %scan3A_74 : i32
    }
    %scan3A_15 = arith.constant 3 : i32
    %multiple_of3A_16 = arith.constant 32 : i32
    %multiple_of3A_17 = tpu.assume_multiple %multiple_of3A_16, 8 : i32
    %dma_wait3A = tpu.memref_slice %arg3[%multiple_of3A_17, %multiple_of3A] : memref<128x100000xf32, #tpu.memory_space<hbm>> -> memref<8x3072xf32, #tpu.memory_space<hbm>>
    %dma_wait3A_18 = tpu.memref_slice %arg3[%multiple_of3A_17, %multiple_of3A] : memref<128x100000xf32, #tpu.memory_space<hbm>> -> memref<8x3072xf32, #tpu.memory_space<hbm>>
    tpu.wait_dma2 semaphore(%arg10 : memref<!tpu.dma_semaphore, #tpu.memory_space<semaphore_mem>>) src(%arg6 : memref<8x3072xf32, #tpu.memory_space<vmem>>) dst(%dma_wait3A_18 : memref<8x3072xf32, #tpu.memory_space<hbm>>)
    %multiple_of3A_19 = arith.constant 40 : i32
    %multiple_of3A_20 = tpu.assume_multiple %multiple_of3A_19, 8 : i32
    %dma_wait3A_21 = tpu.memref_slice %arg3[%multiple_of3A_20, %multiple_of3A] : memref<128x100000xf32, #tpu.memory_space<hbm>> -> memref<8x3072xf32, #tpu.memory_space<hbm>>
    %dma_wait3A_22 = tpu.memref_slice %arg3[%multiple_of3A_20, %multiple_of3A] : memref<128x100000xf32, #tpu.memory_space<hbm>> -> memref<8x3072xf32, #tpu.memory_space<hbm>>
    tpu.wait_dma2 semaphore(%arg11 : memref<!tpu.dma_semaphore, #tpu.memory_space<semaphore_mem>>) src(%arg7 : memref<8x3072xf32, #tpu.memory_space<vmem>>) dst(%dma_wait3A_22 : memref<8x3072xf32, #tpu.memory_space<hbm>>)
    return
  }
}

module attributes {stable_mosaic.version = 14 : i64} {
  func.func @_tc_body(%arg0: memref<128x100000xf32, #tpu.memory_space<any>>, %arg1: memref<128x100000xf32, #tpu.memory_space<any>>, %arg2: memref<128x100000xf32, #tpu.memory_space<any>>, %arg3: memref<8x100000xf32, #tpu.memory_space<vmem>>, %arg4: memref<8x100000xf32, #tpu.memory_space<vmem>>, %arg5: memref<8x100000xf32, #tpu.memory_space<vmem>>, %arg6: memref<8x100000xf32, #tpu.memory_space<vmem>>, %arg7: memref<8x100000xf32, #tpu.memory_space<vmem>>, %arg8: memref<8x100000xf32, #tpu.memory_space<vmem>>, %arg9: memref<8x100000xf32, #tpu.memory_space<vmem>>, %arg10: memref<8x100000xf32, #tpu.memory_space<vmem>>, %arg11: memref<48x1696xf32, #tpu.memory_space<vmem>>, %arg12: memref<4x!tpu.dma_semaphore, #tpu.memory_space<semaphore_mem>>, %arg13: memref<4x!tpu.dma_semaphore, #tpu.memory_space<semaphore_mem>>, %arg14: memref<!tpu.dma_semaphore, #tpu.memory_space<semaphore_mem>>, %arg15: memref<!tpu.dma_semaphore, #tpu.memory_space<semaphore_mem>>) attributes {dimension_semantics = [], scalar_prefetch = 0 : i64, scratch_operands = 13 : i64, tpu.core_type = #tpu.core_type<tc>} {
    %dma_start3A = arith.constant 0 : i32
    %dma_start3A_0 = arith.constant 98304 : i32
    %dma_start3A_1 = tpu.memref_slice %arg1[%dma_start3A, %dma_start3A_0] : memref<128x100000xf32, #tpu.memory_space<any>> -> memref<48x1696xf32, #tpu.memory_space<any>>
    tpu.enqueue_dma source(%dma_start3A_1 : memref<48x1696xf32, #tpu.memory_space<any>>) target(%arg11 : memref<48x1696xf32, #tpu.memory_space<vmem>>) target_semaphore(%arg14 : memref<!tpu.dma_semaphore, #tpu.memory_space<semaphore_mem>>)
    %dma_start3A_2 = arith.constant 0 : i32
    %dma_start3A_3 = tpu.memref_slice %arg12[%dma_start3A_2] : memref<4x!tpu.dma_semaphore, #tpu.memory_space<semaphore_mem>> -> memref<1x!tpu.dma_semaphore, #tpu.memory_space<semaphore_mem>>
    %dma_start3A_4 = tpu.memref_squeeze %dma_start3A_3 : memref<1x!tpu.dma_semaphore, #tpu.memory_space<semaphore_mem>> -> memref<!tpu.dma_semaphore, #tpu.memory_space<semaphore_mem>>
    %dma_start3A_5 = arith.constant 48 : i32
    %dma_start3A_6 = arith.constant 0 : i32
    %dma_start3A_7 = tpu.memref_slice %arg1[%dma_start3A_5, %dma_start3A_6] : memref<128x100000xf32, #tpu.memory_space<any>> -> memref<8x100000xf32, #tpu.memory_space<any>>
    tpu.enqueue_dma source(%dma_start3A_7 : memref<8x100000xf32, #tpu.memory_space<any>>) target(%arg3 : memref<8x100000xf32, #tpu.memory_space<vmem>>) target_semaphore(%dma_start3A_4 : memref<!tpu.dma_semaphore, #tpu.memory_space<semaphore_mem>>)
    %dma_start3A_8 = arith.constant 1 : i32
    %dma_start3A_9 = tpu.memref_slice %arg12[%dma_start3A_8] : memref<4x!tpu.dma_semaphore, #tpu.memory_space<semaphore_mem>> -> memref<1x!tpu.dma_semaphore, #tpu.memory_space<semaphore_mem>>
    %dma_start3A_10 = tpu.memref_squeeze %dma_start3A_9 : memref<1x!tpu.dma_semaphore, #tpu.memory_space<semaphore_mem>> -> memref<!tpu.dma_semaphore, #tpu.memory_space<semaphore_mem>>
    %dma_start3A_11 = arith.constant 56 : i32
    %dma_start3A_12 = arith.constant 0 : i32
    %dma_start3A_13 = tpu.memref_slice %arg1[%dma_start3A_11, %dma_start3A_12] : memref<128x100000xf32, #tpu.memory_space<any>> -> memref<8x100000xf32, #tpu.memory_space<any>>
    tpu.enqueue_dma source(%dma_start3A_13 : memref<8x100000xf32, #tpu.memory_space<any>>) target(%arg4 : memref<8x100000xf32, #tpu.memory_space<vmem>>) target_semaphore(%dma_start3A_10 : memref<!tpu.dma_semaphore, #tpu.memory_space<semaphore_mem>>)
    %dma_start3A_14 = arith.constant 2 : i32
    %dma_start3A_15 = tpu.memref_slice %arg12[%dma_start3A_14] : memref<4x!tpu.dma_semaphore, #tpu.memory_space<semaphore_mem>> -> memref<1x!tpu.dma_semaphore, #tpu.memory_space<semaphore_mem>>
    %dma_start3A_16 = tpu.memref_squeeze %dma_start3A_15 : memref<1x!tpu.dma_semaphore, #tpu.memory_space<semaphore_mem>> -> memref<!tpu.dma_semaphore, #tpu.memory_space<semaphore_mem>>
    %dma_start3A_17 = arith.constant 64 : i32
    %dma_start3A_18 = arith.constant 0 : i32
    %dma_start3A_19 = tpu.memref_slice %arg1[%dma_start3A_17, %dma_start3A_18] : memref<128x100000xf32, #tpu.memory_space<any>> -> memref<8x100000xf32, #tpu.memory_space<any>>
    tpu.enqueue_dma source(%dma_start3A_19 : memref<8x100000xf32, #tpu.memory_space<any>>) target(%arg5 : memref<8x100000xf32, #tpu.memory_space<vmem>>) target_semaphore(%dma_start3A_16 : memref<!tpu.dma_semaphore, #tpu.memory_space<semaphore_mem>>)
    %dma_start3A_20 = arith.constant 3 : i32
    %dma_start3A_21 = tpu.memref_slice %arg12[%dma_start3A_20] : memref<4x!tpu.dma_semaphore, #tpu.memory_space<semaphore_mem>> -> memref<1x!tpu.dma_semaphore, #tpu.memory_space<semaphore_mem>>
    %dma_start3A_22 = tpu.memref_squeeze %dma_start3A_21 : memref<1x!tpu.dma_semaphore, #tpu.memory_space<semaphore_mem>> -> memref<!tpu.dma_semaphore, #tpu.memory_space<semaphore_mem>>
    %dma_start3A_23 = arith.constant 72 : i32
    %dma_start3A_24 = arith.constant 0 : i32
    %dma_start3A_25 = tpu.memref_slice %arg1[%dma_start3A_23, %dma_start3A_24] : memref<128x100000xf32, #tpu.memory_space<any>> -> memref<8x100000xf32, #tpu.memory_space<any>>
    tpu.enqueue_dma source(%dma_start3A_25 : memref<8x100000xf32, #tpu.memory_space<any>>) target(%arg6 : memref<8x100000xf32, #tpu.memory_space<vmem>>) target_semaphore(%dma_start3A_22 : memref<!tpu.dma_semaphore, #tpu.memory_space<semaphore_mem>>)
    %dma_wait3A = arith.constant 0 : i32
    %dma_wait3A_26 = tpu.memref_slice %arg12[%dma_wait3A] : memref<4x!tpu.dma_semaphore, #tpu.memory_space<semaphore_mem>> -> memref<1x!tpu.dma_semaphore, #tpu.memory_space<semaphore_mem>>
    %dma_wait3A_27 = tpu.memref_squeeze %dma_wait3A_26 : memref<1x!tpu.dma_semaphore, #tpu.memory_space<semaphore_mem>> -> memref<!tpu.dma_semaphore, #tpu.memory_space<semaphore_mem>>
    %dma_wait3A_28 = arith.constant 48 : i32
    %dma_wait3A_29 = arith.constant 0 : i32
    %dma_wait3A_30 = tpu.memref_slice %arg1[%dma_wait3A_28, %dma_wait3A_29] : memref<128x100000xf32, #tpu.memory_space<any>> -> memref<8x100000xf32, #tpu.memory_space<any>>
    tpu.wait_dma2 semaphore(%dma_wait3A_27 : memref<!tpu.dma_semaphore, #tpu.memory_space<semaphore_mem>>) src(%dma_wait3A_30 : memref<8x100000xf32, #tpu.memory_space<any>>) dst(%arg3 : memref<8x100000xf32, #tpu.memory_space<vmem>>)
    %get3A = arith.constant 0 : index
    %get3A_31 = arith.constant 0 : index
    %get3A_32 = vector.load %arg3[%get3A, %get3A_31] : memref<8x100000xf32, #tpu.memory_space<vmem>>, vector<8x100000xf32>
    %tanh3A = math.tanh %get3A_32 : vector<8x100000xf32>
    %swap3A = arith.constant 0 : index
    %swap3A_33 = arith.constant 0 : index
    %swap3A_34 = vector.load %arg7[%swap3A, %swap3A_33] : memref<8x100000xf32, #tpu.memory_space<vmem>>, vector<8x100000xf32>
    tpu.vector_store %arg7[%swap3A, %swap3A_33], %tanh3A {strides = array<i32>} : memref<8x100000xf32, #tpu.memory_space<vmem>>, vector<8x100000xf32>,
    %dma_start3A_35 = arith.constant 0 : i32
    %dma_start3A_36 = tpu.memref_slice %arg13[%dma_start3A_35] : memref<4x!tpu.dma_semaphore, #tpu.memory_space<semaphore_mem>> -> memref<1x!tpu.dma_semaphore, #tpu.memory_space<semaphore_mem>>
    %dma_start3A_37 = tpu.memref_squeeze %dma_start3A_36 : memref<1x!tpu.dma_semaphore, #tpu.memory_space<semaphore_mem>> -> memref<!tpu.dma_semaphore, #tpu.memory_space<semaphore_mem>>
    %dma_start3A_38 = arith.constant 48 : i32
    %dma_start3A_39 = arith.constant 0 : i32
    %dma_start3A_40 = tpu.memref_slice %arg2[%dma_start3A_38, %dma_start3A_39] : memref<128x100000xf32, #tpu.memory_space<any>> -> memref<8x100000xf32, #tpu.memory_space<any>>
    tpu.enqueue_dma source(%arg7 : memref<8x100000xf32, #tpu.memory_space<vmem>>) target(%dma_start3A_40 : memref<8x100000xf32, #tpu.memory_space<any>>) target_semaphore(%dma_start3A_37 : memref<!tpu.dma_semaphore, #tpu.memory_space<semaphore_mem>>)
    %dma_start3A_41 = arith.constant 0 : i32
    %dma_start3A_42 = tpu.memref_slice %arg12[%dma_start3A_41] : memref<4x!tpu.dma_semaphore, #tpu.memory_space<semaphore_mem>> -> memref<1x!tpu.dma_semaphore, #tpu.memory_space<semaphore_mem>>
    %dma_start3A_43 = tpu.memref_squeeze %dma_start3A_42 : memref<1x!tpu.dma_semaphore, #tpu.memory_space<semaphore_mem>> -> memref<!tpu.dma_semaphore, #tpu.memory_space<semaphore_mem>>
    %dma_start3A_44 = arith.constant 80 : i32
    %dma_start3A_45 = arith.constant 0 : i32
    %dma_start3A_46 = tpu.memref_slice %arg1[%dma_start3A_44, %dma_start3A_45] : memref<128x100000xf32, #tpu.memory_space<any>> -> memref<8x100000xf32, #tpu.memory_space<any>>
    tpu.enqueue_dma source(%dma_start3A_46 : memref<8x100000xf32, #tpu.memory_space<any>>) target(%arg3 : memref<8x100000xf32, #tpu.memory_space<vmem>>) target_semaphore(%dma_start3A_43 : memref<!tpu.dma_semaphore, #tpu.memory_space<semaphore_mem>>)
    %dma_wait3A_47 = arith.constant 1 : i32
    %dma_wait3A_48 = tpu.memref_slice %arg12[%dma_wait3A_47] : memref<4x!tpu.dma_semaphore, #tpu.memory_space<semaphore_mem>> -> memref<1x!tpu.dma_semaphore, #tpu.memory_space<semaphore_mem>>
    %dma_wait3A_49 = tpu.memref_squeeze %dma_wait3A_48 : memref<1x!tpu.dma_semaphore, #tpu.memory_space<semaphore_mem>> -> memref<!tpu.dma_semaphore, #tpu.memory_space<semaphore_mem>>
    %dma_wait3A_50 = arith.constant 56 : i32
    %dma_wait3A_51 = arith.constant 0 : i32
    %dma_wait3A_52 = tpu.memref_slice %arg1[%dma_wait3A_50, %dma_wait3A_51] : memref<128x100000xf32, #tpu.memory_space<any>> -> memref<8x100000xf32, #tpu.memory_space<any>>
    tpu.wait_dma2 semaphore(%dma_wait3A_49 : memref<!tpu.dma_semaphore, #tpu.memory_space<semaphore_mem>>) src(%dma_wait3A_52 : memref<8x100000xf32, #tpu.memory_space<any>>) dst(%arg4 : memref<8x100000xf32, #tpu.memory_space<vmem>>)
    %get3A_53 = arith.constant 0 : index
    %get3A_54 = arith.constant 0 : index
    %get3A_55 = vector.load %arg4[%get3A_53, %get3A_54] : memref<8x100000xf32, #tpu.memory_space<vmem>>, vector<8x100000xf32>
    %tanh3A_56 = math.tanh %get3A_55 : vector<8x100000xf32>
    %swap3A_57 = arith.constant 0 : index
    %swap3A_58 = arith.constant 0 : index
    %swap3A_59 = vector.load %arg8[%swap3A_57, %swap3A_58] : memref<8x100000xf32, #tpu.memory_space<vmem>>, vector<8x100000xf32>
    tpu.vector_store %arg8[%swap3A_57, %swap3A_58], %tanh3A_56 {strides = array<i32>} : memref<8x100000xf32, #tpu.memory_space<vmem>>, vector<8x100000xf32>,
    %dma_start3A_60 = arith.constant 1 : i32
    %dma_start3A_61 = tpu.memref_slice %arg13[%dma_start3A_60] : memref<4x!tpu.dma_semaphore, #tpu.memory_space<semaphore_mem>> -> memref<1x!tpu.dma_semaphore, #tpu.memory_space<semaphore_mem>>
    %dma_start3A_62 = tpu.memref_squeeze %dma_start3A_61 : memref<1x!tpu.dma_semaphore, #tpu.memory_space<semaphore_mem>> -> memref<!tpu.dma_semaphore, #tpu.memory_space<semaphore_mem>>
    %dma_start3A_63 = arith.constant 56 : i32
    %dma_start3A_64 = arith.constant 0 : i32
    %dma_start3A_65 = tpu.memref_slice %arg2[%dma_start3A_63, %dma_start3A_64] : memref<128x100000xf32, #tpu.memory_space<any>> -> memref<8x100000xf32, #tpu.memory_space<any>>
    tpu.enqueue_dma source(%arg8 : memref<8x100000xf32, #tpu.memory_space<vmem>>) target(%dma_start3A_65 : memref<8x100000xf32, #tpu.memory_space<any>>) target_semaphore(%dma_start3A_62 : memref<!tpu.dma_semaphore, #tpu.memory_space<semaphore_mem>>)
    %dma_start3A_66 = arith.constant 1 : i32
    %dma_start3A_67 = tpu.memref_slice %arg12[%dma_start3A_66] : memref<4x!tpu.dma_semaphore, #tpu.memory_space<semaphore_mem>> -> memref<1x!tpu.dma_semaphore, #tpu.memory_space<semaphore_mem>>
    %dma_start3A_68 = tpu.memref_squeeze %dma_start3A_67 : memref<1x!tpu.dma_semaphore, #tpu.memory_space<semaphore_mem>> -> memref<!tpu.dma_semaphore, #tpu.memory_space<semaphore_mem>>
    %dma_start3A_69 = arith.constant 88 : i32
    %dma_start3A_70 = arith.constant 0 : i32
    %dma_start3A_71 = tpu.memref_slice %arg1[%dma_start3A_69, %dma_start3A_70] : memref<128x100000xf32, #tpu.memory_space<any>> -> memref<8x100000xf32, #tpu.memory_space<any>>
    tpu.enqueue_dma source(%dma_start3A_71 : memref<8x100000xf32, #tpu.memory_space<any>>) target(%arg4 : memref<8x100000xf32, #tpu.memory_space<vmem>>) target_semaphore(%dma_start3A_68 : memref<!tpu.dma_semaphore, #tpu.memory_space<semaphore_mem>>)
    %dma_wait3A_72 = arith.constant 2 : i32
    %dma_wait3A_73 = tpu.memref_slice %arg12[%dma_wait3A_72] : memref<4x!tpu.dma_semaphore, #tpu.memory_space<semaphore_mem>> -> memref<1x!tpu.dma_semaphore, #tpu.memory_space<semaphore_mem>>
    %dma_wait3A_74 = tpu.memref_squeeze %dma_wait3A_73 : memref<1x!tpu.dma_semaphore, #tpu.memory_space<semaphore_mem>> -> memref<!tpu.dma_semaphore, #tpu.memory_space<semaphore_mem>>
    %dma_wait3A_75 = arith.constant 64 : i32
    %dma_wait3A_76 = arith.constant 0 : i32
    %dma_wait3A_77 = tpu.memref_slice %arg1[%dma_wait3A_75, %dma_wait3A_76] : memref<128x100000xf32, #tpu.memory_space<any>> -> memref<8x100000xf32, #tpu.memory_space<any>>
    tpu.wait_dma2 semaphore(%dma_wait3A_74 : memref<!tpu.dma_semaphore, #tpu.memory_space<semaphore_mem>>) src(%dma_wait3A_77 : memref<8x100000xf32, #tpu.memory_space<any>>) dst(%arg5 : memref<8x100000xf32, #tpu.memory_space<vmem>>)
    %get3A_78 = arith.constant 0 : index
    %get3A_79 = arith.constant 0 : index
    %get3A_80 = vector.load %arg5[%get3A_78, %get3A_79] : memref<8x100000xf32, #tpu.memory_space<vmem>>, vector<8x100000xf32>
    %tanh3A_81 = math.tanh %get3A_80 : vector<8x100000xf32>
    %swap3A_82 = arith.constant 0 : index
    %swap3A_83 = arith.constant 0 : index
    %swap3A_84 = vector.load %arg9[%swap3A_82, %swap3A_83] : memref<8x100000xf32, #tpu.memory_space<vmem>>, vector<8x100000xf32>
    tpu.vector_store %arg9[%swap3A_82, %swap3A_83], %tanh3A_81 {strides = array<i32>} : memref<8x100000xf32, #tpu.memory_space<vmem>>, vector<8x100000xf32>,
    %dma_start3A_85 = arith.constant 2 : i32
    %dma_start3A_86 = tpu.memref_slice %arg13[%dma_start3A_85] : memref<4x!tpu.dma_semaphore, #tpu.memory_space<semaphore_mem>> -> memref<1x!tpu.dma_semaphore, #tpu.memory_space<semaphore_mem>>
    %dma_start3A_87 = tpu.memref_squeeze %dma_start3A_86 : memref<1x!tpu.dma_semaphore, #tpu.memory_space<semaphore_mem>> -> memref<!tpu.dma_semaphore, #tpu.memory_space<semaphore_mem>>
    %dma_start3A_88 = arith.constant 64 : i32
    %dma_start3A_89 = arith.constant 0 : i32
    %dma_start3A_90 = tpu.memref_slice %arg2[%dma_start3A_88, %dma_start3A_89] : memref<128x100000xf32, #tpu.memory_space<any>> -> memref<8x100000xf32, #tpu.memory_space<any>>
    tpu.enqueue_dma source(%arg9 : memref<8x100000xf32, #tpu.memory_space<vmem>>) target(%dma_start3A_90 : memref<8x100000xf32, #tpu.memory_space<any>>) target_semaphore(%dma_start3A_87 : memref<!tpu.dma_semaphore, #tpu.memory_space<semaphore_mem>>)
    %dma_start3A_91 = arith.constant 2 : i32
    %dma_start3A_92 = tpu.memref_slice %arg12[%dma_start3A_91] : memref<4x!tpu.dma_semaphore, #tpu.memory_space<semaphore_mem>> -> memref<1x!tpu.dma_semaphore, #tpu.memory_space<semaphore_mem>>
    %dma_start3A_93 = tpu.memref_squeeze %dma_start3A_92 : memref<1x!tpu.dma_semaphore, #tpu.memory_space<semaphore_mem>> -> memref<!tpu.dma_semaphore, #tpu.memory_space<semaphore_mem>>
    %dma_start3A_94 = arith.constant 96 : i32
    %dma_start3A_95 = arith.constant 0 : i32
    %dma_start3A_96 = tpu.memref_slice %arg1[%dma_start3A_94, %dma_start3A_95] : memref<128x100000xf32, #tpu.memory_space<any>> -> memref<8x100000xf32, #tpu.memory_space<any>>
    tpu.enqueue_dma source(%dma_start3A_96 : memref<8x100000xf32, #tpu.memory_space<any>>) target(%arg5 : memref<8x100000xf32, #tpu.memory_space<vmem>>) target_semaphore(%dma_start3A_93 : memref<!tpu.dma_semaphore, #tpu.memory_space<semaphore_mem>>)
    %dma_wait3A_97 = arith.constant 3 : i32
    %dma_wait3A_98 = tpu.memref_slice %arg12[%dma_wait3A_97] : memref<4x!tpu.dma_semaphore, #tpu.memory_space<semaphore_mem>> -> memref<1x!tpu.dma_semaphore, #tpu.memory_space<semaphore_mem>>
    %dma_wait3A_99 = tpu.memref_squeeze %dma_wait3A_98 : memref<1x!tpu.dma_semaphore, #tpu.memory_space<semaphore_mem>> -> memref<!tpu.dma_semaphore, #tpu.memory_space<semaphore_mem>>
    %dma_wait3A_100 = arith.constant 72 : i32
    %dma_wait3A_101 = arith.constant 0 : i32
    %dma_wait3A_102 = tpu.memref_slice %arg1[%dma_wait3A_100, %dma_wait3A_101] : memref<128x100000xf32, #tpu.memory_space<any>> -> memref<8x100000xf32, #tpu.memory_space<any>>
    tpu.wait_dma2 semaphore(%dma_wait3A_99 : memref<!tpu.dma_semaphore, #tpu.memory_space<semaphore_mem>>) src(%dma_wait3A_102 : memref<8x100000xf32, #tpu.memory_space<any>>) dst(%arg6 : memref<8x100000xf32, #tpu.memory_space<vmem>>)
    %get3A_103 = arith.constant 0 : index
    %get3A_104 = arith.constant 0 : index
    %get3A_105 = vector.load %arg6[%get3A_103, %get3A_104] : memref<8x100000xf32, #tpu.memory_space<vmem>>, vector<8x100000xf32>
    %tanh3A_106 = math.tanh %get3A_105 : vector<8x100000xf32>
    %swap3A_107 = arith.constant 0 : index
    %swap3A_108 = arith.constant 0 : index
    %swap3A_109 = vector.load %arg10[%swap3A_107, %swap3A_108] : memref<8x100000xf32, #tpu.memory_space<vmem>>, vector<8x100000xf32>
    tpu.vector_store %arg10[%swap3A_107, %swap3A_108], %tanh3A_106 {strides = array<i32>} : memref<8x100000xf32, #tpu.memory_space<vmem>>, vector<8x100000xf32>,
    %dma_start3A_110 = arith.constant 3 : i32
    %dma_start3A_111 = tpu.memref_slice %arg13[%dma_start3A_110] : memref<4x!tpu.dma_semaphore, #tpu.memory_space<semaphore_mem>> -> memref<1x!tpu.dma_semaphore, #tpu.memory_space<semaphore_mem>>
    %dma_start3A_112 = tpu.memref_squeeze %dma_start3A_111 : memref<1x!tpu.dma_semaphore, #tpu.memory_space<semaphore_mem>> -> memref<!tpu.dma_semaphore, #tpu.memory_space<semaphore_mem>>
    %dma_start3A_113 = arith.constant 72 : i32
    %dma_start3A_114 = arith.constant 0 : i32
    %dma_start3A_115 = tpu.memref_slice %arg2[%dma_start3A_113, %dma_start3A_114] : memref<128x100000xf32, #tpu.memory_space<any>> -> memref<8x100000xf32, #tpu.memory_space<any>>
    tpu.enqueue_dma source(%arg10 : memref<8x100000xf32, #tpu.memory_space<vmem>>) target(%dma_start3A_115 : memref<8x100000xf32, #tpu.memory_space<any>>) target_semaphore(%dma_start3A_112 : memref<!tpu.dma_semaphore, #tpu.memory_space<semaphore_mem>>)
    %dma_start3A_116 = arith.constant 3 : i32
    %dma_start3A_117 = tpu.memref_slice %arg12[%dma_start3A_116] : memref<4x!tpu.dma_semaphore, #tpu.memory_space<semaphore_mem>> -> memref<1x!tpu.dma_semaphore, #tpu.memory_space<semaphore_mem>>
    %dma_start3A_118 = tpu.memref_squeeze %dma_start3A_117 : memref<1x!tpu.dma_semaphore, #tpu.memory_space<semaphore_mem>> -> memref<!tpu.dma_semaphore, #tpu.memory_space<semaphore_mem>>
    %dma_start3A_119 = arith.constant 104 : i32
    %dma_start3A_120 = arith.constant 0 : i32
    %dma_start3A_121 = tpu.memref_slice %arg1[%dma_start3A_119, %dma_start3A_120] : memref<128x100000xf32, #tpu.memory_space<any>> -> memref<8x100000xf32, #tpu.memory_space<any>>
    tpu.enqueue_dma source(%dma_start3A_121 : memref<8x100000xf32, #tpu.memory_space<any>>) target(%arg6 : memref<8x100000xf32, #tpu.memory_space<vmem>>) target_semaphore(%dma_start3A_118 : memref<!tpu.dma_semaphore, #tpu.memory_space<semaphore_mem>>)
    %dma_wait3A_122 = arith.constant 0 : i32
    %dma_wait3A_123 = tpu.memref_slice %arg12[%dma_wait3A_122] : memref<4x!tpu.dma_semaphore, #tpu.memory_space<semaphore_mem>> -> memref<1x!tpu.dma_semaphore, #tpu.memory_space<semaphore_mem>>
    %dma_wait3A_124 = tpu.memref_squeeze %dma_wait3A_123 : memref<1x!tpu.dma_semaphore, #tpu.memory_space<semaphore_mem>> -> memref<!tpu.dma_semaphore, #tpu.memory_space<semaphore_mem>>
    %dma_wait3A_125 = arith.constant 80 : i32
    %dma_wait3A_126 = arith.constant 0 : i32
    %dma_wait3A_127 = tpu.memref_slice %arg1[%dma_wait3A_125, %dma_wait3A_126] : memref<128x100000xf32, #tpu.memory_space<any>> -> memref<8x100000xf32, #tpu.memory_space<any>>
    tpu.wait_dma2 semaphore(%dma_wait3A_124 : memref<!tpu.dma_semaphore, #tpu.memory_space<semaphore_mem>>) src(%dma_wait3A_127 : memref<8x100000xf32, #tpu.memory_space<any>>) dst(%arg3 : memref<8x100000xf32, #tpu.memory_space<vmem>>)
    %dma_wait3A_128 = arith.constant 0 : i32
    %dma_wait3A_129 = tpu.memref_slice %arg13[%dma_wait3A_128] : memref<4x!tpu.dma_semaphore, #tpu.memory_space<semaphore_mem>> -> memref<1x!tpu.dma_semaphore, #tpu.memory_space<semaphore_mem>>
    %dma_wait3A_130 = tpu.memref_squeeze %dma_wait3A_129 : memref<1x!tpu.dma_semaphore, #tpu.memory_space<semaphore_mem>> -> memref<!tpu.dma_semaphore, #tpu.memory_space<semaphore_mem>>
    %dma_wait3A_131 = arith.constant 48 : i32
    %dma_wait3A_132 = arith.constant 0 : i32
    %dma_wait3A_133 = tpu.memref_slice %arg2[%dma_wait3A_131, %dma_wait3A_132] : memref<128x100000xf32, #tpu.memory_space<any>> -> memref<8x100000xf32, #tpu.memory_space<any>>
    tpu.wait_dma2 semaphore(%dma_wait3A_130 : memref<!tpu.dma_semaphore, #tpu.memory_space<semaphore_mem>>) src(%arg7 : memref<8x100000xf32, #tpu.memory_space<vmem>>) dst(%dma_wait3A_133 : memref<8x100000xf32, #tpu.memory_space<any>>)
    %get3A_134 = arith.constant 0 : index
    %get3A_135 = arith.constant 0 : index
    %get3A_136 = vector.load %arg3[%get3A_134, %get3A_135] : memref<8x100000xf32, #tpu.memory_space<vmem>>, vector<8x100000xf32>
    %tanh3A_137 = math.tanh %get3A_136 : vector<8x100000xf32>
    %swap3A_138 = arith.constant 0 : index
    %swap3A_139 = arith.constant 0 : index
    %swap3A_140 = vector.load %arg7[%swap3A_138, %swap3A_139] : memref<8x100000xf32, #tpu.memory_space<vmem>>, vector<8x100000xf32>
    tpu.vector_store %arg7[%swap3A_138, %swap3A_139], %tanh3A_137 {strides = array<i32>} : memref<8x100000xf32, #tpu.memory_space<vmem>>, vector<8x100000xf32>,
    %dma_start3A_141 = arith.constant 0 : i32
    %dma_start3A_142 = tpu.memref_slice %arg13[%dma_start3A_141] : memref<4x!tpu.dma_semaphore, #tpu.memory_space<semaphore_mem>> -> memref<1x!tpu.dma_semaphore, #tpu.memory_space<semaphore_mem>>
    %dma_start3A_143 = tpu.memref_squeeze %dma_start3A_142 : memref<1x!tpu.dma_semaphore, #tpu.memory_space<semaphore_mem>> -> memref<!tpu.dma_semaphore, #tpu.memory_space<semaphore_mem>>
    %dma_start3A_144 = arith.constant 80 : i32
    %dma_start3A_145 = arith.constant 0 : i32
    %dma_start3A_146 = tpu.memref_slice %arg2[%dma_start3A_144, %dma_start3A_145] : memref<128x100000xf32, #tpu.memory_space<any>> -> memref<8x100000xf32, #tpu.memory_space<any>>
    tpu.enqueue_dma source(%arg7 : memref<8x100000xf32, #tpu.memory_space<vmem>>) target(%dma_start3A_146 : memref<8x100000xf32, #tpu.memory_space<any>>) target_semaphore(%dma_start3A_143 : memref<!tpu.dma_semaphore, #tpu.memory_space<semaphore_mem>>)
    %dma_start3A_147 = arith.constant 0 : i32
    %dma_start3A_148 = tpu.memref_slice %arg12[%dma_start3A_147] : memref<4x!tpu.dma_semaphore, #tpu.memory_space<semaphore_mem>> -> memref<1x!tpu.dma_semaphore, #tpu.memory_space<semaphore_mem>>
    %dma_start3A_149 = tpu.memref_squeeze %dma_start3A_148 : memref<1x!tpu.dma_semaphore, #tpu.memory_space<semaphore_mem>> -> memref<!tpu.dma_semaphore, #tpu.memory_space<semaphore_mem>>
    %dma_start3A_150 = arith.constant 112 : i32
    %dma_start3A_151 = arith.constant 0 : i32
    %dma_start3A_152 = tpu.memref_slice %arg1[%dma_start3A_150, %dma_start3A_151] : memref<128x100000xf32, #tpu.memory_space<any>> -> memref<8x100000xf32, #tpu.memory_space<any>>
    tpu.enqueue_dma source(%dma_start3A_152 : memref<8x100000xf32, #tpu.memory_space<any>>) target(%arg3 : memref<8x100000xf32, #tpu.memory_space<vmem>>) target_semaphore(%dma_start3A_149 : memref<!tpu.dma_semaphore, #tpu.memory_space<semaphore_mem>>)
    %dma_wait3A_153 = arith.constant 1 : i32
    %dma_wait3A_154 = tpu.memref_slice %arg12[%dma_wait3A_153] : memref<4x!tpu.dma_semaphore, #tpu.memory_space<semaphore_mem>> -> memref<1x!tpu.dma_semaphore, #tpu.memory_space<semaphore_mem>>
    %dma_wait3A_155 = tpu.memref_squeeze %dma_wait3A_154 : memref<1x!tpu.dma_semaphore, #tpu.memory_space<semaphore_mem>> -> memref<!tpu.dma_semaphore, #tpu.memory_space<semaphore_mem>>
    %dma_wait3A_156 = arith.constant 88 : i32
    %dma_wait3A_157 = arith.constant 0 : i32
    %dma_wait3A_158 = tpu.memref_slice %arg1[%dma_wait3A_156, %dma_wait3A_157] : memref<128x100000xf32, #tpu.memory_space<any>> -> memref<8x100000xf32, #tpu.memory_space<any>>
    tpu.wait_dma2 semaphore(%dma_wait3A_155 : memref<!tpu.dma_semaphore, #tpu.memory_space<semaphore_mem>>) src(%dma_wait3A_158 : memref<8x100000xf32, #tpu.memory_space<any>>) dst(%arg4 : memref<8x100000xf32, #tpu.memory_space<vmem>>)
    %dma_wait3A_159 = arith.constant 1 : i32
    %dma_wait3A_160 = tpu.memref_slice %arg13[%dma_wait3A_159] : memref<4x!tpu.dma_semaphore, #tpu.memory_space<semaphore_mem>> -> memref<1x!tpu.dma_semaphore, #tpu.memory_space<semaphore_mem>>
    %dma_wait3A_161 = tpu.memref_squeeze %dma_wait3A_160 : memref<1x!tpu.dma_semaphore, #tpu.memory_space<semaphore_mem>> -> memref<!tpu.dma_semaphore, #tpu.memory_space<semaphore_mem>>
    %dma_wait3A_162 = arith.constant 56 : i32
    %dma_wait3A_163 = arith.constant 0 : i32
    %dma_wait3A_164 = tpu.memref_slice %arg2[%dma_wait3A_162, %dma_wait3A_163] : memref<128x100000xf32, #tpu.memory_space<any>> -> memref<8x100000xf32, #tpu.memory_space<any>>
    tpu.wait_dma2 semaphore(%dma_wait3A_161 : memref<!tpu.dma_semaphore, #tpu.memory_space<semaphore_mem>>) src(%arg8 : memref<8x100000xf32, #tpu.memory_space<vmem>>) dst(%dma_wait3A_164 : memref<8x100000xf32, #tpu.memory_space<any>>)
    %get3A_165 = arith.constant 0 : index
    %get3A_166 = arith.constant 0 : index
    %get3A_167 = vector.load %arg4[%get3A_165, %get3A_166] : memref<8x100000xf32, #tpu.memory_space<vmem>>, vector<8x100000xf32>
    %tanh3A_168 = math.tanh %get3A_167 : vector<8x100000xf32>
    %swap3A_169 = arith.constant 0 : index
    %swap3A_170 = arith.constant 0 : index
    %swap3A_171 = vector.load %arg8[%swap3A_169, %swap3A_170] : memref<8x100000xf32, #tpu.memory_space<vmem>>, vector<8x100000xf32>
    tpu.vector_store %arg8[%swap3A_169, %swap3A_170], %tanh3A_168 {strides = array<i32>} : memref<8x100000xf32, #tpu.memory_space<vmem>>, vector<8x100000xf32>,
    %dma_start3A_172 = arith.constant 1 : i32
    %dma_start3A_173 = tpu.memref_slice %arg13[%dma_start3A_172] : memref<4x!tpu.dma_semaphore, #tpu.memory_space<semaphore_mem>> -> memref<1x!tpu.dma_semaphore, #tpu.memory_space<semaphore_mem>>
    %dma_start3A_174 = tpu.memref_squeeze %dma_start3A_173 : memref<1x!tpu.dma_semaphore, #tpu.memory_space<semaphore_mem>> -> memref<!tpu.dma_semaphore, #tpu.memory_space<semaphore_mem>>
    %dma_start3A_175 = arith.constant 88 : i32
    %dma_start3A_176 = arith.constant 0 : i32
    %dma_start3A_177 = tpu.memref_slice %arg2[%dma_start3A_175, %dma_start3A_176] : memref<128x100000xf32, #tpu.memory_space<any>> -> memref<8x100000xf32, #tpu.memory_space<any>>
    tpu.enqueue_dma source(%arg8 : memref<8x100000xf32, #tpu.memory_space<vmem>>) target(%dma_start3A_177 : memref<8x100000xf32, #tpu.memory_space<any>>) target_semaphore(%dma_start3A_174 : memref<!tpu.dma_semaphore, #tpu.memory_space<semaphore_mem>>)
    %dma_start3A_178 = arith.constant 1 : i32
    %dma_start3A_179 = tpu.memref_slice %arg12[%dma_start3A_178] : memref<4x!tpu.dma_semaphore, #tpu.memory_space<semaphore_mem>> -> memref<1x!tpu.dma_semaphore, #tpu.memory_space<semaphore_mem>>
    %dma_start3A_180 = tpu.memref_squeeze %dma_start3A_179 : memref<1x!tpu.dma_semaphore, #tpu.memory_space<semaphore_mem>> -> memref<!tpu.dma_semaphore, #tpu.memory_space<semaphore_mem>>
    %dma_start3A_181 = arith.constant 120 : i32
    %dma_start3A_182 = arith.constant 0 : i32
    %dma_start3A_183 = tpu.memref_slice %arg1[%dma_start3A_181, %dma_start3A_182] : memref<128x100000xf32, #tpu.memory_space<any>> -> memref<8x100000xf32, #tpu.memory_space<any>>
    tpu.enqueue_dma source(%dma_start3A_183 : memref<8x100000xf32, #tpu.memory_space<any>>) target(%arg4 : memref<8x100000xf32, #tpu.memory_space<vmem>>) target_semaphore(%dma_start3A_180 : memref<!tpu.dma_semaphore, #tpu.memory_space<semaphore_mem>>)
    %dma_wait3A_184 = arith.constant 2 : i32
    %dma_wait3A_185 = tpu.memref_slice %arg12[%dma_wait3A_184] : memref<4x!tpu.dma_semaphore, #tpu.memory_space<semaphore_mem>> -> memref<1x!tpu.dma_semaphore, #tpu.memory_space<semaphore_mem>>
    %dma_wait3A_186 = tpu.memref_squeeze %dma_wait3A_185 : memref<1x!tpu.dma_semaphore, #tpu.memory_space<semaphore_mem>> -> memref<!tpu.dma_semaphore, #tpu.memory_space<semaphore_mem>>
    %dma_wait3A_187 = arith.constant 96 : i32
    %dma_wait3A_188 = arith.constant 0 : i32
    %dma_wait3A_189 = tpu.memref_slice %arg1[%dma_wait3A_187, %dma_wait3A_188] : memref<128x100000xf32, #tpu.memory_space<any>> -> memref<8x100000xf32, #tpu.memory_space<any>>
    tpu.wait_dma2 semaphore(%dma_wait3A_186 : memref<!tpu.dma_semaphore, #tpu.memory_space<semaphore_mem>>) src(%dma_wait3A_189 : memref<8x100000xf32, #tpu.memory_space<any>>) dst(%arg5 : memref<8x100000xf32, #tpu.memory_space<vmem>>)
    %dma_wait3A_190 = arith.constant 2 : i32
    %dma_wait3A_191 = tpu.memref_slice %arg13[%dma_wait3A_190] : memref<4x!tpu.dma_semaphore, #tpu.memory_space<semaphore_mem>> -> memref<1x!tpu.dma_semaphore, #tpu.memory_space<semaphore_mem>>
    %dma_wait3A_192 = tpu.memref_squeeze %dma_wait3A_191 : memref<1x!tpu.dma_semaphore, #tpu.memory_space<semaphore_mem>> -> memref<!tpu.dma_semaphore, #tpu.memory_space<semaphore_mem>>
    %dma_wait3A_193 = arith.constant 64 : i32
    %dma_wait3A_194 = arith.constant 0 : i32
    %dma_wait3A_195 = tpu.memref_slice %arg2[%dma_wait3A_193, %dma_wait3A_194] : memref<128x100000xf32, #tpu.memory_space<any>> -> memref<8x100000xf32, #tpu.memory_space<any>>
    tpu.wait_dma2 semaphore(%dma_wait3A_192 : memref<!tpu.dma_semaphore, #tpu.memory_space<semaphore_mem>>) src(%arg9 : memref<8x100000xf32, #tpu.memory_space<vmem>>) dst(%dma_wait3A_195 : memref<8x100000xf32, #tpu.memory_space<any>>)
    %get3A_196 = arith.constant 0 : index
    %get3A_197 = arith.constant 0 : index
    %get3A_198 = vector.load %arg5[%get3A_196, %get3A_197] : memref<8x100000xf32, #tpu.memory_space<vmem>>, vector<8x100000xf32>
    %tanh3A_199 = math.tanh %get3A_198 : vector<8x100000xf32>
    %swap3A_200 = arith.constant 0 : index
    %swap3A_201 = arith.constant 0 : index
    %swap3A_202 = vector.load %arg9[%swap3A_200, %swap3A_201] : memref<8x100000xf32, #tpu.memory_space<vmem>>, vector<8x100000xf32>
    tpu.vector_store %arg9[%swap3A_200, %swap3A_201], %tanh3A_199 {strides = array<i32>} : memref<8x100000xf32, #tpu.memory_space<vmem>>, vector<8x100000xf32>,
    %dma_start3A_203 = arith.constant 2 : i32
    %dma_start3A_204 = tpu.memref_slice %arg13[%dma_start3A_203] : memref<4x!tpu.dma_semaphore, #tpu.memory_space<semaphore_mem>> -> memref<1x!tpu.dma_semaphore, #tpu.memory_space<semaphore_mem>>
    %dma_start3A_205 = tpu.memref_squeeze %dma_start3A_204 : memref<1x!tpu.dma_semaphore, #tpu.memory_space<semaphore_mem>> -> memref<!tpu.dma_semaphore, #tpu.memory_space<semaphore_mem>>
    %dma_start3A_206 = arith.constant 96 : i32
    %dma_start3A_207 = arith.constant 0 : i32
    %dma_start3A_208 = tpu.memref_slice %arg2[%dma_start3A_206, %dma_start3A_207] : memref<128x100000xf32, #tpu.memory_space<any>> -> memref<8x100000xf32, #tpu.memory_space<any>>
    tpu.enqueue_dma source(%arg9 : memref<8x100000xf32, #tpu.memory_space<vmem>>) target(%dma_start3A_208 : memref<8x100000xf32, #tpu.memory_space<any>>) target_semaphore(%dma_start3A_205 : memref<!tpu.dma_semaphore, #tpu.memory_space<semaphore_mem>>)
    %dma_wait3A_209 = arith.constant 3 : i32
    %dma_wait3A_210 = tpu.memref_slice %arg12[%dma_wait3A_209] : memref<4x!tpu.dma_semaphore, #tpu.memory_space<semaphore_mem>> -> memref<1x!tpu.dma_semaphore, #tpu.memory_space<semaphore_mem>>
    %dma_wait3A_211 = tpu.memref_squeeze %dma_wait3A_210 : memref<1x!tpu.dma_semaphore, #tpu.memory_space<semaphore_mem>> -> memref<!tpu.dma_semaphore, #tpu.memory_space<semaphore_mem>>
    %dma_wait3A_212 = arith.constant 104 : i32
    %dma_wait3A_213 = arith.constant 0 : i32
    %dma_wait3A_214 = tpu.memref_slice %arg1[%dma_wait3A_212, %dma_wait3A_213] : memref<128x100000xf32, #tpu.memory_space<any>> -> memref<8x100000xf32, #tpu.memory_space<any>>
    tpu.wait_dma2 semaphore(%dma_wait3A_211 : memref<!tpu.dma_semaphore, #tpu.memory_space<semaphore_mem>>) src(%dma_wait3A_214 : memref<8x100000xf32, #tpu.memory_space<any>>) dst(%arg6 : memref<8x100000xf32, #tpu.memory_space<vmem>>)
    %dma_wait3A_215 = arith.constant 3 : i32
    %dma_wait3A_216 = tpu.memref_slice %arg13[%dma_wait3A_215] : memref<4x!tpu.dma_semaphore, #tpu.memory_space<semaphore_mem>> -> memref<1x!tpu.dma_semaphore, #tpu.memory_space<semaphore_mem>>
    %dma_wait3A_217 = tpu.memref_squeeze %dma_wait3A_216 : memref<1x!tpu.dma_semaphore, #tpu.memory_space<semaphore_mem>> -> memref<!tpu.dma_semaphore, #tpu.memory_space<semaphore_mem>>
    %dma_wait3A_218 = arith.constant 72 : i32
    %dma_wait3A_219 = arith.constant 0 : i32
    %dma_wait3A_220 = tpu.memref_slice %arg2[%dma_wait3A_218, %dma_wait3A_219] : memref<128x100000xf32, #tpu.memory_space<any>> -> memref<8x100000xf32, #tpu.memory_space<any>>
    tpu.wait_dma2 semaphore(%dma_wait3A_217 : memref<!tpu.dma_semaphore, #tpu.memory_space<semaphore_mem>>) src(%arg10 : memref<8x100000xf32, #tpu.memory_space<vmem>>) dst(%dma_wait3A_220 : memref<8x100000xf32, #tpu.memory_space<any>>)
    %get3A_221 = arith.constant 0 : index
    %get3A_222 = arith.constant 0 : index
    %get3A_223 = vector.load %arg6[%get3A_221, %get3A_222] : memref<8x100000xf32, #tpu.memory_space<vmem>>, vector<8x100000xf32>
    %tanh3A_224 = math.tanh %get3A_223 : vector<8x100000xf32>
    %swap3A_225 = arith.constant 0 : index
    %swap3A_226 = arith.constant 0 : index
    %swap3A_227 = vector.load %arg10[%swap3A_225, %swap3A_226] : memref<8x100000xf32, #tpu.memory_space<vmem>>, vector<8x100000xf32>
    tpu.vector_store %arg10[%swap3A_225, %swap3A_226], %tanh3A_224 {strides = array<i32>} : memref<8x100000xf32, #tpu.memory_space<vmem>>, vector<8x100000xf32>,
    %dma_start3A_228 = arith.constant 3 : i32
    %dma_start3A_229 = tpu.memref_slice %arg13[%dma_start3A_228] : memref<4x!tpu.dma_semaphore, #tpu.memory_space<semaphore_mem>> -> memref<1x!tpu.dma_semaphore, #tpu.memory_space<semaphore_mem>>
    %dma_start3A_230 = tpu.memref_squeeze %dma_start3A_229 : memref<1x!tpu.dma_semaphore, #tpu.memory_space<semaphore_mem>> -> memref<!tpu.dma_semaphore, #tpu.memory_space<semaphore_mem>>
    %dma_start3A_231 = arith.constant 104 : i32
    %dma_start3A_232 = arith.constant 0 : i32
    %dma_start3A_233 = tpu.memref_slice %arg2[%dma_start3A_231, %dma_start3A_232] : memref<128x100000xf32, #tpu.memory_space<any>> -> memref<8x100000xf32, #tpu.memory_space<any>>
    tpu.enqueue_dma source(%arg10 : memref<8x100000xf32, #tpu.memory_space<vmem>>) target(%dma_start3A_233 : memref<8x100000xf32, #tpu.memory_space<any>>) target_semaphore(%dma_start3A_230 : memref<!tpu.dma_semaphore, #tpu.memory_space<semaphore_mem>>)
    %dma_wait3A_234 = arith.constant 0 : i32
    %dma_wait3A_235 = tpu.memref_slice %arg12[%dma_wait3A_234] : memref<4x!tpu.dma_semaphore, #tpu.memory_space<semaphore_mem>> -> memref<1x!tpu.dma_semaphore, #tpu.memory_space<semaphore_mem>>
    %dma_wait3A_236 = tpu.memref_squeeze %dma_wait3A_235 : memref<1x!tpu.dma_semaphore, #tpu.memory_space<semaphore_mem>> -> memref<!tpu.dma_semaphore, #tpu.memory_space<semaphore_mem>>
    %dma_wait3A_237 = arith.constant 112 : i32
    %dma_wait3A_238 = arith.constant 0 : i32
    %dma_wait3A_239 = tpu.memref_slice %arg1[%dma_wait3A_237, %dma_wait3A_238] : memref<128x100000xf32, #tpu.memory_space<any>> -> memref<8x100000xf32, #tpu.memory_space<any>>
    tpu.wait_dma2 semaphore(%dma_wait3A_236 : memref<!tpu.dma_semaphore, #tpu.memory_space<semaphore_mem>>) src(%dma_wait3A_239 : memref<8x100000xf32, #tpu.memory_space<any>>) dst(%arg3 : memref<8x100000xf32, #tpu.memory_space<vmem>>)
    %dma_wait3A_240 = arith.constant 0 : i32
    %dma_wait3A_241 = tpu.memref_slice %arg13[%dma_wait3A_240] : memref<4x!tpu.dma_semaphore, #tpu.memory_space<semaphore_mem>> -> memref<1x!tpu.dma_semaphore, #tpu.memory_space<semaphore_mem>>
    %dma_wait3A_242 = tpu.memref_squeeze %dma_wait3A_241 : memref<1x!tpu.dma_semaphore, #tpu.memory_space<semaphore_mem>> -> memref<!tpu.dma_semaphore, #tpu.memory_space<semaphore_mem>>
    %dma_wait3A_243 = arith.constant 80 : i32
    %dma_wait3A_244 = arith.constant 0 : i32
    %dma_wait3A_245 = tpu.memref_slice %arg2[%dma_wait3A_243, %dma_wait3A_244] : memref<128x100000xf32, #tpu.memory_space<any>> -> memref<8x100000xf32, #tpu.memory_space<any>>
    tpu.wait_dma2 semaphore(%dma_wait3A_242 : memref<!tpu.dma_semaphore, #tpu.memory_space<semaphore_mem>>) src(%arg7 : memref<8x100000xf32, #tpu.memory_space<vmem>>) dst(%dma_wait3A_245 : memref<8x100000xf32, #tpu.memory_space<any>>)
    %get3A_246 = arith.constant 0 : index
    %get3A_247 = arith.constant 0 : index
    %get3A_248 = vector.load %arg3[%get3A_246, %get3A_247] : memref<8x100000xf32, #tpu.memory_space<vmem>>, vector<8x100000xf32>
    %tanh3A_249 = math.tanh %get3A_248 : vector<8x100000xf32>
    %swap3A_250 = arith.constant 0 : index
    %swap3A_251 = arith.constant 0 : index
    %swap3A_252 = vector.load %arg7[%swap3A_250, %swap3A_251] : memref<8x100000xf32, #tpu.memory_space<vmem>>, vector<8x100000xf32>
    tpu.vector_store %arg7[%swap3A_250, %swap3A_251], %tanh3A_249 {strides = array<i32>} : memref<8x100000xf32, #tpu.memory_space<vmem>>, vector<8x100000xf32>,
    %dma_start3A_253 = arith.constant 0 : i32
    %dma_start3A_254 = tpu.memref_slice %arg13[%dma_start3A_253] : memref<4x!tpu.dma_semaphore, #tpu.memory_space<semaphore_mem>> -> memref<1x!tpu.dma_semaphore, #tpu.memory_space<semaphore_mem>>
    %dma_start3A_255 = tpu.memref_squeeze %dma_start3A_254 : memref<1x!tpu.dma_semaphore, #tpu.memory_space<semaphore_mem>> -> memref<!tpu.dma_semaphore, #tpu.memory_space<semaphore_mem>>
    %dma_start3A_256 = arith.constant 112 : i32
    %dma_start3A_257 = arith.constant 0 : i32
    %dma_start3A_258 = tpu.memref_slice %arg2[%dma_start3A_256, %dma_start3A_257] : memref<128x100000xf32, #tpu.memory_space<any>> -> memref<8x100000xf32, #tpu.memory_space<any>>
    tpu.enqueue_dma source(%arg7 : memref<8x100000xf32, #tpu.memory_space<vmem>>) target(%dma_start3A_258 : memref<8x100000xf32, #tpu.memory_space<any>>) target_semaphore(%dma_start3A_255 : memref<!tpu.dma_semaphore, #tpu.memory_space<semaphore_mem>>)
    %dma_wait3A_259 = arith.constant 1 : i32
    %dma_wait3A_260 = tpu.memref_slice %arg12[%dma_wait3A_259] : memref<4x!tpu.dma_semaphore, #tpu.memory_space<semaphore_mem>> -> memref<1x!tpu.dma_semaphore, #tpu.memory_space<semaphore_mem>>
    %dma_wait3A_261 = tpu.memref_squeeze %dma_wait3A_260 : memref<1x!tpu.dma_semaphore, #tpu.memory_space<semaphore_mem>> -> memref<!tpu.dma_semaphore, #tpu.memory_space<semaphore_mem>>
    %dma_wait3A_262 = arith.constant 120 : i32
    %dma_wait3A_263 = arith.constant 0 : i32
    %dma_wait3A_264 = tpu.memref_slice %arg1[%dma_wait3A_262, %dma_wait3A_263] : memref<128x100000xf32, #tpu.memory_space<any>> -> memref<8x100000xf32, #tpu.memory_space<any>>
    tpu.wait_dma2 semaphore(%dma_wait3A_261 : memref<!tpu.dma_semaphore, #tpu.memory_space<semaphore_mem>>) src(%dma_wait3A_264 : memref<8x100000xf32, #tpu.memory_space<any>>) dst(%arg4 : memref<8x100000xf32, #tpu.memory_space<vmem>>)
    %dma_wait3A_265 = arith.constant 1 : i32
    %dma_wait3A_266 = tpu.memref_slice %arg13[%dma_wait3A_265] : memref<4x!tpu.dma_semaphore, #tpu.memory_space<semaphore_mem>> -> memref<1x!tpu.dma_semaphore, #tpu.memory_space<semaphore_mem>>
    %dma_wait3A_267 = tpu.memref_squeeze %dma_wait3A_266 : memref<1x!tpu.dma_semaphore, #tpu.memory_space<semaphore_mem>> -> memref<!tpu.dma_semaphore, #tpu.memory_space<semaphore_mem>>
    %dma_wait3A_268 = arith.constant 88 : i32
    %dma_wait3A_269 = arith.constant 0 : i32
    %dma_wait3A_270 = tpu.memref_slice %arg2[%dma_wait3A_268, %dma_wait3A_269] : memref<128x100000xf32, #tpu.memory_space<any>> -> memref<8x100000xf32, #tpu.memory_space<any>>
    tpu.wait_dma2 semaphore(%dma_wait3A_267 : memref<!tpu.dma_semaphore, #tpu.memory_space<semaphore_mem>>) src(%arg8 : memref<8x100000xf32, #tpu.memory_space<vmem>>) dst(%dma_wait3A_270 : memref<8x100000xf32, #tpu.memory_space<any>>)
    %get3A_271 = arith.constant 0 : index
    %get3A_272 = arith.constant 0 : index
    %get3A_273 = vector.load %arg4[%get3A_271, %get3A_272] : memref<8x100000xf32, #tpu.memory_space<vmem>>, vector<8x100000xf32>
    %tanh3A_274 = math.tanh %get3A_273 : vector<8x100000xf32>
    %swap3A_275 = arith.constant 0 : index
    %swap3A_276 = arith.constant 0 : index
    %swap3A_277 = vector.load %arg8[%swap3A_275, %swap3A_276] : memref<8x100000xf32, #tpu.memory_space<vmem>>, vector<8x100000xf32>
    tpu.vector_store %arg8[%swap3A_275, %swap3A_276], %tanh3A_274 {strides = array<i32>} : memref<8x100000xf32, #tpu.memory_space<vmem>>, vector<8x100000xf32>,
    %dma_start3A_278 = arith.constant 1 : i32
    %dma_start3A_279 = tpu.memref_slice %arg13[%dma_start3A_278] : memref<4x!tpu.dma_semaphore, #tpu.memory_space<semaphore_mem>> -> memref<1x!tpu.dma_semaphore, #tpu.memory_space<semaphore_mem>>
    %dma_start3A_280 = tpu.memref_squeeze %dma_start3A_279 : memref<1x!tpu.dma_semaphore, #tpu.memory_space<semaphore_mem>> -> memref<!tpu.dma_semaphore, #tpu.memory_space<semaphore_mem>>
    %dma_start3A_281 = arith.constant 120 : i32
    %dma_start3A_282 = arith.constant 0 : i32
    %dma_start3A_283 = tpu.memref_slice %arg2[%dma_start3A_281, %dma_start3A_282] : memref<128x100000xf32, #tpu.memory_space<any>> -> memref<8x100000xf32, #tpu.memory_space<any>>
    tpu.enqueue_dma source(%arg8 : memref<8x100000xf32, #tpu.memory_space<vmem>>) target(%dma_start3A_283 : memref<8x100000xf32, #tpu.memory_space<any>>) target_semaphore(%dma_start3A_280 : memref<!tpu.dma_semaphore, #tpu.memory_space<semaphore_mem>>)
    %dma_wait3A_284 = arith.constant 0 : i32
    %dma_wait3A_285 = arith.constant 98304 : i32
    %dma_wait3A_286 = tpu.memref_slice %arg1[%dma_wait3A_284, %dma_wait3A_285] : memref<128x100000xf32, #tpu.memory_space<any>> -> memref<48x1696xf32, #tpu.memory_space<any>>
    tpu.wait_dma2 semaphore(%arg14 : memref<!tpu.dma_semaphore, #tpu.memory_space<semaphore_mem>>) src(%dma_wait3A_286 : memref<48x1696xf32, #tpu.memory_space<any>>) dst(%arg11 : memref<48x1696xf32, #tpu.memory_space<vmem>>)
    %get3A_287 = arith.constant 0 : index
    %get3A_288 = arith.constant 0 : index
    %get3A_289 = vector.load %arg11[%get3A_287, %get3A_288] : memref<48x1696xf32, #tpu.memory_space<vmem>>, vector<48x1696xf32>
    %tanh3A_290 = math.tanh %get3A_289 : vector<48x1696xf32>
    %swap3A_291 = arith.constant 0 : index
    %swap3A_292 = arith.constant 0 : index
    %swap3A_293 = vector.load %arg11[%swap3A_291, %swap3A_292] : memref<48x1696xf32, #tpu.memory_space<vmem>>, vector<48x1696xf32>
    tpu.vector_store %arg11[%swap3A_291, %swap3A_292], %tanh3A_290 {strides = array<i32>} : memref<48x1696xf32, #tpu.memory_space<vmem>>, vector<48x1696xf32>,
    %dma_start3A_294 = arith.constant 0 : i32
    %dma_start3A_295 = arith.constant 98304 : i32
    %dma_start3A_296 = tpu.memref_slice %arg2[%dma_start3A_294, %dma_start3A_295] : memref<128x100000xf32, #tpu.memory_space<any>> -> memref<48x1696xf32, #tpu.memory_space<any>>
    tpu.enqueue_dma source(%arg11 : memref<48x1696xf32, #tpu.memory_space<vmem>>) target(%dma_start3A_296 : memref<48x1696xf32, #tpu.memory_space<any>>) target_semaphore(%arg15 : memref<!tpu.dma_semaphore, #tpu.memory_space<semaphore_mem>>)
    %dma_wait3A_297 = arith.constant 0 : i32
    %dma_wait3A_298 = arith.constant 98304 : i32
    %dma_wait3A_299 = tpu.memref_slice %arg2[%dma_wait3A_297, %dma_wait3A_298] : memref<128x100000xf32, #tpu.memory_space<any>> -> memref<48x1696xf32, #tpu.memory_space<any>>
    tpu.wait_dma2 semaphore(%arg15 : memref<!tpu.dma_semaphore, #tpu.memory_space<semaphore_mem>>) src(%arg11 : memref<48x1696xf32, #tpu.memory_space<vmem>>) dst(%dma_wait3A_299 : memref<48x1696xf32, #tpu.memory_space<any>>)
    %dma_wait3A_300 = arith.constant 2 : i32
    %dma_wait3A_301 = tpu.memref_slice %arg13[%dma_wait3A_300] : memref<4x!tpu.dma_semaphore, #tpu.memory_space<semaphore_mem>> -> memref<1x!tpu.dma_semaphore, #tpu.memory_space<semaphore_mem>>
    %dma_wait3A_302 = tpu.memref_squeeze %dma_wait3A_301 : memref<1x!tpu.dma_semaphore, #tpu.memory_space<semaphore_mem>> -> memref<!tpu.dma_semaphore, #tpu.memory_space<semaphore_mem>>
    %dma_wait3A_303 = arith.constant 96 : i32
    %dma_wait3A_304 = arith.constant 0 : i32
    %dma_wait3A_305 = tpu.memref_slice %arg2[%dma_wait3A_303, %dma_wait3A_304] : memref<128x100000xf32, #tpu.memory_space<any>> -> memref<8x100000xf32, #tpu.memory_space<any>>
    tpu.wait_dma2 semaphore(%dma_wait3A_302 : memref<!tpu.dma_semaphore, #tpu.memory_space<semaphore_mem>>) src(%arg9 : memref<8x100000xf32, #tpu.memory_space<vmem>>) dst(%dma_wait3A_305 : memref<8x100000xf32, #tpu.memory_space<any>>)
    %dma_wait3A_306 = arith.constant 3 : i32
    %dma_wait3A_307 = tpu.memref_slice %arg13[%dma_wait3A_306] : memref<4x!tpu.dma_semaphore, #tpu.memory_space<semaphore_mem>> -> memref<1x!tpu.dma_semaphore, #tpu.memory_space<semaphore_mem>>
    %dma_wait3A_308 = tpu.memref_squeeze %dma_wait3A_307 : memref<1x!tpu.dma_semaphore, #tpu.memory_space<semaphore_mem>> -> memref<!tpu.dma_semaphore, #tpu.memory_space<semaphore_mem>>
    %dma_wait3A_309 = arith.constant 104 : i32
    %dma_wait3A_310 = arith.constant 0 : i32
    %dma_wait3A_311 = tpu.memref_slice %arg2[%dma_wait3A_309, %dma_wait3A_310] : memref<128x100000xf32, #tpu.memory_space<any>> -> memref<8x100000xf32, #tpu.memory_space<any>>
    tpu.wait_dma2 semaphore(%dma_wait3A_308 : memref<!tpu.dma_semaphore, #tpu.memory_space<semaphore_mem>>) src(%arg10 : memref<8x100000xf32, #tpu.memory_space<vmem>>) dst(%dma_wait3A_311 : memref<8x100000xf32, #tpu.memory_space<any>>)
    %dma_wait3A_312 = arith.constant 0 : i32
    %dma_wait3A_313 = tpu.memref_slice %arg13[%dma_wait3A_312] : memref<4x!tpu.dma_semaphore, #tpu.memory_space<semaphore_mem>> -> memref<1x!tpu.dma_semaphore, #tpu.memory_space<semaphore_mem>>
    %dma_wait3A_314 = tpu.memref_squeeze %dma_wait3A_313 : memref<1x!tpu.dma_semaphore, #tpu.memory_space<semaphore_mem>> -> memref<!tpu.dma_semaphore, #tpu.memory_space<semaphore_mem>>
    %dma_wait3A_315 = arith.constant 112 : i32
    %dma_wait3A_316 = arith.constant 0 : i32
    %dma_wait3A_317 = tpu.memref_slice %arg2[%dma_wait3A_315, %dma_wait3A_316] : memref<128x100000xf32, #tpu.memory_space<any>> -> memref<8x100000xf32, #tpu.memory_space<any>>
    tpu.wait_dma2 semaphore(%dma_wait3A_314 : memref<!tpu.dma_semaphore, #tpu.memory_space<semaphore_mem>>) src(%arg7 : memref<8x100000xf32, #tpu.memory_space<vmem>>) dst(%dma_wait3A_317 : memref<8x100000xf32, #tpu.memory_space<any>>)
    %dma_wait3A_318 = arith.constant 1 : i32
    %dma_wait3A_319 = tpu.memref_slice %arg13[%dma_wait3A_318] : memref<4x!tpu.dma_semaphore, #tpu.memory_space<semaphore_mem>> -> memref<1x!tpu.dma_semaphore, #tpu.memory_space<semaphore_mem>>
    %dma_wait3A_320 = tpu.memref_squeeze %dma_wait3A_319 : memref<1x!tpu.dma_semaphore, #tpu.memory_space<semaphore_mem>> -> memref<!tpu.dma_semaphore, #tpu.memory_space<semaphore_mem>>
    %dma_wait3A_321 = arith.constant 120 : i32
    %dma_wait3A_322 = arith.constant 0 : i32
    %dma_wait3A_323 = tpu.memref_slice %arg2[%dma_wait3A_321, %dma_wait3A_322] : memref<128x100000xf32, #tpu.memory_space<any>> -> memref<8x100000xf32, #tpu.memory_space<any>>
    tpu.wait_dma2 semaphore(%dma_wait3A_320 : memref<!tpu.dma_semaphore, #tpu.memory_space<semaphore_mem>>) src(%arg8 : memref<8x100000xf32, #tpu.memory_space<vmem>>) dst(%dma_wait3A_323 : memref<8x100000xf32, #tpu.memory_space<any>>)
    return
  }
}

</mosaic_0001>

<sc_bundles>
// kernel: kernel.4.cloned.1.call-start
scs
__scs_entry_jumppad:
0x0: {  	(pc) =	sbr.rel $0x88, $3  }
0x1: {  	(tag) =	ssettag $0x0;
	lr =	simm.s32 $0x1  }
0x2: {  	[smem:$0x3FA0] =	sst lr;
	_ =	strace $0xD0000000  }
0x3: {  	_ = 	snop  }
0x4: {  	_ = 	snop  }
0x5: {  	_ = 	snop  }
0x6: {  	_ = 	snop  }
0x7: {  	_ = 	snop  }
__scs_overlays_trampoline_lowered:
0x8: {  	[smem:$0x3FAF] =	sst s0  }
0x9: {  	[smem:$0x3FB0] =	sst s1  }
0xa: {  	[smem:$0x3FB1] =	sst s2  }
0xb: {  	[smem:$0x3FB2] =	sst s3  }
0xc: {  	[smem:$0x3FB3] =	sst s4  }
0xd: {  	[smem:$0x3FB4] =	sst s5  }
0xe: {  	[smem:$0x3FB5] =	sst s6  }
0xf: {  	[smem:$0x3FB6] =	sst s7  }
0x10: {  	[smem:$0x3FB7] =	sst s8  }
0x11: {  	[smem:$0x3FB8] =	sst s9;
	s0 =	simm.s32 @!p0 $0x0  }
0x12: {  	s1 =	sld [smem:$0x3F9E];
	s0 =	simm.s32 @p0 $0x1  }
0x13: {  	[smem:$0x3FB9] =	sst s0;
	s0 =	simm.s32 @!p1 $0x0  }
0x14: {  	s2 =	sld [smem:$0x3F9D];
	s0 =	simm.s32 @p1 $0x1  }
0x15: {  	[smem:$0x3FBA] =	sst s0;
	s0 =	simm.s32 @!p2 $0x0  }
0x16: {  	s3 =	sld [smem:$0x3FDB];
	s0 =	simm.s32 @p2 $0x1  }
0x17: {  	s4 =	simm.s32 $0x1BF5;
	[smem:$0x3FBC] =	sst s0  }
0x18: {  	s0 =	sld [smem:$0x3F9F];
	_ =	swait.ge [sflag:s4], $0x0  }
0x19: {  	s7 =	sld [smem:$0x3FA0]  }
0x1a: {  	s8 =	sadd.s32 $0xFFFFE003, lr  }
0x1b: {  	s9 =	sadd.s32 $0xFFFFFEF7, lr;
	s5 =	simm.s32 $0xFFFFFFFF;
	p2 =	slt.u32 s8, $0xFFFFF086  }
0x1c: {  	p1 =	slt.u32 s9, $0xF7A;
	s5 =	simm.s32 @!p2 $0x0  }
0x1d: {  	s5 =	simm.s32 @p1 $0x1;
	p0 =	seq.s32 s7, s2  }
0x1e: {  	s7 =	smul.u32 @!p0 $0xF7A, s2;
	p2 =	seq.s32 @!p0 s5, $0x0  }
0x1f: {  	s9 =	smul.u32 $0xF7A, s1;
	s8 =	simm.s32 @!p0 $0x1BF5;
	p2 =	por !p2, p0  }
0x20: {  	[sflag:s8] =	ssyncset.s32 @!p0 $0xFFFFF086;
	s6 =	sadd.s32 @!p0 s3, s7;
	s7 =	simm.s32 @!p0 $0x108  }
0x21: {  	s3 =	sadd.s32 s3, s9;
	s6 =	sadd.s32 @!p0 $0x88, s6;
	s7 =	simm.s32 @p2 $0x1082  }
0x22: {  	[simem:s7], [sflag:s8] =	dma.local @!p0 [hbm:s6], $0xF7A  }
0x23: {  	s9 =	sor.u32 $0xD0000000, s2;
	s6 =	simm.s32 $0x108;
	_ =	swait.ge @!p0 [sflag:s8], $0x0  }
0x24: {  	s3 =	sadd.s32 $0x88, s3;
	s6 =	simm.s32 @!p1 $0x1082;
	[sflag:s4] =	ssyncset.s32 $0xFFFFF086  }
0x25: {  	[simem:s6], [sflag:s4] =	dma.local [hbm:s3], $0xF7A  }
0x26: {  	[smem:$0x3FA0] =	sst s1;
	(tag) =	ssettag s2;
	_ =	strace s9  }
0x27: {  	s1 =	sld [smem:$0x3FB0]  }
0x28: {  	s2 =	sld [smem:$0x3FB1]  }
0x29: {  	s4 =	sld [smem:$0x3FB3]  }
0x2a: {  	p0 =	seq.s32 s5, $0x0;
	s5 =	sld [smem:$0x3FB4]  }
0x2b: {  	s6 =	sld [smem:$0x3FB5]  }
0x2c: {  	s7 =	sld [smem:$0x3FB6]  }
0x2d: {  	s3 =	simm.s32 $0x108;
	s8 =	sld [smem:$0x3FB7]  }
0x2e: {  	s3 =	simm.s32 @!p0 $0x1082;
	s9 =	sld [smem:$0x3FB8]  }
0x2f: {  	lr =	sadd.s32 s0, s3;
	s0 =	sld [smem:$0x3FAF]  }
0x30: {  	s3 =	sld [smem:$0x3FB2]  }
0x31: {  	[smem:$0x3FBB] =	sst s10  }
0x32: {  	s10 =	sld [smem:$0x3FB9];
	_ =	sdelay $0x3  }
0x33: {  	p0 =	seq.s32 s10, $0x1;
	s10 =	sld [smem:$0x3FBB];
	_ =	sdelay $0x3  }
0x34: {  	[smem:$0x3FBB] =	sst s10  }
0x35: {  	s10 =	sld [smem:$0x3FBA];
	_ =	sdelay $0x3  }
0x36: {  	p1 =	seq.s32 s10, $0x1;
	s10 =	sld [smem:$0x3FBB];
	_ =	sdelay $0x3  }
0x37: {  	[smem:$0x3FBB] =	sst s10  }
0x38: {  	s10 =	sld [smem:$0x3FBC]  }
0x39: {  	_ = 	snop;
	(pc) =	sbr.ind lr, $3  }
0x3a: {  	_ = 	snop  }
0x3b: {  	_ = 	snop  }
0x3c: {  	p2 =	seq.s32 s10, $0x1;
	s10 =	sld [smem:$0x3FBB]  }
0x3d: {  	_ =	shalt  }
0x3e: {  	_ =	shalt  }
0x3f: {  	_ =	shalt  }
0x40: {  	_ =	shalt  }
0x41: {  	_ =	shalt  }
0x42: {  	_ =	shalt  }
0x43: {  	_ =	shalt  }
0x44: {  	_ =	shalt  }
0x45: {  	_ =	shalt  }
0x46: {  	_ =	shalt  }
0x47: {  	_ =	shalt  }
0x48: {  	_ =	shalt  }
0x49: {  	_ =	shalt  }
0x4a: {  	_ =	shalt  }
0x4b: {  	_ =	shalt  }
0x4c: {  	_ =	shalt  }
0x4d: {  	_ =	shalt  }
0x4e: {  	_ =	shalt  }
0x4f: {  	_ =	shalt  }
0x50: {  	_ =	shalt  }
0x51: {  	_ =	shalt  }
0x52: {  	_ =	shalt  }
0x53: {  	_ =	shalt  }
0x54: {  	_ =	shalt  }
0x55: {  	_ =	shalt  }
0x56: {  	_ =	shalt  }
0x57: {  	_ =	shalt  }
0x58: {  	_ =	shalt  }
0x59: {  	_ =	shalt  }
0x5a: {  	_ =	shalt  }
0x5b: {  	_ =	shalt  }
0x5c: {  	_ =	shalt  }
0x5d: {  	_ =	shalt  }
0x5e: {  	_ =	shalt  }
0x5f: {  	_ =	shalt  }
0x60: {  	_ =	shalt  }
0x61: {  	_ =	shalt  }
0x62: {  	_ =	shalt  }
0x63: {  	_ =	shalt  }
0x64: {  	_ =	shalt  }
0x65: {  	_ =	shalt  }
0x66: {  	_ =	shalt  }
0x67: {  	_ =	shalt  }
0x68: {  	_ =	shalt  }
0x69: {  	_ =	shalt  }
0x6a: {  	_ =	shalt  }
0x6b: {  	_ =	shalt  }
0x6c: {  	_ =	shalt  }
0x6d: {  	_ =	shalt  }
0x6e: {  	_ =	shalt  }
0x6f: {  	_ =	shalt  }
0x70: {  	_ =	shalt  }
0x71: {  	_ =	shalt  }
0x72: {  	_ =	shalt  }
0x73: {  	_ =	shalt  }
0x74: {  	_ =	shalt  }
0x75: {  	_ =	shalt  }
0x76: {  	_ =	shalt  }
0x77: {  	_ =	shalt  }
0x78: {  	_ =	shalt  }
0x79: {  	_ =	shalt  }
0x7a: {  	_ =	shalt  }
0x7b: {  	_ =	shalt  }
0x7c: {  	_ =	shalt  }
0x7d: {  	_ =	shalt  }
0x7e: {  	_ =	shalt  }
0x7f: {  	_ =	shalt  }
0x80: {  	_ =	shalt  }
0x81: {  	_ =	shalt  }
0x82: {  	_ =	shalt  }
0x83: {  	_ =	shalt  }
0x84: {  	_ =	shalt  }
0x85: {  	_ =	shalt  }
0x86: {  	_ =	shalt  }
0x87: {  	_ =	shalt  }
.Lfunc_end0:
.L_simem_size_0:
called_computation_lowered:
.L_overlay_start_0:
0x88: {  	s2 =	sld [smem:$0x3FD9]  }
0x89: {  	s3 =	sld [smem:$0x3FFE];
	_ =	sdelay $0x1  }
0x8a: {  	s1 =	srdreg.scid  }
0x8b: {  	s0 =	sand.u32 $0x1, s1  }
0x8c: {  	s16 =	sshll.u32 s0, $0xA;
	s2 =	sadd.s32 s3, s2  }
0x8d: {  	s2 =	sadd.s32 s2, s16  }
0x8e: {  	[smem:$0x3FC7] =	sst s2  }
0x8f: {  	_ = 	snop  }
0x90: {  	(tm) =	ssettm $0x1  }
0x91: {  	s17 =	sld [smem:$0x3FFB];
	_ =	sdelay $0x3  }
0x92: {  	_ =	strace s17  }
0x93: {  	s2 =	sld [smem:$0x3FFC];
	_ =	sdelay $0x3  }
0x94: {  	_ =	strace s2  }
0x95: {  	s2 =	sld [smem:$0x3FFD];
	_ =	sdelay $0x3  }
0x96: {  	_ =	strace s2  }
0x97: {  	_ =	strace $0x8FFFFFFF  }
0x98: {  	s18 =	sld [smem:$0x3FDB];
	_ =	sdelay $0x1  }
0x99: {  	s19 =	simm.s32 $_scs_section_size  }
0x9a: {  	s4 =	simm.s32 $_size__tile_overlayer_lowered;
	s5 =	simm.s32 $_tile_overlayer_lowered  }
0x9b: {  	s22 =	simm.s32 $0x1BFF;
	s21 =	sshll.u32 s5, $0x1;
	s2 =	sadd.s32 s19, s18  }
0x9c: {  	s6 =	simm.s32 $0x0;
	s20 =	sshll.u32 s4, $0x1;
	s4 =	sadd.s32 s21, s2  }
0x9d: {  	[timem:s6], [sflag:s22] =	dma.local [hbm:s4], s20  }
0x9e: {  	_ =	swait.ge [sflag:s22], s20  }
0x9f: {  	s3 =	ssub.s32 $0x0, s20;
	[sflag:s22] =	ssyncset.done $0x0  }
0xa0: {  	[sflag:s22] =	ssyncadd.s32 s3;
	_ =	sdelay $0x1  }
0xa1: {  	s23 =	simm.s32 $0x1B8B  }
0xa2: {  	_ =	swait.ge [sflag:s23], $0x1  }
0xa3: {  	[sflag:s23] =	ssyncset.done $0x0  }
0xa4: {  	s25 =	simm.s32 $0x1B8E;
	s24 =	sld [smem:$0x3FFE];
	[sflag:s23] =	ssyncadd.s32 $0xFFFFFFFF  }
0xa5: {  	s26 =	simm.s32 $execute0_lowered;
	[smem:$0x3FD2] =	sst s25  }
0xa6: {  	s4 =	sshll.u32 s26, $0x1;
	_ =	strace $0x80000046;
	[dreg:$0x1] =	wrdreg $0xFFFFFFFF  }
0xa7: {  	s28 =	simm.s32 $_size_execute0_lowered;
	s2 =	sadd.s32 s2, s4;
	[dreg:$0x0] =	wrdreg $0x0  }
0xa8: {  	s4 =	sshll.u32 s28, $0x1;
	[dreg:$0x2] =	wrdreg s2  }
0xa9: {  	[dreg:$0x3] =	wrdreg s4  }
0xaa: {  	[dreg:$0x4] =	wrdreg $0xC0  }
0xab: {  	_ =	task [dreg:s6], $0x5FFFF  }
0xac: {  	[dreg:$0x1] =	wrdreg $0xFFFFFFFF  }
0xad: {  	[dreg:$0x0] =	wrdreg $0x60  }
0xae: {  	[dreg:$0x2] =	wrdreg s24  }
0xaf: {  	[dreg:$0x3] =	wrdreg $0x9  }
0xb0: {  	_ =	task.clear_ibuf [dreg:s6], $0x4FFFF;
	_ =	strace $0x90000046  }
0xb1: {  	s29 =	simm.s32 $0x9;
	_ =	strace $0x80000048  }
0xb2: {  	_ =	swait.ge [sflag:s29], $0x1  }
0xb3: {  	[sflag:s29] =	ssyncadd.s32 $0xFFFFFFFF  }
0xb4: {  	_ =	strace $0x90000048  }
0xb5: {  	_ =	sfence  }
0xb6: {  	s30 =	sld [smem:$0x0];
	_ =	sdelay $0x2  }
0xb7: {  	s31 =	sshll.u32 s1, $0xD;
	s1 =	sshrl.u32 s1, $0x2  }
0xb8: {  	s3 =	sand.u32 $0x4000, s31;
	s1 =	sadd.s32 s1, s30  }
0xb9: {  	s0 =	sor.u32 s3, s0;
	s1 =	sshll.u32 s1, $0x11  }
0xba: {  	s0 =	sor.u32 s1, s0  }
0xbb: {  	s0 =	sadd.s32 $0x8F2B, s0  }
0xbc: {  	[sflag:s0] =	ssyncadd.remote.s32 $0x1  }
0xbd: {  	_ =	sfence.sel $0xFFFF  }
0xbe: {  	[dreg:$0x0] =	wrdreg $0xFFFFFFFF;
	(pc) =	sbr.abs _section_cstart, $3  }
0xbf: {  	[dreg:$0x1] =	wrdreg $0xFFFFFFFF  }
0xc0: {  	_ =	task.clear_ibuf [dreg:s6], $0x2FFFF;
	_ =	strace $0x9FFFFFFF  }
0xc1: {  	(tm) =	ssettm $0x7FFFFFFF  }
tec
execute0_lowered:
.L_overlay_start_1:
0x0: {  	(tag) =	ssettag $0x1  }
0x1: {  	s0 =	rddreg [dreg:$0x0]  }
0x2: {  	s1 =	srdreg.scid;
	s2 =	stileid.u32;
	s3 =	simm.s32 $0x0  }
0x3: {  	s1 =	sand.u32 $0x1, s1;
	s2 =	sshll.u32 s2, $0x1;
	[smem:$0x7FF] =	sst s3  }
0x4: {  	s5 =	sadd.s32 $0x400, s0;
	s0 =	sadd.s32 $0x187400, s0;
	s2 =	sor.u32 s1, s2  }
0x5: {  	_ =	strace $0x80000047;
	[smem:$0x7F5] =	sst s0;
	s4 =	smul.u32 $0x6000, s2  }
0x6: {  	s26 =	ssub.s32 $0x2, s1;
	[smem:$0x7F8] =	sst s5  }
0x7: {  	s1 =	sshrl.u32 s26, $0x1;
	s6 =	sadd.s32 $0xC3800, s4;
	[smem:$0x7FB] =	sst s4  }
0x8: {  	s0 =	ssub.s32 s26, s1;
	s30 =	sadd.s32 $0x187000, s4;
	[smem:$0x7F7] =	sst s6  }
.Ltmp0:
0x9: {  	s31 =	sadd.s32 $0x24A800, s4;
	[smem:$0x7FA] =	sst s30;
	(pc) =	sbr.rel .LBB2_1-.Ltmp0, $4  }
0xa: {  	s2 =	sshrl.u32 s4, $0x3;
	s0 =	smax.u32 s0, $0x1;
	[smem:$0x7FC] =	sst s31  }
0xb: {  	s28 =	sadd.s32 s5, s2;
	s29 =	sshrl.u32 s6, $0x3;
	[smem:$0x7FD] =	sst s0  }
0xc: {  	[smem:$0x7F6] =	sst s28;
	s1 =	sadd.s32 s5, s29  }
0xd: {  	s2 =	simm.s32 $0x0;
	[smem:$0x7F9] =	sst s1  }
.LBB2_12:
0xe: {  	s0 =	simm.s32 $0x3  }
0xf: {  	_ =	swait.ge [sflag:s0], $0x6000  }
0x10: {  	[sflag:s0] =	ssyncset.done $0x0  }
0x11: {  	s1 =	simm.s32 $0x4;
	[sflag:s0] =	ssyncadd.s32 $0xFFFFA000  }
0x12: {  	_ =	swait.ge [sflag:s1], $0x6000  }
0x13: {  	s2 =	sld [smem:$0x7F4]  }
0x14: {  	s31 =	sld [smem:$0x7FD];
	_ =	sdelay $0x1  }
0x15: {  	s2 =	sadd.s32 $0x1, s2  }
0x16: {  	p0 =	sne.s32 s2, s31  }
.Ltmp1:
0x17: {  	_ = 	snop;
	(pc) =	sbr.rel @!p0 .LBB2_13-.Ltmp1, $3  }
0x18: {  	_ =	sdelay $0x1  }
0x19: {  	[sflag:s1] =	ssyncset.done $0x0  }
0x1a: {  	[sflag:s1] =	ssyncadd.s32 $0xFFFFA000  }
.LBB2_1:
0x1b: {  	s0 =	sld [smem:$0x7F6];
	_ =	sdelay $0x1  }
0x1c: {  	s31 =	sld [smem:$0x7F9]  }
0x1d: {  	[tilespmem:s3], [sflag:$0x1] =	stream.linear.gather [hbm4b:s0+s3], $0x6000, $0x38;
	[tilespmem:$0x18000] =	vst v63  }
0x1e: {  	[smem:$0x7F4] =	sst s2;
	s1 =	simm.s32 $0x6000;
	s2 =	simm.s32 $0x0  }
0x1f: {  	[tilespmem:s1], [sflag:$0x2] =	stream.linear.gather [hbm4b:s31+s3], $0x6000, $0x38;
	[tilespmem:$0x18000] =	vst v63  }
.LBB2_2:
0x20: {  	s0 =	simm.s32 $0x1  }
0x21: {  	_ =	swait.ge [sflag:s0], $0x6000  }
0x22: {  	p0 =	seq.s32 s2, $0x0;
	[sflag:s0] =	ssyncset.done $0x0  }
0x23: {  	[smem:$0x7F1] =	sst s2;
	[sflag:s0] =	ssyncadd.s32 $0xFFFFA000;
	s0 =	simm.s32 @!p0 $0x3  }
0x24: {  	s1 =	simm.s32 $0x0;
	_ =	swait.ge @!p0 [sflag:s0], $0x6000  }
0x25: {  	s24 =	sand.u32 $0x40, s1;
	s1 =	sand.u32 $0x7C00, s1;
	[sflag:s0] =	ssyncset.done @!p0 $0x0  }
0x26: {  	s25 =	sor.u32 s24, s1;
	[sflag:s0] =	ssyncadd.s32 @!p0 $0xFFFFA000  }
0x27: {  	v0 =	vld [tilespmem:s25+$0x30]  }
0x28: {  	v1 =	vld [tilespmem:s25+$0xB0]  }
0x29: {  	v2 =	vld [tilespmem:s25+$0x130]  }
0x2a: {  	v3 =	vld [tilespmem:s25+$0x1B0];
	_ =	sdelay $0x1  }
0x2b: {  	v0 =	vadd.f32 v0, v0  }
0x2c: {  	v1 =	vadd.f32 v1, v1  }
0x2d: {  	v5 =	vld [tilespmem:s25+$0x80];
	v2 =	vadd.f32 v2, v2;
	v0 =	vmul.f32 $1.442695020e+00, v0  }
0x2e: {  	v4 =	vld [tilespmem:s25+$0x0];
	v3 =	vadd.f32 v3, v3;
	v1 =	vmul.f32 $1.442695020e+00, v1  }
0x2f: {  	(erf) = vpow2.f32 v0;
	v0 =	vmul.f32 $1.442695020e+00, v2  }
0x30: {  	v3 =	vmul.f32 $1.442695020e+00, v3;
	v2 =	vld [tilespmem:s25+$0x100];
	(erf) = vpow2.f32 v1  }
0x31: {  	v1 =	vld [tilespmem:s25+$0x180];
	(erf) = vpow2.f32 v0  }
0x32: {  	(erf) = vpow2.f32 v3;
	v3 =	vadd.f32 v5, v5  }
0x33: {  	v0 =	vadd.f32 v4, v4  }
0x34: {  	v3 =	vmul.f32 $1.442695020e+00, v3  }
0x35: {  	v6 =	vld [tilespmem:s25+$0x190];
	v0 =	vmul.f32 $1.442695020e+00, v0;
	v2 =	vadd.f32 v2, v2  }
0x36: {  	v4 =	vld [tilespmem:s25+$0x10];
	v1 =	vadd.f32 v1, v1  }
0x37: {  	v5 =	vld [tilespmem:s25+$0x110];
	(erf) = vpow2.f32 v0;
	v2 =	vmul.f32 $1.442695020e+00, v2  }
0x38: {  	v0 =	vld [tilespmem:s25+$0x90];
	(erf) = vpow2.f32 v3;
	v1 =	vmul.f32 $1.442695020e+00, v1;
	v3 =	vpop (erf)  }
0x39: {  	v7 =	vld [tilespmem:s25+$0x20];
	(erf) = vpow2.f32 v2;
	v2 =	vadd.f32 $1.000000000e+00, v3;
	v3 =	vpop (erf)  }
0x3a: {  	v8 =	vld [tilespmem:s25+$0xA0];
	(erf) = vpow2.f32 v1;
	v1 =	vadd.f32 $1.000000000e+00, v3;
	v3 =	vpop (erf)  }
0x3b: {  	(erf) = vrcp.f32 v2;
	v2 =	vadd.f32 $1.000000000e+00, v3;
	v3 =	vpop (erf)  }
0x3c: {  	v3 =	vadd.f32 $1.000000000e+00, v3;
	(erf) = vrcp.f32 v1;
	v1 =	vadd.f32 v4, v4;
	v4 =	vld [tilespmem:s25+$0x120]  }
0x3d: {  	v0 =	vadd.f32 v0, v0;
	(erf) = vrcp.f32 v2;
	v2 =	vadd.f32 v5, v5;
	v5 =	vld [tilespmem:s25+$0x1A0]  }
0x3e: {  	(erf) = vrcp.f32 v3;
	v3 =	vadd.f32 v6, v6;
	v6 =	vadd.f32 v7, v7  }
0x3f: {  	v8 =	vadd.f32 v8, v8;
	v0 =	vmul.f32 $1.442695020e+00, v0;
	v1 =	vmul.f32 $1.442695020e+00, v1  }
0x40: {  	v7 =	vpop (erf);
	v2 =	vmul.f32 $1.442695020e+00, v2;
	v3 =	vmul.f32 $1.442695020e+00, v3  }
0x41: {  	v9 =	vpop (erf);
	(erf) = vpow2.f32 v1;
	v1 =	vadd.f32 v4, v4;
	v4 =	vmul.f32 $1.442695020e+00, v6  }
0x42: {  	(erf) = vpow2.f32 v0;
	v6 =	vpop (erf);
	v0 =	vadd.f32 v5, v5;
	v5 =	vmul.f32 $1.442695020e+00, v8  }
0x43: {  	(erf) = vpow2.f32 v2;
	v8 =	vpop (erf)  }
0x44: {  	(erf) = vpow2.f32 v3;
	v3 =	vpop (erf)  }
0x45: {  	v1 =	vmul.f32 $1.442695020e+00, v1;
	(erf) = vpow2.f32 v4;
	v3 =	vadd.f32 v3, v3;
	v4 =	vpop (erf)  }
0x46: {  	v0 =	vmul.f32 $1.442695020e+00, v0;
	(erf) = vpow2.f32 v5;
	v4 =	vadd.f32 v4, v4;
	v5 =	vpop (erf)  }
0x47: {  	(erf) = vpow2.f32 v1;
	v1 =	vsub.f32 $1.000000000e+00, v3;
	v3 =	vadd.f32 v5, v5;
	v5 =	vpop (erf)  }
0x48: {  	(erf) = vpow2.f32 v0;
	v0 =	vsub.f32 $1.000000000e+00, v4;
	v4 =	vadd.f32 v5, v5  }
0x49: {  	v2 =	vadd.f32 $1.000000000e+00, v7  }
0x4a: {  	v7 =	vadd.f32 $1.000000000e+00, v9  }
0x4b: {  	(erf) = vrcp.f32 v2;
	v2 =	vadd.f32 $1.000000000e+00, v8;
	[tilespmem:s25+$0xC030] =	vst v1;
	v1 =	vsub.f32 $1.000000000e+00, v3;
	v3 =	vpop (erf)  }
0x4c: {  	p1 =	por $0x0, $0x0;
	s1 =	simm.s32 $0x1;
	v5 =	vadd.f32 $1.000000000e+00, v6;
	[tilespmem:s25+$0xC0B0] =	vst v0;
	v0 =	vsub.f32 $1.000000000e+00, v4;
	v4 =	vpop (erf)  }
0x4d: {  	s1 =	simm.s32 @!p1 $0x0;
	(erf) = vrcp.f32 v7;
	[tilespmem:s25+$0xC130] =	vst v1;
	v1 =	vadd.f32 $1.000000000e+00, v4  }
0x4e: {  	s1 =	sshll.u32 s1, $0x6;
	(erf) = vrcp.f32 v5;
	v3 =	vadd.f32 $1.000000000e+00, v3  }
0x4f: {  	s21 =	sadd.s32 $0x0, s1;
	(erf) = vrcp.f32 v2;
	v2 =	vpop (erf)  }
0x50: {  	s29 =	sadd.s32 $0x30, s21;
	[tilespmem:s25+$0xC1B0] =	vst v0;
	v0 =	vadd.f32 $1.000000000e+00, v2;
	(erf) = vrcp.f32 v3;
	v2 =	vpop (erf)  }
0x51: {  	s6 =	sor.u32 $0x200, s29;
	v2 =	vadd.f32 $1.000000000e+00, v2;
	(erf) = vrcp.f32 v1;
	v1 =	vpop (erf)  }
0x52: {  	v3 =	vld [tilespmem:s6+$0x0];
	v1 =	vadd.f32 $1.000000000e+00, v1;
	_ =	sdelay $0x1  }
0x53: {  	(erf) = vrcp.f32 v0;
	v0 =	vpop (erf)  }
0x54: {  	(erf) = vrcp.f32 v2;
	v0 =	vadd.f32 $1.000000000e+00, v0;
	v2 =	vpop (erf)  }
0x55: {  	(erf) = vrcp.f32 v1;
	v1 =	vpop (erf)  }
0x56: {  	v2 =	vadd.f32 $1.000000000e+00, v2;
	(erf) = vrcp.f32 v0;
	v0 =	vadd.f32 v3, v3;
	v4 =	vpop (erf)  }
0x57: {  	v1 =	vadd.f32 $1.000000000e+00, v1;
	v3 =	vadd.f32 v4, v4;
	v4 =	vpop (erf)  }
0x58: {  	(erf) = vrcp.f32 v2;
	v2 =	vadd.f32 v4, v4;
	v4 =	vpop (erf)  }
0x59: {  	(erf) = vrcp.f32 v1;
	v1 =	vsub.f32 $1.000000000e+00, v3;
	v3 =	vadd.f32 v4, v4;
	v4 =	vpop (erf)  }
0x5a: {  	v4 =	vadd.f32 v4, v4  }
0x5b: {  	v0 =	vmul.f32 $1.442695020e+00, v0  }
0x5c: {  	v2 =	vsub.f32 $1.000000000e+00, v2;
	v5 =	vpop (erf)  }
0x5d: {  	(erf) = vpow2.f32 v0;
	[tilespmem:s25+$0xC000] =	vst v1;
	v0 =	vsub.f32 $1.000000000e+00, v3;
	v1 =	vadd.f32 v5, v5;
	v3 =	vpop (erf)  }
0x5e: {  	[tilespmem:s25+$0xC080] =	vst v2;
	v2 =	vsub.f32 $1.000000000e+00, v4;
	v3 =	vadd.f32 v3, v3;
	v4 =	vpop (erf)  }
0x5f: {  	[tilespmem:s25+$0xC100] =	vst v0;
	v0 =	vsub.f32 $1.000000000e+00, v1;
	v1 =	vadd.f32 v4, v4;
	v4 =	vpop (erf)  }
0x60: {  	[tilespmem:s25+$0xC180] =	vst v2;
	v2 =	vsub.f32 $1.000000000e+00, v3;
	v3 =	vadd.f32 v4, v4;
	v4 =	vpop (erf)  }
0x61: {  	[tilespmem:s25+$0xC010] =	vst v0;
	v0 =	vsub.f32 $1.000000000e+00, v1;
	v1 =	vadd.f32 v4, v4;
	v4 =	vpop (erf)  }
0x62: {  	[tilespmem:s25+$0xC090] =	vst v2;
	v2 =	vsub.f32 $1.000000000e+00, v3;
	v3 =	vadd.f32 v4, v4;
	v4 =	vpop (erf)  }
0x63: {  	[tilespmem:s25+$0xC110] =	vst v0;
	v0 =	vsub.f32 $1.000000000e+00, v1;
	v1 =	vadd.f32 v4, v4;
	_ =	sdelay $0x1  }
0x64: {  	v4 =	vpop (erf);
	[tilespmem:s25+$0xC190] =	vst v2;
	v2 =	vsub.f32 $1.000000000e+00, v3  }
0x65: {  	s26 =	sadd.s32 $0x10, s21;
	v3 =	vadd.f32 v4, v4;
	[tilespmem:s25+$0xC020] =	vst v0;
	v0 =	vsub.f32 $1.000000000e+00, v1  }
0x66: {  	s4 =	sor.u32 $0x200, s26;
	[tilespmem:s25+$0xC0A0] =	vst v2;
	v1 =	vpop (erf)  }
0x67: {  	s5 =	sor.u32 $0x200, s21;
	v2 =	vsub.f32 $1.000000000e+00, v3;
	[tilespmem:s25+$0xC120] =	vst v0;
	v0 =	vld [tilespmem:s4+$0x0];
	v1 =	vadd.f32 $1.000000000e+00, v1  }
0x68: {  	s23 =	sadd.s32 $0x20, s21;
	v3 =	vld [tilespmem:s5+$0x0]  }
0x69: {  	s13 =	sor.u32 $0x200, s23;
	[tilespmem:s25+$0xC1A0] =	vst v2;
	(erf) = vrcp.f32 v1  }
0x6a: {  	v1 =	vld [tilespmem:s13+$0x0];
	_ =	sdelay $0x1  }
0x6b: {  	v0 =	vadd.f32 v0, v0  }
0x6c: {  	v2 =	vadd.f32 v3, v3  }
0x6d: {  	v0 =	vmul.f32 $1.442695020e+00, v0  }
0x6e: {  	v2 =	vmul.f32 $1.442695020e+00, v2;
	v1 =	vadd.f32 v1, v1;
	_ =	sdelay $0x1  }
0x6f: {  	(erf) = vpow2.f32 v2;
	v1 =	vmul.f32 $1.442695020e+00, v1  }
0x70: {  	(erf) = vpow2.f32 v0;
	v0 =	vpop (erf)  }
0x71: {  	(erf) = vpow2.f32 v1;
	v0 =	vadd.f32 v0, v0  }
0x72: {  	s14 =	simm.s32 $0x200;
	s3 =	simm.s32 $0x40  }
0x73: {  	s3 =	sand.u32 $0x40, s3;
	s0 =	sand.u32 $0x7C00, s14;
	v0 =	vsub.f32 $1.000000000e+00, v0  }
0x74: {  	s3 =	sor.u32 s3, s0  }
0x75: {  	s15 =	sor.u32 $0x280, s29;
	v1 =	vld [tilespmem:s3+$0x30];
	[tilespmem:s6+$0xC000] =	vst v0  }
0x76: {  	v0 =	vld [tilespmem:s15+$0x0]  }
0x77: {  	v2 =	vld [tilespmem:s3+$0xB0]  }
0x78: {  	v4 =	vld [tilespmem:s3+$0x130];
	v3 =	vpop (erf)  }
0x79: {  	v3 =	vadd.f32 $1.000000000e+00, v3;
	v5 =	vpop (erf)  }
0x7a: {  	v6 =	vld [tilespmem:s3+$0x1B0];
	v1 =	vadd.f32 v1, v1;
	v5 =	vadd.f32 $1.000000000e+00, v5;
	v7 =	vpop (erf)  }
0x7b: {  	(erf) = vrcp.f32 v3;
	v3 =	vadd.f32 $1.000000000e+00, v7;
	v0 =	vadd.f32 v0, v0  }
0x7c: {  	v2 =	vadd.f32 v2, v2;
	v1 =	vmul.f32 $1.442695020e+00, v1;
	(erf) = vrcp.f32 v5;
	v7 =	vld [tilespmem:s3+$0x80]  }
0x7d: {  	v5 =	vld [tilespmem:s3+$0x0];
	(erf) = vrcp.f32 v3;
	v3 =	vadd.f32 v4, v4;
	v0 =	vmul.f32 $1.442695020e+00, v0  }
0x7e: {  	v2 =	vmul.f32 $1.442695020e+00, v2;
	(erf) = vpow2.f32 v1  }
0x7f: {  	v6 =	vadd.f32 v6, v6;
	v3 =	vmul.f32 $1.442695020e+00, v3;
	(erf) = vpow2.f32 v0  }
0x80: {  	v4 =	vld [tilespmem:s3+$0x100];
	(erf) = vpow2.f32 v2  }
0x81: {  	v6 =	vmul.f32 $1.442695020e+00, v6;
	v1 =	vld [tilespmem:s3+$0x180];
	(erf) = vpow2.f32 v3;
	v3 =	vadd.f32 v7, v7  }
0x82: {  	v2 =	vadd.f32 v5, v5;
	v5 =	vld [tilespmem:s3+$0x90]  }
0x83: {  	v3 =	vmul.f32 $1.442695020e+00, v3  }
0x84: {  	v2 =	vmul.f32 $1.442695020e+00, v2  }
0x85: {  	v4 =	vadd.f32 v4, v4;
	(erf) = vpow2.f32 v6;
	v6 =	vpop (erf)  }
0x86: {  	v8 =	vld [tilespmem:s3+$0x190];
	v1 =	vadd.f32 v1, v1;
	v9 =	vpop (erf);
	(erf) = vpow2.f32 v2  }
0x87: {  	v0 =	vld [tilespmem:s3+$0x10];
	v4 =	vmul.f32 $1.442695020e+00, v4;
	v5 =	vadd.f32 v5, v5;
	(erf) = vpow2.f32 v3;
	v3 =	vpop (erf)  }
0x88: {  	v7 =	vld [tilespmem:s3+$0x110];
	v1 =	vmul.f32 $1.442695020e+00, v1;
	v11 =	vpop (erf)  }
0x89: {  	(erf) = vpow2.f32 v4;
	v4 =	vmul.f32 $1.442695020e+00, v5;
	v5 =	vadd.f32 $1.000000000e+00, v11  }
0x8a: {  	v13 =	vld [tilespmem:s3+$0x1A0]  }
0x8b: {  	v8 =	vadd.f32 v8, v8;
	v2 =	vld [tilespmem:s3+$0x20];
	v11 =	vpop (erf)  }
0x8c: {  	v12 =	vld [tilespmem:s3+$0x120];
	v0 =	vadd.f32 v0, v0;
	(erf) = vpow2.f32 v1;
	v1 =	vpop (erf);
	v11 =	vadd.f32 $1.000000000e+00, v11  }
0x8d: {  	v10 =	vld [tilespmem:s3+$0xA0];
	v7 =	vadd.f32 v7, v7;
	v1 =	vadd.f32 $1.000000000e+00, v1;
	(erf) = vrcp.f32 v5;
	v5 =	vpop (erf)  }
0x8e: {  	v0 =	vmul.f32 $1.442695020e+00, v0;
	(erf) = vrcp.f32 v11;
	v5 =	vadd.f32 $1.000000000e+00, v5;
	v14 =	vpop (erf)  }
0x8f: {  	v7 =	vmul.f32 $1.442695020e+00, v7;
	(erf) = vrcp.f32 v1;
	v11 =	vadd.f32 $1.000000000e+00, v14  }
0x90: {  	v2 =	vadd.f32 v2, v2;
	(erf) = vrcp.f32 v5;
	v5 =	vadd.f32 v13, v13  }
0x91: {  	v1 =	vmul.f32 $1.442695020e+00, v8;
	v8 =	vadd.f32 v12, v12;
	(erf) = vrcp.f32 v11  }
0x92: {  	v10 =	vadd.f32 v10, v10;
	v2 =	vmul.f32 $1.442695020e+00, v2;
	v38 =	vpop (erf);
	(erf) = vpow2.f32 v0  }
0x93: {  	v9 =	vadd.f32 v9, v9;
	v39 =	vpop (erf);
	v0 =	vmul.f32 $1.442695020e+00, v8;
	(erf) = vpow2.f32 v4  }
0x94: {  	v6 =	vadd.f32 v6, v6;
	v4 =	vmul.f32 $1.442695020e+00, v5;
	v5 =	vpop (erf);
	(erf) = vpow2.f32 v7  }
0x95: {  	v10 =	vmul.f32 $1.442695020e+00, v10;
	v7 =	vpop (erf);
	(erf) = vpow2.f32 v1  }
0x96: {  	v1 =	vadd.f32 v3, v3;
	v3 =	vsub.f32 $1.000000000e+00, v6;
	(erf) = vpow2.f32 v2;
	v2 =	vpop (erf)  }
0x97: {  	v6 =	vsub.f32 $1.000000000e+00, v9;
	v2 =	vadd.f32 v2, v2;
	(erf) = vpow2.f32 v10;
	v9 =	vpop (erf)  }
0x98: {  	v11 =	vadd.f32 $1.000000000e+00, v38;
	v1 =	vsub.f32 $1.000000000e+00, v1;
	(erf) = vpow2.f32 v0;
	v0 =	vpop (erf)  }
0x99: {  	v8 =	vadd.f32 $1.000000000e+00, v39;
	[tilespmem:s5+$0xC000] =	vst v3;
	v2 =	vsub.f32 $1.000000000e+00, v2;
	(erf) = vpow2.f32 v4;
	v4 =	vpop (erf)  }
0x9a: {  	v0 =	vadd.f32 v0, v0;
	[tilespmem:s13+$0xC000] =	vst v1;
	v1 =	vadd.f32 v4, v4;
	v4 =	vpop (erf)  }
0x9b: {  	v3 =	vadd.f32 v9, v9;
	[tilespmem:s3+$0xC030] =	vst v2;
	v2 =	vadd.f32 v4, v4  }
0x9c: {  	v0 =	vsub.f32 $1.000000000e+00, v0;
	v1 =	vsub.f32 $1.000000000e+00, v1  }
0x9d: {  	p1 =	por !p1, !p1;
	s1 =	simm.s32 $0x1;
	s7 =	sor.u32 $0x280, s21;
	v5 =	vadd.f32 $1.000000000e+00, v5;
	[tilespmem:s4+$0xC000] =	vst v6;
	(erf) = vrcp.f32 v11;
	v3 =	vsub.f32 $1.000000000e+00, v3;
	v4 =	vpop (erf)  }
0x9e: {  	s1 =	simm.s32 @!p1 $0x0;
	v7 =	vadd.f32 $1.000000000e+00, v7;
	v6 =	vld [tilespmem:s7+$0x0];
	(erf) = vrcp.f32 v8;
	v8 =	vpop (erf);
	[tilespmem:s3+$0xC0B0] =	vst v0;
	v0 =	vsub.f32 $1.000000000e+00, v2  }
0x9f: {  	s1 =	sshll.u32 s1, $0x6;
	s18 =	sor.u32 $0x300, s29;
	[tilespmem:s15+$0xC000] =	vst v3;
	v4 =	vadd.f32 $1.000000000e+00, v4;
	(erf) = vrcp.f32 v5;
	v2 =	vpop (erf)  }
0xa0: {  	s24 =	sadd.s32 $0x200, s1;
	v5 =	vadd.f32 $1.000000000e+00, v8;
	(erf) = vrcp.f32 v7;
	v7 =	vld [tilespmem:s18+$0x0];
	[tilespmem:s3+$0xC130] =	vst v1;
	v1 =	vpop (erf);
	v2 =	vadd.f32 $1.000000000e+00, v2  }
0xa1: {  	s1 =	sadd.s32 $0x30, s24;
	(erf) = vrcp.f32 v4;
	v1 =	vadd.f32 $1.000000000e+00, v1  }
0xa2: {  	s12 =	sor.u32 $0x200, s1;
	[tilespmem:s3+$0xC1B0] =	vst v0;
	(erf) = vrcp.f32 v5;
	v0 =	vpop (erf)  }
0xa3: {  	v4 =	vadd.f32 v6, v6;
	v5 =	vld [tilespmem:s12+$0x0];
	v6 =	vpop (erf);
	v0 =	vadd.f32 $1.000000000e+00, v0;
	(erf) = vrcp.f32 v2  }
0xa4: {  	v6 =	vadd.f32 $1.000000000e+00, v6;
	(erf) = vrcp.f32 v1;
	v2 =	vpop (erf)  }
0xa5: {  	(erf) = vrcp.f32 v0;
	v0 =	vadd.f32 v7, v7;
	v1 =	vpop (erf);
	v2 =	vadd.f32 $1.000000000e+00, v2  }
0xa6: {  	v7 =	vpop (erf);
	v1 =	vadd.f32 $1.000000000e+00, v1;
	(erf) = vrcp.f32 v6  }
0xa7: {  	v0 =	vmul.f32 $1.442695020e+00, v0;
	v6 =	vadd.f32 v7, v7;
	v7 =	vpop (erf);
	(erf) = vrcp.f32 v2  }
0xa8: {  	v2 =	vadd.f32 v5, v5;
	v5 =	vadd.f32 v7, v7;
	v7 =	vpop (erf);
	(erf) = vrcp.f32 v1  }
0xa9: {  	v1 =	vsub.f32 $1.000000000e+00, v6;
	v6 =	vadd.f32 v7, v7;
	v7 =	vpop (erf);
	(erf) = vpow2.f32 v0  }
0xaa: {  	v0 =	vmul.f32 $1.442695020e+00, v2;
	v2 =	vsub.f32 $1.000000000e+00, v5;
	v5 =	vadd.f32 v7, v7;
	v7 =	vpop (erf)  }
0xab: {  	[tilespmem:s3+$0xC000] =	vst v1;
	v1 =	vsub.f32 $1.000000000e+00, v6;
	v6 =	vadd.f32 v7, v7;
	_ =	sdelay $0x1  }
0xac: {  	v7 =	vpop (erf)  }
0xad: {  	(erf) = vpow2.f32 v0;
	[tilespmem:s3+$0xC080] =	vst v2;
	v0 =	vsub.f32 $1.000000000e+00, v5;
	v2 =	vadd.f32 v7, v7;
	v5 =	vpop (erf)  }
0xae: {  	s16 =	sor.u32 $0x280, s26;
	[tilespmem:s3+$0xC100] =	vst v1;
	v1 =	vsub.f32 $1.000000000e+00, v6;
	v5 =	vadd.f32 v5, v5;
	v6 =	vpop (erf)  }
0xaf: {  	v9 =	vld [tilespmem:s16+$0x0];
	v4 =	vmul.f32 $1.442695020e+00, v4;
	[tilespmem:s3+$0xC180] =	vst v0;
	v0 =	vsub.f32 $1.000000000e+00, v2;
	v2 =	vadd.f32 v6, v6;
	v6 =	vpop (erf)  }
0xb0: {  	s17 =	sor.u32 $0x280, s23;
	[tilespmem:s3+$0xC010] =	vst v1;
	v1 =	vsub.f32 $1.000000000e+00, v5;
	v5 =	vadd.f32 v6, v6  }
0xb1: {  	v3 =	vld [tilespmem:s17+$0x0]  }
0xb2: {  	v6 =	vpop (erf)  }
0xb3: {  	(erf) = vpow2.f32 v4;
	[tilespmem:s3+$0xC090] =	vst v0;
	v0 =	vsub.f32 $1.000000000e+00, v2;
	v2 =	vadd.f32 v6, v6;
	v4 =	vpop (erf)  }
0xb4: {  	v8 =	vadd.f32 v9, v9;
	[tilespmem:s3+$0xC110] =	vst v1;
	v1 =	vsub.f32 $1.000000000e+00, v5;
	v5 =	vpop (erf)  }
0xb5: {  	[tilespmem:s3+$0xC190] =	vst v0;
	v0 =	vsub.f32 $1.000000000e+00, v2;
	v2 =	vadd.f32 v5, v5  }
0xb6: {  	s9 =	sor.u32 $0x200, s24;
	v3 =	vadd.f32 v3, v3;
	v7 =	vmul.f32 $1.442695020e+00, v8;
	v4 =	vadd.f32 v4, v4  }
0xb7: {  	v6 =	vld [tilespmem:s9+$0x0]  }
0xb8: {  	v3 =	vmul.f32 $1.442695020e+00, v3;
	(erf) = vpow2.f32 v7;
	[tilespmem:s3+$0xC020] =	vst v1;
	v1 =	vsub.f32 $1.000000000e+00, v4;
	v5 =	vpop (erf)  }
0xb9: {  	s25 =	sadd.s32 $0x10, s24;
	[tilespmem:s3+$0xC0A0] =	vst v0;
	v0 =	vsub.f32 $1.000000000e+00, v2;
	v2 =	vpop (erf)  }
0xba: {  	s0 =	sadd.s32 $0x20, s24;
	s10 =	sor.u32 $0x200, s25;
	(erf) = vpow2.f32 v3;
	v3 =	vadd.f32 $1.000000000e+00, v5;
	[tilespmem:s3+$0xC120] =	vst v1;
	v1 =	vadd.f32 $1.000000000e+00, v2  }
0xbb: {  	s11 =	sor.u32 $0x200, s0;
	v4 =	vld [tilespmem:s10+$0x0];
	[tilespmem:s3+$0xC1A0] =	vst v0  }
0xbc: {  	(erf) = vrcp.f32 v3;
	v0 =	vadd.f32 v6, v6;
	v2 =	vld [tilespmem:s11+$0x0];
	_ =	sdelay $0x1  }
0xbd: {  	v0 =	vmul.f32 $1.442695020e+00, v0;
	(erf) = vrcp.f32 v1;
	v1 =	vpop (erf)  }
0xbe: {  	v1 =	vadd.f32 $1.000000000e+00, v1  }
0xbf: {  	(erf) = vpow2.f32 v0  }
0xc0: {  	v4 =	vadd.f32 v4, v4;
	v3 =	vpop (erf);
	(erf) = vrcp.f32 v1;
	v1 =	vadd.f32 v2, v2  }
0xc1: {  	v3 =	vadd.f32 $1.000000000e+00, v3  }
0xc2: {  	v4 =	vmul.f32 $1.442695020e+00, v4;
	v0 =	vpop (erf);
	v1 =	vmul.f32 $1.442695020e+00, v1  }
0xc3: {  	v0 =	vadd.f32 $1.000000000e+00, v0;
	(erf) = vrcp.f32 v3  }
0xc4: {  	v2 =	vpop (erf);
	(erf) = vpow2.f32 v4  }
0xc5: {  	(erf) = vrcp.f32 v0;
	v0 =	vadd.f32 v2, v2  }
0xc6: {  	(erf) = vpow2.f32 v1;
	v1 =	vpop (erf)  }
0xc7: {  	v0 =	vsub.f32 $1.000000000e+00, v0;
	v1 =	vadd.f32 v1, v1;
	_ =	sdelay $0x1  }
0xc8: {  	s8 =	simm.s32 $0x400;
	s13 =	simm.s32 $0x80;
	[tilespmem:s18+$0xC000] =	vst v0;
	v0 =	vsub.f32 $1.000000000e+00, v1  }
0xc9: {  	s20 =	sand.u32 $0x7C00, s8;
	s19 =	sand.u32 $0x40, s13;
	s3 =	sor.u32 $0x380, s29  }
0xca: {  	s8 =	sor.u32 s19, s20;
	v2 =	vld [tilespmem:s3+$0x0];
	v1 =	vpop (erf)  }
0xcb: {  	s22 =	sor.u32 $0x280, s1;
	v4 =	vld [tilespmem:s8+$0x30];
	[tilespmem:s12+$0xC000] =	vst v0;
	v3 =	vpop (erf)  }
0xcc: {  	v5 =	vld [tilespmem:s22+$0x0];
	v0 =	vpop (erf)  }
0xcd: {  	v7 =	vld [tilespmem:s8+$0xB0];
	v6 =	vpop (erf)  }
0xce: {  	v9 =	vld [tilespmem:s8+$0x130];
	v1 =	vadd.f32 $1.000000000e+00, v1;
	v8 =	vpop (erf)  }
0xcf: {  	v11 =	vld [tilespmem:s8+$0x1B0];
	v2 =	vadd.f32 v2, v2;
	v6 =	vadd.f32 $1.000000000e+00, v6;
	v10 =	vpop (erf)  }
0xd0: {  	v4 =	vadd.f32 v4, v4;
	(erf) = vrcp.f32 v1;
	v1 =	vadd.f32 $1.000000000e+00, v10  }
0xd1: {  	v2 =	vmul.f32 $1.442695020e+00, v2;
	(erf) = vrcp.f32 v6;
	v6 =	vld [tilespmem:s8+$0x0];
	v5 =	vadd.f32 v5, v5  }
0xd2: {  	v10 =	vld [tilespmem:s8+$0x80];
	(erf) = vrcp.f32 v1;
	v1 =	vmul.f32 $1.442695020e+00, v4;
	v4 =	vadd.f32 v7, v7  }
0xd3: {  	v7 =	vld [tilespmem:s8+$0x100];
	(erf) = vpow2.f32 v2;
	v2 =	vadd.f32 v9, v9  }
0xd4: {  	v11 =	vadd.f32 v11, v11;
	v5 =	vmul.f32 $1.442695020e+00, v5;
	v4 =	vmul.f32 $1.442695020e+00, v4  }
0xd5: {  	(erf) = vpow2.f32 v1;
	v1 =	vmul.f32 $1.442695020e+00, v2  }
0xd6: {  	(erf) = vpow2.f32 v5;
	v2 =	vadd.f32 v6, v6;
	v6 =	vmul.f32 $1.442695020e+00, v11  }
0xd7: {  	v9 =	vld [tilespmem:s8+$0x180];
	(erf) = vpow2.f32 v4;
	v4 =	vadd.f32 v8, v8;
	v8 =	vadd.f32 v10, v10  }
0xd8: {  	(erf) = vpow2.f32 v1;
	v7 =	vadd.f32 v7, v7  }
0xd9: {  	(erf) = vpow2.f32 v6;
	v6 =	vmul.f32 $1.442695020e+00, v8  }
0xda: {  	v2 =	vmul.f32 $1.442695020e+00, v2;
	v7 =	vmul.f32 $1.442695020e+00, v7  }
0xdb: {  	v41 =	vld [tilespmem:s8+$0x20];
	v0 =	vadd.f32 v0, v0;
	v1 =	vsub.f32 $1.000000000e+00, v4;
	v4 =	vpop (erf)  }
0xdc: {  	v42 =	vld [tilespmem:s8+$0x120];
	v8 =	vadd.f32 v9, v9;
	(erf) = vpow2.f32 v2;
	v9 =	vpop (erf)  }
0xdd: {  	v40 =	vsub.f32 $1.000000000e+00, v0;
	v0 =	vld [tilespmem:s8+$0x10];
	(erf) = vpow2.f32 v6;
	v6 =	vpop (erf)  }
0xde: {  	v8 =	vmul.f32 $1.442695020e+00, v8;
	(erf) = vpow2.f32 v7;
	v7 =	vpop (erf)  }
0xdf: {  	v3 =	vadd.f32 v3, v3;
	v7 =	vadd.f32 $1.000000000e+00, v7;
	v15 =	vpop (erf)  }
0xe0: {  	v13 =	vadd.f32 v41, v41;
	v5 =	vld [tilespmem:s8+$0x90];
	(erf) = vpow2.f32 v8;
	v8 =	vadd.f32 $1.000000000e+00, v15  }
0xe1: {  	v14 =	vadd.f32 v42, v42;
	v3 =	vsub.f32 $1.000000000e+00, v3;
	v11 =	vld [tilespmem:s8+$0x190]  }
0xe2: {  	v13 =	vmul.f32 $1.442695020e+00, v13;
	v0 =	vadd.f32 v0, v0;
	v10 =	vld [tilespmem:s8+$0x110];
	v43 =	vpop (erf)  }
0xe3: {  	[tilespmem:s7+$0xC000] =	vst v3;
	v3 =	vmul.f32 $1.442695020e+00, v14;
	v2 =	vld [tilespmem:s8+$0xA0];
	(erf) = vrcp.f32 v7;
	v15 =	vadd.f32 $1.000000000e+00, v43;
	v7 =	vpop (erf)  }
0xe4: {  	v16 =	vld [tilespmem:s8+$0x1A0];
	v0 =	vmul.f32 $1.442695020e+00, v0;
	(erf) = vrcp.f32 v8;
	v7 =	vadd.f32 $1.000000000e+00, v7;
	v8 =	vpop (erf)  }
0xe5: {  	v5 =	vadd.f32 v5, v5;
	(erf) = vrcp.f32 v15;
	v8 =	vadd.f32 $1.000000000e+00, v8;
	v17 =	vpop (erf)  }
0xe6: {  	v11 =	vadd.f32 v11, v11;
	v44 =	vadd.f32 $1.000000000e+00, v17;
	(erf) = vrcp.f32 v7  }
0xe7: {  	v10 =	vadd.f32 v10, v10;
	v5 =	vmul.f32 $1.442695020e+00, v5;
	v45 =	vpop (erf);
	(erf) = vrcp.f32 v8  }
0xe8: {  	v11 =	vmul.f32 $1.442695020e+00, v11;
	v2 =	vadd.f32 v2, v2;
	(erf) = vrcp.f32 v44  }
0xe9: {  	v10 =	vmul.f32 $1.442695020e+00, v10;
	v7 =	vadd.f32 v16, v16;
	v46 =	vpop (erf);
	(erf) = vpow2.f32 v0  }
0xea: {  	v2 =	vmul.f32 $1.442695020e+00, v2;
	v48 =	vpop (erf);
	(erf) = vpow2.f32 v5  }
0xeb: {  	v6 =	vadd.f32 v6, v6;
	v7 =	vmul.f32 $1.442695020e+00, v7;
	v0 =	vpop (erf);
	(erf) = vpow2.f32 v10  }
0xec: {  	v5 =	vadd.f32 v9, v9;
	v9 =	vadd.f32 $1.000000000e+00, v0;
	v0 =	vpop (erf);
	(erf) = vpow2.f32 v11  }
0xed: {  	v6 =	vsub.f32 $1.000000000e+00, v6;
	v10 =	vpop (erf);
	(erf) = vpow2.f32 v13  }
0xee: {  	v5 =	vsub.f32 $1.000000000e+00, v5;
	v10 =	vadd.f32 v10, v10;
	(erf) = vpow2.f32 v2;
	v2 =	vpop (erf)  }
0xef: {  	v8 =	vadd.f32 $1.000000000e+00, v45;
	v47 =	vadd.f32 $1.000000000e+00, v46;
	(erf) = vpow2.f32 v3;
	v3 =	vpop (erf)  }
0xf0: {  	[tilespmem:s10+$0xC000] =	vst v5;
	v2 =	vadd.f32 v2, v2;
	v5 =	vsub.f32 $1.000000000e+00, v10;
	(erf) = vpow2.f32 v7;
	v7 =	vpop (erf)  }
0xf1: {  	[tilespmem:s11+$0xC000] =	vst v6;
	v3 =	vadd.f32 v3, v3;
	v6 =	vadd.f32 v7, v7;
	v7 =	vpop (erf)  }
0xf2: {  	v2 =	vsub.f32 $1.000000000e+00, v2;
	[tilespmem:s8+$0xC030] =	vst v5;
	v5 =	vadd.f32 v7, v7;
	v7 =	vpop (erf)  }
0xf3: {  	v15 =	vadd.f32 $1.000000000e+00, v48;
	(erf) = vrcp.f32 v8;
	v6 =	vsub.f32 $1.000000000e+00, v6;
	v51 =	vpop (erf)  }
0xf4: {  	v3 =	vsub.f32 $1.000000000e+00, v3;
	(erf) = vrcp.f32 v47;
	[tilespmem:s22+$0xC000] =	vst v2;
	v2 =	vadd.f32 $1.000000000e+00, v51  }
0xf5: {  	v7 =	vadd.f32 $1.000000000e+00, v7;
	(erf) = vrcp.f32 v15  }
0xf6: {  	[tilespmem:s8+$0xC0B0] =	vst v3;
	v3 =	vsub.f32 $1.000000000e+00, v5;
	(erf) = vrcp.f32 v9;
	v5 =	vpop (erf)  }
0xf7: {  	p1 =	por !p1, !p1;
	s5 =	simm.s32 $0x1;
	v4 =	vadd.f32 v4, v4;
	s10 =	sor.u32 $0x280, s25;
	[tilespmem:s8+$0xC130] =	vst v6;
	(erf) = vrcp.f32 v7;
	v5 =	vadd.f32 $1.000000000e+00, v5;
	v6 =	vpop (erf)  }
0xf8: {  	s5 =	simm.s32 @!p1 $0x0;
	s29 =	sor.u32 $0x300, s1;
	v8 =	vld [tilespmem:s10+$0x0];
	(erf) = vrcp.f32 v2;
	v6 =	vadd.f32 $1.000000000e+00, v6;
	v2 =	vpop (erf)  }
0xf9: {  	s5 =	sshll.u32 s5, $0x6;
	v4 =	vsub.f32 $1.000000000e+00, v4;
	v9 =	vld [tilespmem:s29+$0x0];
	v2 =	vadd.f32 $1.000000000e+00, v2  }
0xfa: {  	s28 =	sadd.s32 $0x400, s5  }
0xfb: {  	s2 =	sadd.s32 $0x30, s28;
	[tilespmem:s9+$0xC000] =	vst v4;
	s9 =	sor.u32 $0x280, s24;
	(erf) = vrcp.f32 v5;
	v5 =	vpop (erf)  }
0xfc: {  	s15 =	sor.u32 $0x200, s2;
	v10 =	vld [tilespmem:s9+$0x0];
	[tilespmem:s8+$0xC1B0] =	vst v3;
	(erf) = vrcp.f32 v6;
	v6 =	vpop (erf)  }
0xfd: {  	v3 =	vadd.f32 v8, v8;
	v8 =	vld [tilespmem:s15+$0x0];
	(erf) = vrcp.f32 v2;
	v5 =	vadd.f32 $1.000000000e+00, v5;
	v2 =	vpop (erf)  }
0xfe: {  	v9 =	vadd.f32 v9, v9;
	v6 =	vadd.f32 $1.000000000e+00, v6;
	v52 =	vpop (erf)  }
0xff: {  	(erf) = vrcp.f32 v5;
	v53 =	vpop (erf)  }
0x100: {  	(erf) = vrcp.f32 v6;
	v6 =	vmul.f32 $1.442695020e+00, v9;
	v9 =	vadd.f32 v53, v53  }
0x101: {  	v2 =	vadd.f32 $1.000000000e+00, v2;
	v5 =	vadd.f32 v52, v52  }
0x102: {  	v7 =	vadd.f32 v10, v10;
	v8 =	vadd.f32 v8, v8;
	v54 =	vpop (erf)  }
0x103: {  	(erf) = vrcp.f32 v2;
	v2 =	vsub.f32 $1.000000000e+00, v5;
	v5 =	vadd.f32 v54, v54;
	v55 =	vpop (erf)  }
0x104: {  	[tilespmem:s17+$0xC000] =	vst v1;
	s11 =	sor.u32 $0x280, s0;
	(erf) = vpow2.f32 v6;
	v1 =	vsub.f32 $1.000000000e+00, v9;
	v6 =	vadd.f32 v55, v55;
	v9 =	vpop (erf)  }
0x105: {  	v50 =	vld [tilespmem:s11+$0x0];
	[tilespmem:s8+$0xC000] =	vst v2;
	v2 =	vsub.f32 $1.000000000e+00, v5;
	v5 =	vadd.f32 v9, v9;
	v9 =	vpop (erf)  }
0x106: {  	s6 =	sor.u32 $0x300, s21;
	v7 =	vmul.f32 $1.442695020e+00, v7;
	[tilespmem:s8+$0xC080] =	vst v1;
	v1 =	vsub.f32 $1.000000000e+00, v6;
	v6 =	vadd.f32 v9, v9;
	v9 =	vpop (erf)  }
0x107: {  	v49 =	vld [tilespmem:s6+$0x0];
	v8 =	vmul.f32 $1.442695020e+00, v8;
	[tilespmem:s8+$0xC100] =	vst v2;
	v2 =	vsub.f32 $1.000000000e+00, v5;
	v5 =	vadd.f32 v9, v9;
	v9 =	vpop (erf)  }
0x108: {  	[tilespmem:s8+$0xC180] =	vst v1;
	v1 =	vsub.f32 $1.000000000e+00, v6;
	v6 =	vadd.f32 v9, v9  }
0x109: {  	s7 =	sor.u32 $0x300, s26;
	[tilespmem:s16+$0xC000] =	vst v40;
	v3 =	vmul.f32 $1.442695020e+00, v3;
	(erf) = vpow2.f32 v8  }
0x10a: {  	v11 =	vld [tilespmem:s7+$0x0];
	v10 =	vadd.f32 v50, v50;
	(erf) = vpow2.f32 v7;
	v7 =	vpop (erf)  }
0x10b: {  	(erf) = vpow2.f32 v3;
	[tilespmem:s8+$0xC010] =	vst v2;
	v2 =	vsub.f32 $1.000000000e+00, v5;
	v3 =	vadd.f32 v7, v7;
	v5 =	vpop (erf)  }
0x10c: {  	v4 =	vadd.f32 v49, v49;
	v8 =	vmul.f32 $1.442695020e+00, v10;
	[tilespmem:s8+$0xC090] =	vst v1;
	v1 =	vsub.f32 $1.000000000e+00, v6;
	v6 =	vpop (erf)  }
0x10d: {  	s12 =	sor.u32 $0x200, s28;
	[tilespmem:s8+$0xC110] =	vst v2;
	v2 =	vsub.f32 $1.000000000e+00, v3;
	v3 =	vadd.f32 v6, v6  }
0x10e: {  	v7 =	vld [tilespmem:s12+$0x0];
	(erf) = vpow2.f32 v8;
	v5 =	vadd.f32 v5, v5  }
0x10f: {  	s30 =	sadd.s32 $0x10, s28;
	v4 =	vmul.f32 $1.442695020e+00, v4;
	v11 =	vadd.f32 v11, v11;
	v6 =	vpop (erf);
	[tilespmem:s8+$0xC020] =	vst v2;
	v2 =	vsub.f32 $1.000000000e+00, v3  }
0x110: {  	s22 =	sor.u32 $0x200, s30;
	[tilespmem:s8+$0xC190] =	vst v1;
	v1 =	vsub.f32 $1.000000000e+00, v5;
	v5 =	vadd.f32 v6, v6;
	v8 =	vpop (erf)  }
0x111: {  	s5 =	sor.u32 $0x300, s23;
	(erf) = vpow2.f32 v4;
	v4 =	vld [tilespmem:s22+$0x0];
	v6 =	vmul.f32 $1.442695020e+00, v11;
	v3 =	vadd.f32 $1.000000000e+00, v8  }
0x112: {  	[tilespmem:s8+$0xC0A0] =	vst v1;
	v1 =	vsub.f32 $1.000000000e+00, v5;
	v5 =	vld [tilespmem:s5+$0x0]  }
0x113: {  	(erf) = vpow2.f32 v6;
	v6 =	vadd.f32 v7, v7;
	[tilespmem:s8+$0xC120] =	vst v2;
	v2 =	vpop (erf)  }
0x114: {  	s31 =	sadd.s32 $0x20, s28;
	(erf) = vrcp.f32 v3;
	[tilespmem:s8+$0xC1A0] =	vst v1;
	v1 =	vadd.f32 $1.000000000e+00, v2  }
0x115: {  	s14 =	sor.u32 $0x200, s31;
	v2 =	vmul.f32 $1.442695020e+00, v6;
	v3 =	vpop (erf)  }
0x116: {  	v4 =	vadd.f32 v4, v4;
	v6 =	vld [tilespmem:s14+$0x0];
	v3 =	vadd.f32 $1.000000000e+00, v3;
	v7 =	vpop (erf);
	(erf) = vrcp.f32 v1  }
0x117: {  	v1 =	vadd.f32 $1.000000000e+00, v7;
	(erf) = vpow2.f32 v2;
	v2 =	vadd.f32 v5, v5;
	v5 =	vpop (erf)  }
0x118: {  	v4 =	vmul.f32 $1.442695020e+00, v4;
	(erf) = vrcp.f32 v3;
	v3 =	vadd.f32 $1.000000000e+00, v5  }
0x119: {  	(erf) = vrcp.f32 v1;
	v1 =	vmul.f32 $1.442695020e+00, v2;
	_ =	sdelay $0x1  }
0x11a: {  	v5 =	vadd.f32 v6, v6;
	(erf) = vpow2.f32 v4;
	v2 =	vpop (erf)  }
0x11b: {  	(erf) = vrcp.f32 v3;
	v2 =	vadd.f32 $1.000000000e+00, v2;
	v3 =	vpop (erf)  }
0x11c: {  	v4 =	vmul.f32 $1.442695020e+00, v5;
	(erf) = vpow2.f32 v1;
	v1 =	vpop (erf)  }
0x11d: {  	(erf) = vrcp.f32 v2;
	v2 =	vadd.f32 $1.000000000e+00, v3;
	v1 =	vadd.f32 v1, v1  }
0x11e: {  	(erf) = vpow2.f32 v4;
	v3 =	vpop (erf)  }
0x11f: {  	v1 =	vsub.f32 $1.000000000e+00, v1;
	(erf) = vrcp.f32 v2;
	v2 =	vadd.f32 v3, v3;
	_ =	sdelay $0x1  }
0x120: {  	s18 =	sor.u32 $0x380, s1;
	s16 =	simm.s32 $0xC0;
	s17 =	simm.s32 $0x600;
	v3 =	vpop (erf);
	[tilespmem:s29+$0xC000] =	vst v1;
	v1 =	vsub.f32 $1.000000000e+00, v2  }
0x121: {  	s19 =	sand.u32 $0x40, s16;
	s8 =	sand.u32 $0x7C00, s17;
	v4 =	vpop (erf);
	[smem:$0x7F2] =	sst s18  }
0x122: {  	s20 =	sor.u32 s19, s8;
	v2 =	vpop (erf);
	v5 =	vld [tilespmem:s18+$0x0]  }
0x123: {  	v7 =	vld [tilespmem:s20+$0x30];
	v6 =	vpop (erf)  }
0x124: {  	v3 =	vadd.f32 $1.000000000e+00, v3;
	s29 =	sor.u32 $0x280, s2;
	[tilespmem:s15+$0xC000] =	vst v1;
	v10 =	vld [tilespmem:s20+$0xB0];
	v1 =	vpop (erf)  }
0x125: {  	v8 =	vld [tilespmem:s29+$0x0];
	v6 =	vadd.f32 $1.000000000e+00, v6;
	v9 =	vpop (erf)  }
0x126: {  	v0 =	vadd.f32 v0, v0;
	(erf) = vrcp.f32 v3;
	v11 =	vpop (erf);
	v3 =	vadd.f32 $1.000000000e+00, v9;
	v9 =	vld [tilespmem:s20+$0x130]  }
0x127: {  	(erf) = vrcp.f32 v6;
	v6 =	vld [tilespmem:s20+$0x1B0];
	v56 =	vpop (erf);
	v5 =	vadd.f32 v5, v5  }
0x128: {  	v0 =	vsub.f32 $1.000000000e+00, v0;
	v12 =	vadd.f32 $1.000000000e+00, v56;
	(erf) = vrcp.f32 v3;
	v3 =	vld [tilespmem:s20+$0x0]  }
0x129: {  	v4 =	vadd.f32 v4, v4;
	v58 =	vld [tilespmem:s20+$0x80];
	v7 =	vadd.f32 v7, v7;
	v5 =	vmul.f32 $1.442695020e+00, v5  }
0x12a: {  	v59 =	vld [tilespmem:s20+$0x100];
	v10 =	vadd.f32 v10, v10;
	v8 =	vadd.f32 v8, v8;
	(erf) = vrcp.f32 v12  }
0x12b: {  	v4 =	vsub.f32 $1.000000000e+00, v4;
	v7 =	vmul.f32 $1.442695020e+00, v7;
	(erf) = vpow2.f32 v5;
	v5 =	vld [tilespmem:s20+$0x180]  }
0x12c: {  	v10 =	vmul.f32 $1.442695020e+00, v10;
	v8 =	vmul.f32 $1.442695020e+00, v8;
	v6 =	vadd.f32 v6, v6  }
0x12d: {  	v9 =	vadd.f32 v9, v9;
	(erf) = vpow2.f32 v7;
	v3 =	vadd.f32 v3, v3  }
0x12e: {  	(erf) = vpow2.f32 v8;
	v8 =	vadd.f32 v58, v58;
	v6 =	vmul.f32 $1.442695020e+00, v6  }
0x12f: {  	[tilespmem:s3+$0xC000] =	vst v0;
	v9 =	vmul.f32 $1.442695020e+00, v9;
	v0 =	vmul.f32 $1.442695020e+00, v3;
	v3 =	vadd.f32 v59, v59  }
0x130: {  	v57 =	vpop (erf);
	(erf) = vpow2.f32 v10;
	v8 =	vmul.f32 $1.442695020e+00, v8;
	v5 =	vadd.f32 v5, v5  }
0x131: {  	[tilespmem:s9+$0xC000] =	vst v4;
	v4 =	vpop (erf);
	(erf) = vpow2.f32 v9;
	v3 =	vmul.f32 $1.442695020e+00, v3  }
0x132: {  	(erf) = vpow2.f32 v6;
	v6 =	vpop (erf);
	v5 =	vmul.f32 $1.442695020e+00, v5  }
0x133: {  	v61 =	vld [tilespmem:s20+$0x110];
	(erf) = vpow2.f32 v0;
	v0 =	vpop (erf)  }
0x134: {  	v2 =	vadd.f32 v2, v2;
	(erf) = vpow2.f32 v8;
	v8 =	vpop (erf)  }
0x135: {  	v1 =	vadd.f32 v1, v1;
	(erf) = vpow2.f32 v3;
	v3 =	vpop (erf)  }
0x136: {  	v2 =	vsub.f32 $1.000000000e+00, v2;
	(erf) = vpow2.f32 v5;
	v3 =	vadd.f32 $1.000000000e+00, v3;
	v5 =	vpop (erf)  }
0x137: {  	v60 =	vld [tilespmem:s20+$0x10];
	v11 =	vadd.f32 v11, v11;
	v5 =	vadd.f32 $1.000000000e+00, v5  }
0x138: {  	v1 =	vsub.f32 $1.000000000e+00, v1;
	v14 =	vadd.f32 v61, v61;
	v7 =	vld [tilespmem:s20+$0x90]  }
0x139: {  	[tilespmem:s10+$0xC000] =	vst v2;
	v13 =	vadd.f32 v57, v57;
	v2 =	vsub.f32 $1.000000000e+00, v11;
	v11 =	vld [tilespmem:s20+$0xA0];
	v19 =	vpop (erf)  }
0x13a: {  	v14 =	vmul.f32 $1.442695020e+00, v14;
	v10 =	vld [tilespmem:s20+$0x190];
	(erf) = vrcp.f32 v3;
	v15 =	vadd.f32 $1.000000000e+00, v19;
	v3 =	vpop (erf)  }
0x13b: {  	[tilespmem:s11+$0xC000] =	vst v1;
	v1 =	vsub.f32 $1.000000000e+00, v13;
	v9 =	vld [tilespmem:s20+$0x20];
	(erf) = vrcp.f32 v5;
	v3 =	vadd.f32 $1.000000000e+00, v3;
	v5 =	vpop (erf)  }
0x13c: {  	v62 =	vld [tilespmem:s20+$0x120];
	[tilespmem:s6+$0xC000] =	vst v2;
	v2 =	vadd.f32 v60, v60;
	(erf) = vrcp.f32 v15;
	v5 =	vadd.f32 $1.000000000e+00, v5;
	v20 =	vpop (erf)  }
0x13d: {  	v63 =	vld [tilespmem:s20+$0x1A0];
	[tilespmem:s7+$0xC000] =	vst v1;
	v1 =	vadd.f32 v7, v7;
	v21 =	vadd.f32 $1.000000000e+00, v20;
	(erf) = vrcp.f32 v3  }
0x13e: {  	v2 =	vmul.f32 $1.442695020e+00, v2;
	(erf) = vrcp.f32 v5  }
0x13f: {  	v1 =	vmul.f32 $1.442695020e+00, v1;
	v10 =	vadd.f32 v10, v10;
	v22 =	vpop (erf);
	(erf) = vrcp.f32 v21  }
0x140: {  	v11 =	vadd.f32 v11, v11;
	v9 =	vadd.f32 v9, v9;
	v23 =	vpop (erf);
	(erf) = vpow2.f32 v2  }
0x141: {  	v3 =	vmul.f32 $1.442695020e+00, v10;
	v10 =	vadd.f32 v62, v62;
	v24 =	vpop (erf);
	(erf) = vpow2.f32 v1  }
0x142: {  	s1 =	sor.u32 $0x300, s24;
	v9 =	vmul.f32 $1.442695020e+00, v9;
	v5 =	vadd.f32 v63, v63;
	v25 =	vpop (erf);
	(erf) = vpow2.f32 v14  }
0x143: {  	v4 =	vadd.f32 v4, v4;
	v11 =	vmul.f32 $1.442695020e+00, v11;
	v7 =	vld [tilespmem:s1+$0x0];
	v2 =	vmul.f32 $1.442695020e+00, v10;
	v1 =	vpop (erf)  }
0x144: {  	v6 =	vadd.f32 v6, v6;
	v5 =	vmul.f32 $1.442695020e+00, v5;
	(erf) = vpow2.f32 v3  }
0x145: {  	v4 =	vsub.f32 $1.000000000e+00, v4;
	v3 =	vadd.f32 v8, v8;
	v8 =	vpop (erf);
	(erf) = vpow2.f32 v9  }
0x146: {  	v6 =	vsub.f32 $1.000000000e+00, v6;
	v8 =	vadd.f32 v8, v8;
	v9 =	vpop (erf);
	(erf) = vpow2.f32 v11  }
0x147: {  	v12 =	vadd.f32 $1.000000000e+00, v22;
	v3 =	vsub.f32 $1.000000000e+00, v3;
	(erf) = vpow2.f32 v2;
	v2 =	vpop (erf)  }
0x148: {  	v10 =	vadd.f32 $1.000000000e+00, v23;
	[tilespmem:s22+$0xC000] =	vst v6;
	v6 =	vsub.f32 $1.000000000e+00, v8;
	(erf) = vpow2.f32 v5;
	v5 =	vpop (erf)  }
0x149: {  	v2 =	vadd.f32 v2, v2;
	[tilespmem:s14+$0xC000] =	vst v3;
	v3 =	vadd.f32 v5, v5;
	v5 =	vpop (erf)  }
0x14a: {  	[tilespmem:s12+$0xC000] =	vst v4;
	v4 =	vadd.f32 v9, v9;
	v5 =	vadd.f32 v5, v5  }
0x14b: {  	v2 =	vsub.f32 $1.000000000e+00, v2;
	v3 =	vsub.f32 $1.000000000e+00, v3  }
0x14c: {  	p1 =	por !p1, !p1;
	s3 =	simm.s32 $0x1;
	s12 =	sor.u32 $0x280, s28;
	v4 =	vsub.f32 $1.000000000e+00, v4;
	(erf) = vrcp.f32 v12;
	[tilespmem:s20+$0xC030] =	vst v6;
	v6 =	vpop (erf)  }
0x14d: {  	s3 =	simm.s32 @!p1 $0x0;
	s11 =	sor.u32 $0x280, s30;
	v13 =	vadd.f32 $1.000000000e+00, v24;
	v9 =	vld [tilespmem:s12+$0x0];
	(erf) = vrcp.f32 v10;
	v10 =	vpop (erf);
	[tilespmem:s20+$0xC0B0] =	vst v2;
	v2 =	vsub.f32 $1.000000000e+00, v5  }
0x14e: {  	s19 =	sor.u32 $0x280, s31;
	s3 =	sshll.u32 s3, $0x6;
	v26 =	vld [tilespmem:s11+$0x0];
	v11 =	vadd.f32 $1.000000000e+00, v25;
	[tilespmem:s29+$0xC000] =	vst v4;
	v10 =	vadd.f32 $1.000000000e+00, v10;
	v5 =	vpop (erf)  }
0x14f: {  	s10 =	sadd.s32 $0x600, s3;
	s6 =	sor.u32 $0x300, s2;
	v4 =	vld [tilespmem:s19+$0x0];
	(erf) = vrcp.f32 v13;
	v6 =	vadd.f32 $1.000000000e+00, v6;
	[tilespmem:s20+$0xC130] =	vst v3;
	v3 =	vpop (erf);
	v5 =	vadd.f32 $1.000000000e+00, v5  }
0x150: {  	s3 =	sadd.s32 $0x30, s10;
	(erf) = vrcp.f32 v11;
	v11 =	vld [tilespmem:s6+$0x0];
	v3 =	vadd.f32 $1.000000000e+00, v3  }
0x151: {  	s18 =	sor.u32 $0x200, s3;
	(erf) = vrcp.f32 v6;
	[tilespmem:s20+$0xC1B0] =	vst v2;
	v2 =	vpop (erf)  }
0x152: {  	v6 =	vadd.f32 v9, v9;
	(erf) = vrcp.f32 v10;
	v9 =	vld [tilespmem:s18+$0x0];
	v10 =	vpop (erf)  }
0x153: {  	v12 =	vadd.f32 v26, v26;
	v2 =	vadd.f32 $1.000000000e+00, v2;
	(erf) = vrcp.f32 v5;
	v5 =	vpop (erf)  }
0x154: {  	v4 =	vadd.f32 v4, v4;
	v10 =	vadd.f32 $1.000000000e+00, v10;
	(erf) = vrcp.f32 v3;
	v3 =	vpop (erf)  }
0x155: {  	(erf) = vrcp.f32 v2;
	v2 =	vadd.f32 v11, v11;
	v5 =	vadd.f32 $1.000000000e+00, v5;
	v11 =	vpop (erf)  }
0x156: {  	(erf) = vrcp.f32 v10;
	v3 =	vadd.f32 $1.000000000e+00, v3;
	v10 =	vadd.f32 v11, v11  }
0x157: {  	v2 =	vmul.f32 $1.442695020e+00, v2;
	v11 =	vpop (erf);
	(erf) = vrcp.f32 v5;
	v5 =	vadd.f32 v9, v9  }
0x158: {  	v9 =	vadd.f32 v11, v11;
	v11 =	vpop (erf);
	(erf) = vrcp.f32 v3;
	v3 =	vsub.f32 $1.000000000e+00, v10  }
0x159: {  	v10 =	vadd.f32 v11, v11;
	v11 =	vpop (erf);
	(erf) = vpow2.f32 v2;
	v2 =	vmul.f32 $1.442695020e+00, v5  }
0x15a: {  	v5 =	vmul.f32 $1.442695020e+00, v6;
	v6 =	vsub.f32 $1.000000000e+00, v9;
	v9 =	vadd.f32 v11, v11;
	v11 =	vpop (erf)  }
0x15b: {  	s4 =	sor.u32 $0x300, s25;
	[tilespmem:s20+$0xC000] =	vst v3;
	v3 =	vsub.f32 $1.000000000e+00, v10;
	v10 =	vadd.f32 v11, v11;
	v11 =	vpop (erf)  }
0x15c: {  	v8 =	vld [tilespmem:s4+$0x0];
	[tilespmem:s20+$0xC080] =	vst v6;
	v6 =	vsub.f32 $1.000000000e+00, v9;
	v9 =	vadd.f32 v11, v11;
	v11 =	vpop (erf)  }
0x15d: {  	[tilespmem:s20+$0xC100] =	vst v3;
	v3 =	vsub.f32 $1.000000000e+00, v10;
	v10 =	vadd.f32 v11, v11;
	v11 =	vpop (erf)  }
0x15e: {  	(erf) = vpow2.f32 v2;
	v2 =	vmul.f32 $1.442695020e+00, v12;
	[tilespmem:s20+$0xC180] =	vst v6;
	v6 =	vadd.f32 v11, v11  }
0x15f: {  	s15 =	sor.u32 $0x200, s10;
	v7 =	vadd.f32 v7, v7;
	v4 =	vmul.f32 $1.442695020e+00, v4;
	(erf) = vpow2.f32 v5  }
0x160: {  	v5 =	vsub.f32 $1.000000000e+00, v9;
	(erf) = vpow2.f32 v2;
	v2 =	vsub.f32 $1.000000000e+00, v10;
	v10 =	vld [tilespmem:s15+$0x0];
	v9 =	vpop (erf)  }
0x161: {  	v7 =	vmul.f32 $1.442695020e+00, v7;
	v8 =	vadd.f32 v8, v8;
	[tilespmem:s20+$0xC010] =	vst v3;
	v3 =	vadd.f32 v9, v9;
	v9 =	vpop (erf)  }
0x162: {  	[tilespmem:s20+$0xC090] =	vst v5;
	(erf) = vpow2.f32 v4;
	v4 =	vsub.f32 $1.000000000e+00, v6;
	v5 =	vadd.f32 v9, v9;
	v6 =	vpop (erf)  }
0x163: {  	v8 =	vmul.f32 $1.442695020e+00, v8;
	[tilespmem:s20+$0xC110] =	vst v2;
	v2 =	vsub.f32 $1.000000000e+00, v3;
	v3 =	vadd.f32 v6, v6;
	v6 =	vpop (erf)  }
0x164: {  	[tilespmem:s20+$0xC190] =	vst v4;
	(erf) = vpow2.f32 v7;
	v4 =	vsub.f32 $1.000000000e+00, v5;
	v5 =	vadd.f32 v6, v6  }
0x165: {  	s9 =	sor.u32 $0x300, s0;
	s29 =	sadd.s32 $0x10, s10;
	v6 =	vpop (erf);
	(erf) = vpow2.f32 v8;
	v8 =	vadd.f32 v10, v10;
	[tilespmem:s20+$0xC020] =	vst v2;
	v2 =	vsub.f32 $1.000000000e+00, v3  }
0x166: {  	s16 =	sor.u32 $0x200, s29;
	v3 =	vadd.f32 $1.000000000e+00, v6;
	v6 =	vld [tilespmem:s9+$0x0];
	[tilespmem:s20+$0xC0A0] =	vst v4;
	v4 =	vsub.f32 $1.000000000e+00, v5  }
0x167: {  	v7 =	vld [tilespmem:s16+$0x0]  }
0x168: {  	v5 =	vpop (erf);
	(erf) = vrcp.f32 v3;
	v3 =	vmul.f32 $1.442695020e+00, v8  }
0x169: {  	s22 =	sadd.s32 $0x20, s10;
	[tilespmem:s20+$0xC120] =	vst v2;
	v2 =	vadd.f32 $1.000000000e+00, v5  }
0x16a: {  	s17 =	sor.u32 $0x200, s22;
	[tilespmem:s20+$0xC1A0] =	vst v4;
	v4 =	vpop (erf)  }
0x16b: {  	v5 =	vld [tilespmem:s17+$0x0];
	v6 =	vadd.f32 v6, v6;
	(erf) = vrcp.f32 v2;
	v2 =	vadd.f32 $1.000000000e+00, v4;
	v4 =	vpop (erf)  }
0x16c: {  	v7 =	vadd.f32 v7, v7;
	(erf) = vpow2.f32 v3;
	v3 =	vpop (erf)  }
0x16d: {  	v4 =	vadd.f32 $1.000000000e+00, v4;
	v3 =	vadd.f32 $1.000000000e+00, v3  }
0x16e: {  	s7 =	sor.u32 $0x380, s21;
	v0 =	vadd.f32 v0, v0;
	v7 =	vmul.f32 $1.442695020e+00, v7;
	(erf) = vrcp.f32 v2  }
0x16f: {  	s8 =	sor.u32 $0x380, s26;
	[dreg:$0x4] =	wrdreg s7;
	v2 =	vmul.f32 $1.442695020e+00, v6;
	(erf) = vrcp.f32 v4;
	v6 =	vpop (erf)  }
0x170: {  	v0 =	vsub.f32 $1.000000000e+00, v0;
	v4 =	vld [tilespmem:s7+$0x0];
	v5 =	vadd.f32 v5, v5;
	[dreg:$0x2] =	wrdreg s8;
	(erf) = vpow2.f32 v7;
	v8 =	vpop (erf)  }
0x171: {  	v7 =	vld [tilespmem:s8+$0x0];
	(erf) = vrcp.f32 v3;
	v3 =	vpop (erf)  }
0x172: {  	s13 =	sor.u32 $0x380, s23;
	v6 =	vadd.f32 $1.000000000e+00, v6;
	[tilespmem:s5+$0xC000] =	vst v0;
	v0 =	vmul.f32 $1.442695020e+00, v5;
	v3 =	vadd.f32 v3, v3  }
0x173: {  	[dreg:$0x6] =	wrdreg s13;
	(erf) = vpow2.f32 v2  }
0x174: {  	v2 =	vld [tilespmem:s13+$0x0];
	(erf) = vrcp.f32 v6;
	v3 =	vsub.f32 $1.000000000e+00, v3  }
0x175: {  	(erf) = vpow2.f32 v0  }
0x176: {  	v0 =	vpop (erf);
	v5 =	vadd.f32 v7, v7;
	[tilespmem:s6+$0xC000] =	vst v3;
	v3 =	vadd.f32 $1.000000000e+00, v8  }
0x177: {  	s21 =	sor.u32 $0x380, s2;
	s14 =	simm.s32 $0x800;
	s20 =	simm.s32 $0x100;
	v4 =	vadd.f32 v4, v4;
	v0 =	vadd.f32 v0, v0;
	v6 =	vpop (erf)  }
0x178: {  	s23 =	sand.u32 $0x40, s20;
	s5 =	sand.u32 $0x7C00, s14;
	v7 =	vpop (erf);
	v5 =	vmul.f32 $1.442695020e+00, v5;
	[smem:$0x7F3] =	sst s21  }
0x179: {  	s26 =	sor.u32 s23, s5;
	v4 =	vmul.f32 $1.442695020e+00, v4;
	v2 =	vadd.f32 v2, v2;
	v0 =	vsub.f32 $1.000000000e+00, v0;
	v9 =	vpop (erf);
	v8 =	vld [tilespmem:s21+$0x0]  }
0x17a: {  	(erf) = vrcp.f32 v3;
	v10 =	vld [tilespmem:s26+$0x30];
	v3 =	vpop (erf)  }
0x17b: {  	s20 =	sor.u32 $0x280, s3;
	v2 =	vmul.f32 $1.442695020e+00, v2;
	[tilespmem:s18+$0xC000] =	vst v0;
	(erf) = vpow2.f32 v4;
	v11 =	vpop (erf)  }
0x17c: {  	v0 =	vadd.f32 v1, v1;
	v1 =	vadd.f32 $1.000000000e+00, v6;
	v4 =	vld [tilespmem:s20+$0x0];
	(erf) = vpow2.f32 v5;
	v5 =	vpop (erf)  }
0x17d: {  	v6 =	vadd.f32 v7, v7;
	(erf) = vpow2.f32 v2;
	v2 =	vadd.f32 $1.000000000e+00, v3;
	v3 =	vld [tilespmem:s26+$0xB0];
	v7 =	vpop (erf)  }
0x17e: {  	(erf) = vrcp.f32 v1;
	v1 =	vadd.f32 $1.000000000e+00, v5;
	v5 =	vld [tilespmem:s26+$0x130];
	v8 =	vadd.f32 v8, v8;
	v27 =	vpop (erf)  }
0x17f: {  	(erf) = vrcp.f32 v2;
	v2 =	vld [tilespmem:s26+$0x1B0];
	v10 =	vadd.f32 v10, v10;
	v12 =	vadd.f32 $1.000000000e+00, v27  }
0x180: {  	(erf) = vrcp.f32 v1;
	v1 =	vmul.f32 $1.442695020e+00, v8;
	v8 =	vadd.f32 v9, v9;
	v9 =	vld [tilespmem:s26+$0x0]  }
0x181: {  	v28 =	vld [tilespmem:s26+$0x80];
	v30 =	vsub.f32 $1.000000000e+00, v6;
	v4 =	vadd.f32 v4, v4  }
0x182: {  	v6 =	vld [tilespmem:s26+$0x100];
	v10 =	vmul.f32 $1.442695020e+00, v10;
	v3 =	vadd.f32 v3, v3;
	(erf) = vrcp.f32 v12  }
0x183: {  	v29 =	vmul.f32 $1.442695020e+00, v4;
	(erf) = vpow2.f32 v1  }
0x184: {  	v5 =	vadd.f32 v5, v5;
	v32 =	vadd.f32 v2, v2;
	v1 =	vpop (erf);
	(erf) = vpow2.f32 v10  }
0x185: {  	v31 =	vmul.f32 $1.442695020e+00, v3;
	v10 =	vld [tilespmem:s26+$0x180];
	v4 =	vpop (erf);
	(erf) = vpow2.f32 v29;
	v9 =	vadd.f32 v9, v9  }
0x186: {  	v12 =	vadd.f32 v28, v28;
	v5 =	vmul.f32 $1.442695020e+00, v5;
	v16 =	vmul.f32 $1.442695020e+00, v32;
	v3 =	vpop (erf)  }
0x187: {  	v20 =	vadd.f32 v6, v6;
	(erf) = vpow2.f32 v31;
	v2 =	vpop (erf);
	v9 =	vmul.f32 $1.442695020e+00, v9  }
0x188: {  	v6 =	vadd.f32 v7, v7;
	v7 =	vmul.f32 $1.442695020e+00, v12;
	(erf) = vpow2.f32 v5;
	v35 =	vpop (erf)  }
0x189: {  	v18 =	vld [tilespmem:s26+$0x110];
	v19 =	vpop (erf);
	(erf) = vpow2.f32 v16  }
0x18a: {  	v10 =	vadd.f32 v10, v10;
	v5 =	vpop (erf)  }
0x18b: {  	v34 =	vld [tilespmem:s26+$0x90];
	v37 =	vmul.f32 $1.442695020e+00, v20;
	(erf) = vpow2.f32 v9;
	v9 =	vpop (erf)  }
0x18c: {  	v21 =	vld [tilespmem:s26+$0xA0];
	v33 =	vsub.f32 $1.000000000e+00, v8;
	v10 =	vmul.f32 $1.442695020e+00, v10;
	(erf) = vpow2.f32 v7;
	v7 =	vpop (erf)  }
0x18d: {  	v8 =	vadd.f32 v11, v11;
	v11 =	vld [tilespmem:s26+$0x10];
	(erf) = vpow2.f32 v37;
	v7 =	vadd.f32 $1.000000000e+00, v7;
	v39 =	vpop (erf)  }
0x18e: {  	v18 =	vadd.f32 v18, v18;
	(erf) = vpow2.f32 v10;
	v10 =	vadd.f32 $1.000000000e+00, v39;
	v40 =	vpop (erf)  }
0x18f: {  	(erf) = vrcp.f32 v7;
	v7 =	vadd.f32 $1.000000000e+00, v40  }
0x190: {  	v38 =	vld [tilespmem:s26+$0x20];
	v17 =	vadd.f32 v34, v34;
	v41 =	vmul.f32 $1.442695020e+00, v18;
	v42 =	vpop (erf);
	(erf) = vrcp.f32 v10  }
0x191: {  	v36 =	vld [tilespmem:s26+$0x190];
	v18 =	vadd.f32 $1.000000000e+00, v42;
	v43 =	vpop (erf);
	(erf) = vrcp.f32 v7;
	v7 =	vadd.f32 v21, v21  }
0x192: {  	v11 =	vadd.f32 v11, v11;
	v20 =	vadd.f32 $1.000000000e+00, v43;
	v44 =	vpop (erf)  }
0x193: {  	v17 =	vmul.f32 $1.442695020e+00, v17;
	(erf) = vrcp.f32 v18;
	v21 =	vadd.f32 $1.000000000e+00, v44  }
0x194: {  	v11 =	vmul.f32 $1.442695020e+00, v11;
	v46 =	vpop (erf);
	(erf) = vrcp.f32 v20  }
0x195: {  	v22 =	vld [tilespmem:s26+$0x120];
	v10 =	vadd.f32 v38, v38;
	v47 =	vmul.f32 $1.442695020e+00, v7;
	v7 =	vpop (erf);
	(erf) = vrcp.f32 v21  }
0x196: {  	v23 =	vld [tilespmem:s26+$0x1A0];
	v12 =	vadd.f32 v36, v36;
	v49 =	vadd.f32 $1.000000000e+00, v7;
	v7 =	vpop (erf);
	(erf) = vpow2.f32 v11  }
0x197: {  	v10 =	vmul.f32 $1.442695020e+00, v10  }
0x198: {  	v12 =	vmul.f32 $1.442695020e+00, v12;
	v24 =	vpop (erf);
	(erf) = vpow2.f32 v17  }
0x199: {  	v50 =	vadd.f32 $1.000000000e+00, v7;
	(erf) = vpow2.f32 v41;
	v7 =	vpop (erf)  }
0x19a: {  	v22 =	vadd.f32 v22, v22;
	v9 =	vadd.f32 v9, v9;
	(erf) = vpow2.f32 v12;
	v53 =	vpop (erf)  }
0x19b: {  	v45 =	vadd.f32 v23, v23;
	v15 =	vadd.f32 v35, v35;
	(erf) = vpow2.f32 v10;
	v10 =	vpop (erf)  }
0x19c: {  	v48 =	vmul.f32 $1.442695020e+00, v22;
	v9 =	vsub.f32 $1.000000000e+00, v9;
	v12 =	vadd.f32 v53, v53;
	v54 =	vpop (erf)  }
0x19d: {  	v51 =	vadd.f32 v19, v19;
	v18 =	vmul.f32 $1.442695020e+00, v45;
	(erf) = vpow2.f32 v47;
	v56 =	vpop (erf)  }
0x19e: {  	[tilespmem:s17+$0xC000] =	vst v9;
	v23 =	vadd.f32 $1.000000000e+00, v46;
	(erf) = vpow2.f32 v48;
	v9 =	vsub.f32 $1.000000000e+00, v12;
	v59 =	vpop (erf)  }
0x19f: {  	[tilespmem:s12+$0xC000] =	vst v30;
	v15 =	vsub.f32 $1.000000000e+00, v15;
	v17 =	vsub.f32 $1.000000000e+00, v51;
	(erf) = vpow2.f32 v18;
	v60 =	vpop (erf)  }
0x1a0: {  	v10 =	vadd.f32 v10, v10;
	(erf) = vrcp.f32 v23;
	[tilespmem:s26+$0xC030] =	vst v9;
	v9 =	vadd.f32 $1.000000000e+00, v60  }
0x1a1: {  	s13 =	sor.u32 $0x300, s30;
	[tilespmem:s11+$0xC000] =	vst v33;
	v52 =	vadd.f32 $1.000000000e+00, v24;
	v13 =	vadd.f32 v54, v54;
	(erf) = vrcp.f32 v49  }
0x1a2: {  	p1 =	por !p1, !p1;
	s6 =	simm.s32 $0x1;
	s12 =	sor.u32 $0x280, s10;
	v55 =	vld [tilespmem:s13+$0x0];
	[tilespmem:s15+$0xC000] =	vst v15;
	v10 =	vsub.f32 $1.000000000e+00, v10;
	v58 =	vadd.f32 v56, v56;
	(erf) = vrcp.f32 v50;
	v62 =	vpop (erf)  }
0x1a3: {  	s6 =	simm.s32 @!p1 $0x0;
	s15 =	sor.u32 $0x280, s22;
	v57 =	vld [tilespmem:s12+$0x0];
	[tilespmem:s16+$0xC000] =	vst v17;
	v13 =	vsub.f32 $1.000000000e+00, v13;
	v15 =	vadd.f32 v59, v59;
	(erf) = vrcp.f32 v52;
	v20 =	vpop (erf)  }
0x1a4: {  	s5 =	sor.u32 $0x300, s28;
	s21 =	sshll.u32 s6, $0x6;
	v61 =	vld [tilespmem:s15+$0x0];
	[tilespmem:s20+$0xC000] =	vst v10;
	v12 =	vsub.f32 $1.000000000e+00, v58;
	v18 =	vadd.f32 $1.000000000e+00, v62;
	(erf) = vrcp.f32 v9;
	v9 =	vpop (erf)  }
0x1a5: {  	s7 =	sadd.s32 $0x800, s21;
	s11 =	sor.u32 $0x280, s29;
	v11 =	vld [tilespmem:s5+$0x0];
	[tilespmem:s26+$0xC0B0] =	vst v13;
	v63 =	vsub.f32 $1.000000000e+00, v15;
	v9 =	vadd.f32 $1.000000000e+00, v9  }
0x1a6: {  	s23 =	sor.u32 $0x300, s3;
	s8 =	sadd.s32 $0x30, s7;
	v10 =	vld [tilespmem:s11+$0x0];
	[tilespmem:s26+$0xC130] =	vst v12;
	v15 =	vadd.f32 $1.000000000e+00, v20  }
0x1a7: {  	s6 =	sor.u32 $0x200, s8;
	v6 =	vsub.f32 $1.000000000e+00, v6;
	v8 =	vsub.f32 $1.000000000e+00, v8;
	v21 =	vld [tilespmem:s23+$0x0];
	[tilespmem:s26+$0xC1B0] =	vst v63;
	(erf) = vrcp.f32 v18;
	v23 =	vpop (erf)  }
0x1a8: {  	v1 =	vadd.f32 v1, v1;
	v24 =	vld [tilespmem:s6+$0x0];
	(erf) = vrcp.f32 v15;
	v13 =	vadd.f32 $1.000000000e+00, v23;
	v25 =	vpop (erf)  }
0x1a9: {  	v14 =	vadd.f32 v55, v55;
	v15 =	vadd.f32 $1.000000000e+00, v25;
	(erf) = vrcp.f32 v9;
	v9 =	vpop (erf)  }
0x1aa: {  	v22 =	vadd.f32 v57, v57;
	(erf) = vrcp.f32 v13;
	v9 =	vadd.f32 $1.000000000e+00, v9;
	v27 =	vpop (erf)  }
0x1ab: {  	v26 =	vadd.f32 v61, v61;
	v11 =	vadd.f32 v11, v11;
	(erf) = vrcp.f32 v15;
	v28 =	vpop (erf)  }
0x1ac: {  	v10 =	vadd.f32 v10, v10;
	v16 =	vadd.f32 v21, v21;
	v30 =	vpop (erf);
	(erf) = vrcp.f32 v9  }
0x1ad: {  	v12 =	vmul.f32 $1.442695020e+00, v22;
	v17 =	vadd.f32 v24, v24;
	v13 =	vadd.f32 $1.000000000e+00, v27;
	v32 =	vpop (erf)  }
0x1ae: {  	v10 =	vmul.f32 $1.442695020e+00, v10;
	v29 =	vadd.f32 v28, v28;
	v31 =	vadd.f32 v30, v30;
	v35 =	vpop (erf)  }
0x1af: {  	v9 =	vmul.f32 $1.442695020e+00, v16;
	(erf) = vrcp.f32 v13;
	v34 =	vadd.f32 v32, v32;
	v37 =	vpop (erf)  }
0x1b0: {  	[tilespmem:s19+$0xC000] =	vst v8;
	v36 =	vmul.f32 $1.442695020e+00, v17;
	v33 =	vsub.f32 $1.000000000e+00, v29;
	v8 =	vsub.f32 $1.000000000e+00, v31;
	v40 =	vpop (erf)  }
0x1b1: {  	[tilespmem:s1+$0xC000] =	vst v6;
	(erf) = vpow2.f32 v9;
	v9 =	vadd.f32 v35, v35;
	v38 =	vsub.f32 $1.000000000e+00, v34;
	v41 =	vpop (erf)  }
0x1b2: {  	[tilespmem:s26+$0xC000] =	vst v33;
	v39 =	vadd.f32 v37, v37;
	(erf) = vpow2.f32 v36;
	v44 =	vadd.f32 v41, v41;
	v45 =	vpop (erf)  }
0x1b3: {  	[tilespmem:s26+$0xC080] =	vst v8;
	v8 =	vsub.f32 $1.000000000e+00, v9;
	v9 =	vadd.f32 v40, v40;
	(erf) = vpow2.f32 v12;
	v46 =	vpop (erf)  }
0x1b4: {  	[tilespmem:s26+$0xC100] =	vst v38;
	(erf) = vpow2.f32 v10;
	v10 =	vsub.f32 $1.000000000e+00, v44;
	v12 =	vadd.f32 v46, v46;
	v47 =	vpop (erf)  }
0x1b5: {  	[tilespmem:s26+$0xC180] =	vst v8;
	v8 =	vsub.f32 $1.000000000e+00, v9;
	v9 =	vadd.f32 v45, v45;
	v49 =	vpop (erf)  }
0x1b6: {  	[tilespmem:s26+$0xC110] =	vst v10;
	v10 =	vsub.f32 $1.000000000e+00, v12;
	v50 =	vadd.f32 v49, v49  }
0x1b7: {  	s17 =	sor.u32 $0x200, s7;
	v42 =	vmul.f32 $1.442695020e+00, v26;
	[tilespmem:s26+$0xC090] =	vst v8;
	v8 =	vsub.f32 $1.000000000e+00, v9;
	v9 =	vadd.f32 v47, v47  }
0x1b8: {  	v11 =	vmul.f32 $1.442695020e+00, v11;
	v43 =	vsub.f32 $1.000000000e+00, v39;
	v48 =	vld [tilespmem:s17+$0x0];
	v51 =	vpop (erf);
	[tilespmem:s26+$0xC020] =	vst v10;
	v10 =	vsub.f32 $1.000000000e+00, v50  }
0x1b9: {  	s16 =	sadd.s32 $0x10, s7;
	(erf) = vpow2.f32 v42;
	[tilespmem:s26+$0xC190] =	vst v8;
	v8 =	vsub.f32 $1.000000000e+00, v9;
	v9 =	vadd.f32 v51, v51  }
0x1ba: {  	v1 =	vsub.f32 $1.000000000e+00, v1;
	s20 =	sor.u32 $0x200, s16;
	[tilespmem:s26+$0xC010] =	vst v43  }
0x1bb: {  	s19 =	sor.u32 $0x300, s31;
	v52 =	vmul.f32 $1.442695020e+00, v14;
	(erf) = vpow2.f32 v11;
	v53 =	vpop (erf);
	v11 =	vld [tilespmem:s20+$0x0];
	[tilespmem:s26+$0xC0A0] =	vst v8;
	v8 =	vsub.f32 $1.000000000e+00, v9  }
0x1bc: {  	v5 =	vadd.f32 v5, v5;
	v54 =	vadd.f32 $1.000000000e+00, v53;
	v9 =	vld [tilespmem:s19+$0x0];
	[tilespmem:s26+$0xC120] =	vst v10;
	v10 =	vpop (erf)  }
0x1bd: {  	s18 =	sadd.s32 $0x20, s7;
	(erf) = vpow2.f32 v52;
	v55 =	vadd.f32 v48, v48;
	[tilespmem:s26+$0xC1A0] =	vst v8;
	v8 =	vadd.f32 $1.000000000e+00, v10  }
0x1be: {  	s24 =	sor.u32 $0x380, s24;
	s14 =	sor.u32 $0x200, s18;
	[tilespmem:s4+$0xC000] =	vst v1;
	(erf) = vrcp.f32 v54  }
0x1bf: {  	s25 =	sor.u32 $0x380, s25;
	v1 =	vsub.f32 $1.000000000e+00, v5;
	v57 =	vld [tilespmem:s14+$0x0];
	[dreg:$0x8] =	wrdreg s24;
	v10 =	vmul.f32 $1.442695020e+00, v55;
	v56 =	vpop (erf);
	(erf) = vrcp.f32 v8  }
0x1c0: {  	v11 =	vadd.f32 v11, v11;
	v6 =	vadd.f32 $1.000000000e+00, v56;
	v58 =	vpop (erf);
	v8 =	vld [tilespmem:s24+$0x0];
	[dreg:$0xa] =	wrdreg s25  }
0x1c1: {  	s0 =	sor.u32 $0x380, s0;
	v9 =	vadd.f32 v9, v9;
	v5 =	vadd.f32 $1.000000000e+00, v58;
	(erf) = vpow2.f32 v10;
	[tilespmem:s9+$0xC000] =	vst v1  }
0x1c2: {  	v59 =	vpop (erf);
	v11 =	vmul.f32 $1.442695020e+00, v11;
	v10 =	vld [tilespmem:s25+$0x0];
	(erf) = vrcp.f32 v6;
	v6 =	vadd.f32 v7, v7;
	[dreg:$0xc] =	wrdreg s0  }
0x1c3: {  	v7 =	vadd.f32 $1.000000000e+00, v59;
	(erf) = vrcp.f32 v5;
	v5 =	vmul.f32 $1.442695020e+00, v9;
	v9 =	vld [tilespmem:s0+$0x0]  }
0x1c4: {  	v60 =	vpop (erf);
	v1 =	vsub.f32 $1.000000000e+00, v0;
	v13 =	vadd.f32 v57, v57;
	(erf) = vpow2.f32 v11  }
0x1c5: {  	v11 =	vadd.f32 $1.000000000e+00, v60;
	v0 =	vsub.f32 $1.000000000e+00, v6;
	(erf) = vrcp.f32 v7  }
0x1c6: {  	v7 =	vmul.f32 $1.442695020e+00, v13;
	v6 =	vpop (erf);
	(erf) = vpow2.f32 v5;
	v5 =	vadd.f32 v8, v8  }
0x1c7: {  	v8 =	vadd.f32 v10, v10;
	v10 =	vpop (erf);
	(erf) = vrcp.f32 v11;
	v6 =	vadd.f32 $1.000000000e+00, v6  }
0x1c8: {  	v10 =	vadd.f32 v10, v10;
	(erf) = vpow2.f32 v7;
	v7 =	vadd.f32 v9, v9;
	v9 =	vpop (erf)  }
0x1c9: {  	v9 =	vadd.f32 v9, v9  }
0x1ca: {  	v5 =	vmul.f32 $1.442695020e+00, v5;
	v8 =	vmul.f32 $1.442695020e+00, v8;
	v10 =	vsub.f32 $1.000000000e+00, v10  }
0x1cb: {  	s2 =	simm.s32 $0x140;
	s26 =	simm.s32 $0xA00;
	v11 =	vpop (erf);
	(erf) = vrcp.f32 v6;
	v7 =	vmul.f32 $1.442695020e+00, v7  }
0x1cc: {  	s1 =	sand.u32 $0x40, s2;
	s24 =	sor.u32 $0x380, s3;
	s0 =	sand.u32 $0x7C00, s26;
	v6 =	vpop (erf);
	(erf) = vpow2.f32 v5;
	[tilespmem:s23+$0xC000] =	vst v10;
	v5 =	vsub.f32 $1.000000000e+00, v9;
	v10 =	vadd.f32 $1.000000000e+00, v11  }
0x1cd: {  	v4 =	vadd.f32 $1.000000000e+00, v4;
	v3 =	vadd.f32 $1.000000000e+00, v3;
	s4 =	sor.u32 s1, s0;
	(erf) = vpow2.f32 v8;
	v8 =	vld [tilespmem:s24+$0x0];
	v9 =	vpop (erf)  }
0x1ce: {  	[tilespmem:s6+$0xC000] =	vst v5;
	v5 =	vadd.f32 v6, v6;
	v11 =	vpop (erf);
	(erf) = vpow2.f32 v7;
	v6 =	vadd.f32 v9, v9;
	v7 =	vld [tilespmem:s4+$0x30]  }
0x1cf: {  	v2 =	vadd.f32 $1.000000000e+00, v2;
	s6 =	sor.u32 $0x280, s8;
	v9 =	vpop (erf);
	(erf) = vrcp.f32 v10;
	v11 =	vadd.f32 $1.000000000e+00, v11  }
0x1d0: {  	v61 =	vld [tilespmem:s6+$0x0];
	v62 =	vsub.f32 $1.000000000e+00, v5;
	v9 =	vadd.f32 v9, v9;
	v10 =	vpop (erf);
	(erf) = vrcp.f32 v4  }
0x1d1: {  	v63 =	vsub.f32 $1.000000000e+00, v6;
	v4 =	vpop (erf);
	(erf) = vrcp.f32 v3;
	v3 =	vld [tilespmem:s4+$0xB0];
	v5 =	vadd.f32 $1.000000000e+00, v10  }
0x1d2: {  	v8 =	vadd.f32 v8, v8;
	v6 =	vpop (erf);
	v10 =	vsub.f32 $1.000000000e+00, v9;
	(erf) = vrcp.f32 v11;
	v9 =	vld [tilespmem:s4+$0x130]  }
0x1d3: {  	v11 =	vadd.f32 $1.000000000e+00, v6;
	(erf) = vrcp.f32 v2;
	v2 =	vld [tilespmem:s4+$0x1B0];
	v7 =	vadd.f32 v7, v7  }
0x1d4: {  	v30 =	vld [tilespmem:s4+$0x80];
	v4 =	vadd.f32 v4, v4;
	v6 =	vpop (erf);
	v8 =	vmul.f32 $1.442695020e+00, v8;
	(erf) = vrcp.f32 v5  }
0x1d5: {  	v12 =	vadd.f32 v61, v61;
	v5 =	vld [tilespmem:s4+$0x0];
	v29 =	vadd.f32 v6, v6;
	(erf) = vrcp.f32 v11  }
0x1d6: {  	v6 =	vpop (erf);
	v31 =	vmul.f32 $1.442695020e+00, v7;
	v11 =	vsub.f32 $1.000000000e+00, v4;
	v3 =	vadd.f32 v3, v3  }
0x1d7: {  	v32 =	vld [tilespmem:s4+$0x100];
	(erf) = vpow2.f32 v8;
	v8 =	vmul.f32 $1.442695020e+00, v12;
	v7 =	vpop (erf);
	v9 =	vadd.f32 v9, v9  }
0x1d8: {  	v33 =	vld [tilespmem:s4+$0x180];
	v4 =	vpop (erf);
	(erf) = vpow2.f32 v31;
	v36 =	vmul.f32 $1.442695020e+00, v3;
	v2 =	vadd.f32 v2, v2  }
0x1d9: {  	v35 =	vld [tilespmem:s4+$0x10];
	v16 =	vadd.f32 v30, v30;
	v34 =	vpop (erf);
	(erf) = vpow2.f32 v8;
	v9 =	vmul.f32 $1.442695020e+00, v9  }
0x1da: {  	v37 =	vld [tilespmem:s4+$0x90];
	v8 =	vadd.f32 v5, v5;
	v3 =	vpop (erf);
	v39 =	vmul.f32 $1.442695020e+00, v2;
	(erf) = vpow2.f32 v36  }
0x1db: {  	v38 =	vld [tilespmem:s4+$0x110];
	v5 =	vpop (erf);
	(erf) = vpow2.f32 v9;
	v9 =	vmul.f32 $1.442695020e+00, v16  }
0x1dc: {  	v25 =	vld [tilespmem:s4+$0x190];
	v41 =	vmul.f32 $1.442695020e+00, v8;
	v40 =	vpop (erf);
	(erf) = vpow2.f32 v39  }
0x1dd: {  	v43 =	vld [tilespmem:s4+$0x20];
	v18 =	vadd.f32 v32, v32;
	v2 =	vpop (erf)  }
0x1de: {  	v44 =	vld [tilespmem:s4+$0xA0];
	v42 =	vadd.f32 v33, v33;
	(erf) = vpow2.f32 v41;
	v8 =	vpop (erf)  }
0x1df: {  	v45 =	vld [tilespmem:s4+$0x120];
	v20 =	vadd.f32 v35, v35;
	v18 =	vmul.f32 $1.442695020e+00, v18;
	(erf) = vpow2.f32 v9;
	v9 =	vpop (erf)  }
0x1e0: {  	v15 =	vadd.f32 v37, v37;
	v22 =	vadd.f32 v38, v38;
	v16 =	vmul.f32 $1.442695020e+00, v42;
	v46 =	vpop (erf)  }
0x1e1: {  	v25 =	vadd.f32 v25, v25;
	(erf) = vpow2.f32 v18;
	v18 =	vadd.f32 $1.000000000e+00, v46;
	v27 =	vpop (erf)  }
0x1e2: {  	v19 =	vadd.f32 v43, v43;
	(erf) = vpow2.f32 v16;
	v47 =	vadd.f32 $1.000000000e+00, v27;
	v48 =	vpop (erf)  }
0x1e3: {  	s9 =	sor.u32 $0x300, s10;
	v26 =	vld [tilespmem:s4+$0x1A0];
	v23 =	vadd.f32 v44, v44;
	[tilespmem:s12+$0xC000] =	vst v62;
	(erf) = vrcp.f32 v18;
	v49 =	vadd.f32 $1.000000000e+00, v48;
	v50 =	vpop (erf)  }
0x1e4: {  	v51 =	vadd.f32 v45, v45;
	[dreg:$0x16] =	wrdreg s9;
	(erf) = vrcp.f32 v47;
	v52 =	vadd.f32 $1.000000000e+00, v50;
	v53 =	vpop (erf)  }
0x1e5: {  	v20 =	vmul.f32 $1.442695020e+00, v20;
	s12 =	sor.u32 $0x300, s29;
	[tilespmem:s11+$0xC000] =	vst v63;
	(erf) = vrcp.f32 v49;
	v55 =	vadd.f32 $1.000000000e+00, v53;
	v56 =	vpop (erf)  }
0x1e6: {  	v15 =	vmul.f32 $1.442695020e+00, v15;
	v59 =	vld [tilespmem:s9+$0x0];
	[dreg:$0x19] =	wrdreg s12;
	v27 =	vadd.f32 $1.000000000e+00, v56;
	(erf) = vrcp.f32 v52  }
0x1e7: {  	v22 =	vmul.f32 $1.442695020e+00, v22;
	v63 =	vld [tilespmem:s12+$0x0];
	v62 =	vadd.f32 v34, v34;
	v57 =	vpop (erf);
	(erf) = vrcp.f32 v55  }
0x1e8: {  	v54 =	vadd.f32 v26, v26;
	v25 =	vmul.f32 $1.442695020e+00, v25;
	v58 =	vpop (erf);
	(erf) = vrcp.f32 v27  }
0x1e9: {  	v19 =	vmul.f32 $1.442695020e+00, v19;
	v30 =	vsub.f32 $1.000000000e+00, v62;
	(erf) = vpow2.f32 v20  }
0x1ea: {  	v23 =	vmul.f32 $1.442695020e+00, v23;
	v9 =	vadd.f32 v9, v9;
	v60 =	vpop (erf);
	(erf) = vpow2.f32 v15  }
0x1eb: {  	s9 =	sor.u32 $0x280, s7;
	v12 =	vsub.f32 $1.000000000e+00, v29;
	v13 =	vadd.f32 v59, v59;
	[tilespmem:s17+$0xC000] =	vst v30;
	v27 =	vpop (erf);
	(erf) = vpow2.f32 v22  }
0x1ec: {  	v17 =	vadd.f32 v63, v63;
	v29 =	vadd.f32 v40, v40;
	v37 =	vld [tilespmem:s9+$0x0];
	v31 =	vpop (erf);
	(erf) = vpow2.f32 v25  }
0x1ed: {  	v16 =	vmul.f32 $1.442695020e+00, v51;
	v34 =	vsub.f32 $1.000000000e+00, v9;
	v33 =	vpop (erf);
	(erf) = vpow2.f32 v19  }
0x1ee: {  	v18 =	vmul.f32 $1.442695020e+00, v54;
	v24 =	vadd.f32 $1.000000000e+00, v57;
	v9 =	vpop (erf);
	(erf) = vpow2.f32 v23  }
0x1ef: {  	v28 =	vadd.f32 $1.000000000e+00, v58;
	v20 =	vsub.f32 $1.000000000e+00, v29;
	(erf) = vpow2.f32 v16;
	v36 =	vpop (erf)  }
0x1f0: {  	v61 =	vadd.f32 $1.000000000e+00, v60;
	v15 =	vadd.f32 $1.000000000e+00, v27;
	(erf) = vpow2.f32 v18;
	v38 =	vpop (erf)  }
0x1f1: {  	[tilespmem:s20+$0xC000] =	vst v20;
	v20 =	vadd.f32 v37, v37;
	v35 =	vadd.f32 v9, v9;
	(erf) = vrcp.f32 v24;
	v42 =	vpop (erf)  }
0x1f2: {  	v32 =	vadd.f32 v31, v31;
	v25 =	vadd.f32 v33, v33;
	(erf) = vrcp.f32 v28;
	v44 =	vpop (erf)  }
0x1f3: {  	v39 =	vsub.f32 $1.000000000e+00, v35;
	v45 =	vadd.f32 $1.000000000e+00, v44;
	(erf) = vrcp.f32 v61;
	v46 =	vpop (erf)  }
0x1f4: {  	v16 =	vadd.f32 v36, v36;
	v18 =	vadd.f32 v38, v38;
	(erf) = vrcp.f32 v15;
	v48 =	vpop (erf)  }
0x1f5: {  	p1 =	por !p1, !p1;
	s25 =	sor.u32 $0x300, s8;
	s1 =	simm.s32 $0x1;
	v41 =	vsub.f32 $1.000000000e+00, v25;
	[tilespmem:s6+$0xC000] =	vst v39;
	v14 =	vadd.f32 $1.000000000e+00, v46;
	(erf) = vrcp.f32 v45;
	v50 =	vpop (erf)  }
0x1f6: {  	s1 =	simm.s32 @!p1 $0x0;
	[tilespmem:s14+$0xC000] =	vst v34;
	v23 =	vadd.f32 v42, v42;
	v18 =	vsub.f32 $1.000000000e+00, v18;
	v49 =	vld [tilespmem:s25+$0x0];
	v51 =	vpop (erf)  }
0x1f7: {  	s1 =	sshll.u32 s1, $0x6;
	v16 =	vsub.f32 $1.000000000e+00, v16;
	[tilespmem:s4+$0xC030] =	vst v41;
	v15 =	vadd.f32 $1.000000000e+00, v48;
	(erf) = vrcp.f32 v14;
	v54 =	vpop (erf)  }
0x1f8: {  	s26 =	sadd.s32 $0xA00, s1;
	v47 =	vsub.f32 $1.000000000e+00, v23;
	[tilespmem:s4+$0xC130] =	vst v18;
	v18 =	vadd.f32 $1.000000000e+00, v50;
	v55 =	vpop (erf)  }
0x1f9: {  	s23 =	sadd.s32 $0x30, s26;
	v9 =	vsub.f32 $1.000000000e+00, v32;
	[tilespmem:s4+$0xC0B0] =	vst v16;
	v14 =	vadd.f32 $1.000000000e+00, v51;
	(erf) = vrcp.f32 v15;
	v56 =	vpop (erf)  }
0x1fa: {  	s14 =	sor.u32 $0x200, s23;
	[tilespmem:s4+$0xC1B0] =	vst v47;
	v15 =	vadd.f32 $1.000000000e+00, v54;
	(erf) = vrcp.f32 v18;
	v18 =	vadd.f32 $1.000000000e+00, v55;
	v58 =	vpop (erf)  }
0x1fb: {  	s0 =	sor.u32 $0x280, s18;
	v53 =	vld [tilespmem:s14+$0x0];
	(erf) = vrcp.f32 v14;
	v57 =	vadd.f32 v49, v49;
	v60 =	vadd.f32 v58, v58;
	v61 =	vpop (erf)  }
0x1fc: {  	[tilespmem:s15+$0xC000] =	vst v10;
	s17 =	sor.u32 $0x280, s16;
	v43 =	vld [tilespmem:s0+$0x0];
	v14 =	vadd.f32 $1.000000000e+00, v56;
	(erf) = vrcp.f32 v15;
	v10 =	vadd.f32 v61, v61;
	v63 =	vpop (erf)  }
0x1fd: {  	[tilespmem:s5+$0xC000] =	vst v11;
	v40 =	vld [tilespmem:s17+$0x0];
	(erf) = vrcp.f32 v18;
	v11 =	vsub.f32 $1.000000000e+00, v60;
	v24 =	vadd.f32 v63, v63;
	v25 =	vpop (erf)  }
0x1fe: {  	[tilespmem:s13+$0xC000] =	vst v12;
	(erf) = vrcp.f32 v14;
	v10 =	vsub.f32 $1.000000000e+00, v10;
	v26 =	vadd.f32 v25, v25;
	v28 =	vpop (erf)  }
0x1ff: {  	v62 =	vmul.f32 $1.442695020e+00, v57;
	[tilespmem:s4+$0xC000] =	vst v11;
	v11 =	vsub.f32 $1.000000000e+00, v24;
	v29 =	vadd.f32 v28, v28  }
0x200: {  	v19 =	vadd.f32 v53, v53;
	v30 =	vpop (erf);
	[tilespmem:s4+$0xC080] =	vst v10;
	v10 =	vsub.f32 $1.000000000e+00, v26  }
0x201: {  	(erf) = vpow2.f32 v62;
	v32 =	vadd.f32 v30, v30;
	[tilespmem:s4+$0xC100] =	vst v11;
	v11 =	vsub.f32 $1.000000000e+00, v29  }
0x202: {  	v21 =	vadd.f32 v43, v43;
	v52 =	vadd.f32 v40, v40;
	v27 =	vmul.f32 $1.442695020e+00, v19;
	v33 =	vpop (erf);
	[tilespmem:s4+$0xC180] =	vst v10  }
0x203: {  	s15 =	sor.u32 $0x200, s26;
	s13 =	sor.u32 $0x300, s22;
	v20 =	vmul.f32 $1.442695020e+00, v20;
	v34 =	vadd.f32 v33, v33;
	v35 =	vpop (erf);
	v10 =	vsub.f32 $1.000000000e+00, v32;
	[tilespmem:s4+$0xC010] =	vst v11  }
0x204: {  	v59 =	vmul.f32 $1.442695020e+00, v52;
	(erf) = vpow2.f32 v27;
	v36 =	vadd.f32 v35, v35;
	v37 =	vpop (erf);
	v38 =	vld [tilespmem:s15+$0x0];
	[dreg:$0x1c] =	wrdreg s13  }
0x205: {  	s20 =	sor.u32 $0x380, s28;
	(erf) = vpow2.f32 v20;
	v11 =	vsub.f32 $1.000000000e+00, v34;
	v39 =	vadd.f32 v37, v37;
	v40 =	vpop (erf);
	[tilespmem:s4+$0xC090] =	vst v10  }
0x206: {  	(erf) = vpow2.f32 v59;
	v42 =	vadd.f32 v40, v40;
	v43 =	vpop (erf);
	v41 =	vld [tilespmem:s13+$0x0];
	v10 =	vsub.f32 $1.000000000e+00, v36;
	[dreg:$0x12] =	wrdreg s20  }
0x207: {  	v31 =	vmul.f32 $1.442695020e+00, v21;
	v45 =	vadd.f32 v43, v43;
	v46 =	vpop (erf);
	[tilespmem:s4+$0xC110] =	vst v11;
	v11 =	vsub.f32 $1.000000000e+00, v39  }
0x208: {  	s2 =	sadd.s32 $0x10, s26;
	v13 =	vmul.f32 $1.442695020e+00, v13;
	v47 =	vadd.f32 v46, v46;
	[tilespmem:s4+$0xC190] =	vst v10  }
0x209: {  	s21 =	sor.u32 $0x380, s30;
	s5 =	sor.u32 $0x200, s2;
	(erf) = vpow2.f32 v31;
	v44 =	vld [tilespmem:s20+$0x0];
	v10 =	vsub.f32 $1.000000000e+00, v42;
	[tilespmem:s4+$0xC020] =	vst v11;
	v11 =	vsub.f32 $1.000000000e+00, v45  }
0x20a: {  	v17 =	vmul.f32 $1.442695020e+00, v17;
	v8 =	vadd.f32 v8, v8;
	v48 =	vpop (erf);
	v49 =	vld [tilespmem:s5+$0x0];
	[dreg:$0x13] =	wrdreg s21  }
0x20b: {  	(erf) = vpow2.f32 v13;
	v50 =	vadd.f32 $1.000000000e+00, v48;
	[tilespmem:s4+$0xC0A0] =	vst v10;
	v10 =	vsub.f32 $1.000000000e+00, v47  }
0x20c: {  	v8 =	vsub.f32 $1.000000000e+00, v8;
	s6 =	sadd.s32 $0x20, s26;
	(erf) = vpow2.f32 v17;
	[tilespmem:s4+$0xC120] =	vst v11  }
0x20d: {  	v63 =	vadd.f32 v3, v3;
	s20 =	sor.u32 $0x200, s6;
	v15 =	vadd.f32 v38, v38;
	v11 =	vpop (erf);
	(erf) = vrcp.f32 v50;
	[tilespmem:s4+$0xC1A0] =	vst v10  }
0x20e: {  	v52 =	vadd.f32 v41, v41;
	v11 =	vadd.f32 $1.000000000e+00, v11;
	v53 =	vpop (erf);
	v55 =	vld [tilespmem:s20+$0x0]  }
0x20f: {  	s12 =	sor.u32 $0x380, s22;
	v51 =	vld [tilespmem:s21+$0x0];
	[tilespmem:s19+$0xC000] =	vst v8;
	v8 =	vadd.f32 $1.000000000e+00, v6;
	v10 =	vmul.f32 $1.442695020e+00, v15;
	v13 =	vadd.f32 v49, v49;
	s4 =	sor.u32 $0x380, s31;
	v56 =	vpop (erf)  }
0x210: {  	s28 =	sor.u32 $0x300, s16;
	s16 =	sor.u32 $0x380, s16;
	v58 =	vld [tilespmem:s4+$0x0];
	[dreg:$0x1e] =	wrdreg s12;
	v14 =	vadd.f32 $1.000000000e+00, v53;
	(erf) = vrcp.f32 v11;
	v11 =	vadd.f32 $1.000000000e+00, v56  }
0x211: {  	v6 =	vadd.f32 $1.000000000e+00, v7;
	v12 =	vmul.f32 $1.442695020e+00, v52;
	[dreg:$0x10] =	wrdreg s16;
	(erf) = vpow2.f32 v10  }
0x212: {  	s19 =	sor.u32 $0x380, s18;
	v54 =	vadd.f32 v44, v44;
	s22 =	sld [smem:$0x7F2];
	v13 =	vmul.f32 $1.442695020e+00, v13;
	v57 =	vpop (erf);
	(erf) = vrcp.f32 v14  }
0x213: {  	s21 =	sor.u32 $0x380, s7;
	[dreg:$0xe] =	wrdreg s19;
	v10 =	vadd.f32 $1.000000000e+00, v57;
	(erf) = vrcp.f32 v11;
	v7 =	vadd.f32 v55, v55  }
0x214: {  	v15 =	vmul.f32 $1.442695020e+00, v54;
	[dreg:$0x18] =	wrdreg s21;
	v16 =	vadd.f32 v51, v51;
	v11 =	vpop (erf);
	(erf) = vpow2.f32 v13  }
0x215: {  	s30 =	sor.u32 $0x280, s2;
	[tilespmem:s22+$0xC000] =	vst v1;
	v11 =	vadd.f32 $1.000000000e+00, v11;
	v59 =	vpop (erf);
	(erf) = vrcp.f32 v10;
	v61 =	vmul.f32 $1.442695020e+00, v7  }
0x216: {  	s13 =	sor.u32 $0x380, s29;
	s31 =	sor.u32 $0x380, s26;
	s29 =	sld [smem:$0x7F3];
	v7 =	vadd.f32 $1.000000000e+00, v4;
	v10 =	vadd.f32 $1.000000000e+00, v59;
	v62 =	vpop (erf);
	(erf) = vpow2.f32 v12  }
0x217: {  	s11 =	smov.u32 s4;
	s4 =	sor.u32 $0x380, s10;
	s16 =	sor.u32 $0x300, s18;
	v4 =	vadd.f32 v62, v62;
	(erf) = vrcp.f32 v11;
	v11 =	vadd.f32 v58, v58  }
0x218: {  	s12 =	sor.u32 $0x300, s7;
	s21 =	sor.u32 $0x300, s2;
	s2 =	sor.u32 $0x380, s2;
	v1 =	vadd.f32 v5, v5;
	v60 =	vmul.f32 $1.442695020e+00, v16;
	(erf) = vpow2.f32 v61  }
0x219: {  	s18 =	sor.u32 $0x280, s6;
	s10 =	sor.u32 $0x300, s6;
	s6 =	sor.u32 $0x380, s6;
	[tilespmem:s29+$0xC000] =	vst v0;
	v0 =	vpop (erf);
	v4 =	vsub.f32 $1.000000000e+00, v4;
	(erf) = vrcp.f32 v10;
	v3 =	vmul.f32 $1.442695020e+00, v11  }
0x21a: {  	s19 =	sor.u32 $0x280, s26;
	s7 =	simm.s32 $0x180;
	s22 =	sor.u32 $0x380, s8;
	[tilespmem:s24+$0xC000] =	vst v9;
	v10 =	vadd.f32 v0, v0;
	v5 =	vpop (erf);
	(erf) = vpow2.f32 v15;
	v0 =	vadd.f32 v2, v2  }
0x21b: {  	s24 =	sor.u32 $0x300, s26;
	s26 =	simm.s32 $0xC00;
	v2 =	vsub.f32 $1.000000000e+00, v63;
	[tilespmem:s25+$0xC000] =	vst v4;
	v4 =	vadd.f32 $1.000000000e+00, v5;
	v9 =	vpop (erf);
	(erf) = vpow2.f32 v60;
	s25 =	simm.s32 $0x14  }
.LBB2_3:
0x21c: {  	[smem:$0x7F0] =	sst s10  }
0x21d: {  	s3 =	sand.u32 $0x40, s7;
	s8 =	sand.u32 $0x7C00, s26;
	s1 =	rddreg [dreg:$0x4]  }
0x21e: {  	s10 =	sor.u32 s3, s8;
	s3 =	rddreg [dreg:$0x8]  }
0x21f: {  	[tilespmem:s1+$0xC000] =	vst v2;
	s1 =	rddreg [dreg:$0x12]  }
0x220: {  	s8 =	smov.u32 s3;
	s3 =	rddreg [dreg:$0xa]  }
0x221: {  	s29 =	smov.u32 s23;
	s23 =	smov.u32 s1;
	[dreg:$0x4] =	wrdreg s8  }
0x222: {  	v5 =	vsub.f32 $1.000000000e+00, v10;
	[dreg:$0x8] =	wrdreg s23  }
0x223: {  	v10 =	vld [tilespmem:s22+$0x0];
	v11 =	vpop (erf);
	s8 =	rddreg [dreg:$0x18]  }
0x224: {  	v12 =	vadd.f32 v9, v9;
	v1 =	vsub.f32 $1.000000000e+00, v1;
	(erf) = vpow2.f32 v3;
	v3 =	vpop (erf);
	v2 =	vld [tilespmem:s10+$0x30];
	[tilespmem:s14+$0xC000] =	vst v5;
	s14 =	sor.u32 $0x280, s29;
	s1 =	smov.u32 s4;
	s23 =	rddreg [dreg:$0x2]  }
0x225: {  	v0 =	vsub.f32 $1.000000000e+00, v0;
	(erf) = vrcp.f32 v4;
	v4 =	vadd.f32 v11, v11;
	v9 =	vpop (erf);
	s4 =	smov.u32 s8;
	s8 =	smov.u32 s3;
	s3 =	rddreg [dreg:$0x13]  }
0x226: {  	v13 =	vadd.f32 $1.000000000e+00, v3;
	v5 =	vsub.f32 $1.000000000e+00, v12;
	(erf) = vrcp.f32 v8;
	v8 =	vld [tilespmem:s14+$0x0];
	v11 =	vpop (erf);
	[dreg:$0x2] =	wrdreg s8  }
0x227: {  	v9 =	vadd.f32 v9, v9;
	v4 =	vsub.f32 $1.000000000e+00, v4;
	(erf) = vrcp.f32 v6;
	[tilespmem:s23+$0xC000] =	vst v1;
	v6 =	vld [tilespmem:s10+$0xB0];
	v3 =	vpop (erf);
	s8 =	smov.u32 s3;
	s3 =	rddreg [dreg:$0x6]  }
0x228: {  	[tilespmem:s9+$0xC000] =	vst v5;
	v36 =	vadd.f32 $1.000000000e+00, v11;
	v5 =	vld [tilespmem:s10+$0x130];
	(erf) = vrcp.f32 v13;
	v3 =	vadd.f32 v3, v3;
	[dreg:$0xa] =	wrdreg s8  }
0x229: {  	s9 =	smov.u32 s19;
	s19 =	smov.u32 s2;
	v11 =	vpop (erf);
	s8 =	rddreg [dreg:$0x10];
	[tilespmem:s17+$0xC000] =	vst v4;
	v4 =	vsub.f32 $1.000000000e+00, v9;
	v9 =	vadd.f32 v10, v10;
	(erf) = vrcp.f32 v7  }
0x22a: {  	[dreg:$0x10] =	wrdreg s19;
	v7 =	vld [tilespmem:s10+$0x1B0];
	v10 =	vadd.f32 $1.000000000e+00, v11;
	v11 =	vpop (erf);
	[tilespmem:s3+$0xC000] =	vst v0;
	(erf) = vrcp.f32 v36  }
0x22b: {  	s23 =	smov.u32 s13;
	v37 =	vld [tilespmem:s10+$0x0];
	s13 =	smov.u32 s8;
	s8 =	rddreg [dreg:$0xc];
	v14 =	vadd.f32 v2, v2;
	v16 =	vsub.f32 $1.000000000e+00, v3;
	[tilespmem:s0+$0xC000] =	vst v4;
	v4 =	vmul.f32 $1.442695020e+00, v9  }
0x22c: {  	v39 =	vld [tilespmem:s10+$0x180];
	v1 =	vpop (erf);
	s19 =	smov.u32 s8;
	s8 =	smov.u32 s11;
	s11 =	rddreg [dreg:$0x1e];
	v9 =	vadd.f32 v11, v11;
	v8 =	vadd.f32 v8, v8;
	(erf) = vrcp.f32 v10  }
0x22d: {  	s0 =	smov.u32 s18;
	s18 =	rddreg [dreg:$0xe];
	v11 =	vld [tilespmem:s10+$0x80];
	v2 =	vpop (erf);
	v38 =	vmul.f32 $1.442695020e+00, v14;
	v6 =	vadd.f32 v6, v6;
	v18 =	vadd.f32 v5, v5  }
0x22e: {  	v10 =	vld [tilespmem:s10+$0x100];
	[dreg:$0x6] =	wrdreg s19;
	s19 =	smov.u32 s18;
	(erf) = vpow2.f32 v4;
	v0 =	vpop (erf);
	v5 =	vmul.f32 $1.442695020e+00, v8;
	v8 =	vsub.f32 $1.000000000e+00, v9  }
0x22f: {  	v40 =	vld [tilespmem:s10+$0x90];
	[dreg:$0x1e] =	wrdreg s19;
	v15 =	vpop (erf);
	v6 =	vmul.f32 $1.442695020e+00, v6;
	v7 =	vadd.f32 v7, v7;
	(erf) = vpow2.f32 v38  }
0x230: {  	v9 =	vld [tilespmem:s10+$0x10];
	v12 =	vadd.f32 v37, v37;
	s19 =	rddreg [dreg:$0x19];
	v41 =	vmul.f32 $1.442695020e+00, v18;
	v3 =	vpop (erf);
	(erf) = vpow2.f32 v5  }
0x231: {  	v43 =	vld [tilespmem:s10+$0x20];
	[tilespmem:s19+$0xC000] =	vst v8;
	v4 =	vpop (erf);
	v7 =	vmul.f32 $1.442695020e+00, v7;
	(erf) = vpow2.f32 v6  }
0x232: {  	v12 =	vmul.f32 $1.442695020e+00, v12;
	v8 =	vadd.f32 v11, v11;
	v11 =	vld [tilespmem:s10+$0x110];
	v17 =	vpop (erf);
	(erf) = vpow2.f32 v41  }
0x233: {  	v45 =	vld [tilespmem:s10+$0x120];
	v14 =	vadd.f32 v39, v39;
	v10 =	vadd.f32 v10, v10;
	v5 =	vpop (erf);
	(erf) = vpow2.f32 v7  }
0x234: {  	[dreg:$0xc] =	wrdreg s8;
	v8 =	vmul.f32 $1.442695020e+00, v8;
	v6 =	vpop (erf);
	(erf) = vpow2.f32 v12  }
0x235: {  	s8 =	smov.u32 s11;
	s11 =	rddreg [dreg:$0x16];
	v44 =	vmul.f32 $1.442695020e+00, v14;
	v21 =	vmul.f32 $1.442695020e+00, v10;
	v9 =	vadd.f32 v9, v9  }
0x236: {  	[tilespmem:s11+$0xC000] =	vst v16;
	v13 =	vadd.f32 v40, v40;
	v16 =	vadd.f32 v43, v43;
	v10 =	vld [tilespmem:s10+$0xA0];
	(erf) = vpow2.f32 v8;
	v19 =	vpop (erf)  }
0x237: {  	v20 =	vmul.f32 $1.442695020e+00, v9;
	v9 =	vadd.f32 v11, v11;
	v11 =	vld [tilespmem:s10+$0x1A0];
	(erf) = vpow2.f32 v21;
	v7 =	vpop (erf)  }
0x238: {  	v13 =	vmul.f32 $1.442695020e+00, v13;
	v14 =	vadd.f32 v45, v45;
	v24 =	vadd.f32 $1.000000000e+00, v7;
	v8 =	vpop (erf)  }
0x239: {  	v42 =	vld [tilespmem:s10+$0x190];
	v56 =	vadd.f32 v17, v17;
	(erf) = vpow2.f32 v44;
	v27 =	vadd.f32 $1.000000000e+00, v8;
	v8 =	vpop (erf)  }
0x23a: {  	v16 =	vmul.f32 $1.442695020e+00, v16;
	(erf) = vrcp.f32 v24;
	v7 =	vpop (erf);
	v48 =	vadd.f32 $1.000000000e+00, v8  }
0x23b: {  	v14 =	vmul.f32 $1.442695020e+00, v14;
	v25 =	vadd.f32 $1.000000000e+00, v7;
	(erf) = vrcp.f32 v27;
	v23 =	vpop (erf)  }
0x23c: {  	v10 =	vadd.f32 v10, v10;
	v11 =	vadd.f32 v11, v11;
	v26 =	vpop (erf);
	(erf) = vrcp.f32 v48  }
0x23d: {  	v59 =	vsub.f32 $1.000000000e+00, v56;
	v23 =	vadd.f32 $1.000000000e+00, v23;
	v50 =	vpop (erf);
	(erf) = vrcp.f32 v25  }
0x23e: {  	v18 =	vadd.f32 v42, v42;
	v49 =	vmul.f32 $1.442695020e+00, v10;
	v10 =	vadd.f32 $1.000000000e+00, v26  }
0x23f: {  	v57 =	vadd.f32 v19, v19;
	v22 =	vmul.f32 $1.442695020e+00, v9;
	v52 =	vpop (erf);
	(erf) = vrcp.f32 v23  }
0x240: {  	v6 =	vadd.f32 v6, v6;
	v54 =	vmul.f32 $1.442695020e+00, v11;
	v11 =	vpop (erf);
	(erf) = vrcp.f32 v10  }
0x241: {  	v18 =	vmul.f32 $1.442695020e+00, v18;
	v61 =	vsub.f32 $1.000000000e+00, v57;
	(erf) = vpow2.f32 v20  }
0x242: {  	s18 =	smov.u32 s12;
	v51 =	vadd.f32 $1.000000000e+00, v50;
	v55 =	vadd.f32 $1.000000000e+00, v11;
	v11 =	vpop (erf);
	(erf) = vpow2.f32 v13  }
0x243: {  	s12 =	smov.u32 s24;
	s24 =	smov.u32 s28;
	v46 =	vld [tilespmem:s18+$0x0];
	v10 =	vadd.f32 v15, v15;
	v58 =	vadd.f32 $1.000000000e+00, v11;
	(erf) = vpow2.f32 v22;
	v11 =	vpop (erf)  }
0x244: {  	v47 =	vld [tilespmem:s24+$0x0];
	v53 =	vadd.f32 $1.000000000e+00, v52;
	(erf) = vpow2.f32 v18;
	v11 =	vadd.f32 v11, v11;
	v60 =	vpop (erf)  }
0x245: {  	v9 =	vld [tilespmem:s16+$0x0];
	[tilespmem:s20+$0xC000] =	vst v61;
	v10 =	vsub.f32 $1.000000000e+00, v10;
	(erf) = vpow2.f32 v16;
	v16 =	vadd.f32 v60, v60;
	v63 =	vpop (erf)  }
0x246: {  	v7 =	vld [tilespmem:s23+$0x0];
	[tilespmem:s5+$0xC000] =	vst v59;
	(erf) = vpow2.f32 v49;
	v24 =	vsub.f32 $1.000000000e+00, v11;
	v28 =	vpop (erf);
	v13 =	vadd.f32 v63, v63  }
0x247: {  	v8 =	vld [tilespmem:s1+$0x0];
	[tilespmem:s15+$0xC000] =	vst v10;
	(erf) = vpow2.f32 v14;
	v30 =	vsub.f32 $1.000000000e+00, v16;
	v14 =	vadd.f32 v28, v28  }
0x248: {  	s17 =	smov.u32 s30;
	v10 =	vadd.f32 v46, v46;
	(erf) = vpow2.f32 v54;
	v31 =	vpop (erf);
	[tilespmem:s22+$0xC000] =	vst v24;
	v13 =	vsub.f32 $1.000000000e+00, v13  }
0x249: {  	p1 =	por !p1, !p1;
	s2 =	simm.s32 $0x1;
	v29 =	vld [tilespmem:s17+$0x0];
	v15 =	vadd.f32 v31, v31;
	(erf) = vrcp.f32 v51;
	v33 =	vpop (erf);
	[tilespmem:s10+$0xC030] =	vst v30;
	v34 =	vsub.f32 $1.000000000e+00, v14  }
0x24a: {  	s2 =	simm.s32 @!p1 $0x0;
	v32 =	vld [tilespmem:s0+$0x0];
	v10 =	vmul.f32 $1.442695020e+00, v10;
	v35 =	vadd.f32 v33, v33;
	(erf) = vrcp.f32 v53;
	v36 =	vpop (erf);
	[tilespmem:s14+$0xC000] =	vst v13  }
0x24b: {  	s2 =	sshll.u32 s2, $0x6;
	v62 =	vld [tilespmem:s9+$0x0];
	s22 =	sor.u32 $0x300, s29;
	v19 =	vadd.f32 $1.000000000e+00, v36;
	v37 =	vsub.f32 $1.000000000e+00, v15;
	(erf) = vrcp.f32 v55;
	v38 =	vpop (erf);
	[tilespmem:s10+$0xC0B0] =	vst v34  }
0x24c: {  	s3 =	smov.u32 s6;
	s6 =	smov.u32 s31;
	s31 =	sadd.s32 s2, s26;
	v39 =	vadd.f32 $1.000000000e+00, v38;
	v40 =	vsub.f32 $1.000000000e+00, v35;
	(erf) = vrcp.f32 v58;
	v41 =	vpop (erf);
	v42 =	vld [tilespmem:s22+$0x0]  }
0x24d: {  	[dreg:$0x13] =	wrdreg s23;
	s23 =	sadd.s32 $0x30, s31;
	v11 =	vadd.f32 v47, v47;
	v43 =	vadd.f32 $1.000000000e+00, v41;
	[tilespmem:s10+$0xC130] =	vst v37;
	(erf) = vrcp.f32 v19;
	v44 =	vpop (erf)  }
0x24e: {  	v47 =	vadd.f32 v29, v29;
	s14 =	sor.u32 $0x200, s23;
	v45 =	vadd.f32 $1.000000000e+00, v44;
	[tilespmem:s10+$0xC1B0] =	vst v40;
	(erf) = vrcp.f32 v39;
	v46 =	vpop (erf)  }
0x24f: {  	v16 =	vadd.f32 v32, v32;
	v48 =	vadd.f32 $1.000000000e+00, v46;
	v49 =	vld [tilespmem:s14+$0x0];
	(erf) = vrcp.f32 v43;
	v50 =	vpop (erf)  }
0x250: {  	v18 =	vadd.f32 v62, v62;
	v14 =	vadd.f32 $1.000000000e+00, v50;
	(erf) = vrcp.f32 v45;
	v51 =	vpop (erf)  }
0x251: {  	v15 =	vadd.f32 $1.000000000e+00, v51;
	(erf) = vrcp.f32 v48;
	v52 =	vpop (erf);
	v17 =	vadd.f32 v42, v42  }
0x252: {  	v16 =	vmul.f32 $1.442695020e+00, v16;
	v12 =	vadd.f32 $1.000000000e+00, v52;
	v53 =	vpop (erf);
	(erf) = vrcp.f32 v14  }
0x253: {  	v54 =	vadd.f32 v53, v53;
	v55 =	vpop (erf);
	(erf) = vrcp.f32 v15;
	v56 =	vmul.f32 $1.442695020e+00, v17  }
0x254: {  	v57 =	vadd.f32 v55, v55;
	v19 =	vadd.f32 v49, v49;
	v58 =	vpop (erf);
	(erf) = vrcp.f32 v12  }
0x255: {  	v59 =	vsub.f32 $1.000000000e+00, v54;
	v60 =	vadd.f32 v58, v58;
	v61 =	vpop (erf);
	(erf) = vpow2.f32 v56  }
0x256: {  	v62 =	vsub.f32 $1.000000000e+00, v57;
	v63 =	vadd.f32 v61, v61;
	v24 =	vmul.f32 $1.442695020e+00, v19;
	v25 =	vpop (erf)  }
0x257: {  	v18 =	vmul.f32 $1.442695020e+00, v18;
	[tilespmem:s10+$0xC000] =	vst v59;
	v26 =	vsub.f32 $1.000000000e+00, v60;
	v27 =	vadd.f32 v25, v25;
	v28 =	vpop (erf)  }
0x258: {  	[tilespmem:s10+$0xC080] =	vst v62;
	v29 =	vsub.f32 $1.000000000e+00, v63;
	v30 =	vadd.f32 v28, v28;
	v31 =	vpop (erf);
	(erf) = vpow2.f32 v24  }
0x259: {  	v13 =	vmul.f32 $1.442695020e+00, v47;
	[tilespmem:s10+$0xC100] =	vst v26;
	v32 =	vsub.f32 $1.000000000e+00, v27;
	v33 =	vadd.f32 v31, v31;
	v34 =	vpop (erf)  }
0x25a: {  	(erf) = vpow2.f32 v18;
	[tilespmem:s10+$0xC180] =	vst v29;
	v35 =	vsub.f32 $1.000000000e+00, v30;
	v19 =	vadd.f32 v34, v34;
	v36 =	vpop (erf)  }
0x25b: {  	s15 =	sor.u32 $0x200, s31;
	(erf) = vpow2.f32 v13;
	[tilespmem:s10+$0xC010] =	vst v32;
	v38 =	vsub.f32 $1.000000000e+00, v33;
	v39 =	vadd.f32 v36, v36;
	v40 =	vpop (erf)  }
0x25c: {  	v37 =	vld [tilespmem:s15+$0x0];
	(erf) = vpow2.f32 v16;
	[tilespmem:s10+$0xC090] =	vst v35;
	v41 =	vsub.f32 $1.000000000e+00, v19;
	v42 =	vadd.f32 v40, v40;
	v43 =	vpop (erf)  }
0x25d: {  	s2 =	sadd.s32 $0x10, s31;
	v11 =	vmul.f32 $1.442695020e+00, v11;
	[tilespmem:s10+$0xC110] =	vst v38;
	v44 =	vsub.f32 $1.000000000e+00, v39;
	v45 =	vadd.f32 v43, v43;
	v46 =	vpop (erf)  }
0x25e: {  	s5 =	sor.u32 $0x200, s2;
	[tilespmem:s10+$0xC190] =	vst v41;
	v47 =	vsub.f32 $1.000000000e+00, v42;
	v48 =	vadd.f32 v46, v46;
	v49 =	vpop (erf);
	(erf) = vpow2.f32 v10  }
0x25f: {  	v10 =	vld [tilespmem:s5+$0x0];
	[tilespmem:s10+$0xC020] =	vst v44;
	v50 =	vsub.f32 $1.000000000e+00, v45;
	v51 =	vadd.f32 $1.000000000e+00, v49  }
0x260: {  	v9 =	vadd.f32 v9, v9;
	(erf) = vpow2.f32 v11;
	[tilespmem:s10+$0xC0A0] =	vst v47;
	v52 =	vsub.f32 $1.000000000e+00, v48  }
0x261: {  	[dreg:$0x12] =	wrdreg s1;
	s1 =	sadd.s32 $0x20, s31;
	v11 =	vadd.f32 v37, v37;
	[tilespmem:s10+$0xC120] =	vst v50;
	v53 =	vpop (erf);
	(erf) = vrcp.f32 v51  }
0x262: {  	v6 =	vsub.f32 $1.000000000e+00, v6;
	s20 =	sor.u32 $0x200, s1;
	v9 =	vmul.f32 $1.442695020e+00, v9;
	[tilespmem:s10+$0xC1A0] =	vst v52;
	v12 =	vadd.f32 $1.000000000e+00, v53  }
0x263: {  	v7 =	vadd.f32 v7, v7;
	v55 =	vadd.f32 v8, v8;
	v11 =	vmul.f32 $1.442695020e+00, v11;
	v54 =	vpop (erf);
	v15 =	vld [tilespmem:s20+$0x0]  }
0x264: {  	s11 =	rddreg [dreg:$0x1c];
	v8 =	vadd.f32 $1.000000000e+00, v54;
	v56 =	vpop (erf);
	v10 =	vadd.f32 v10, v10;
	(erf) = vrcp.f32 v12  }
0x265: {  	v61 =	vmul.f32 $1.442695020e+00, v55;
	[tilespmem:s11+$0xC000] =	vst v6;
	v57 =	vadd.f32 $1.000000000e+00, v56;
	v58 =	vpop (erf);
	(erf) = vpow2.f32 v11  }
0x266: {  	v6 =	vadd.f32 $1.000000000e+00, v2;
	v60 =	vld [tilespmem:s8+$0x0];
	v59 =	vmul.f32 $1.442695020e+00, v10;
	(erf) = vrcp.f32 v8  }
0x267: {  	s25 =	sadd.s32 $0x4, s25;
	[dreg:$0x18] =	wrdreg s6;
	v11 =	vadd.f32 $1.000000000e+00, v58;
	v8 =	vadd.f32 $1.000000000e+00, v1;
	(erf) = vrcp.f32 v57;
	v1 =	vpop (erf)  }
0x268: {  	s7 =	sadd.s32 $0x40, s7;
	p2 =	slt.u32 s25, $0xBC;
	[dreg:$0xe] =	wrdreg s3;
	v2 =	vadd.f32 v15, v15;
	(erf) = vpow2.f32 v59;
	v1 =	vadd.f32 $1.000000000e+00, v1  }
0x269: {  	s26 =	sadd.s32 $0x200, s26;
	s28 =	smov.u32 s21;
	[dreg:$0x16] =	wrdreg s18;
	v10 =	vpop (erf);
	(erf) = vrcp.f32 v11;
	v11 =	vmul.f32 $1.442695020e+00, v7;
	v7 =	vadd.f32 $1.000000000e+00, v0  }
0x26a: {  	s30 =	sor.u32 $0x280, s2;
	s21 =	sor.u32 $0x300, s2;
	[dreg:$0x19] =	wrdreg s24;
	v10 =	vadd.f32 $1.000000000e+00, v10;
	v2 =	vmul.f32 $1.442695020e+00, v2;
	v62 =	vpop (erf);
	(erf) = vpow2.f32 v9  }
.Ltmp2:
0x26b: {  	s19 =	sor.u32 $0x280, s31;
	s24 =	sor.u32 $0x300, s31;
	v9 =	vadd.f32 v60, v60;
	v0 =	vadd.f32 v62, v62;
	(erf) = vrcp.f32 v1;
	(pc) =	sbr.rel @p2 .LBB2_3-.Ltmp2, $4  }
0x26c: {  	s18 =	sor.u32 $0x280, s1;
	s3 =	sor.u32 $0x300, s1;
	s11 =	sld [smem:$0x7F0];
	v1 =	vadd.f32 v4, v4;
	(erf) = vpow2.f32 v2;
	v2 =	vadd.f32 v3, v3  }
0x26d: {  	s2 =	sor.u32 $0x380, s2;
	s6 =	sor.u32 $0x380, s1;
	s10 =	smov.u32 s16;
	v4 =	vpop (erf);
	v3 =	vmul.f32 $1.442695020e+00, v9;
	v63 =	vsub.f32 $1.000000000e+00, v0;
	(erf) = vrcp.f32 v10  }
0x26e: {  	s31 =	sor.u32 $0x380, s31;
	[dreg:$0x1c] =	wrdreg s10;
	s10 =	smov.u32 s3;
	v10 =	vadd.f32 v4, v4;
	v4 =	vpop (erf);
	v0 =	vadd.f32 v5, v5;
	(erf) = vpow2.f32 v61  }
0x26f: {  	s16 =	smov.u32 s11;
	s11 =	smov.u32 s8;
	v4 =	vadd.f32 $1.000000000e+00, v4;
	v9 =	vpop (erf);
	v2 =	vsub.f32 $1.000000000e+00, v2;
	[tilespmem:s22+$0xC000] =	vst v63;
	s22 =	sor.u32 $0x380, s29;
	(erf) = vpow2.f32 v11  }
0x270: {  	v5 =	vsub.f32 $1.000000000e+00, v10;
	_ =	sdelay $0x1  }
0x271: {  	v30 =	vld [tilespmem:s22+$0x0];
	v31 =	vpop (erf);
	s3 =	sor.u32 $0x280, s23;
	[tilespmem:s14+$0xC000] =	vst v5  }
0x272: {  	(erf) = vpow2.f32 v3;
	v32 =	vpop (erf);
	v11 =	vld [tilespmem:s3+$0x0]  }
0x273: {  	(erf) = vrcp.f32 v4;
	v12 =	vpop (erf)  }
0x274: {  	v3 =	vadd.f32 $1.000000000e+00, v32;
	(erf) = vrcp.f32 v8;
	v33 =	vpop (erf)  }
0x275: {  	(erf) = vrcp.f32 v6;
	v34 =	vpop (erf)  }
0x276: {  	(erf) = vrcp.f32 v3;
	v35 =	vadd.f32 $1.000000000e+00, v33;
	v36 =	vpop (erf);
	v5 =	vadd.f32 v30, v30  }
0x277: {  	(erf) = vrcp.f32 v7;
	v4 =	vadd.f32 $1.000000000e+00, v36;
	v37 =	vadd.f32 v11, v11  }
0x278: {  	v38 =	vpop (erf);
	(erf) = vrcp.f32 v35;
	v39 =	vmul.f32 $1.442695020e+00, v5  }
0x279: {  	v40 =	vpop (erf);
	(erf) = vrcp.f32 v4;
	v41 =	vmul.f32 $1.442695020e+00, v37  }
0x27a: {  	v13 =	vpop (erf);
	(erf) = vpow2.f32 v39  }
0x27b: {  	v14 =	vpop (erf);
	(erf) = vpow2.f32 v41  }
0x27c: {  	v15 =	vpop (erf)  }
0x27d: {  	v5 =	vpop (erf)  }
0x27e: {  	v4 =	vpop (erf)  }
0x27f: {  	v16 =	vpop (erf)  }
0x280: {  	v3 =	vpop (erf)  }
0x281: {  	v17 =	vpop (erf)  }
0x282: {  	v18 =	vpop (erf)  }
0x283: {  	v42 =	vpop (erf)  }
0x284: {  	v6 =	vadd.f32 $1.000000000e+00, v42;
	v19 =	vpop (erf)  }
0x285: {  	v19 =	vadd.f32 $1.000000000e+00, v19  }
0x286: {  	(erf) = vrcp.f32 v6  }
0x287: {  	(erf) = vrcp.f32 v19;
	_ =	sdelay $0x7  }
0x288: {  	v6 =	vpop (erf)  }
0x289: {  	v19 =	vpop (erf)  }
0x28a: {  	v19 =	vadd.f32 v19, v19;
	_ =	sdelay $0x1  }
0x28b: {  	v19 =	vsub.f32 $1.000000000e+00, v19;
	_ =	sdelay $0x1  }
0x28c: {  	s26 =	sor.u32 $0x300, s23;
	[tilespmem:s3+$0xC000] =	vst v19  }
0x28d: {  	v19 =	vld [tilespmem:s26+$0x0];
	_ =	sdelay $0x1  }
0x28e: {  	v15 =	vadd.f32 v15, v15  }
0x28f: {  	v9 =	vadd.f32 v9, v9;
	v16 =	vadd.f32 v16, v16  }
0x290: {  	v15 =	vsub.f32 $1.000000000e+00, v15;
	v18 =	vadd.f32 v18, v18  }
0x291: {  	v16 =	vsub.f32 $1.000000000e+00, v16;
	v19 =	vadd.f32 v19, v19  }
0x292: {  	v10 =	vadd.f32 v31, v31;
	[tilespmem:s15+$0xC000] =	vst v15;
	v43 =	vsub.f32 $1.000000000e+00, v18  }
0x293: {  	v9 =	vsub.f32 $1.000000000e+00, v9;
	v44 =	vld [tilespmem:s19+$0x0];
	[tilespmem:s5+$0xC000] =	vst v16;
	v45 =	vmul.f32 $1.442695020e+00, v19  }
0x294: {  	v10 =	vsub.f32 $1.000000000e+00, v10;
	v46 =	vld [tilespmem:s30+$0x0];
	[tilespmem:s20+$0xC000] =	vst v43  }
0x295: {  	[tilespmem:s9+$0xC000] =	vst v9;
	v47 =	vld [tilespmem:s18+$0x0];
	(erf) = vpow2.f32 v45  }
0x296: {  	[tilespmem:s17+$0xC000] =	vst v10;
	v48 =	vld [tilespmem:s12+$0x0]  }
0x297: {  	v49 =	vld [tilespmem:s28+$0x0]  }
0x298: {  	v16 =	vadd.f32 v44, v44  }
0x299: {  	v15 =	vadd.f32 v46, v46  }
0x29a: {  	v16 =	vmul.f32 $1.442695020e+00, v16;
	v9 =	vadd.f32 v47, v47  }
0x29b: {  	v10 =	vadd.f32 v48, v48;
	v15 =	vmul.f32 $1.442695020e+00, v15  }
0x29c: {  	v18 =	vadd.f32 v49, v49;
	v9 =	vmul.f32 $1.442695020e+00, v9;
	(erf) = vpow2.f32 v16  }
0x29d: {  	v10 =	vmul.f32 $1.442695020e+00, v10;
	(erf) = vpow2.f32 v15  }
0x29e: {  	v12 =	vadd.f32 v12, v12;
	v50 =	vmul.f32 $1.442695020e+00, v18;
	(erf) = vpow2.f32 v9;
	v51 =	vpop (erf)  }
0x29f: {  	(erf) = vpow2.f32 v10;
	v52 =	vadd.f32 $1.000000000e+00, v51  }
0x2a0: {  	v12 =	vsub.f32 $1.000000000e+00, v12;
	(erf) = vpow2.f32 v50  }
0x2a1: {  	v8 =	vadd.f32 v34, v34;
	(erf) = vrcp.f32 v52  }
0x2a2: {  	[tilespmem:s0+$0xC000] =	vst v12  }
0x2a3: {  	v7 =	vadd.f32 v38, v38;
	v8 =	vsub.f32 $1.000000000e+00, v8;
	v53 =	vld [tilespmem:s16+$0x0]  }
0x2a4: {  	s1 =	rddreg [dreg:$0x16]  }
0x2a5: {  	v7 =	vsub.f32 $1.000000000e+00, v7;
	v55 =	vadd.f32 v17, v17;
	[tilespmem:s1+$0xC000] =	vst v8;
	v54 =	vpop (erf)  }
0x2a6: {  	s1 =	rddreg [dreg:$0x19];
	v56 =	vpop (erf)  }
0x2a7: {  	v58 =	vsub.f32 $1.000000000e+00, v55;
	[tilespmem:s1+$0xC000] =	vst v7;
	v10 =	vadd.f32 $1.000000000e+00, v54;
	v57 =	vpop (erf)  }
0x2a8: {  	s1 =	rddreg [dreg:$0x1c];
	v9 =	vadd.f32 v53, v53;
	v59 =	vadd.f32 $1.000000000e+00, v56;
	v60 =	vpop (erf)  }
0x2a9: {  	v61 =	vld [tilespmem:s4+$0x0];
	[tilespmem:s1+$0xC000] =	vst v58;
	v16 =	vadd.f32 $1.000000000e+00, v57;
	(erf) = vrcp.f32 v10;
	v62 =	vpop (erf)  }
0x2aa: {  	v63 =	vld [tilespmem:s13+$0x0];
	s0 =	rddreg [dreg:$0x1e];
	v9 =	vmul.f32 $1.442695020e+00, v9;
	(erf) = vrcp.f32 v59;
	v20 =	vpop (erf)  }
0x2ab: {  	v21 =	vld [tilespmem:s0+$0x0];
	(erf) = vrcp.f32 v16;
	v12 =	vadd.f32 v20, v20  }
0x2ac: {  	(erf) = vpow2.f32 v9  }
0x2ad: {  	v22 =	vsub.f32 $1.000000000e+00, v12  }
0x2ae: {  	v7 =	vadd.f32 v61, v61;
	v23 =	vadd.f32 $1.000000000e+00, v60  }
0x2af: {  	s29 =	sor.u32 $0x380, s23;
	v8 =	vadd.f32 v63, v63;
	v24 =	vadd.f32 $1.000000000e+00, v62;
	[tilespmem:s26+$0xC000] =	vst v22  }
0x2b0: {  	v7 =	vmul.f32 $1.442695020e+00, v7;
	v25 =	vadd.f32 v21, v21;
	(erf) = vrcp.f32 v23;
	v26 =	vld [tilespmem:s29+$0x0]  }
0x2b1: {  	v8 =	vmul.f32 $1.442695020e+00, v8;
	(erf) = vrcp.f32 v24  }
0x2b2: {  	v27 =	vmul.f32 $1.442695020e+00, v25;
	v28 =	vpop (erf);
	(erf) = vpow2.f32 v7  }
0x2b3: {  	v29 =	vadd.f32 $1.000000000e+00, v40;
	v30 =	vpop (erf);
	(erf) = vpow2.f32 v8  }
0x2b4: {  	v31 =	vadd.f32 $1.000000000e+00, v13;
	v32 =	vpop (erf);
	(erf) = vpow2.f32 v27  }
0x2b5: {  	v33 =	vadd.f32 $1.000000000e+00, v14;
	(erf) = vrcp.f32 v29;
	v34 =	vpop (erf);
	v12 =	vadd.f32 v26, v26  }
0x2b6: {  	(erf) = vrcp.f32 v31;
	v10 =	vadd.f32 $1.000000000e+00, v34  }
0x2b7: {  	(erf) = vrcp.f32 v33;
	v35 =	vmul.f32 $1.442695020e+00, v12  }
0x2b8: {  	v7 =	vadd.f32 v28, v28;
	(erf) = vrcp.f32 v10  }
0x2b9: {  	v8 =	vadd.f32 v30, v30;
	v36 =	vpop (erf);
	(erf) = vpow2.f32 v35  }
0x2ba: {  	v7 =	vsub.f32 $1.000000000e+00, v7;
	v37 =	vpop (erf)  }
0x2bb: {  	v8 =	vsub.f32 $1.000000000e+00, v8;
	v38 =	vpop (erf)  }
0x2bc: {  	[tilespmem:s19+$0xC000] =	vst v7;
	v39 =	vpop (erf)  }
0x2bd: {  	[tilespmem:s30+$0xC000] =	vst v8;
	v41 =	vld [tilespmem:s24+$0x0];
	v40 =	vpop (erf)  }
0x2be: {  	v42 =	vld [tilespmem:s21+$0x0];
	v14 =	vpop (erf)  }
0x2bf: {  	v16 =	vpop (erf)  }
0x2c0: {  	v9 =	vadd.f32 v32, v32;
	v17 =	vpop (erf)  }
0x2c1: {  	v43 =	vpop (erf)  }
0x2c2: {  	v9 =	vsub.f32 $1.000000000e+00, v9;
	v13 =	vadd.f32 v41, v41;
	v44 =	vpop (erf)  }
0x2c3: {  	v15 =	vadd.f32 v42, v42;
	v19 =	vadd.f32 $1.000000000e+00, v44  }
0x2c4: {  	[tilespmem:s18+$0xC000] =	vst v9;
	v10 =	vadd.f32 v36, v36;
	v45 =	vmul.f32 $1.442695020e+00, v13  }
0x2c5: {  	v46 =	vld [tilespmem:s10+$0x0];
	v47 =	vadd.f32 v37, v37;
	v15 =	vmul.f32 $1.442695020e+00, v15;
	(erf) = vrcp.f32 v19  }
0x2c6: {  	v10 =	vsub.f32 $1.000000000e+00, v10;
	v48 =	vadd.f32 v43, v43;
	(erf) = vpow2.f32 v45  }
0x2c7: {  	v9 =	vsub.f32 $1.000000000e+00, v47;
	(erf) = vpow2.f32 v15  }
0x2c8: {  	[tilespmem:s12+$0xC000] =	vst v10;
	v11 =	vsub.f32 $1.000000000e+00, v48  }
0x2c9: {  	[tilespmem:s28+$0xC000] =	vst v9  }
0x2ca: {  	v49 =	vadd.f32 v46, v46;
	s9 =	rddreg [dreg:$0x18];
	[tilespmem:s16+$0xC000] =	vst v11  }
0x2cb: {  	v50 =	vld [tilespmem:s9+$0x0];
	s8 =	rddreg [dreg:$0x10]  }
0x2cc: {  	v10 =	vmul.f32 $1.442695020e+00, v49;
	s7 =	rddreg [dreg:$0xe];
	v51 =	vld [tilespmem:s8+$0x0]  }
0x2cd: {  	v52 =	vld [tilespmem:s7+$0x0]  }
0x2ce: {  	(erf) = vpow2.f32 v10;
	v53 =	vpop (erf)  }
0x2cf: {  	v54 =	vpop (erf)  }
0x2d0: {  	v9 =	vadd.f32 v50, v50;
	v10 =	vadd.f32 $1.000000000e+00, v54;
	v55 =	vpop (erf)  }
0x2d1: {  	v11 =	vadd.f32 v51, v51;
	v18 =	vadd.f32 $1.000000000e+00, v55  }
0x2d2: {  	v9 =	vmul.f32 $1.442695020e+00, v9;
	v56 =	vadd.f32 v52, v52;
	(erf) = vrcp.f32 v10  }
0x2d3: {  	v11 =	vmul.f32 $1.442695020e+00, v11;
	(erf) = vrcp.f32 v18  }
0x2d4: {  	v10 =	vmul.f32 $1.442695020e+00, v56;
	(erf) = vpow2.f32 v9  }
0x2d5: {  	v57 =	vadd.f32 $1.000000000e+00, v38;
	(erf) = vpow2.f32 v11  }
0x2d6: {  	v7 =	vadd.f32 $1.000000000e+00, v39;
	(erf) = vpow2.f32 v10  }
0x2d7: {  	v8 =	vadd.f32 $1.000000000e+00, v40;
	v58 =	vpop (erf);
	(erf) = vrcp.f32 v57  }
0x2d8: {  	v59 =	vadd.f32 $1.000000000e+00, v58;
	(erf) = vrcp.f32 v7  }
0x2d9: {  	(erf) = vrcp.f32 v8  }
0x2da: {  	(erf) = vrcp.f32 v59  }
0x2db: {  	v60 =	vpop (erf)  }
0x2dc: {  	v61 =	vpop (erf)  }
0x2dd: {  	v62 =	vpop (erf)  }
0x2de: {  	v63 =	vpop (erf)  }
0x2df: {  	v21 =	vpop (erf)  }
0x2e0: {  	v22 =	vpop (erf)  }
0x2e1: {  	v23 =	vpop (erf)  }
0x2e2: {  	v7 =	vadd.f32 v60, v60;
	v24 =	vpop (erf)  }
0x2e3: {  	v8 =	vadd.f32 v61, v61;
	v25 =	vpop (erf)  }
0x2e4: {  	v7 =	vsub.f32 $1.000000000e+00, v7;
	v19 =	vadd.f32 v25, v25  }
0x2e5: {  	v8 =	vsub.f32 $1.000000000e+00, v8  }
0x2e6: {  	[tilespmem:s24+$0xC000] =	vst v7;
	v26 =	vsub.f32 $1.000000000e+00, v19  }
0x2e7: {  	[tilespmem:s21+$0xC000] =	vst v8;
	v27 =	vld [tilespmem:s31+$0x0]  }
0x2e8: {  	v28 =	vld [tilespmem:s2+$0x0];
	[tilespmem:s10+$0xC000] =	vst v26  }
0x2e9: {  	v29 =	vld [tilespmem:s6+$0x0];
	_ =	sdelay $0x2  }
0x2ea: {  	v8 =	vadd.f32 v27, v27  }
0x2eb: {  	v7 =	vadd.f32 v28, v28  }
0x2ec: {  	v8 =	vmul.f32 $1.442695020e+00, v8;
	v19 =	vadd.f32 v29, v29  }
0x2ed: {  	v7 =	vmul.f32 $1.442695020e+00, v7  }
0x2ee: {  	(erf) = vpow2.f32 v8;
	v30 =	vmul.f32 $1.442695020e+00, v19  }
0x2ef: {  	(erf) = vpow2.f32 v7  }
0x2f0: {  	(erf) = vpow2.f32 v30;
	_ =	sdelay $0x1  }
0x2f1: {  	v6 =	vadd.f32 v6, v6;
	s3 =	rddreg [dreg:$0x4]  }
0x2f2: {  	v1 =	vsub.f32 $1.000000000e+00, v1;
	v0 =	vsub.f32 $1.000000000e+00, v0;
	[tilespmem:s3+$0xC000] =	vst v2  }
0x2f3: {  	v5 =	vadd.f32 v5, v5;
	v6 =	vsub.f32 $1.000000000e+00, v6;
	s3 =	rddreg [dreg:$0x2]  }
0x2f4: {  	v4 =	vadd.f32 v4, v4;
	v31 =	vadd.f32 $1.000000000e+00, v62;
	[tilespmem:s3+$0xC000] =	vst v1  }
0x2f5: {  	v33 =	vadd.f32 v3, v3;
	v32 =	vadd.f32 $1.000000000e+00, v63;
	s3 =	rddreg [dreg:$0x6];
	[tilespmem:s22+$0xC000] =	vst v6  }
0x2f6: {  	v36 =	vsub.f32 $1.000000000e+00, v5;
	v34 =	vadd.f32 $1.000000000e+00, v21;
	[tilespmem:s3+$0xC000] =	vst v0;
	(erf) = vrcp.f32 v31;
	v35 =	vpop (erf)  }
0x2f7: {  	v41 =	vadd.f32 v53, v53;
	s3 =	rddreg [dreg:$0x8];
	(erf) = vrcp.f32 v32;
	v37 =	vpop (erf);
	v7 =	vadd.f32 $1.000000000e+00, v35  }
0x2f8: {  	v38 =	vsub.f32 $1.000000000e+00, v4;
	[tilespmem:s3+$0xC000] =	vst v36;
	(erf) = vrcp.f32 v34;
	v40 =	vadd.f32 $1.000000000e+00, v37;
	v39 =	vpop (erf)  }
0x2f9: {  	v44 =	vsub.f32 $1.000000000e+00, v41;
	s3 =	rddreg [dreg:$0xa];
	(erf) = vrcp.f32 v7;
	v3 =	vadd.f32 $1.000000000e+00, v39  }
0x2fa: {  	v42 =	vsub.f32 $1.000000000e+00, v33;
	v43 =	vadd.f32 v14, v14;
	[tilespmem:s3+$0xC000] =	vst v38;
	(erf) = vrcp.f32 v40  }
0x2fb: {  	v46 =	vadd.f32 v17, v17;
	s3 =	rddreg [dreg:$0xc];
	[tilespmem:s29+$0xC000] =	vst v44;
	(erf) = vrcp.f32 v3  }
0x2fc: {  	v49 =	vadd.f32 v23, v23;
	v2 =	vsub.f32 $1.000000000e+00, v43;
	[tilespmem:s3+$0xC000] =	vst v42  }
0x2fd: {  	v50 =	vadd.f32 v24, v24;
	v1 =	vsub.f32 $1.000000000e+00, v46;
	s1 =	rddreg [dreg:$0x12]  }
0x2fe: {  	v45 =	vadd.f32 v16, v16;
	v52 =	vsub.f32 $1.000000000e+00, v49;
	[tilespmem:s1+$0xC000] =	vst v2  }
0x2ff: {  	v48 =	vadd.f32 v22, v22;
	v0 =	vsub.f32 $1.000000000e+00, v50;
	s1 =	rddreg [dreg:$0x13];
	[tilespmem:s11+$0xC000] =	vst v1;
	v51 =	vpop (erf)  }
0x300: {  	v47 =	vsub.f32 $1.000000000e+00, v45;
	[tilespmem:s13+$0xC000] =	vst v52;
	v53 =	vpop (erf);
	v4 =	vadd.f32 v51, v51  }
0x301: {  	[tilespmem:s0+$0xC000] =	vst v0;
	v3 =	vsub.f32 $1.000000000e+00, v48;
	v54 =	vpop (erf);
	v2 =	vadd.f32 v53, v53  }
0x302: {  	[tilespmem:s1+$0xC000] =	vst v47;
	v55 =	vadd.f32 v54, v54;
	v56 =	vsub.f32 $1.000000000e+00, v4;
	v57 =	vpop (erf)  }
0x303: {  	[tilespmem:s4+$0xC000] =	vst v3;
	v58 =	vsub.f32 $1.000000000e+00, v2;
	v59 =	vpop (erf);
	v4 =	vadd.f32 v57, v57  }
0x304: {  	[tilespmem:s9+$0xC000] =	vst v56;
	v1 =	vsub.f32 $1.000000000e+00, v55;
	v2 =	vadd.f32 v59, v59;
	v60 =	vpop (erf)  }
0x305: {  	[tilespmem:s8+$0xC000] =	vst v58;
	v62 =	vsub.f32 $1.000000000e+00, v4;
	v61 =	vadd.f32 v60, v60  }
0x306: {  	s3 =	sld [smem:$0x7F1];
	[tilespmem:s7+$0xC000] =	vst v1;
	v63 =	vsub.f32 $1.000000000e+00, v2  }
0x307: {  	[tilespmem:s31+$0xC000] =	vst v62;
	v0 =	vsub.f32 $1.000000000e+00, v61  }
0x308: {  	s0 =	sld [smem:$0x7FB];
	[tilespmem:s2+$0xC000] =	vst v63  }
0x309: {  	s4 =	smul.u32 $0x187000, s3;
	p1 =	sne.s32 s3, $0x2;
	[tilespmem:s6+$0xC000] =	vst v0  }
.Ltmp3:
0x30a: {  	s1 =	sld [smem:$0x7F5];
	(pc) =	sbr.rel @p1 .LBB2_6-.Ltmp3, $4  }
0x30b: {  	s0 =	sadd.s32 s0, s4  }
0x30c: {  	s31 =	simm.s32 $0xC000;
	s0 =	sshrl.u32 s0, $0x3  }
0x30d: {  	[smem:$0x7EF] =	sst s4;
	s0 =	sadd.s32 s1, s0;
	s1 =	simm.s32 $0x0  }
0x30e: {  	[hbm4b:s0+s1] =	stream.linear.scatter [tilespmem:s31], [sflag:$0x3], $0x6000, $0x38;
	[tilespmem:$0x18000] =	vst v63  }
.Ltmp4:
0x30f: {  	(pc) =	sbr.rel .LBB2_7-.Ltmp4, $4  }
0x310: {  	s0 =	simm.s32 $0x2  }
0x311: {  	_ =	swait.ge [sflag:s0], $0x6000  }
0x312: {  	[sflag:s0] =	ssyncset.done $0x0  }
0x313: {  	[sflag:s0] =	ssyncadd.s32 $0xFFFFA000  }
.LBB2_6:
0x314: {  	s0 =	sld [smem:$0x7FA];
	_ =	sdelay $0x1  }
0x315: {  	s2 =	sld [smem:$0x7F8]  }
0x316: {  	s0 =	sadd.s32 s4, s0  }
0x317: {  	s0 =	sshrl.u32 s0, $0x3  }
.Ltmp5:
0x318: {  	s31 =	simm.s32 $0x2;
	s0 =	sadd.s32 s2, s0;
	(pc) =	sbr.rel @p0 .LBB2_8-.Ltmp5, $4  }
0x319: {  	[tilespmem:s1], [sflag:$0x1] =	stream.linear.gather [hbm4b:s0+s1], $0x6000, $0x38;
	[tilespmem:$0x18000] =	vst v63  }
0x31a: {  	_ =	swait.ge [sflag:s31], $0x6000  }
0x31b: {  	[sflag:s31] =	ssyncset.done $0x0  }
0x31c: {  	[sflag:s31] =	ssyncadd.s32 $0xFFFFA000  }
.LBB2_7:
0x31d: {  	s0 =	simm.s32 $0x4  }
0x31e: {  	_ =	swait.ge [sflag:s0], $0x6000  }
0x31f: {  	[sflag:s0] =	ssyncset.done $0x0  }
0x320: {  	[sflag:s0] =	ssyncadd.s32 $0xFFFFA000  }
.LBB2_8:
0x321: {  	s0 =	simm.s32 $0x0  }
0x322: {  	s1 =	sand.u32 $0x40, s0;
	s0 =	sand.u32 $0x7C00, s0  }
0x323: {  	s0 =	sor.u32 s1, s0  }
0x324: {  	v0 =	vld [tilespmem:s0+$0x6030]  }
0x325: {  	v1 =	vld [tilespmem:s0+$0x60B0]  }
0x326: {  	v2 =	vld [tilespmem:s0+$0x6130]  }
0x327: {  	v3 =	vld [tilespmem:s0+$0x61B0];
	_ =	sdelay $0x1  }
0x328: {  	v0 =	vadd.f32 v0, v0  }
0x329: {  	v1 =	vadd.f32 v1, v1  }
0x32a: {  	v5 =	vld [tilespmem:s0+$0x6080];
	v2 =	vadd.f32 v2, v2;
	v0 =	vmul.f32 $1.442695020e+00, v0  }
0x32b: {  	v4 =	vld [tilespmem:s0+$0x6000];
	v3 =	vadd.f32 v3, v3;
	v1 =	vmul.f32 $1.442695020e+00, v1  }
0x32c: {  	(erf) = vpow2.f32 v0;
	v0 =	vmul.f32 $1.442695020e+00, v2  }
0x32d: {  	v3 =	vmul.f32 $1.442695020e+00, v3;
	v2 =	vld [tilespmem:s0+$0x6100];
	(erf) = vpow2.f32 v1  }
0x32e: {  	v1 =	vld [tilespmem:s0+$0x6180];
	(erf) = vpow2.f32 v0  }
0x32f: {  	(erf) = vpow2.f32 v3;
	v3 =	vadd.f32 v5, v5  }
0x330: {  	v0 =	vadd.f32 v4, v4  }
0x331: {  	v3 =	vmul.f32 $1.442695020e+00, v3  }
0x332: {  	v6 =	vld [tilespmem:s0+$0x6190];
	v0 =	vmul.f32 $1.442695020e+00, v0;
	v2 =	vadd.f32 v2, v2  }
0x333: {  	v4 =	vld [tilespmem:s0+$0x6010];
	v1 =	vadd.f32 v1, v1  }
0x334: {  	v5 =	vld [tilespmem:s0+$0x6110];
	(erf) = vpow2.f32 v0;
	v2 =	vmul.f32 $1.442695020e+00, v2  }
0x335: {  	v0 =	vld [tilespmem:s0+$0x6090];
	(erf) = vpow2.f32 v3;
	v1 =	vmul.f32 $1.442695020e+00, v1;
	v3 =	vpop (erf)  }
0x336: {  	v7 =	vld [tilespmem:s0+$0x6020];
	(erf) = vpow2.f32 v2;
	v2 =	vadd.f32 $1.000000000e+00, v3;
	v3 =	vpop (erf)  }
0x337: {  	v8 =	vld [tilespmem:s0+$0x60A0];
	(erf) = vpow2.f32 v1;
	v1 =	vadd.f32 $1.000000000e+00, v3;
	v3 =	vpop (erf)  }
0x338: {  	(erf) = vrcp.f32 v2;
	v2 =	vadd.f32 $1.000000000e+00, v3;
	v3 =	vpop (erf)  }
0x339: {  	v3 =	vadd.f32 $1.000000000e+00, v3;
	(erf) = vrcp.f32 v1;
	v1 =	vadd.f32 v4, v4;
	v4 =	vld [tilespmem:s0+$0x6120]  }
0x33a: {  	v0 =	vadd.f32 v0, v0;
	(erf) = vrcp.f32 v2;
	v2 =	vadd.f32 v5, v5;
	v5 =	vld [tilespmem:s0+$0x61A0]  }
0x33b: {  	(erf) = vrcp.f32 v3;
	v3 =	vadd.f32 v6, v6;
	v6 =	vadd.f32 v7, v7  }
0x33c: {  	v8 =	vadd.f32 v8, v8;
	v0 =	vmul.f32 $1.442695020e+00, v0;
	v1 =	vmul.f32 $1.442695020e+00, v1  }
0x33d: {  	v7 =	vpop (erf);
	v2 =	vmul.f32 $1.442695020e+00, v2;
	v3 =	vmul.f32 $1.442695020e+00, v3  }
0x33e: {  	v9 =	vpop (erf);
	(erf) = vpow2.f32 v1;
	v1 =	vadd.f32 v4, v4;
	v4 =	vmul.f32 $1.442695020e+00, v6  }
0x33f: {  	(erf) = vpow2.f32 v0;
	v6 =	vpop (erf);
	v0 =	vadd.f32 v5, v5;
	v5 =	vmul.f32 $1.442695020e+00, v8  }
0x340: {  	(erf) = vpow2.f32 v2;
	v8 =	vpop (erf)  }
0x341: {  	(erf) = vpow2.f32 v3;
	v3 =	vpop (erf)  }
0x342: {  	v1 =	vmul.f32 $1.442695020e+00, v1;
	(erf) = vpow2.f32 v4;
	v3 =	vadd.f32 v3, v3;
	v4 =	vpop (erf)  }
0x343: {  	v0 =	vmul.f32 $1.442695020e+00, v0;
	(erf) = vpow2.f32 v5;
	v4 =	vadd.f32 v4, v4;
	v5 =	vpop (erf)  }
0x344: {  	(erf) = vpow2.f32 v1;
	v1 =	vsub.f32 $1.000000000e+00, v3;
	v3 =	vadd.f32 v5, v5;
	v5 =	vpop (erf)  }
0x345: {  	(erf) = vpow2.f32 v0;
	v0 =	vsub.f32 $1.000000000e+00, v4;
	v4 =	vadd.f32 v5, v5  }
0x346: {  	v2 =	vadd.f32 $1.000000000e+00, v7  }
0x347: {  	v7 =	vadd.f32 $1.000000000e+00, v9  }
0x348: {  	(erf) = vrcp.f32 v2;
	v2 =	vadd.f32 $1.000000000e+00, v8;
	[tilespmem:s0+$0x12030] =	vst v1;
	v1 =	vsub.f32 $1.000000000e+00, v3;
	v3 =	vpop (erf)  }
0x349: {  	p0 =	por $0x0, $0x0;
	s1 =	simm.s32 $0x1;
	v5 =	vadd.f32 $1.000000000e+00, v6;
	[tilespmem:s0+$0x120B0] =	vst v0;
	v0 =	vsub.f32 $1.000000000e+00, v4;
	v4 =	vpop (erf)  }
0x34a: {  	s1 =	simm.s32 @!p0 $0x0;
	(erf) = vrcp.f32 v7;
	[tilespmem:s0+$0x12130] =	vst v1;
	v1 =	vadd.f32 $1.000000000e+00, v4  }
0x34b: {  	s1 =	sshll.u32 s1, $0x6;
	(erf) = vrcp.f32 v5;
	v3 =	vadd.f32 $1.000000000e+00, v3  }
0x34c: {  	s22 =	sadd.s32 $0x0, s1;
	(erf) = vrcp.f32 v2;
	v2 =	vpop (erf)  }
0x34d: {  	s2 =	sadd.s32 $0x30, s22;
	[tilespmem:s0+$0x121B0] =	vst v0;
	v0 =	vadd.f32 $1.000000000e+00, v2;
	(erf) = vrcp.f32 v3;
	v2 =	vpop (erf)  }
0x34e: {  	s7 =	sor.u32 $0x200, s2;
	v2 =	vadd.f32 $1.000000000e+00, v2;
	(erf) = vrcp.f32 v1;
	v1 =	vpop (erf)  }
0x34f: {  	v3 =	vld [tilespmem:s7+$0x6000];
	v1 =	vadd.f32 $1.000000000e+00, v1;
	_ =	sdelay $0x1  }
0x350: {  	(erf) = vrcp.f32 v0;
	v0 =	vpop (erf)  }
0x351: {  	(erf) = vrcp.f32 v2;
	v0 =	vadd.f32 $1.000000000e+00, v0;
	v2 =	vpop (erf)  }
0x352: {  	(erf) = vrcp.f32 v1;
	v1 =	vpop (erf)  }
0x353: {  	v2 =	vadd.f32 $1.000000000e+00, v2;
	(erf) = vrcp.f32 v0;
	v0 =	vadd.f32 v3, v3;
	v4 =	vpop (erf)  }
0x354: {  	v1 =	vadd.f32 $1.000000000e+00, v1;
	v3 =	vadd.f32 v4, v4;
	v4 =	vpop (erf)  }
0x355: {  	(erf) = vrcp.f32 v2;
	v2 =	vadd.f32 v4, v4;
	v4 =	vpop (erf)  }
0x356: {  	(erf) = vrcp.f32 v1;
	v1 =	vsub.f32 $1.000000000e+00, v3;
	v3 =	vadd.f32 v4, v4;
	v4 =	vpop (erf)  }
0x357: {  	v4 =	vadd.f32 v4, v4  }
0x358: {  	v0 =	vmul.f32 $1.442695020e+00, v0  }
0x359: {  	v2 =	vsub.f32 $1.000000000e+00, v2;
	v5 =	vpop (erf)  }
0x35a: {  	(erf) = vpow2.f32 v0;
	[tilespmem:s0+$0x12000] =	vst v1;
	v0 =	vsub.f32 $1.000000000e+00, v3;
	v1 =	vadd.f32 v5, v5;
	v3 =	vpop (erf)  }
0x35b: {  	[tilespmem:s0+$0x12080] =	vst v2;
	v2 =	vsub.f32 $1.000000000e+00, v4;
	v3 =	vadd.f32 v3, v3;
	v4 =	vpop (erf)  }
0x35c: {  	[tilespmem:s0+$0x12100] =	vst v0;
	v0 =	vsub.f32 $1.000000000e+00, v1;
	v1 =	vadd.f32 v4, v4;
	v4 =	vpop (erf)  }
0x35d: {  	[tilespmem:s0+$0x12180] =	vst v2;
	v2 =	vsub.f32 $1.000000000e+00, v3;
	v3 =	vadd.f32 v4, v4;
	v4 =	vpop (erf)  }
0x35e: {  	[tilespmem:s0+$0x12010] =	vst v0;
	v0 =	vsub.f32 $1.000000000e+00, v1;
	v1 =	vadd.f32 v4, v4;
	v4 =	vpop (erf)  }
0x35f: {  	[tilespmem:s0+$0x12090] =	vst v2;
	v2 =	vsub.f32 $1.000000000e+00, v3;
	v3 =	vadd.f32 v4, v4;
	v4 =	vpop (erf)  }
0x360: {  	[tilespmem:s0+$0x12110] =	vst v0;
	v0 =	vsub.f32 $1.000000000e+00, v1;
	v1 =	vadd.f32 v4, v4;
	_ =	sdelay $0x1  }
0x361: {  	v4 =	vpop (erf);
	[tilespmem:s0+$0x12190] =	vst v2;
	v2 =	vsub.f32 $1.000000000e+00, v3  }
0x362: {  	s1 =	sadd.s32 $0x10, s22;
	v3 =	vadd.f32 v4, v4;
	[tilespmem:s0+$0x12020] =	vst v0;
	v0 =	vsub.f32 $1.000000000e+00, v1  }
0x363: {  	s5 =	sor.u32 $0x200, s1;
	[tilespmem:s0+$0x120A0] =	vst v2;
	v1 =	vpop (erf)  }
0x364: {  	s6 =	sor.u32 $0x200, s22;
	v2 =	vsub.f32 $1.000000000e+00, v3;
	[tilespmem:s0+$0x12120] =	vst v0;
	v0 =	vld [tilespmem:s5+$0x6000];
	v1 =	vadd.f32 $1.000000000e+00, v1  }
0x365: {  	s24 =	sadd.s32 $0x20, s22;
	v3 =	vld [tilespmem:s6+$0x6000]  }
0x366: {  	s3 =	sor.u32 $0x200, s24;
	[tilespmem:s0+$0x121A0] =	vst v2;
	(erf) = vrcp.f32 v1  }
0x367: {  	v1 =	vld [tilespmem:s3+$0x6000];
	_ =	sdelay $0x1  }
0x368: {  	v0 =	vadd.f32 v0, v0  }
0x369: {  	v2 =	vadd.f32 v3, v3  }
0x36a: {  	v0 =	vmul.f32 $1.442695020e+00, v0  }
0x36b: {  	v2 =	vmul.f32 $1.442695020e+00, v2;
	v1 =	vadd.f32 v1, v1;
	_ =	sdelay $0x1  }
0x36c: {  	(erf) = vpow2.f32 v2;
	v1 =	vmul.f32 $1.442695020e+00, v1  }
0x36d: {  	(erf) = vpow2.f32 v0;
	v0 =	vpop (erf)  }
0x36e: {  	(erf) = vpow2.f32 v1;
	v0 =	vadd.f32 v0, v0  }
0x36f: {  	s26 =	simm.s32 $0x200;
	s4 =	simm.s32 $0x40  }
0x370: {  	s4 =	sand.u32 $0x40, s4;
	s0 =	sand.u32 $0x7C00, s26;
	v0 =	vsub.f32 $1.000000000e+00, v0  }
0x371: {  	s4 =	sor.u32 s4, s0  }
0x372: {  	s31 =	sor.u32 $0x280, s2;
	v1 =	vld [tilespmem:s4+$0x6030];
	[tilespmem:s7+$0x12000] =	vst v0  }
0x373: {  	v0 =	vld [tilespmem:s31+$0x6000]  }
0x374: {  	v2 =	vld [tilespmem:s4+$0x60B0]  }
0x375: {  	v4 =	vld [tilespmem:s4+$0x6130];
	v3 =	vpop (erf)  }
0x376: {  	v3 =	vadd.f32 $1.000000000e+00, v3;
	v5 =	vpop (erf)  }
0x377: {  	v6 =	vld [tilespmem:s4+$0x61B0];
	v1 =	vadd.f32 v1, v1;
	v5 =	vadd.f32 $1.000000000e+00, v5;
	v7 =	vpop (erf)  }
0x378: {  	(erf) = vrcp.f32 v3;
	v3 =	vadd.f32 $1.000000000e+00, v7;
	v0 =	vadd.f32 v0, v0  }
0x379: {  	v2 =	vadd.f32 v2, v2;
	v1 =	vmul.f32 $1.442695020e+00, v1;
	(erf) = vrcp.f32 v5;
	v7 =	vld [tilespmem:s4+$0x6080]  }
0x37a: {  	v5 =	vld [tilespmem:s4+$0x6000];
	(erf) = vrcp.f32 v3;
	v3 =	vadd.f32 v4, v4;
	v0 =	vmul.f32 $1.442695020e+00, v0  }
0x37b: {  	v2 =	vmul.f32 $1.442695020e+00, v2;
	(erf) = vpow2.f32 v1  }
0x37c: {  	v6 =	vadd.f32 v6, v6;
	v3 =	vmul.f32 $1.442695020e+00, v3;
	(erf) = vpow2.f32 v0  }
0x37d: {  	v4 =	vld [tilespmem:s4+$0x6100];
	(erf) = vpow2.f32 v2  }
0x37e: {  	v6 =	vmul.f32 $1.442695020e+00, v6;
	v1 =	vld [tilespmem:s4+$0x6180];
	(erf) = vpow2.f32 v3;
	v3 =	vadd.f32 v7, v7  }
0x37f: {  	v2 =	vadd.f32 v5, v5;
	v5 =	vld [tilespmem:s4+$0x6090]  }
0x380: {  	v3 =	vmul.f32 $1.442695020e+00, v3  }
0x381: {  	v2 =	vmul.f32 $1.442695020e+00, v2  }
0x382: {  	v4 =	vadd.f32 v4, v4;
	(erf) = vpow2.f32 v6;
	v6 =	vpop (erf)  }
0x383: {  	v8 =	vld [tilespmem:s4+$0x6190];
	v1 =	vadd.f32 v1, v1;
	v9 =	vpop (erf);
	(erf) = vpow2.f32 v2  }
0x384: {  	v0 =	vld [tilespmem:s4+$0x6010];
	v4 =	vmul.f32 $1.442695020e+00, v4;
	v5 =	vadd.f32 v5, v5;
	(erf) = vpow2.f32 v3;
	v3 =	vpop (erf)  }
0x385: {  	v7 =	vld [tilespmem:s4+$0x6110];
	v1 =	vmul.f32 $1.442695020e+00, v1;
	v11 =	vpop (erf)  }
0x386: {  	(erf) = vpow2.f32 v4;
	v4 =	vmul.f32 $1.442695020e+00, v5;
	v5 =	vadd.f32 $1.000000000e+00, v11  }
0x387: {  	v13 =	vld [tilespmem:s4+$0x61A0]  }
0x388: {  	v8 =	vadd.f32 v8, v8;
	v2 =	vld [tilespmem:s4+$0x6020];
	v11 =	vpop (erf)  }
0x389: {  	v12 =	vld [tilespmem:s4+$0x6120];
	v0 =	vadd.f32 v0, v0;
	(erf) = vpow2.f32 v1;
	v1 =	vpop (erf);
	v11 =	vadd.f32 $1.000000000e+00, v11  }
0x38a: {  	v10 =	vld [tilespmem:s4+$0x60A0];
	v7 =	vadd.f32 v7, v7;
	v1 =	vadd.f32 $1.000000000e+00, v1;
	(erf) = vrcp.f32 v5;
	v5 =	vpop (erf)  }
0x38b: {  	v0 =	vmul.f32 $1.442695020e+00, v0;
	(erf) = vrcp.f32 v11;
	v5 =	vadd.f32 $1.000000000e+00, v5;
	v14 =	vpop (erf)  }
0x38c: {  	v7 =	vmul.f32 $1.442695020e+00, v7;
	(erf) = vrcp.f32 v1;
	v11 =	vadd.f32 $1.000000000e+00, v14  }
0x38d: {  	v2 =	vadd.f32 v2, v2;
	(erf) = vrcp.f32 v5;
	v5 =	vadd.f32 v13, v13  }
0x38e: {  	v1 =	vmul.f32 $1.442695020e+00, v8;
	v8 =	vadd.f32 v12, v12;
	(erf) = vrcp.f32 v11  }
0x38f: {  	v10 =	vadd.f32 v10, v10;
	v2 =	vmul.f32 $1.442695020e+00, v2;
	v38 =	vpop (erf);
	(erf) = vpow2.f32 v0  }
0x390: {  	v9 =	vadd.f32 v9, v9;
	v39 =	vpop (erf);
	v0 =	vmul.f32 $1.442695020e+00, v8;
	(erf) = vpow2.f32 v4  }
0x391: {  	v6 =	vadd.f32 v6, v6;
	v4 =	vmul.f32 $1.442695020e+00, v5;
	v5 =	vpop (erf);
	(erf) = vpow2.f32 v7  }
0x392: {  	v10 =	vmul.f32 $1.442695020e+00, v10;
	v7 =	vpop (erf);
	(erf) = vpow2.f32 v1  }
0x393: {  	v1 =	vadd.f32 v3, v3;
	v3 =	vsub.f32 $1.000000000e+00, v6;
	(erf) = vpow2.f32 v2;
	v2 =	vpop (erf)  }
0x394: {  	v6 =	vsub.f32 $1.000000000e+00, v9;
	v2 =	vadd.f32 v2, v2;
	(erf) = vpow2.f32 v10;
	v9 =	vpop (erf)  }
0x395: {  	v11 =	vadd.f32 $1.000000000e+00, v38;
	v1 =	vsub.f32 $1.000000000e+00, v1;
	(erf) = vpow2.f32 v0;
	v0 =	vpop (erf)  }
0x396: {  	v8 =	vadd.f32 $1.000000000e+00, v39;
	[tilespmem:s6+$0x12000] =	vst v3;
	v2 =	vsub.f32 $1.000000000e+00, v2;
	(erf) = vpow2.f32 v4;
	v4 =	vpop (erf)  }
0x397: {  	v0 =	vadd.f32 v0, v0;
	[tilespmem:s3+$0x12000] =	vst v1;
	v1 =	vadd.f32 v4, v4;
	v4 =	vpop (erf)  }
0x398: {  	v3 =	vadd.f32 v9, v9;
	[tilespmem:s4+$0x12030] =	vst v2;
	v2 =	vadd.f32 v4, v4  }
0x399: {  	v0 =	vsub.f32 $1.000000000e+00, v0;
	v1 =	vsub.f32 $1.000000000e+00, v1  }
0x39a: {  	p0 =	por !p0, !p0;
	s7 =	simm.s32 $0x1;
	v5 =	vadd.f32 $1.000000000e+00, v5;
	[tilespmem:s5+$0x12000] =	vst v6;
	s5 =	sor.u32 $0x280, s22;
	(erf) = vrcp.f32 v11;
	v3 =	vsub.f32 $1.000000000e+00, v3;
	v4 =	vpop (erf)  }
0x39b: {  	s7 =	simm.s32 @!p0 $0x0;
	v7 =	vadd.f32 $1.000000000e+00, v7;
	v6 =	vld [tilespmem:s5+$0x6000];
	(erf) = vrcp.f32 v8;
	v8 =	vpop (erf);
	[tilespmem:s4+$0x120B0] =	vst v0;
	v0 =	vsub.f32 $1.000000000e+00, v2  }
0x39c: {  	s16 =	sor.u32 $0x300, s2;
	s8 =	sshll.u32 s7, $0x6;
	[tilespmem:s31+$0x12000] =	vst v3;
	v4 =	vadd.f32 $1.000000000e+00, v4;
	(erf) = vrcp.f32 v5;
	v2 =	vpop (erf)  }
0x39d: {  	s25 =	sadd.s32 $0x200, s8;
	v5 =	vadd.f32 $1.000000000e+00, v8;
	(erf) = vrcp.f32 v7;
	v7 =	vld [tilespmem:s16+$0x6000];
	[tilespmem:s4+$0x12130] =	vst v1;
	v1 =	vpop (erf);
	v2 =	vadd.f32 $1.000000000e+00, v2  }
0x39e: {  	s0 =	sadd.s32 $0x30, s25;
	(erf) = vrcp.f32 v4;
	v1 =	vadd.f32 $1.000000000e+00, v1  }
0x39f: {  	s12 =	sor.u32 $0x200, s0;
	[tilespmem:s4+$0x121B0] =	vst v0;
	(erf) = vrcp.f32 v5;
	v0 =	vpop (erf)  }
0x3a0: {  	v4 =	vadd.f32 v6, v6;
	v5 =	vld [tilespmem:s12+$0x6000];
	v6 =	vpop (erf);
	v0 =	vadd.f32 $1.000000000e+00, v0;
	(erf) = vrcp.f32 v2  }
0x3a1: {  	v6 =	vadd.f32 $1.000000000e+00, v6;
	(erf) = vrcp.f32 v1;
	v2 =	vpop (erf)  }
0x3a2: {  	(erf) = vrcp.f32 v0;
	v0 =	vadd.f32 v7, v7;
	v1 =	vpop (erf);
	v2 =	vadd.f32 $1.000000000e+00, v2  }
0x3a3: {  	v7 =	vpop (erf);
	v1 =	vadd.f32 $1.000000000e+00, v1;
	(erf) = vrcp.f32 v6  }
0x3a4: {  	v0 =	vmul.f32 $1.442695020e+00, v0;
	v6 =	vadd.f32 v7, v7;
	v7 =	vpop (erf);
	(erf) = vrcp.f32 v2  }
0x3a5: {  	v2 =	vadd.f32 v5, v5;
	v5 =	vadd.f32 v7, v7;
	v7 =	vpop (erf);
	(erf) = vrcp.f32 v1  }
0x3a6: {  	v1 =	vsub.f32 $1.000000000e+00, v6;
	v6 =	vadd.f32 v7, v7;
	v7 =	vpop (erf);
	(erf) = vpow2.f32 v0  }
0x3a7: {  	v0 =	vmul.f32 $1.442695020e+00, v2;
	v2 =	vsub.f32 $1.000000000e+00, v5;
	v5 =	vadd.f32 v7, v7;
	v7 =	vpop (erf)  }
0x3a8: {  	[tilespmem:s4+$0x12000] =	vst v1;
	v1 =	vsub.f32 $1.000000000e+00, v6;
	v6 =	vadd.f32 v7, v7;
	_ =	sdelay $0x1  }
0x3a9: {  	v7 =	vpop (erf)  }
0x3aa: {  	(erf) = vpow2.f32 v0;
	[tilespmem:s4+$0x12080] =	vst v2;
	v0 =	vsub.f32 $1.000000000e+00, v5;
	v2 =	vadd.f32 v7, v7;
	v5 =	vpop (erf)  }
0x3ab: {  	s13 =	sor.u32 $0x280, s1;
	[tilespmem:s4+$0x12100] =	vst v1;
	v1 =	vsub.f32 $1.000000000e+00, v6;
	v5 =	vadd.f32 v5, v5;
	v6 =	vpop (erf)  }
0x3ac: {  	v9 =	vld [tilespmem:s13+$0x6000];
	v4 =	vmul.f32 $1.442695020e+00, v4;
	[tilespmem:s4+$0x12180] =	vst v0;
	v0 =	vsub.f32 $1.000000000e+00, v2;
	v2 =	vadd.f32 v6, v6;
	v6 =	vpop (erf)  }
0x3ad: {  	s14 =	sor.u32 $0x280, s24;
	[tilespmem:s4+$0x12010] =	vst v1;
	v1 =	vsub.f32 $1.000000000e+00, v5;
	v5 =	vadd.f32 v6, v6  }
0x3ae: {  	v3 =	vld [tilespmem:s14+$0x6000]  }
0x3af: {  	v6 =	vpop (erf)  }
0x3b0: {  	(erf) = vpow2.f32 v4;
	[tilespmem:s4+$0x12090] =	vst v0;
	v0 =	vsub.f32 $1.000000000e+00, v2;
	v2 =	vadd.f32 v6, v6;
	v4 =	vpop (erf)  }
0x3b1: {  	v8 =	vadd.f32 v9, v9;
	[tilespmem:s4+$0x12110] =	vst v1;
	v1 =	vsub.f32 $1.000000000e+00, v5;
	v5 =	vpop (erf)  }
0x3b2: {  	[tilespmem:s4+$0x12190] =	vst v0;
	v0 =	vsub.f32 $1.000000000e+00, v2;
	v2 =	vadd.f32 v5, v5  }
0x3b3: {  	s9 =	sor.u32 $0x200, s25;
	v3 =	vadd.f32 v3, v3;
	v7 =	vmul.f32 $1.442695020e+00, v8;
	v4 =	vadd.f32 v4, v4  }
0x3b4: {  	v6 =	vld [tilespmem:s9+$0x6000]  }
0x3b5: {  	v3 =	vmul.f32 $1.442695020e+00, v3;
	(erf) = vpow2.f32 v7;
	[tilespmem:s4+$0x12020] =	vst v1;
	v1 =	vsub.f32 $1.000000000e+00, v4;
	v5 =	vpop (erf)  }
0x3b6: {  	s26 =	sadd.s32 $0x10, s25;
	[tilespmem:s4+$0x120A0] =	vst v0;
	v0 =	vsub.f32 $1.000000000e+00, v2;
	v2 =	vpop (erf)  }
0x3b7: {  	s28 =	sadd.s32 $0x20, s25;
	s10 =	sor.u32 $0x200, s26;
	(erf) = vpow2.f32 v3;
	v3 =	vadd.f32 $1.000000000e+00, v5;
	[tilespmem:s4+$0x12120] =	vst v1;
	v1 =	vadd.f32 $1.000000000e+00, v2  }
0x3b8: {  	s11 =	sor.u32 $0x200, s28;
	v4 =	vld [tilespmem:s10+$0x6000];
	[tilespmem:s4+$0x121A0] =	vst v0  }
0x3b9: {  	(erf) = vrcp.f32 v3;
	v0 =	vadd.f32 v6, v6;
	v2 =	vld [tilespmem:s11+$0x6000];
	_ =	sdelay $0x1  }
0x3ba: {  	v0 =	vmul.f32 $1.442695020e+00, v0;
	(erf) = vrcp.f32 v1;
	v1 =	vpop (erf)  }
0x3bb: {  	v1 =	vadd.f32 $1.000000000e+00, v1  }
0x3bc: {  	(erf) = vpow2.f32 v0  }
0x3bd: {  	v4 =	vadd.f32 v4, v4;
	v3 =	vpop (erf);
	(erf) = vrcp.f32 v1;
	v1 =	vadd.f32 v2, v2  }
0x3be: {  	v3 =	vadd.f32 $1.000000000e+00, v3  }
0x3bf: {  	v4 =	vmul.f32 $1.442695020e+00, v4;
	v0 =	vpop (erf);
	v1 =	vmul.f32 $1.442695020e+00, v1  }
0x3c0: {  	v0 =	vadd.f32 $1.000000000e+00, v0;
	(erf) = vrcp.f32 v3  }
0x3c1: {  	v2 =	vpop (erf);
	(erf) = vpow2.f32 v4  }
0x3c2: {  	(erf) = vrcp.f32 v0;
	v0 =	vadd.f32 v2, v2  }
0x3c3: {  	(erf) = vpow2.f32 v1;
	v1 =	vpop (erf)  }
0x3c4: {  	v0 =	vsub.f32 $1.000000000e+00, v0;
	v1 =	vadd.f32 v1, v1;
	_ =	sdelay $0x1  }
0x3c5: {  	s17 =	simm.s32 $0x400;
	s18 =	simm.s32 $0x80;
	[tilespmem:s16+$0x12000] =	vst v0;
	v0 =	vsub.f32 $1.000000000e+00, v1  }
0x3c6: {  	s19 =	sand.u32 $0x40, s18;
	s2 =	sor.u32 $0x380, s2;
	s4 =	sand.u32 $0x7C00, s17  }
0x3c7: {  	s8 =	sor.u32 s19, s4;
	v2 =	vld [tilespmem:s2+$0x6000];
	v1 =	vpop (erf)  }
0x3c8: {  	s20 =	sor.u32 $0x280, s0;
	v4 =	vld [tilespmem:s8+$0x6030];
	[tilespmem:s12+$0x12000] =	vst v0;
	v3 =	vpop (erf)  }
0x3c9: {  	v5 =	vld [tilespmem:s20+$0x6000];
	v0 =	vpop (erf)  }
0x3ca: {  	v7 =	vld [tilespmem:s8+$0x60B0];
	v6 =	vpop (erf)  }
0x3cb: {  	v9 =	vld [tilespmem:s8+$0x6130];
	v1 =	vadd.f32 $1.000000000e+00, v1;
	v8 =	vpop (erf)  }
0x3cc: {  	v11 =	vld [tilespmem:s8+$0x61B0];
	v2 =	vadd.f32 v2, v2;
	v6 =	vadd.f32 $1.000000000e+00, v6;
	v10 =	vpop (erf)  }
0x3cd: {  	v4 =	vadd.f32 v4, v4;
	(erf) = vrcp.f32 v1;
	v1 =	vadd.f32 $1.000000000e+00, v10  }
0x3ce: {  	v2 =	vmul.f32 $1.442695020e+00, v2;
	(erf) = vrcp.f32 v6;
	v6 =	vld [tilespmem:s8+$0x6000];
	v5 =	vadd.f32 v5, v5  }
0x3cf: {  	v10 =	vld [tilespmem:s8+$0x6080];
	(erf) = vrcp.f32 v1;
	v1 =	vmul.f32 $1.442695020e+00, v4;
	v4 =	vadd.f32 v7, v7  }
0x3d0: {  	v7 =	vld [tilespmem:s8+$0x6100];
	(erf) = vpow2.f32 v2;
	v2 =	vadd.f32 v9, v9  }
0x3d1: {  	v11 =	vadd.f32 v11, v11;
	v5 =	vmul.f32 $1.442695020e+00, v5;
	v4 =	vmul.f32 $1.442695020e+00, v4  }
0x3d2: {  	(erf) = vpow2.f32 v1;
	v1 =	vmul.f32 $1.442695020e+00, v2  }
0x3d3: {  	(erf) = vpow2.f32 v5;
	v2 =	vadd.f32 v6, v6;
	v6 =	vmul.f32 $1.442695020e+00, v11  }
0x3d4: {  	v9 =	vld [tilespmem:s8+$0x6180];
	(erf) = vpow2.f32 v4;
	v4 =	vadd.f32 v8, v8;
	v8 =	vadd.f32 v10, v10  }
0x3d5: {  	(erf) = vpow2.f32 v1;
	v7 =	vadd.f32 v7, v7  }
0x3d6: {  	(erf) = vpow2.f32 v6;
	v6 =	vmul.f32 $1.442695020e+00, v8  }
0x3d7: {  	v2 =	vmul.f32 $1.442695020e+00, v2;
	v7 =	vmul.f32 $1.442695020e+00, v7  }
0x3d8: {  	v41 =	vld [tilespmem:s8+$0x6020];
	v0 =	vadd.f32 v0, v0;
	v1 =	vsub.f32 $1.000000000e+00, v4;
	v4 =	vpop (erf)  }
0x3d9: {  	v42 =	vld [tilespmem:s8+$0x6120];
	v8 =	vadd.f32 v9, v9;
	(erf) = vpow2.f32 v2;
	v9 =	vpop (erf)  }
0x3da: {  	v40 =	vsub.f32 $1.000000000e+00, v0;
	v0 =	vld [tilespmem:s8+$0x6010];
	(erf) = vpow2.f32 v6;
	v6 =	vpop (erf)  }
0x3db: {  	v8 =	vmul.f32 $1.442695020e+00, v8;
	(erf) = vpow2.f32 v7;
	v7 =	vpop (erf)  }
0x3dc: {  	v3 =	vadd.f32 v3, v3;
	v7 =	vadd.f32 $1.000000000e+00, v7;
	v15 =	vpop (erf)  }
0x3dd: {  	v13 =	vadd.f32 v41, v41;
	v5 =	vld [tilespmem:s8+$0x6090];
	(erf) = vpow2.f32 v8;
	v8 =	vadd.f32 $1.000000000e+00, v15  }
0x3de: {  	v14 =	vadd.f32 v42, v42;
	v3 =	vsub.f32 $1.000000000e+00, v3;
	v11 =	vld [tilespmem:s8+$0x6190]  }
0x3df: {  	v13 =	vmul.f32 $1.442695020e+00, v13;
	v0 =	vadd.f32 v0, v0;
	v10 =	vld [tilespmem:s8+$0x6110];
	v43 =	vpop (erf)  }
0x3e0: {  	[tilespmem:s5+$0x12000] =	vst v3;
	v3 =	vmul.f32 $1.442695020e+00, v14;
	v2 =	vld [tilespmem:s8+$0x60A0];
	(erf) = vrcp.f32 v7;
	v15 =	vadd.f32 $1.000000000e+00, v43;
	v7 =	vpop (erf)  }
0x3e1: {  	v16 =	vld [tilespmem:s8+$0x61A0];
	v0 =	vmul.f32 $1.442695020e+00, v0;
	(erf) = vrcp.f32 v8;
	v7 =	vadd.f32 $1.000000000e+00, v7;
	v8 =	vpop (erf)  }
0x3e2: {  	v5 =	vadd.f32 v5, v5;
	(erf) = vrcp.f32 v15;
	v8 =	vadd.f32 $1.000000000e+00, v8;
	v17 =	vpop (erf)  }
0x3e3: {  	v11 =	vadd.f32 v11, v11;
	v44 =	vadd.f32 $1.000000000e+00, v17;
	(erf) = vrcp.f32 v7  }
0x3e4: {  	v10 =	vadd.f32 v10, v10;
	v5 =	vmul.f32 $1.442695020e+00, v5;
	v45 =	vpop (erf);
	(erf) = vrcp.f32 v8  }
0x3e5: {  	v11 =	vmul.f32 $1.442695020e+00, v11;
	v2 =	vadd.f32 v2, v2;
	(erf) = vrcp.f32 v44  }
0x3e6: {  	v10 =	vmul.f32 $1.442695020e+00, v10;
	v7 =	vadd.f32 v16, v16;
	v46 =	vpop (erf);
	(erf) = vpow2.f32 v0  }
0x3e7: {  	v2 =	vmul.f32 $1.442695020e+00, v2;
	v48 =	vpop (erf);
	(erf) = vpow2.f32 v5  }
0x3e8: {  	v6 =	vadd.f32 v6, v6;
	v7 =	vmul.f32 $1.442695020e+00, v7;
	v0 =	vpop (erf);
	(erf) = vpow2.f32 v10  }
0x3e9: {  	v5 =	vadd.f32 v9, v9;
	v9 =	vadd.f32 $1.000000000e+00, v0;
	v0 =	vpop (erf);
	(erf) = vpow2.f32 v11  }
0x3ea: {  	v6 =	vsub.f32 $1.000000000e+00, v6;
	v10 =	vpop (erf);
	(erf) = vpow2.f32 v13  }
0x3eb: {  	v5 =	vsub.f32 $1.000000000e+00, v5;
	v10 =	vadd.f32 v10, v10;
	(erf) = vpow2.f32 v2;
	v2 =	vpop (erf)  }
0x3ec: {  	v8 =	vadd.f32 $1.000000000e+00, v45;
	v47 =	vadd.f32 $1.000000000e+00, v46;
	(erf) = vpow2.f32 v3;
	v3 =	vpop (erf)  }
0x3ed: {  	[tilespmem:s10+$0x12000] =	vst v5;
	v2 =	vadd.f32 v2, v2;
	v5 =	vsub.f32 $1.000000000e+00, v10;
	(erf) = vpow2.f32 v7;
	v7 =	vpop (erf)  }
0x3ee: {  	[tilespmem:s11+$0x12000] =	vst v6;
	v3 =	vadd.f32 v3, v3;
	v6 =	vadd.f32 v7, v7;
	v7 =	vpop (erf)  }
0x3ef: {  	v2 =	vsub.f32 $1.000000000e+00, v2;
	[tilespmem:s8+$0x12030] =	vst v5;
	v5 =	vadd.f32 v7, v7;
	v7 =	vpop (erf)  }
0x3f0: {  	v15 =	vadd.f32 $1.000000000e+00, v48;
	(erf) = vrcp.f32 v8;
	v6 =	vsub.f32 $1.000000000e+00, v6;
	v51 =	vpop (erf)  }
0x3f1: {  	v3 =	vsub.f32 $1.000000000e+00, v3;
	(erf) = vrcp.f32 v47;
	[tilespmem:s20+$0x12000] =	vst v2;
	v2 =	vadd.f32 $1.000000000e+00, v51  }
0x3f2: {  	v7 =	vadd.f32 $1.000000000e+00, v7;
	(erf) = vrcp.f32 v15  }
0x3f3: {  	[tilespmem:s8+$0x120B0] =	vst v3;
	v3 =	vsub.f32 $1.000000000e+00, v5;
	(erf) = vrcp.f32 v9;
	v5 =	vpop (erf)  }
0x3f4: {  	p0 =	por !p0, !p0;
	s21 =	sor.u32 $0x280, s26;
	s5 =	simm.s32 $0x1;
	v4 =	vadd.f32 v4, v4;
	[tilespmem:s8+$0x12130] =	vst v6;
	(erf) = vrcp.f32 v7;
	v5 =	vadd.f32 $1.000000000e+00, v5;
	v6 =	vpop (erf)  }
0x3f5: {  	[tilespmem:s13+$0x12000] =	vst v40;
	s5 =	simm.s32 @!p0 $0x0;
	s13 =	sor.u32 $0x300, s0;
	v8 =	vld [tilespmem:s21+$0x6000];
	(erf) = vrcp.f32 v2;
	v6 =	vadd.f32 $1.000000000e+00, v6;
	v2 =	vpop (erf)  }
0x3f6: {  	s5 =	sshll.u32 s5, $0x6;
	v4 =	vsub.f32 $1.000000000e+00, v4;
	v9 =	vld [tilespmem:s13+$0x6000];
	v2 =	vadd.f32 $1.000000000e+00, v2  }
0x3f7: {  	s29 =	sadd.s32 $0x400, s5  }
0x3f8: {  	s5 =	sadd.s32 $0x30, s29;
	[tilespmem:s9+$0x12000] =	vst v4;
	s9 =	sor.u32 $0x280, s25;
	(erf) = vrcp.f32 v5;
	v5 =	vpop (erf)  }
0x3f9: {  	s15 =	sor.u32 $0x200, s5;
	v10 =	vld [tilespmem:s9+$0x6000];
	[tilespmem:s8+$0x121B0] =	vst v3;
	(erf) = vrcp.f32 v6;
	v6 =	vpop (erf)  }
0x3fa: {  	v3 =	vadd.f32 v8, v8;
	v8 =	vld [tilespmem:s15+$0x6000];
	(erf) = vrcp.f32 v2;
	v5 =	vadd.f32 $1.000000000e+00, v5;
	v2 =	vpop (erf)  }
0x3fb: {  	v9 =	vadd.f32 v9, v9;
	v6 =	vadd.f32 $1.000000000e+00, v6;
	v52 =	vpop (erf)  }
0x3fc: {  	(erf) = vrcp.f32 v5;
	v53 =	vpop (erf)  }
0x3fd: {  	(erf) = vrcp.f32 v6;
	v6 =	vmul.f32 $1.442695020e+00, v9;
	v9 =	vadd.f32 v53, v53  }
0x3fe: {  	v2 =	vadd.f32 $1.000000000e+00, v2;
	v5 =	vadd.f32 v52, v52  }
0x3ff: {  	v7 =	vadd.f32 v10, v10;
	v8 =	vadd.f32 v8, v8;
	v54 =	vpop (erf)  }
0x400: {  	(erf) = vrcp.f32 v2;
	v2 =	vsub.f32 $1.000000000e+00, v5;
	v5 =	vadd.f32 v54, v54;
	v55 =	vpop (erf)  }
0x401: {  	s23 =	sor.u32 $0x280, s28;
	[tilespmem:s14+$0x12000] =	vst v1;
	(erf) = vpow2.f32 v6;
	v1 =	vsub.f32 $1.000000000e+00, v9;
	v6 =	vadd.f32 v55, v55;
	v9 =	vpop (erf)  }
0x402: {  	v50 =	vld [tilespmem:s23+$0x6000];
	[tilespmem:s8+$0x12000] =	vst v2;
	v2 =	vsub.f32 $1.000000000e+00, v5;
	v5 =	vadd.f32 v9, v9;
	v9 =	vpop (erf)  }
0x403: {  	s4 =	sor.u32 $0x300, s22;
	v7 =	vmul.f32 $1.442695020e+00, v7;
	[tilespmem:s8+$0x12080] =	vst v1;
	v1 =	vsub.f32 $1.000000000e+00, v6;
	v6 =	vadd.f32 v9, v9;
	v9 =	vpop (erf)  }
0x404: {  	v49 =	vld [tilespmem:s4+$0x6000];
	v8 =	vmul.f32 $1.442695020e+00, v8;
	[tilespmem:s8+$0x12100] =	vst v2;
	v2 =	vsub.f32 $1.000000000e+00, v5;
	v5 =	vadd.f32 v9, v9;
	v9 =	vpop (erf)  }
0x405: {  	[tilespmem:s8+$0x12180] =	vst v1;
	v1 =	vsub.f32 $1.000000000e+00, v6;
	v6 =	vadd.f32 v9, v9  }
0x406: {  	s7 =	sor.u32 $0x300, s1;
	v3 =	vmul.f32 $1.442695020e+00, v3;
	(erf) = vpow2.f32 v8  }
0x407: {  	v11 =	vld [tilespmem:s7+$0x6000];
	v10 =	vadd.f32 v50, v50;
	(erf) = vpow2.f32 v7;
	v7 =	vpop (erf)  }
0x408: {  	(erf) = vpow2.f32 v3;
	[tilespmem:s8+$0x12010] =	vst v2;
	v2 =	vsub.f32 $1.000000000e+00, v5;
	v3 =	vadd.f32 v7, v7;
	v5 =	vpop (erf)  }
0x409: {  	v4 =	vadd.f32 v49, v49;
	v8 =	vmul.f32 $1.442695020e+00, v10;
	[tilespmem:s8+$0x12090] =	vst v1;
	v1 =	vsub.f32 $1.000000000e+00, v6;
	v6 =	vpop (erf)  }
0x40a: {  	s12 =	sor.u32 $0x200, s29;
	[tilespmem:s8+$0x12110] =	vst v2;
	v2 =	vsub.f32 $1.000000000e+00, v3;
	v3 =	vadd.f32 v6, v6  }
0x40b: {  	v7 =	vld [tilespmem:s12+$0x6000];
	(erf) = vpow2.f32 v8;
	v5 =	vadd.f32 v5, v5  }
0x40c: {  	s31 =	sadd.s32 $0x10, s29;
	v4 =	vmul.f32 $1.442695020e+00, v4;
	v11 =	vadd.f32 v11, v11;
	v6 =	vpop (erf);
	[tilespmem:s8+$0x12020] =	vst v2;
	v2 =	vsub.f32 $1.000000000e+00, v3  }
0x40d: {  	s17 =	sor.u32 $0x200, s31;
	[tilespmem:s8+$0x12190] =	vst v1;
	v1 =	vsub.f32 $1.000000000e+00, v5;
	v5 =	vadd.f32 v6, v6;
	v8 =	vpop (erf)  }
0x40e: {  	s6 =	sor.u32 $0x300, s24;
	(erf) = vpow2.f32 v4;
	v4 =	vld [tilespmem:s17+$0x6000];
	v6 =	vmul.f32 $1.442695020e+00, v11;
	v3 =	vadd.f32 $1.000000000e+00, v8  }
0x40f: {  	[tilespmem:s8+$0x120A0] =	vst v1;
	v1 =	vsub.f32 $1.000000000e+00, v5;
	v5 =	vld [tilespmem:s6+$0x6000]  }
0x410: {  	(erf) = vpow2.f32 v6;
	v6 =	vadd.f32 v7, v7;
	[tilespmem:s8+$0x12120] =	vst v2;
	v2 =	vpop (erf)  }
0x411: {  	s30 =	sadd.s32 $0x20, s29;
	(erf) = vrcp.f32 v3;
	[tilespmem:s8+$0x121A0] =	vst v1;
	v1 =	vadd.f32 $1.000000000e+00, v2  }
0x412: {  	s14 =	sor.u32 $0x200, s30;
	v2 =	vmul.f32 $1.442695020e+00, v6;
	v3 =	vpop (erf)  }
0x413: {  	v4 =	vadd.f32 v4, v4;
	v6 =	vld [tilespmem:s14+$0x6000];
	v3 =	vadd.f32 $1.000000000e+00, v3;
	v7 =	vpop (erf);
	(erf) = vrcp.f32 v1  }
0x414: {  	v1 =	vadd.f32 $1.000000000e+00, v7;
	(erf) = vpow2.f32 v2;
	v2 =	vadd.f32 v5, v5;
	v5 =	vpop (erf)  }
0x415: {  	v4 =	vmul.f32 $1.442695020e+00, v4;
	(erf) = vrcp.f32 v3;
	v3 =	vadd.f32 $1.000000000e+00, v5  }
0x416: {  	(erf) = vrcp.f32 v1;
	v1 =	vmul.f32 $1.442695020e+00, v2;
	_ =	sdelay $0x1  }
0x417: {  	v5 =	vadd.f32 v6, v6;
	(erf) = vpow2.f32 v4;
	v2 =	vpop (erf)  }
0x418: {  	(erf) = vrcp.f32 v3;
	v2 =	vadd.f32 $1.000000000e+00, v2;
	v3 =	vpop (erf)  }
0x419: {  	v4 =	vmul.f32 $1.442695020e+00, v5;
	(erf) = vpow2.f32 v1;
	v1 =	vpop (erf)  }
0x41a: {  	(erf) = vrcp.f32 v2;
	v2 =	vadd.f32 $1.000000000e+00, v3;
	v1 =	vadd.f32 v1, v1  }
0x41b: {  	(erf) = vpow2.f32 v4;
	v3 =	vpop (erf)  }
0x41c: {  	v1 =	vsub.f32 $1.000000000e+00, v1;
	(erf) = vrcp.f32 v2;
	v2 =	vadd.f32 v3, v3;
	_ =	sdelay $0x1  }
0x41d: {  	s18 =	simm.s32 $0x600;
	s16 =	simm.s32 $0xC0;
	s0 =	sor.u32 $0x380, s0;
	v3 =	vpop (erf);
	[tilespmem:s13+$0x12000] =	vst v1;
	v1 =	vsub.f32 $1.000000000e+00, v2  }
0x41e: {  	s19 =	sand.u32 $0x40, s16;
	s8 =	sand.u32 $0x7C00, s18;
	v4 =	vpop (erf);
	[smem:$0x7EE] =	sst s0  }
0x41f: {  	s13 =	sor.u32 s19, s8;
	v2 =	vpop (erf);
	v5 =	vld [tilespmem:s0+$0x6000]  }
0x420: {  	v7 =	vld [tilespmem:s13+$0x6030];
	v6 =	vpop (erf)  }
0x421: {  	s20 =	sor.u32 $0x280, s5;
	v3 =	vadd.f32 $1.000000000e+00, v3;
	[tilespmem:s15+$0x12000] =	vst v1;
	v10 =	vld [tilespmem:s13+$0x60B0];
	v1 =	vpop (erf)  }
0x422: {  	v8 =	vld [tilespmem:s20+$0x6000];
	v6 =	vadd.f32 $1.000000000e+00, v6;
	v9 =	vpop (erf)  }
0x423: {  	v0 =	vadd.f32 v0, v0;
	(erf) = vrcp.f32 v3;
	v11 =	vpop (erf);
	v3 =	vadd.f32 $1.000000000e+00, v9;
	v9 =	vld [tilespmem:s13+$0x6130]  }
0x424: {  	(erf) = vrcp.f32 v6;
	v6 =	vld [tilespmem:s13+$0x61B0];
	v56 =	vpop (erf);
	v5 =	vadd.f32 v5, v5  }
0x425: {  	v0 =	vsub.f32 $1.000000000e+00, v0;
	v12 =	vadd.f32 $1.000000000e+00, v56;
	(erf) = vrcp.f32 v3;
	v3 =	vld [tilespmem:s13+$0x6000]  }
0x426: {  	v4 =	vadd.f32 v4, v4;
	v58 =	vld [tilespmem:s13+$0x6080];
	v7 =	vadd.f32 v7, v7;
	v5 =	vmul.f32 $1.442695020e+00, v5  }
0x427: {  	v59 =	vld [tilespmem:s13+$0x6100];
	v10 =	vadd.f32 v10, v10;
	v8 =	vadd.f32 v8, v8;
	(erf) = vrcp.f32 v12  }
0x428: {  	v4 =	vsub.f32 $1.000000000e+00, v4;
	v7 =	vmul.f32 $1.442695020e+00, v7;
	(erf) = vpow2.f32 v5;
	v5 =	vld [tilespmem:s13+$0x6180]  }
0x429: {  	v10 =	vmul.f32 $1.442695020e+00, v10;
	v8 =	vmul.f32 $1.442695020e+00, v8;
	v6 =	vadd.f32 v6, v6  }
0x42a: {  	v9 =	vadd.f32 v9, v9;
	(erf) = vpow2.f32 v7;
	v3 =	vadd.f32 v3, v3  }
0x42b: {  	(erf) = vpow2.f32 v8;
	v8 =	vadd.f32 v58, v58;
	v6 =	vmul.f32 $1.442695020e+00, v6  }
0x42c: {  	[tilespmem:s2+$0x12000] =	vst v0;
	v9 =	vmul.f32 $1.442695020e+00, v9;
	v0 =	vmul.f32 $1.442695020e+00, v3;
	v3 =	vadd.f32 v59, v59  }
0x42d: {  	v57 =	vpop (erf);
	(erf) = vpow2.f32 v10;
	v8 =	vmul.f32 $1.442695020e+00, v8;
	v5 =	vadd.f32 v5, v5  }
0x42e: {  	[tilespmem:s9+$0x12000] =	vst v4;
	v4 =	vpop (erf);
	(erf) = vpow2.f32 v9;
	v3 =	vmul.f32 $1.442695020e+00, v3  }
0x42f: {  	(erf) = vpow2.f32 v6;
	v6 =	vpop (erf);
	v5 =	vmul.f32 $1.442695020e+00, v5  }
0x430: {  	v61 =	vld [tilespmem:s13+$0x6110];
	(erf) = vpow2.f32 v0;
	v0 =	vpop (erf)  }
0x431: {  	v2 =	vadd.f32 v2, v2;
	(erf) = vpow2.f32 v8;
	v8 =	vpop (erf)  }
0x432: {  	v1 =	vadd.f32 v1, v1;
	(erf) = vpow2.f32 v3;
	v3 =	vpop (erf)  }
0x433: {  	v2 =	vsub.f32 $1.000000000e+00, v2;
	(erf) = vpow2.f32 v5;
	v3 =	vadd.f32 $1.000000000e+00, v3;
	v5 =	vpop (erf)  }
0x434: {  	v60 =	vld [tilespmem:s13+$0x6010];
	v11 =	vadd.f32 v11, v11;
	v5 =	vadd.f32 $1.000000000e+00, v5  }
0x435: {  	v1 =	vsub.f32 $1.000000000e+00, v1;
	v14 =	vadd.f32 v61, v61;
	v7 =	vld [tilespmem:s13+$0x6090]  }
0x436: {  	[tilespmem:s21+$0x12000] =	vst v2;
	v13 =	vadd.f32 v57, v57;
	v2 =	vsub.f32 $1.000000000e+00, v11;
	v11 =	vld [tilespmem:s13+$0x60A0];
	v20 =	vpop (erf)  }
0x437: {  	v14 =	vmul.f32 $1.442695020e+00, v14;
	v10 =	vld [tilespmem:s13+$0x6190];
	(erf) = vrcp.f32 v3;
	v15 =	vadd.f32 $1.000000000e+00, v20;
	v3 =	vpop (erf)  }
0x438: {  	[tilespmem:s23+$0x12000] =	vst v1;
	v1 =	vsub.f32 $1.000000000e+00, v13;
	v9 =	vld [tilespmem:s13+$0x6020];
	(erf) = vrcp.f32 v5;
	v3 =	vadd.f32 $1.000000000e+00, v3;
	v5 =	vpop (erf)  }
0x439: {  	v62 =	vld [tilespmem:s13+$0x6120];
	[tilespmem:s4+$0x12000] =	vst v2;
	v2 =	vadd.f32 v60, v60;
	(erf) = vrcp.f32 v15;
	v5 =	vadd.f32 $1.000000000e+00, v5;
	v21 =	vpop (erf)  }
0x43a: {  	v63 =	vld [tilespmem:s13+$0x61A0];
	[tilespmem:s7+$0x12000] =	vst v1;
	v1 =	vadd.f32 v7, v7;
	v22 =	vadd.f32 $1.000000000e+00, v21;
	(erf) = vrcp.f32 v3  }
0x43b: {  	v2 =	vmul.f32 $1.442695020e+00, v2;
	(erf) = vrcp.f32 v5  }
0x43c: {  	v1 =	vmul.f32 $1.442695020e+00, v1;
	v10 =	vadd.f32 v10, v10;
	v23 =	vpop (erf);
	(erf) = vrcp.f32 v22  }
0x43d: {  	v11 =	vadd.f32 v11, v11;
	v9 =	vadd.f32 v9, v9;
	v24 =	vpop (erf);
	(erf) = vpow2.f32 v2  }
0x43e: {  	s2 =	sor.u32 $0x300, s25;
	v3 =	vmul.f32 $1.442695020e+00, v10;
	v10 =	vadd.f32 v62, v62;
	v25 =	vpop (erf);
	(erf) = vpow2.f32 v1  }
0x43f: {  	v11 =	vmul.f32 $1.442695020e+00, v11;
	v7 =	vld [tilespmem:s2+$0x6000];
	v9 =	vmul.f32 $1.442695020e+00, v9;
	v5 =	vadd.f32 v63, v63;
	v15 =	vpop (erf)  }
0x440: {  	v4 =	vadd.f32 v4, v4;
	v2 =	vmul.f32 $1.442695020e+00, v10;
	(erf) = vpow2.f32 v14  }
0x441: {  	v6 =	vadd.f32 v6, v6;
	v5 =	vmul.f32 $1.442695020e+00, v5;
	v1 =	vpop (erf);
	(erf) = vpow2.f32 v3  }
0x442: {  	v4 =	vsub.f32 $1.000000000e+00, v4;
	v3 =	vadd.f32 v8, v8;
	v8 =	vpop (erf);
	(erf) = vpow2.f32 v9  }
0x443: {  	v6 =	vsub.f32 $1.000000000e+00, v6;
	v8 =	vadd.f32 v8, v8;
	v9 =	vpop (erf);
	(erf) = vpow2.f32 v11  }
0x444: {  	v12 =	vadd.f32 $1.000000000e+00, v23;
	v3 =	vsub.f32 $1.000000000e+00, v3;
	(erf) = vpow2.f32 v2;
	v2 =	vpop (erf)  }
0x445: {  	v10 =	vadd.f32 $1.000000000e+00, v24;
	[tilespmem:s17+$0x12000] =	vst v6;
	v6 =	vsub.f32 $1.000000000e+00, v8;
	(erf) = vpow2.f32 v5;
	v5 =	vpop (erf)  }
0x446: {  	v2 =	vadd.f32 v2, v2;
	[tilespmem:s14+$0x12000] =	vst v3;
	v3 =	vadd.f32 v5, v5;
	v5 =	vpop (erf)  }
0x447: {  	[tilespmem:s12+$0x12000] =	vst v4;
	v4 =	vadd.f32 v9, v9;
	v5 =	vadd.f32 v5, v5  }
0x448: {  	v2 =	vsub.f32 $1.000000000e+00, v2;
	v3 =	vsub.f32 $1.000000000e+00, v3  }
0x449: {  	s3 =	simm.s32 $0x1;
	p0 =	por !p0, !p0;
	s11 =	sor.u32 $0x280, s29;
	v4 =	vsub.f32 $1.000000000e+00, v4;
	(erf) = vrcp.f32 v12;
	[tilespmem:s13+$0x12030] =	vst v6;
	v6 =	vpop (erf)  }
0x44a: {  	s3 =	simm.s32 @!p0 $0x0;
	s10 =	sor.u32 $0x280, s31;
	v13 =	vadd.f32 $1.000000000e+00, v25;
	v9 =	vld [tilespmem:s11+$0x6000];
	(erf) = vrcp.f32 v10;
	v10 =	vpop (erf);
	[tilespmem:s13+$0x120B0] =	vst v2;
	v2 =	vsub.f32 $1.000000000e+00, v5  }
0x44b: {  	s3 =	sshll.u32 s3, $0x6;
	s8 =	sor.u32 $0x280, s30;
	v26 =	vld [tilespmem:s10+$0x6000];
	v11 =	vadd.f32 $1.000000000e+00, v15;
	[tilespmem:s20+$0x12000] =	vst v4;
	v10 =	vadd.f32 $1.000000000e+00, v10;
	v5 =	vpop (erf)  }
0x44c: {  	s21 =	sor.u32 $0x300, s5;
	s7 =	sadd.s32 $0x600, s3;
	v4 =	vld [tilespmem:s8+$0x6000];
	(erf) = vrcp.f32 v13;
	v6 =	vadd.f32 $1.000000000e+00, v6;
	[tilespmem:s13+$0x12130] =	vst v3;
	v3 =	vpop (erf);
	v5 =	vadd.f32 $1.000000000e+00, v5  }
0x44d: {  	s3 =	sadd.s32 $0x30, s7;
	(erf) = vrcp.f32 v11;
	v11 =	vld [tilespmem:s21+$0x6000];
	v3 =	vadd.f32 $1.000000000e+00, v3  }
0x44e: {  	s18 =	sor.u32 $0x200, s3;
	[tilespmem:s13+$0x121B0] =	vst v2;
	(erf) = vrcp.f32 v6;
	v2 =	vpop (erf)  }
0x44f: {  	v6 =	vadd.f32 v9, v9;
	v9 =	vld [tilespmem:s18+$0x6000];
	(erf) = vrcp.f32 v10;
	v10 =	vpop (erf)  }
0x450: {  	v12 =	vadd.f32 v26, v26;
	v2 =	vadd.f32 $1.000000000e+00, v2;
	(erf) = vrcp.f32 v5;
	v5 =	vpop (erf)  }
0x451: {  	v4 =	vadd.f32 v4, v4;
	v10 =	vadd.f32 $1.000000000e+00, v10;
	(erf) = vrcp.f32 v3;
	v3 =	vpop (erf)  }
0x452: {  	(erf) = vrcp.f32 v2;
	v2 =	vadd.f32 v11, v11;
	v5 =	vadd.f32 $1.000000000e+00, v5;
	v11 =	vpop (erf)  }
0x453: {  	(erf) = vrcp.f32 v10;
	v3 =	vadd.f32 $1.000000000e+00, v3;
	v10 =	vadd.f32 v11, v11  }
0x454: {  	v2 =	vmul.f32 $1.442695020e+00, v2;
	v11 =	vpop (erf);
	(erf) = vrcp.f32 v5;
	v5 =	vadd.f32 v9, v9  }
0x455: {  	v9 =	vadd.f32 v11, v11;
	v11 =	vpop (erf);
	(erf) = vrcp.f32 v3;
	v3 =	vsub.f32 $1.000000000e+00, v10  }
0x456: {  	v10 =	vadd.f32 v11, v11;
	v11 =	vpop (erf);
	(erf) = vpow2.f32 v2;
	v2 =	vmul.f32 $1.442695020e+00, v5  }
0x457: {  	v5 =	vmul.f32 $1.442695020e+00, v6;
	v6 =	vsub.f32 $1.000000000e+00, v9;
	v9 =	vadd.f32 v11, v11;
	v11 =	vpop (erf)  }
0x458: {  	s4 =	sor.u32 $0x300, s26;
	[tilespmem:s13+$0x12000] =	vst v3;
	v3 =	vsub.f32 $1.000000000e+00, v10;
	v10 =	vadd.f32 v11, v11;
	v11 =	vpop (erf)  }
0x459: {  	v8 =	vld [tilespmem:s4+$0x6000];
	[tilespmem:s13+$0x12080] =	vst v6;
	v6 =	vsub.f32 $1.000000000e+00, v9;
	v9 =	vadd.f32 v11, v11;
	v11 =	vpop (erf)  }
0x45a: {  	[tilespmem:s13+$0x12100] =	vst v3;
	v3 =	vsub.f32 $1.000000000e+00, v10;
	v10 =	vadd.f32 v11, v11;
	v11 =	vpop (erf)  }
0x45b: {  	(erf) = vpow2.f32 v2;
	v2 =	vmul.f32 $1.442695020e+00, v12;
	[tilespmem:s13+$0x12180] =	vst v6;
	v6 =	vadd.f32 v11, v11  }
0x45c: {  	s15 =	sor.u32 $0x200, s7;
	v7 =	vadd.f32 v7, v7;
	v4 =	vmul.f32 $1.442695020e+00, v4;
	(erf) = vpow2.f32 v5  }
0x45d: {  	v5 =	vsub.f32 $1.000000000e+00, v9;
	(erf) = vpow2.f32 v2;
	v2 =	vsub.f32 $1.000000000e+00, v10;
	v10 =	vld [tilespmem:s15+$0x6000];
	v9 =	vpop (erf)  }
0x45e: {  	v7 =	vmul.f32 $1.442695020e+00, v7;
	v8 =	vadd.f32 v8, v8;
	[tilespmem:s13+$0x12010] =	vst v3;
	v3 =	vadd.f32 v9, v9;
	v9 =	vpop (erf)  }
0x45f: {  	[tilespmem:s13+$0x12090] =	vst v5;
	(erf) = vpow2.f32 v4;
	v4 =	vsub.f32 $1.000000000e+00, v6;
	v5 =	vadd.f32 v9, v9;
	v6 =	vpop (erf)  }
0x460: {  	v8 =	vmul.f32 $1.442695020e+00, v8;
	[tilespmem:s13+$0x12110] =	vst v2;
	v2 =	vsub.f32 $1.000000000e+00, v3;
	v3 =	vadd.f32 v6, v6;
	v6 =	vpop (erf)  }
0x461: {  	[tilespmem:s13+$0x12190] =	vst v4;
	(erf) = vpow2.f32 v7;
	v4 =	vsub.f32 $1.000000000e+00, v5;
	v5 =	vadd.f32 v6, v6  }
0x462: {  	s9 =	sor.u32 $0x300, s28;
	s12 =	sadd.s32 $0x10, s7;
	v6 =	vpop (erf);
	(erf) = vpow2.f32 v8;
	v8 =	vadd.f32 v10, v10;
	[tilespmem:s13+$0x12020] =	vst v2;
	v2 =	vsub.f32 $1.000000000e+00, v3  }
0x463: {  	s16 =	sor.u32 $0x200, s12;
	v3 =	vadd.f32 $1.000000000e+00, v6;
	v6 =	vld [tilespmem:s9+$0x6000];
	[tilespmem:s13+$0x120A0] =	vst v4;
	v4 =	vsub.f32 $1.000000000e+00, v5  }
0x464: {  	v7 =	vld [tilespmem:s16+$0x6000]  }
0x465: {  	v5 =	vpop (erf);
	(erf) = vrcp.f32 v3;
	v3 =	vmul.f32 $1.442695020e+00, v8  }
0x466: {  	s23 =	sadd.s32 $0x20, s7;
	[tilespmem:s13+$0x12120] =	vst v2;
	v2 =	vadd.f32 $1.000000000e+00, v5  }
0x467: {  	s17 =	sor.u32 $0x200, s23;
	[tilespmem:s13+$0x121A0] =	vst v4;
	v4 =	vpop (erf)  }
0x468: {  	v5 =	vld [tilespmem:s17+$0x6000];
	v6 =	vadd.f32 v6, v6;
	(erf) = vrcp.f32 v2;
	v2 =	vadd.f32 $1.000000000e+00, v4;
	v4 =	vpop (erf)  }
0x469: {  	v7 =	vadd.f32 v7, v7;
	(erf) = vpow2.f32 v3;
	v3 =	vpop (erf)  }
0x46a: {  	v4 =	vadd.f32 $1.000000000e+00, v4;
	v3 =	vadd.f32 $1.000000000e+00, v3  }
0x46b: {  	s0 =	sor.u32 $0x380, s22;
	v0 =	vadd.f32 v0, v0;
	v7 =	vmul.f32 $1.442695020e+00, v7;
	(erf) = vrcp.f32 v2  }
0x46c: {  	s1 =	sor.u32 $0x380, s1;
	[dreg:$0x5] =	wrdreg s0;
	v2 =	vmul.f32 $1.442695020e+00, v6;
	(erf) = vrcp.f32 v4;
	v6 =	vpop (erf)  }
0x46d: {  	v0 =	vsub.f32 $1.000000000e+00, v0;
	v4 =	vld [tilespmem:s0+$0x6000];
	v5 =	vadd.f32 v5, v5;
	[dreg:$0x3] =	wrdreg s1;
	(erf) = vpow2.f32 v7;
	v8 =	vpop (erf)  }
0x46e: {  	v7 =	vld [tilespmem:s1+$0x6000];
	(erf) = vrcp.f32 v3;
	v3 =	vpop (erf)  }
0x46f: {  	s13 =	sor.u32 $0x380, s24;
	v6 =	vadd.f32 $1.000000000e+00, v6;
	[tilespmem:s6+$0x12000] =	vst v0;
	v0 =	vmul.f32 $1.442695020e+00, v5;
	v3 =	vadd.f32 v3, v3  }
0x470: {  	[dreg:$0x7] =	wrdreg s13;
	(erf) = vpow2.f32 v2  }
0x471: {  	v2 =	vld [tilespmem:s13+$0x6000];
	(erf) = vrcp.f32 v6;
	v3 =	vsub.f32 $1.000000000e+00, v3  }
0x472: {  	(erf) = vpow2.f32 v0  }
0x473: {  	v0 =	vpop (erf);
	v5 =	vadd.f32 v7, v7;
	[tilespmem:s21+$0x12000] =	vst v3;
	v3 =	vadd.f32 $1.000000000e+00, v8  }
0x474: {  	s19 =	simm.s32 $0x800;
	s20 =	simm.s32 $0x100;
	v4 =	vadd.f32 v4, v4;
	v0 =	vadd.f32 v0, v0;
	v6 =	vpop (erf)  }
0x475: {  	s6 =	sor.u32 $0x380, s5;
	s1 =	sand.u32 $0x7C00, s19;
	v7 =	vpop (erf);
	s21 =	sand.u32 $0x40, s20;
	v5 =	vmul.f32 $1.442695020e+00, v5  }
0x476: {  	v4 =	vmul.f32 $1.442695020e+00, v4;
	v2 =	vadd.f32 v2, v2;
	v0 =	vsub.f32 $1.000000000e+00, v0;
	s14 =	sor.u32 s21, s1;
	v8 =	vld [tilespmem:s6+$0x6000];
	v9 =	vpop (erf)  }
0x477: {  	(erf) = vrcp.f32 v3;
	v10 =	vld [tilespmem:s14+$0x6030];
	v3 =	vpop (erf)  }
0x478: {  	s22 =	sor.u32 $0x280, s3;
	v2 =	vmul.f32 $1.442695020e+00, v2;
	[tilespmem:s18+$0x12000] =	vst v0;
	(erf) = vpow2.f32 v4;
	v11 =	vpop (erf)  }
0x479: {  	v0 =	vadd.f32 v1, v1;
	v1 =	vadd.f32 $1.000000000e+00, v6;
	v4 =	vld [tilespmem:s22+$0x6000];
	(erf) = vpow2.f32 v5;
	v5 =	vpop (erf)  }
0x47a: {  	v6 =	vadd.f32 v7, v7;
	(erf) = vpow2.f32 v2;
	v2 =	vadd.f32 $1.000000000e+00, v3;
	v3 =	vld [tilespmem:s14+$0x60B0];
	v7 =	vpop (erf)  }
0x47b: {  	(erf) = vrcp.f32 v1;
	v8 =	vadd.f32 v8, v8;
	v1 =	vadd.f32 $1.000000000e+00, v5;
	v5 =	vld [tilespmem:s14+$0x6130];
	v27 =	vpop (erf)  }
0x47c: {  	(erf) = vrcp.f32 v2;
	v2 =	vld [tilespmem:s14+$0x61B0];
	v10 =	vadd.f32 v10, v10;
	v12 =	vadd.f32 $1.000000000e+00, v27  }
0x47d: {  	(erf) = vrcp.f32 v1;
	v1 =	vmul.f32 $1.442695020e+00, v8;
	v8 =	vadd.f32 v9, v9;
	v9 =	vld [tilespmem:s14+$0x6000]  }
0x47e: {  	v28 =	vld [tilespmem:s14+$0x6080];
	v30 =	vsub.f32 $1.000000000e+00, v6;
	v4 =	vadd.f32 v4, v4  }
0x47f: {  	v6 =	vld [tilespmem:s14+$0x6100];
	v10 =	vmul.f32 $1.442695020e+00, v10;
	v3 =	vadd.f32 v3, v3;
	(erf) = vrcp.f32 v12  }
0x480: {  	v29 =	vmul.f32 $1.442695020e+00, v4;
	(erf) = vpow2.f32 v1  }
0x481: {  	v5 =	vadd.f32 v5, v5;
	v32 =	vadd.f32 v2, v2;
	v1 =	vpop (erf);
	(erf) = vpow2.f32 v10  }
0x482: {  	v31 =	vmul.f32 $1.442695020e+00, v3;
	v10 =	vld [tilespmem:s14+$0x6180];
	v4 =	vpop (erf);
	(erf) = vpow2.f32 v29;
	v9 =	vadd.f32 v9, v9  }
0x483: {  	v12 =	vadd.f32 v28, v28;
	v5 =	vmul.f32 $1.442695020e+00, v5;
	v16 =	vmul.f32 $1.442695020e+00, v32;
	v3 =	vpop (erf)  }
0x484: {  	v20 =	vadd.f32 v6, v6;
	(erf) = vpow2.f32 v31;
	v2 =	vpop (erf);
	v9 =	vmul.f32 $1.442695020e+00, v9  }
0x485: {  	v6 =	vadd.f32 v7, v7;
	v7 =	vmul.f32 $1.442695020e+00, v12;
	(erf) = vpow2.f32 v5;
	v35 =	vpop (erf)  }
0x486: {  	v18 =	vld [tilespmem:s14+$0x6110];
	v19 =	vpop (erf);
	(erf) = vpow2.f32 v16  }
0x487: {  	v10 =	vadd.f32 v10, v10;
	v5 =	vpop (erf)  }
0x488: {  	v34 =	vld [tilespmem:s14+$0x6090];
	v37 =	vmul.f32 $1.442695020e+00, v20;
	(erf) = vpow2.f32 v9;
	v9 =	vpop (erf)  }
0x489: {  	v21 =	vld [tilespmem:s14+$0x60A0];
	v33 =	vsub.f32 $1.000000000e+00, v8;
	v10 =	vmul.f32 $1.442695020e+00, v10;
	(erf) = vpow2.f32 v7;
	v7 =	vpop (erf)  }
0x48a: {  	v8 =	vadd.f32 v11, v11;
	v11 =	vld [tilespmem:s14+$0x6010];
	(erf) = vpow2.f32 v37;
	v7 =	vadd.f32 $1.000000000e+00, v7;
	v39 =	vpop (erf)  }
0x48b: {  	v18 =	vadd.f32 v18, v18;
	(erf) = vpow2.f32 v10;
	v10 =	vadd.f32 $1.000000000e+00, v39;
	v40 =	vpop (erf)  }
0x48c: {  	(erf) = vrcp.f32 v7;
	v7 =	vadd.f32 $1.000000000e+00, v40  }
0x48d: {  	v38 =	vld [tilespmem:s14+$0x6020];
	v17 =	vadd.f32 v34, v34;
	v41 =	vmul.f32 $1.442695020e+00, v18;
	v42 =	vpop (erf);
	(erf) = vrcp.f32 v10  }
0x48e: {  	v36 =	vld [tilespmem:s14+$0x6190];
	v18 =	vadd.f32 $1.000000000e+00, v42;
	v43 =	vpop (erf);
	(erf) = vrcp.f32 v7;
	v7 =	vadd.f32 v21, v21  }
0x48f: {  	v11 =	vadd.f32 v11, v11;
	v20 =	vadd.f32 $1.000000000e+00, v43;
	v44 =	vpop (erf)  }
0x490: {  	v17 =	vmul.f32 $1.442695020e+00, v17;
	(erf) = vrcp.f32 v18;
	v21 =	vadd.f32 $1.000000000e+00, v44  }
0x491: {  	v11 =	vmul.f32 $1.442695020e+00, v11;
	v46 =	vpop (erf);
	(erf) = vrcp.f32 v20  }
0x492: {  	v22 =	vld [tilespmem:s14+$0x6120];
	v10 =	vadd.f32 v38, v38;
	v47 =	vmul.f32 $1.442695020e+00, v7;
	v7 =	vpop (erf);
	(erf) = vrcp.f32 v21  }
0x493: {  	v23 =	vld [tilespmem:s14+$0x61A0];
	v12 =	vadd.f32 v36, v36;
	v49 =	vadd.f32 $1.000000000e+00, v7;
	v7 =	vpop (erf);
	(erf) = vpow2.f32 v11  }
0x494: {  	v10 =	vmul.f32 $1.442695020e+00, v10  }
0x495: {  	v12 =	vmul.f32 $1.442695020e+00, v12;
	v24 =	vpop (erf);
	(erf) = vpow2.f32 v17  }
0x496: {  	v50 =	vadd.f32 $1.000000000e+00, v7;
	(erf) = vpow2.f32 v41;
	v7 =	vpop (erf)  }
0x497: {  	v22 =	vadd.f32 v22, v22;
	v9 =	vadd.f32 v9, v9;
	(erf) = vpow2.f32 v12;
	v53 =	vpop (erf)  }
0x498: {  	v45 =	vadd.f32 v23, v23;
	v15 =	vadd.f32 v35, v35;
	(erf) = vpow2.f32 v10;
	v10 =	vpop (erf)  }
0x499: {  	v48 =	vmul.f32 $1.442695020e+00, v22;
	v9 =	vsub.f32 $1.000000000e+00, v9;
	v12 =	vadd.f32 v53, v53;
	v54 =	vpop (erf)  }
0x49a: {  	[tilespmem:s11+$0x12000] =	vst v30;
	v51 =	vadd.f32 v19, v19;
	v18 =	vmul.f32 $1.442695020e+00, v45;
	(erf) = vpow2.f32 v47;
	v56 =	vpop (erf)  }
0x49b: {  	[tilespmem:s17+$0x12000] =	vst v9;
	v23 =	vadd.f32 $1.000000000e+00, v46;
	(erf) = vpow2.f32 v48;
	v9 =	vsub.f32 $1.000000000e+00, v12;
	v59 =	vpop (erf)  }
0x49c: {  	[tilespmem:s10+$0x12000] =	vst v33;
	v15 =	vsub.f32 $1.000000000e+00, v15;
	v17 =	vsub.f32 $1.000000000e+00, v51;
	(erf) = vpow2.f32 v18;
	v60 =	vpop (erf)  }
0x49d: {  	v10 =	vadd.f32 v10, v10;
	(erf) = vrcp.f32 v23;
	[tilespmem:s14+$0x12030] =	vst v9;
	v9 =	vadd.f32 $1.000000000e+00, v60  }
0x49e: {  	s13 =	sor.u32 $0x300, s31;
	[tilespmem:s15+$0x12000] =	vst v15;
	v52 =	vadd.f32 $1.000000000e+00, v24;
	v13 =	vadd.f32 v54, v54;
	(erf) = vrcp.f32 v49  }
0x49f: {  	p0 =	por !p0, !p0;
	s11 =	sor.u32 $0x280, s7;
	v55 =	vld [tilespmem:s13+$0x6000];
	[tilespmem:s16+$0x12000] =	vst v17;
	s16 =	simm.s32 $0x1;
	v10 =	vsub.f32 $1.000000000e+00, v10;
	v58 =	vadd.f32 v56, v56;
	(erf) = vrcp.f32 v50;
	v62 =	vpop (erf)  }
0x4a0: {  	s15 =	sor.u32 $0x280, s23;
	v57 =	vld [tilespmem:s11+$0x6000];
	s16 =	simm.s32 @!p0 $0x0;
	v13 =	vsub.f32 $1.000000000e+00, v13;
	v15 =	vadd.f32 v59, v59;
	(erf) = vrcp.f32 v52;
	v20 =	vpop (erf)  }
0x4a1: {  	s1 =	sor.u32 $0x300, s29;
	v61 =	vld [tilespmem:s15+$0x6000];
	s24 =	sshll.u32 s16, $0x6;
	[tilespmem:s22+$0x12000] =	vst v10;
	v12 =	vsub.f32 $1.000000000e+00, v58;
	v18 =	vadd.f32 $1.000000000e+00, v62;
	(erf) = vrcp.f32 v9;
	v9 =	vpop (erf)  }
0x4a2: {  	s10 =	sor.u32 $0x280, s12;
	v11 =	vld [tilespmem:s1+$0x6000];
	s5 =	sadd.s32 $0x800, s24;
	[tilespmem:s14+$0x120B0] =	vst v13;
	v63 =	vsub.f32 $1.000000000e+00, v15;
	v9 =	vadd.f32 $1.000000000e+00, v9  }
0x4a3: {  	s21 =	sor.u32 $0x300, s3;
	s0 =	sadd.s32 $0x30, s5;
	v10 =	vld [tilespmem:s10+$0x6000];
	[tilespmem:s14+$0x12130] =	vst v12;
	v15 =	vadd.f32 $1.000000000e+00, v20  }
0x4a4: {  	v6 =	vsub.f32 $1.000000000e+00, v6;
	v8 =	vsub.f32 $1.000000000e+00, v8;
	s22 =	sor.u32 $0x200, s0;
	v21 =	vld [tilespmem:s21+$0x6000];
	[tilespmem:s14+$0x121B0] =	vst v63;
	(erf) = vrcp.f32 v18;
	v23 =	vpop (erf)  }
0x4a5: {  	v1 =	vadd.f32 v1, v1;
	v24 =	vld [tilespmem:s22+$0x6000];
	(erf) = vrcp.f32 v15;
	v13 =	vadd.f32 $1.000000000e+00, v23;
	v25 =	vpop (erf)  }
0x4a6: {  	v14 =	vadd.f32 v55, v55;
	v15 =	vadd.f32 $1.000000000e+00, v25;
	(erf) = vrcp.f32 v9;
	v9 =	vpop (erf)  }
0x4a7: {  	v22 =	vadd.f32 v57, v57;
	(erf) = vrcp.f32 v13;
	v9 =	vadd.f32 $1.000000000e+00, v9;
	v27 =	vpop (erf)  }
0x4a8: {  	v26 =	vadd.f32 v61, v61;
	v11 =	vadd.f32 v11, v11;
	(erf) = vrcp.f32 v15;
	v28 =	vpop (erf)  }
0x4a9: {  	v10 =	vadd.f32 v10, v10;
	v16 =	vadd.f32 v21, v21;
	v30 =	vpop (erf);
	(erf) = vrcp.f32 v9  }
0x4aa: {  	v12 =	vmul.f32 $1.442695020e+00, v22;
	v17 =	vadd.f32 v24, v24;
	v13 =	vadd.f32 $1.000000000e+00, v27;
	v32 =	vpop (erf)  }
0x4ab: {  	v10 =	vmul.f32 $1.442695020e+00, v10;
	v29 =	vadd.f32 v28, v28;
	v31 =	vadd.f32 v30, v30;
	v35 =	vpop (erf)  }
0x4ac: {  	v9 =	vmul.f32 $1.442695020e+00, v16;
	(erf) = vrcp.f32 v13;
	v34 =	vadd.f32 v32, v32;
	v37 =	vpop (erf)  }
0x4ad: {  	[tilespmem:s8+$0x12000] =	vst v8;
	v36 =	vmul.f32 $1.442695020e+00, v17;
	v33 =	vsub.f32 $1.000000000e+00, v29;
	v8 =	vsub.f32 $1.000000000e+00, v31;
	v40 =	vpop (erf)  }
0x4ae: {  	[tilespmem:s2+$0x12000] =	vst v6;
	(erf) = vpow2.f32 v9;
	v9 =	vadd.f32 v35, v35;
	v38 =	vsub.f32 $1.000000000e+00, v34;
	v41 =	vpop (erf)  }
0x4af: {  	[tilespmem:s14+$0x12000] =	vst v33;
	v39 =	vadd.f32 v37, v37;
	(erf) = vpow2.f32 v36;
	v44 =	vadd.f32 v41, v41;
	v45 =	vpop (erf)  }
0x4b0: {  	[tilespmem:s14+$0x12080] =	vst v8;
	v8 =	vsub.f32 $1.000000000e+00, v9;
	v9 =	vadd.f32 v40, v40;
	(erf) = vpow2.f32 v12;
	v46 =	vpop (erf)  }
0x4b1: {  	[tilespmem:s14+$0x12100] =	vst v38;
	(erf) = vpow2.f32 v10;
	v10 =	vsub.f32 $1.000000000e+00, v44;
	v12 =	vadd.f32 v46, v46;
	v47 =	vpop (erf)  }
0x4b2: {  	[tilespmem:s14+$0x12180] =	vst v8;
	v8 =	vsub.f32 $1.000000000e+00, v9;
	v9 =	vadd.f32 v45, v45;
	v49 =	vpop (erf)  }
0x4b3: {  	[tilespmem:s14+$0x12110] =	vst v10;
	v10 =	vsub.f32 $1.000000000e+00, v12;
	v50 =	vadd.f32 v49, v49  }
0x4b4: {  	v42 =	vmul.f32 $1.442695020e+00, v26;
	s17 =	sor.u32 $0x200, s5;
	[tilespmem:s14+$0x12090] =	vst v8;
	v8 =	vsub.f32 $1.000000000e+00, v9;
	v9 =	vadd.f32 v47, v47  }
0x4b5: {  	v11 =	vmul.f32 $1.442695020e+00, v11;
	v43 =	vsub.f32 $1.000000000e+00, v39;
	v48 =	vld [tilespmem:s17+$0x6000];
	v51 =	vpop (erf);
	[tilespmem:s14+$0x12020] =	vst v10;
	v10 =	vsub.f32 $1.000000000e+00, v50  }
0x4b6: {  	s16 =	sadd.s32 $0x10, s5;
	(erf) = vpow2.f32 v42;
	[tilespmem:s14+$0x12190] =	vst v8;
	v8 =	vsub.f32 $1.000000000e+00, v9;
	v9 =	vadd.f32 v51, v51  }
0x4b7: {  	v1 =	vsub.f32 $1.000000000e+00, v1;
	s20 =	sor.u32 $0x200, s16;
	[tilespmem:s14+$0x12010] =	vst v43  }
0x4b8: {  	s19 =	sor.u32 $0x300, s30;
	v52 =	vmul.f32 $1.442695020e+00, v14;
	(erf) = vpow2.f32 v11;
	v53 =	vpop (erf);
	v11 =	vld [tilespmem:s20+$0x6000];
	[tilespmem:s14+$0x120A0] =	vst v8;
	v8 =	vsub.f32 $1.000000000e+00, v9  }
0x4b9: {  	v5 =	vadd.f32 v5, v5;
	v54 =	vadd.f32 $1.000000000e+00, v53;
	v9 =	vld [tilespmem:s19+$0x6000];
	[tilespmem:s14+$0x12120] =	vst v10;
	v10 =	vpop (erf)  }
0x4ba: {  	s18 =	sadd.s32 $0x20, s5;
	(erf) = vpow2.f32 v52;
	v55 =	vadd.f32 v48, v48;
	[tilespmem:s14+$0x121A0] =	vst v8;
	v8 =	vadd.f32 $1.000000000e+00, v10  }
0x4bb: {  	s25 =	sor.u32 $0x380, s25;
	[tilespmem:s4+$0x12000] =	vst v1;
	s14 =	sor.u32 $0x200, s18;
	(erf) = vrcp.f32 v54  }
0x4bc: {  	s26 =	sor.u32 $0x380, s26;
	v1 =	vsub.f32 $1.000000000e+00, v5;
	v57 =	vld [tilespmem:s14+$0x6000];
	[dreg:$0x9] =	wrdreg s25;
	v10 =	vmul.f32 $1.442695020e+00, v55;
	v56 =	vpop (erf);
	(erf) = vrcp.f32 v8  }
0x4bd: {  	v11 =	vadd.f32 v11, v11;
	v6 =	vadd.f32 $1.000000000e+00, v56;
	v58 =	vpop (erf);
	v8 =	vld [tilespmem:s25+$0x6000];
	[dreg:$0xb] =	wrdreg s26  }
0x4be: {  	s8 =	sor.u32 $0x380, s28;
	v9 =	vadd.f32 v9, v9;
	v5 =	vadd.f32 $1.000000000e+00, v58;
	(erf) = vpow2.f32 v10;
	[tilespmem:s9+$0x12000] =	vst v1  }
0x4bf: {  	v59 =	vpop (erf);
	v11 =	vmul.f32 $1.442695020e+00, v11;
	v10 =	vld [tilespmem:s26+$0x6000];
	(erf) = vrcp.f32 v6;
	v6 =	vadd.f32 v7, v7;
	[dreg:$0xd] =	wrdreg s8  }
0x4c0: {  	v7 =	vadd.f32 $1.000000000e+00, v59;
	(erf) = vrcp.f32 v5;
	v5 =	vmul.f32 $1.442695020e+00, v9;
	v9 =	vld [tilespmem:s8+$0x6000]  }
0x4c1: {  	v60 =	vpop (erf);
	v1 =	vsub.f32 $1.000000000e+00, v0;
	v13 =	vadd.f32 v57, v57;
	(erf) = vpow2.f32 v11  }
0x4c2: {  	v11 =	vadd.f32 $1.000000000e+00, v60;
	v0 =	vsub.f32 $1.000000000e+00, v6;
	(erf) = vrcp.f32 v7  }
0x4c3: {  	v7 =	vmul.f32 $1.442695020e+00, v13;
	v6 =	vpop (erf);
	(erf) = vpow2.f32 v5;
	v5 =	vadd.f32 v8, v8  }
0x4c4: {  	v8 =	vadd.f32 v10, v10;
	v10 =	vpop (erf);
	(erf) = vrcp.f32 v11;
	v6 =	vadd.f32 $1.000000000e+00, v6  }
0x4c5: {  	v10 =	vadd.f32 v10, v10;
	(erf) = vpow2.f32 v7;
	v7 =	vadd.f32 v9, v9;
	v9 =	vpop (erf)  }
0x4c6: {  	v9 =	vadd.f32 v9, v9  }
0x4c7: {  	v5 =	vmul.f32 $1.442695020e+00, v5;
	v8 =	vmul.f32 $1.442695020e+00, v8;
	v10 =	vsub.f32 $1.000000000e+00, v10  }
0x4c8: {  	s24 =	simm.s32 $0x140;
	s9 =	simm.s32 $0xA00;
	v11 =	vpop (erf);
	(erf) = vrcp.f32 v6;
	v7 =	vmul.f32 $1.442695020e+00, v7  }
0x4c9: {  	s2 =	sor.u32 $0x380, s3;
	s25 =	sand.u32 $0x40, s24;
	s4 =	sand.u32 $0x7C00, s9;
	v6 =	vpop (erf);
	(erf) = vpow2.f32 v5;
	[tilespmem:s21+$0x12000] =	vst v10;
	v5 =	vsub.f32 $1.000000000e+00, v9;
	v10 =	vadd.f32 $1.000000000e+00, v11  }
0x4ca: {  	v4 =	vadd.f32 $1.000000000e+00, v4;
	v3 =	vadd.f32 $1.000000000e+00, v3;
	s3 =	sor.u32 s25, s4;
	(erf) = vpow2.f32 v8;
	v8 =	vld [tilespmem:s2+$0x6000];
	v9 =	vpop (erf)  }
0x4cb: {  	[tilespmem:s22+$0x12000] =	vst v5;
	v5 =	vadd.f32 v6, v6;
	v11 =	vpop (erf);
	(erf) = vpow2.f32 v7;
	v6 =	vadd.f32 v9, v9;
	v7 =	vld [tilespmem:s3+$0x6030]  }
0x4cc: {  	v2 =	vadd.f32 $1.000000000e+00, v2;
	s26 =	sor.u32 $0x280, s0;
	v9 =	vpop (erf);
	(erf) = vrcp.f32 v10;
	v11 =	vadd.f32 $1.000000000e+00, v11  }
0x4cd: {  	v61 =	vld [tilespmem:s26+$0x6000];
	v62 =	vsub.f32 $1.000000000e+00, v5;
	v9 =	vadd.f32 v9, v9;
	v10 =	vpop (erf);
	(erf) = vrcp.f32 v4  }
0x4ce: {  	v63 =	vsub.f32 $1.000000000e+00, v6;
	v4 =	vpop (erf);
	(erf) = vrcp.f32 v3;
	v3 =	vld [tilespmem:s3+$0x60B0];
	v5 =	vadd.f32 $1.000000000e+00, v10  }
0x4cf: {  	v8 =	vadd.f32 v8, v8;
	v6 =	vpop (erf);
	v10 =	vsub.f32 $1.000000000e+00, v9;
	(erf) = vrcp.f32 v11;
	v9 =	vld [tilespmem:s3+$0x6130]  }
0x4d0: {  	v11 =	vadd.f32 $1.000000000e+00, v6;
	(erf) = vrcp.f32 v2;
	v2 =	vld [tilespmem:s3+$0x61B0];
	v7 =	vadd.f32 v7, v7  }
0x4d1: {  	v30 =	vld [tilespmem:s3+$0x6080];
	v4 =	vadd.f32 v4, v4;
	v6 =	vpop (erf);
	v8 =	vmul.f32 $1.442695020e+00, v8;
	(erf) = vrcp.f32 v5  }
0x4d2: {  	v12 =	vadd.f32 v61, v61;
	v5 =	vld [tilespmem:s3+$0x6000];
	v29 =	vadd.f32 v6, v6;
	(erf) = vrcp.f32 v11  }
0x4d3: {  	v6 =	vpop (erf);
	v31 =	vmul.f32 $1.442695020e+00, v7;
	v11 =	vsub.f32 $1.000000000e+00, v4;
	v3 =	vadd.f32 v3, v3  }
0x4d4: {  	v32 =	vld [tilespmem:s3+$0x6100];
	(erf) = vpow2.f32 v8;
	v8 =	vmul.f32 $1.442695020e+00, v12;
	v7 =	vpop (erf);
	v9 =	vadd.f32 v9, v9  }
0x4d5: {  	v33 =	vld [tilespmem:s3+$0x6180];
	v4 =	vpop (erf);
	(erf) = vpow2.f32 v31;
	v36 =	vmul.f32 $1.442695020e+00, v3;
	v2 =	vadd.f32 v2, v2  }
0x4d6: {  	v35 =	vld [tilespmem:s3+$0x6010];
	v16 =	vadd.f32 v30, v30;
	v34 =	vpop (erf);
	(erf) = vpow2.f32 v8;
	v9 =	vmul.f32 $1.442695020e+00, v9  }
0x4d7: {  	v37 =	vld [tilespmem:s3+$0x6090];
	v8 =	vadd.f32 v5, v5;
	v3 =	vpop (erf);
	v39 =	vmul.f32 $1.442695020e+00, v2;
	(erf) = vpow2.f32 v36  }
0x4d8: {  	v38 =	vld [tilespmem:s3+$0x6110];
	v5 =	vpop (erf);
	(erf) = vpow2.f32 v9;
	v9 =	vmul.f32 $1.442695020e+00, v16  }
0x4d9: {  	v25 =	vld [tilespmem:s3+$0x6190];
	v41 =	vmul.f32 $1.442695020e+00, v8;
	v40 =	vpop (erf);
	(erf) = vpow2.f32 v39  }
0x4da: {  	v43 =	vld [tilespmem:s3+$0x6020];
	v18 =	vadd.f32 v32, v32;
	v2 =	vpop (erf)  }
0x4db: {  	v44 =	vld [tilespmem:s3+$0x60A0];
	v42 =	vadd.f32 v33, v33;
	(erf) = vpow2.f32 v41;
	v8 =	vpop (erf)  }
0x4dc: {  	v45 =	vld [tilespmem:s3+$0x6120];
	v20 =	vadd.f32 v35, v35;
	v18 =	vmul.f32 $1.442695020e+00, v18;
	(erf) = vpow2.f32 v9;
	v9 =	vpop (erf)  }
0x4dd: {  	v15 =	vadd.f32 v37, v37;
	v22 =	vadd.f32 v38, v38;
	v16 =	vmul.f32 $1.442695020e+00, v42;
	v46 =	vpop (erf)  }
0x4de: {  	v25 =	vadd.f32 v25, v25;
	(erf) = vpow2.f32 v18;
	v18 =	vadd.f32 $1.000000000e+00, v46;
	v27 =	vpop (erf)  }
0x4df: {  	v19 =	vadd.f32 v43, v43;
	(erf) = vpow2.f32 v16;
	v47 =	vadd.f32 $1.000000000e+00, v27;
	v48 =	vpop (erf)  }
0x4e0: {  	s9 =	sor.u32 $0x300, s7;
	v26 =	vld [tilespmem:s3+$0x61A0];
	v23 =	vadd.f32 v44, v44;
	[tilespmem:s11+$0x12000] =	vst v62;
	(erf) = vrcp.f32 v18;
	v49 =	vadd.f32 $1.000000000e+00, v48;
	v50 =	vpop (erf)  }
0x4e1: {  	v51 =	vadd.f32 v45, v45;
	[dreg:$0x17] =	wrdreg s9;
	(erf) = vrcp.f32 v47;
	v52 =	vadd.f32 $1.000000000e+00, v50;
	v53 =	vpop (erf)  }
0x4e2: {  	v20 =	vmul.f32 $1.442695020e+00, v20;
	s11 =	sor.u32 $0x300, s12;
	[tilespmem:s10+$0x12000] =	vst v63;
	(erf) = vrcp.f32 v49;
	v55 =	vadd.f32 $1.000000000e+00, v53;
	v56 =	vpop (erf)  }
0x4e3: {  	v15 =	vmul.f32 $1.442695020e+00, v15;
	v59 =	vld [tilespmem:s9+$0x6000];
	[dreg:$0x1b] =	wrdreg s11;
	v27 =	vadd.f32 $1.000000000e+00, v56;
	(erf) = vrcp.f32 v52  }
0x4e4: {  	v22 =	vmul.f32 $1.442695020e+00, v22;
	v63 =	vld [tilespmem:s11+$0x6000];
	v62 =	vadd.f32 v34, v34;
	v57 =	vpop (erf);
	(erf) = vrcp.f32 v55  }
0x4e5: {  	v54 =	vadd.f32 v26, v26;
	v25 =	vmul.f32 $1.442695020e+00, v25;
	v58 =	vpop (erf);
	(erf) = vrcp.f32 v27  }
0x4e6: {  	v19 =	vmul.f32 $1.442695020e+00, v19;
	v30 =	vsub.f32 $1.000000000e+00, v62;
	(erf) = vpow2.f32 v20  }
0x4e7: {  	v23 =	vmul.f32 $1.442695020e+00, v23;
	v9 =	vadd.f32 v9, v9;
	v60 =	vpop (erf);
	(erf) = vpow2.f32 v15  }
0x4e8: {  	v12 =	vsub.f32 $1.000000000e+00, v29;
	v13 =	vadd.f32 v59, v59;
	[tilespmem:s17+$0x12000] =	vst v30;
	s17 =	sor.u32 $0x280, s5;
	v27 =	vpop (erf);
	(erf) = vpow2.f32 v22  }
0x4e9: {  	v17 =	vadd.f32 v63, v63;
	v29 =	vadd.f32 v40, v40;
	v37 =	vld [tilespmem:s17+$0x6000];
	v31 =	vpop (erf);
	(erf) = vpow2.f32 v25  }
0x4ea: {  	v16 =	vmul.f32 $1.442695020e+00, v51;
	v34 =	vsub.f32 $1.000000000e+00, v9;
	v33 =	vpop (erf);
	(erf) = vpow2.f32 v19  }
0x4eb: {  	v18 =	vmul.f32 $1.442695020e+00, v54;
	v24 =	vadd.f32 $1.000000000e+00, v57;
	v9 =	vpop (erf);
	(erf) = vpow2.f32 v23  }
0x4ec: {  	v28 =	vadd.f32 $1.000000000e+00, v58;
	v20 =	vsub.f32 $1.000000000e+00, v29;
	(erf) = vpow2.f32 v16;
	v36 =	vpop (erf)  }
0x4ed: {  	v61 =	vadd.f32 $1.000000000e+00, v60;
	v15 =	vadd.f32 $1.000000000e+00, v27;
	(erf) = vpow2.f32 v18;
	v38 =	vpop (erf)  }
0x4ee: {  	[tilespmem:s20+$0x12000] =	vst v20;
	v20 =	vadd.f32 v37, v37;
	v35 =	vadd.f32 v9, v9;
	(erf) = vrcp.f32 v24;
	v42 =	vpop (erf)  }
0x4ef: {  	v32 =	vadd.f32 v31, v31;
	v25 =	vadd.f32 v33, v33;
	(erf) = vrcp.f32 v28;
	v44 =	vpop (erf)  }
0x4f0: {  	v39 =	vsub.f32 $1.000000000e+00, v35;
	v45 =	vadd.f32 $1.000000000e+00, v44;
	(erf) = vrcp.f32 v61;
	v46 =	vpop (erf)  }
0x4f1: {  	v16 =	vadd.f32 v36, v36;
	v18 =	vadd.f32 v38, v38;
	(erf) = vrcp.f32 v15;
	v48 =	vpop (erf)  }
0x4f2: {  	p0 =	por !p0, !p0;
	s9 =	simm.s32 $0x1;
	v41 =	vsub.f32 $1.000000000e+00, v25;
	[tilespmem:s26+$0x12000] =	vst v39;
	s26 =	sor.u32 $0x300, s0;
	v14 =	vadd.f32 $1.000000000e+00, v46;
	(erf) = vrcp.f32 v45;
	v50 =	vpop (erf)  }
0x4f3: {  	s9 =	simm.s32 @!p0 $0x0;
	v23 =	vadd.f32 v42, v42;
	v18 =	vsub.f32 $1.000000000e+00, v18;
	v49 =	vld [tilespmem:s26+$0x6000];
	v51 =	vpop (erf)  }
0x4f4: {  	s21 =	sshll.u32 s9, $0x6;
	v16 =	vsub.f32 $1.000000000e+00, v16;
	[tilespmem:s3+$0x12030] =	vst v41;
	v15 =	vadd.f32 $1.000000000e+00, v48;
	(erf) = vrcp.f32 v14;
	v54 =	vpop (erf)  }
0x4f5: {  	s28 =	sadd.s32 $0xA00, s21;
	v47 =	vsub.f32 $1.000000000e+00, v23;
	[tilespmem:s3+$0x12130] =	vst v18;
	v18 =	vadd.f32 $1.000000000e+00, v50;
	v55 =	vpop (erf)  }
0x4f6: {  	s24 =	sadd.s32 $0x30, s28;
	v9 =	vsub.f32 $1.000000000e+00, v32;
	[tilespmem:s3+$0x120B0] =	vst v16;
	v14 =	vadd.f32 $1.000000000e+00, v51;
	(erf) = vrcp.f32 v15;
	v56 =	vpop (erf)  }
0x4f7: {  	s9 =	sor.u32 $0x200, s24;
	[tilespmem:s3+$0x121B0] =	vst v47;
	v15 =	vadd.f32 $1.000000000e+00, v54;
	(erf) = vrcp.f32 v18;
	v18 =	vadd.f32 $1.000000000e+00, v55;
	v58 =	vpop (erf)  }
0x4f8: {  	[tilespmem:s14+$0x12000] =	vst v34;
	s14 =	sor.u32 $0x280, s18;
	v53 =	vld [tilespmem:s9+$0x6000];
	(erf) = vrcp.f32 v14;
	v57 =	vadd.f32 v49, v49;
	v60 =	vadd.f32 v58, v58;
	v61 =	vpop (erf)  }
0x4f9: {  	s10 =	sor.u32 $0x280, s16;
	[tilespmem:s15+$0x12000] =	vst v10;
	v43 =	vld [tilespmem:s14+$0x6000];
	v14 =	vadd.f32 $1.000000000e+00, v56;
	(erf) = vrcp.f32 v15;
	v10 =	vadd.f32 v61, v61;
	v63 =	vpop (erf)  }
0x4fa: {  	[tilespmem:s1+$0x12000] =	vst v11;
	v40 =	vld [tilespmem:s10+$0x6000];
	(erf) = vrcp.f32 v18;
	v11 =	vsub.f32 $1.000000000e+00, v60;
	v24 =	vadd.f32 v63, v63;
	v25 =	vpop (erf)  }
0x4fb: {  	[tilespmem:s13+$0x12000] =	vst v12;
	(erf) = vrcp.f32 v14;
	v10 =	vsub.f32 $1.000000000e+00, v10;
	v26 =	vadd.f32 v25, v25;
	v28 =	vpop (erf)  }
0x4fc: {  	v62 =	vmul.f32 $1.442695020e+00, v57;
	[tilespmem:s3+$0x12000] =	vst v11;
	v11 =	vsub.f32 $1.000000000e+00, v24;
	v29 =	vadd.f32 v28, v28  }
0x4fd: {  	v19 =	vadd.f32 v53, v53;
	v30 =	vpop (erf);
	[tilespmem:s3+$0x12080] =	vst v10;
	v10 =	vsub.f32 $1.000000000e+00, v26  }
0x4fe: {  	(erf) = vpow2.f32 v62;
	v32 =	vadd.f32 v30, v30;
	[tilespmem:s3+$0x12100] =	vst v11;
	v11 =	vsub.f32 $1.000000000e+00, v29  }
0x4ff: {  	v21 =	vadd.f32 v43, v43;
	v52 =	vadd.f32 v40, v40;
	v27 =	vmul.f32 $1.442695020e+00, v19;
	v33 =	vpop (erf);
	[tilespmem:s3+$0x12180] =	vst v10  }
0x500: {  	s22 =	sor.u32 $0x300, s23;
	s15 =	sor.u32 $0x200, s28;
	v20 =	vmul.f32 $1.442695020e+00, v20;
	v34 =	vadd.f32 v33, v33;
	v35 =	vpop (erf);
	v10 =	vsub.f32 $1.000000000e+00, v32;
	[tilespmem:s3+$0x12010] =	vst v11  }
0x501: {  	v59 =	vmul.f32 $1.442695020e+00, v52;
	(erf) = vpow2.f32 v27;
	v36 =	vadd.f32 v35, v35;
	v37 =	vpop (erf);
	v38 =	vld [tilespmem:s15+$0x6000];
	[dreg:$0x1d] =	wrdreg s22  }
0x502: {  	s25 =	sor.u32 $0x380, s29;
	(erf) = vpow2.f32 v20;
	v11 =	vsub.f32 $1.000000000e+00, v34;
	v39 =	vadd.f32 v37, v37;
	v40 =	vpop (erf);
	[tilespmem:s3+$0x12090] =	vst v10  }
0x503: {  	(erf) = vpow2.f32 v59;
	v42 =	vadd.f32 v40, v40;
	v43 =	vpop (erf);
	v41 =	vld [tilespmem:s22+$0x6000];
	v10 =	vsub.f32 $1.000000000e+00, v36;
	[dreg:$0x14] =	wrdreg s25  }
0x504: {  	v31 =	vmul.f32 $1.442695020e+00, v21;
	v45 =	vadd.f32 v43, v43;
	v46 =	vpop (erf);
	[tilespmem:s3+$0x12110] =	vst v11;
	v11 =	vsub.f32 $1.000000000e+00, v39  }
0x505: {  	v13 =	vmul.f32 $1.442695020e+00, v13;
	v47 =	vadd.f32 v46, v46;
	v44 =	vld [tilespmem:s25+$0x6000];
	s25 =	sadd.s32 $0x10, s28;
	[tilespmem:s3+$0x12190] =	vst v10  }
0x506: {  	s4 =	sor.u32 $0x380, s31;
	(erf) = vpow2.f32 v31;
	v10 =	vsub.f32 $1.000000000e+00, v42;
	s20 =	sor.u32 $0x200, s25;
	[tilespmem:s3+$0x12020] =	vst v11;
	v11 =	vsub.f32 $1.000000000e+00, v45  }
0x507: {  	v17 =	vmul.f32 $1.442695020e+00, v17;
	v8 =	vadd.f32 v8, v8;
	v48 =	vpop (erf);
	v49 =	vld [tilespmem:s20+$0x6000];
	[dreg:$0x15] =	wrdreg s4  }
0x508: {  	(erf) = vpow2.f32 v13;
	v50 =	vadd.f32 $1.000000000e+00, v48;
	[tilespmem:s3+$0x120A0] =	vst v10;
	v10 =	vsub.f32 $1.000000000e+00, v47  }
0x509: {  	s31 =	sadd.s32 $0x20, s28;
	v8 =	vsub.f32 $1.000000000e+00, v8;
	(erf) = vpow2.f32 v17;
	[tilespmem:s3+$0x12120] =	vst v11  }
0x50a: {  	s21 =	sor.u32 $0x200, s31;
	v63 =	vadd.f32 v3, v3;
	v15 =	vadd.f32 v38, v38;
	v11 =	vpop (erf);
	(erf) = vrcp.f32 v50;
	[tilespmem:s3+$0x121A0] =	vst v10  }
0x50b: {  	v52 =	vadd.f32 v41, v41;
	v11 =	vadd.f32 $1.000000000e+00, v11;
	v53 =	vpop (erf);
	v55 =	vld [tilespmem:s21+$0x6000]  }
0x50c: {  	v51 =	vld [tilespmem:s4+$0x6000];
	[tilespmem:s19+$0x12000] =	vst v8;
	v8 =	vadd.f32 $1.000000000e+00, v6;
	v10 =	vmul.f32 $1.442695020e+00, v15;
	v13 =	vadd.f32 v49, v49;
	v56 =	vpop (erf)  }
0x50d: {  	v14 =	vadd.f32 $1.000000000e+00, v53;
	(erf) = vrcp.f32 v11;
	v11 =	vadd.f32 $1.000000000e+00, v56  }
0x50e: {  	s8 =	sor.u32 $0x380, s30;
	v6 =	vadd.f32 $1.000000000e+00, v7;
	v12 =	vmul.f32 $1.442695020e+00, v52;
	(erf) = vpow2.f32 v10  }
0x50f: {  	s13 =	sor.u32 $0x380, s12;
	v54 =	vadd.f32 v44, v44;
	v58 =	vld [tilespmem:s8+$0x6000];
	v57 =	vpop (erf);
	v13 =	vmul.f32 $1.442695020e+00, v13;
	(erf) = vrcp.f32 v14  }
0x510: {  	s30 =	sor.u32 $0x300, s16;
	s16 =	sor.u32 $0x380, s16;
	[dreg:$0x1f] =	wrdreg s13;
	v10 =	vadd.f32 $1.000000000e+00, v57;
	(erf) = vrcp.f32 v11;
	v7 =	vadd.f32 v55, v55  }
0x511: {  	s11 =	smov.u32 s8;
	s1 =	sor.u32 $0x380, s23;
	v15 =	vmul.f32 $1.442695020e+00, v54;
	[dreg:$0x11] =	wrdreg s16;
	v16 =	vadd.f32 v51, v51;
	v11 =	vpop (erf);
	(erf) = vpow2.f32 v13  }
0x512: {  	s12 =	sor.u32 $0x280, s28;
	s19 =	sor.u32 $0x380, s18;
	s23 =	sld [smem:$0x7EE];
	v11 =	vadd.f32 $1.000000000e+00, v11;
	v59 =	vpop (erf);
	(erf) = vrcp.f32 v10;
	v61 =	vmul.f32 $1.442695020e+00, v7  }
0x513: {  	s29 =	sor.u32 $0x300, s31;
	s22 =	sor.u32 $0x380, s5;
	[dreg:$0xf] =	wrdreg s19;
	v7 =	vadd.f32 $1.000000000e+00, v4;
	v10 =	vadd.f32 $1.000000000e+00, v59;
	v62 =	vpop (erf);
	(erf) = vpow2.f32 v12  }
0x514: {  	s4 =	sor.u32 $0x300, s5;
	s5 =	sor.u32 $0x380, s25;
	[dreg:$0x1a] =	wrdreg s22;
	v4 =	vadd.f32 v62, v62;
	(erf) = vrcp.f32 v11;
	v11 =	vadd.f32 v58, v58  }
0x515: {  	s13 =	sor.u32 $0x380, s7;
	s16 =	sor.u32 $0x300, s18;
	s19 =	sor.u32 $0x280, s25;
	[tilespmem:s23+$0x12000] =	vst v1;
	v1 =	vadd.f32 v5, v5;
	v60 =	vmul.f32 $1.442695020e+00, v16;
	(erf) = vpow2.f32 v61  }
0x516: {  	s22 =	sor.u32 $0x300, s25;
	s18 =	sor.u32 $0x280, s31;
	s25 =	sor.u32 $0x300, s28;
	[tilespmem:s6+$0x12000] =	vst v0;
	v0 =	vpop (erf);
	v4 =	vsub.f32 $1.000000000e+00, v4;
	(erf) = vrcp.f32 v10;
	v3 =	vmul.f32 $1.442695020e+00, v11  }
0x517: {  	s7 =	simm.s32 $0x180;
	s6 =	sor.u32 $0x380, s31;
	[tilespmem:s2+$0x12000] =	vst v9;
	s2 =	sor.u32 $0x380, s28;
	v10 =	vadd.f32 v0, v0;
	v5 =	vpop (erf);
	(erf) = vpow2.f32 v15;
	v0 =	vadd.f32 v2, v2  }
0x518: {  	s28 =	simm.s32 $0xC00;
	s23 =	sor.u32 $0x380, s0;
	v2 =	vsub.f32 $1.000000000e+00, v63;
	[tilespmem:s26+$0x12000] =	vst v4;
	v4 =	vadd.f32 $1.000000000e+00, v5;
	v9 =	vpop (erf);
	(erf) = vpow2.f32 v60;
	s26 =	simm.s32 $0x14  }
.LBB2_9:
0x519: {  	[smem:$0x7ED] =	sst s29;
	s0 =	sand.u32 $0x40, s7  }
0x51a: {  	s3 =	sand.u32 $0x7C00, s28;
	s31 =	smov.u32 s24;
	s24 =	rddreg [dreg:$0x5]  }
0x51b: {  	s0 =	sor.u32 s0, s3;
	s3 =	rddreg [dreg:$0x9]  }
0x51c: {  	[tilespmem:s24+$0x12000] =	vst v2;
	s24 =	rddreg [dreg:$0x3]  }
0x51d: {  	s8 =	smov.u32 s3;
	s3 =	rddreg [dreg:$0x14]  }
0x51e: {  	v5 =	vsub.f32 $1.000000000e+00, v10;
	v12 =	vadd.f32 v9, v9;
	[dreg:$0x5] =	wrdreg s8  }
0x51f: {  	v10 =	vld [tilespmem:s23+$0x6000];
	v11 =	vpop (erf);
	s8 =	smov.u32 s3;
	s3 =	rddreg [dreg:$0xb]  }
0x520: {  	(erf) = vpow2.f32 v3;
	v3 =	vpop (erf);
	v2 =	vld [tilespmem:s0+$0x6030];
	[tilespmem:s9+$0x12000] =	vst v5;
	v5 =	vsub.f32 $1.000000000e+00, v12;
	[dreg:$0x9] =	wrdreg s8  }
0x521: {  	v1 =	vsub.f32 $1.000000000e+00, v1;
	(erf) = vrcp.f32 v4;
	v4 =	vadd.f32 v11, v11;
	s9 =	sor.u32 $0x280, s31;
	v9 =	vpop (erf);
	s8 =	rddreg [dreg:$0x1a]  }
0x522: {  	s29 =	smov.u32 s13;
	v0 =	vsub.f32 $1.000000000e+00, v0;
	v13 =	vadd.f32 $1.000000000e+00, v3;
	(erf) = vrcp.f32 v8;
	v8 =	vld [tilespmem:s9+$0x6000];
	v11 =	vpop (erf);
	[tilespmem:s17+$0x12000] =	vst v5;
	s17 =	smov.u32 s12;
	s12 =	rddreg [dreg:$0x11]  }
0x523: {  	v9 =	vadd.f32 v9, v9;
	v4 =	vsub.f32 $1.000000000e+00, v4;
	(erf) = vrcp.f32 v6;
	v6 =	vld [tilespmem:s0+$0x60B0];
	v3 =	vpop (erf);
	s13 =	smov.u32 s8;
	s8 =	smov.u32 s3;
	s3 =	rddreg [dreg:$0x15]  }
0x524: {  	[tilespmem:s24+$0x12000] =	vst v1;
	v36 =	vadd.f32 $1.000000000e+00, v11;
	v5 =	vld [tilespmem:s0+$0x6130];
	(erf) = vrcp.f32 v13;
	v3 =	vadd.f32 v3, v3;
	[dreg:$0x3] =	wrdreg s8;
	s8 =	smov.u32 s3  }
0x525: {  	v11 =	vpop (erf);
	[tilespmem:s10+$0x12000] =	vst v4;
	v4 =	vsub.f32 $1.000000000e+00, v9;
	v9 =	vadd.f32 v10, v10;
	(erf) = vrcp.f32 v7;
	s10 =	smov.u32 s19;
	s19 =	smov.u32 s5;
	s5 =	rddreg [dreg:$0x7]  }
0x526: {  	v7 =	vld [tilespmem:s0+$0x61B0];
	v10 =	vadd.f32 $1.000000000e+00, v11;
	v11 =	vpop (erf);
	[dreg:$0xb] =	wrdreg s8;
	(erf) = vrcp.f32 v36;
	[tilespmem:s5+$0x12000] =	vst v0  }
0x527: {  	v37 =	vld [tilespmem:s0+$0x6000];
	s8 =	rddreg [dreg:$0x1f];
	v14 =	vadd.f32 v2, v2;
	v16 =	vsub.f32 $1.000000000e+00, v3;
	[tilespmem:s14+$0x12000] =	vst v4;
	v4 =	vmul.f32 $1.442695020e+00, v9  }
0x528: {  	v39 =	vld [tilespmem:s0+$0x6180];
	[dreg:$0x11] =	wrdreg s19;
	v1 =	vpop (erf);
	s24 =	smov.u32 s8;
	s8 =	smov.u32 s12;
	v9 =	vadd.f32 v11, v11;
	v8 =	vadd.f32 v8, v8;
	(erf) = vrcp.f32 v10  }
0x529: {  	v11 =	vld [tilespmem:s0+$0x6080];
	v2 =	vpop (erf);
	[dreg:$0x1f] =	wrdreg s8;
	v38 =	vmul.f32 $1.442695020e+00, v14;
	v6 =	vadd.f32 v6, v6;
	v18 =	vadd.f32 v5, v5  }
0x52a: {  	s19 =	smov.u32 s11;
	v10 =	vld [tilespmem:s0+$0x6100];
	s8 =	rddreg [dreg:$0xd];
	(erf) = vpow2.f32 v4;
	v0 =	vpop (erf);
	v5 =	vmul.f32 $1.442695020e+00, v8;
	v8 =	vsub.f32 $1.000000000e+00, v9  }
0x52b: {  	v40 =	vld [tilespmem:s0+$0x6090];
	[dreg:$0xd] =	wrdreg s19;
	v15 =	vpop (erf);
	v6 =	vmul.f32 $1.442695020e+00, v6;
	v7 =	vadd.f32 v7, v7;
	(erf) = vpow2.f32 v38  }
0x52c: {  	s19 =	smov.u32 s4;
	s4 =	smov.u32 s25;
	s25 =	rddreg [dreg:$0x1b];
	v9 =	vld [tilespmem:s0+$0x6010];
	v12 =	vadd.f32 v37, v37;
	v41 =	vmul.f32 $1.442695020e+00, v18;
	v3 =	vpop (erf);
	(erf) = vpow2.f32 v5  }
0x52d: {  	v43 =	vld [tilespmem:s0+$0x6020];
	[tilespmem:s25+$0x12000] =	vst v8;
	v4 =	vpop (erf);
	v7 =	vmul.f32 $1.442695020e+00, v7;
	(erf) = vpow2.f32 v6  }
0x52e: {  	v12 =	vmul.f32 $1.442695020e+00, v12;
	v8 =	vadd.f32 v11, v11;
	v11 =	vld [tilespmem:s0+$0x6110];
	v17 =	vpop (erf);
	(erf) = vpow2.f32 v41  }
0x52f: {  	v45 =	vld [tilespmem:s0+$0x6120];
	v14 =	vadd.f32 v39, v39;
	v10 =	vadd.f32 v10, v10;
	v5 =	vpop (erf);
	(erf) = vpow2.f32 v7  }
0x530: {  	v8 =	vmul.f32 $1.442695020e+00, v8;
	v6 =	vpop (erf);
	(erf) = vpow2.f32 v12  }
0x531: {  	s14 =	smov.u32 s18;
	s18 =	rddreg [dreg:$0x17];
	v44 =	vmul.f32 $1.442695020e+00, v14;
	v21 =	vmul.f32 $1.442695020e+00, v10;
	v9 =	vadd.f32 v9, v9  }
0x532: {  	[tilespmem:s18+$0x12000] =	vst v16;
	v13 =	vadd.f32 v40, v40;
	v16 =	vadd.f32 v43, v43;
	v10 =	vld [tilespmem:s0+$0x60A0];
	(erf) = vpow2.f32 v8;
	v19 =	vpop (erf)  }
0x533: {  	v20 =	vmul.f32 $1.442695020e+00, v9;
	v9 =	vadd.f32 v11, v11;
	v11 =	vld [tilespmem:s0+$0x61A0];
	(erf) = vpow2.f32 v21;
	v7 =	vpop (erf)  }
0x534: {  	v13 =	vmul.f32 $1.442695020e+00, v13;
	v14 =	vadd.f32 v45, v45;
	v24 =	vadd.f32 $1.000000000e+00, v7;
	v8 =	vpop (erf)  }
0x535: {  	v42 =	vld [tilespmem:s0+$0x6190];
	v56 =	vadd.f32 v17, v17;
	(erf) = vpow2.f32 v44;
	v27 =	vadd.f32 $1.000000000e+00, v8;
	v8 =	vpop (erf)  }
0x536: {  	v16 =	vmul.f32 $1.442695020e+00, v16;
	(erf) = vrcp.f32 v24;
	v7 =	vpop (erf);
	v48 =	vadd.f32 $1.000000000e+00, v8  }
0x537: {  	v14 =	vmul.f32 $1.442695020e+00, v14;
	v25 =	vadd.f32 $1.000000000e+00, v7;
	(erf) = vrcp.f32 v27;
	v23 =	vpop (erf)  }
0x538: {  	v10 =	vadd.f32 v10, v10;
	v11 =	vadd.f32 v11, v11;
	v26 =	vpop (erf);
	(erf) = vrcp.f32 v48  }
0x539: {  	v59 =	vsub.f32 $1.000000000e+00, v56;
	v23 =	vadd.f32 $1.000000000e+00, v23;
	v50 =	vpop (erf);
	(erf) = vrcp.f32 v25  }
0x53a: {  	v18 =	vadd.f32 v42, v42;
	v49 =	vmul.f32 $1.442695020e+00, v10;
	v10 =	vadd.f32 $1.000000000e+00, v26  }
0x53b: {  	v57 =	vadd.f32 v19, v19;
	v22 =	vmul.f32 $1.442695020e+00, v9;
	v52 =	vpop (erf);
	(erf) = vrcp.f32 v23  }
0x53c: {  	v6 =	vadd.f32 v6, v6;
	v54 =	vmul.f32 $1.442695020e+00, v11;
	v11 =	vpop (erf);
	(erf) = vrcp.f32 v10  }
0x53d: {  	v18 =	vmul.f32 $1.442695020e+00, v18;
	v61 =	vsub.f32 $1.000000000e+00, v57;
	(erf) = vpow2.f32 v20  }
0x53e: {  	s5 =	rddreg [dreg:$0xf];
	s12 =	smov.u32 s8;
	v51 =	vadd.f32 $1.000000000e+00, v50;
	v55 =	vadd.f32 $1.000000000e+00, v11;
	v11 =	vpop (erf);
	(erf) = vpow2.f32 v13  }
0x53f: {  	s8 =	smov.u32 s1;
	s1 =	smov.u32 s5;
	s5 =	smov.u32 s30;
	v46 =	vld [tilespmem:s19+$0x6000];
	v10 =	vadd.f32 v15, v15;
	v58 =	vadd.f32 $1.000000000e+00, v11;
	(erf) = vpow2.f32 v22;
	v11 =	vpop (erf)  }
0x540: {  	v47 =	vld [tilespmem:s5+$0x6000];
	v53 =	vadd.f32 $1.000000000e+00, v52;
	(erf) = vpow2.f32 v18;
	v11 =	vadd.f32 v11, v11;
	v60 =	vpop (erf)  }
0x541: {  	v9 =	vld [tilespmem:s16+$0x6000];
	[tilespmem:s21+$0x12000] =	vst v61;
	v10 =	vsub.f32 $1.000000000e+00, v10;
	(erf) = vpow2.f32 v16;
	v16 =	vadd.f32 v60, v60;
	v63 =	vpop (erf)  }
0x542: {  	v7 =	vld [tilespmem:s24+$0x6000];
	[tilespmem:s20+$0x12000] =	vst v59;
	(erf) = vpow2.f32 v49;
	v24 =	vsub.f32 $1.000000000e+00, v11;
	v28 =	vpop (erf);
	v13 =	vadd.f32 v63, v63  }
0x543: {  	v8 =	vld [tilespmem:s29+$0x6000];
	[tilespmem:s15+$0x12000] =	vst v10;
	(erf) = vpow2.f32 v14;
	v30 =	vsub.f32 $1.000000000e+00, v16;
	v14 =	vadd.f32 v28, v28  }
0x544: {  	p0 =	por !p0, !p0;
	v10 =	vadd.f32 v46, v46;
	(erf) = vpow2.f32 v54;
	v31 =	vpop (erf);
	[tilespmem:s23+$0x12000] =	vst v24;
	v13 =	vsub.f32 $1.000000000e+00, v13  }
0x545: {  	[dreg:$0x7] =	wrdreg s12;
	s12 =	smov.u32 s2;
	s2 =	simm.s32 $0x1;
	v29 =	vld [tilespmem:s10+$0x6000];
	v15 =	vadd.f32 v31, v31;
	(erf) = vrcp.f32 v51;
	v33 =	vpop (erf);
	[tilespmem:s0+$0x12030] =	vst v30;
	v34 =	vsub.f32 $1.000000000e+00, v14  }
0x546: {  	s2 =	simm.s32 @!p0 $0x0;
	v32 =	vld [tilespmem:s14+$0x6000];
	v10 =	vmul.f32 $1.442695020e+00, v10;
	v35 =	vadd.f32 v33, v33;
	(erf) = vrcp.f32 v53;
	v36 =	vpop (erf);
	[tilespmem:s9+$0x12000] =	vst v13  }
0x547: {  	s2 =	sshll.u32 s2, $0x6;
	v62 =	vld [tilespmem:s17+$0x6000];
	s23 =	sor.u32 $0x300, s31;
	v19 =	vadd.f32 $1.000000000e+00, v36;
	v37 =	vsub.f32 $1.000000000e+00, v15;
	(erf) = vrcp.f32 v55;
	v38 =	vpop (erf);
	[tilespmem:s0+$0x120B0] =	vst v34  }
0x548: {  	s2 =	sadd.s32 s2, s28;
	v39 =	vadd.f32 $1.000000000e+00, v38;
	v40 =	vsub.f32 $1.000000000e+00, v35;
	(erf) = vrcp.f32 v58;
	v41 =	vpop (erf);
	v42 =	vld [tilespmem:s23+$0x6000]  }
0x549: {  	[dreg:$0x15] =	wrdreg s24;
	s24 =	sadd.s32 $0x30, s2;
	v11 =	vadd.f32 v47, v47;
	v43 =	vadd.f32 $1.000000000e+00, v41;
	[tilespmem:s0+$0x12130] =	vst v37;
	(erf) = vrcp.f32 v19;
	v44 =	vpop (erf)  }
0x54a: {  	v47 =	vadd.f32 v29, v29;
	s9 =	sor.u32 $0x200, s24;
	v45 =	vadd.f32 $1.000000000e+00, v44;
	[tilespmem:s0+$0x121B0] =	vst v40;
	(erf) = vrcp.f32 v39;
	v46 =	vpop (erf)  }
0x54b: {  	v16 =	vadd.f32 v32, v32;
	v48 =	vadd.f32 $1.000000000e+00, v46;
	v49 =	vld [tilespmem:s9+$0x6000];
	(erf) = vrcp.f32 v43;
	v50 =	vpop (erf)  }
0x54c: {  	v18 =	vadd.f32 v62, v62;
	v14 =	vadd.f32 $1.000000000e+00, v50;
	(erf) = vrcp.f32 v45;
	v51 =	vpop (erf)  }
0x54d: {  	v15 =	vadd.f32 $1.000000000e+00, v51;
	(erf) = vrcp.f32 v48;
	v52 =	vpop (erf);
	v17 =	vadd.f32 v42, v42  }
0x54e: {  	v16 =	vmul.f32 $1.442695020e+00, v16;
	v12 =	vadd.f32 $1.000000000e+00, v52;
	v53 =	vpop (erf);
	(erf) = vrcp.f32 v14  }
0x54f: {  	v54 =	vadd.f32 v53, v53;
	v55 =	vpop (erf);
	(erf) = vrcp.f32 v15;
	v56 =	vmul.f32 $1.442695020e+00, v17  }
0x550: {  	v57 =	vadd.f32 v55, v55;
	v19 =	vadd.f32 v49, v49;
	v58 =	vpop (erf);
	(erf) = vrcp.f32 v12  }
0x551: {  	v59 =	vsub.f32 $1.000000000e+00, v54;
	v60 =	vadd.f32 v58, v58;
	v61 =	vpop (erf);
	(erf) = vpow2.f32 v56  }
0x552: {  	v62 =	vsub.f32 $1.000000000e+00, v57;
	v63 =	vadd.f32 v61, v61;
	v24 =	vmul.f32 $1.442695020e+00, v19;
	v25 =	vpop (erf)  }
0x553: {  	v18 =	vmul.f32 $1.442695020e+00, v18;
	[tilespmem:s0+$0x12000] =	vst v59;
	v26 =	vsub.f32 $1.000000000e+00, v60;
	v27 =	vadd.f32 v25, v25;
	v28 =	vpop (erf)  }
0x554: {  	[tilespmem:s0+$0x12080] =	vst v62;
	v29 =	vsub.f32 $1.000000000e+00, v63;
	v30 =	vadd.f32 v28, v28;
	v31 =	vpop (erf);
	(erf) = vpow2.f32 v24  }
0x555: {  	v13 =	vmul.f32 $1.442695020e+00, v47;
	[tilespmem:s0+$0x12100] =	vst v26;
	v32 =	vsub.f32 $1.000000000e+00, v27;
	v33 =	vadd.f32 v31, v31;
	v34 =	vpop (erf)  }
0x556: {  	(erf) = vpow2.f32 v18;
	[tilespmem:s0+$0x12180] =	vst v29;
	v35 =	vsub.f32 $1.000000000e+00, v30;
	v19 =	vadd.f32 v34, v34;
	v36 =	vpop (erf)  }
0x557: {  	s15 =	sor.u32 $0x200, s2;
	(erf) = vpow2.f32 v13;
	[tilespmem:s0+$0x12010] =	vst v32;
	v38 =	vsub.f32 $1.000000000e+00, v33;
	v39 =	vadd.f32 v36, v36;
	v40 =	vpop (erf)  }
0x558: {  	v37 =	vld [tilespmem:s15+$0x6000];
	(erf) = vpow2.f32 v16;
	[tilespmem:s0+$0x12090] =	vst v35;
	v41 =	vsub.f32 $1.000000000e+00, v19;
	v42 =	vadd.f32 v40, v40;
	v43 =	vpop (erf)  }
0x559: {  	s11 =	smov.u32 s6;
	s6 =	sadd.s32 $0x10, s2;
	v11 =	vmul.f32 $1.442695020e+00, v11;
	[tilespmem:s0+$0x12110] =	vst v38;
	v44 =	vsub.f32 $1.000000000e+00, v39;
	v45 =	vadd.f32 v43, v43;
	v46 =	vpop (erf)  }
0x55a: {  	s20 =	sor.u32 $0x200, s6;
	[tilespmem:s0+$0x12190] =	vst v41;
	v47 =	vsub.f32 $1.000000000e+00, v42;
	v48 =	vadd.f32 v46, v46;
	v49 =	vpop (erf);
	(erf) = vpow2.f32 v10  }
0x55b: {  	v10 =	vld [tilespmem:s20+$0x6000];
	[tilespmem:s0+$0x12020] =	vst v44;
	v50 =	vsub.f32 $1.000000000e+00, v45;
	v51 =	vadd.f32 $1.000000000e+00, v49  }
0x55c: {  	[dreg:$0xf] =	wrdreg s11;
	v9 =	vadd.f32 v9, v9;
	(erf) = vpow2.f32 v11;
	[tilespmem:s0+$0x120A0] =	vst v47;
	v52 =	vsub.f32 $1.000000000e+00, v48  }
0x55d: {  	s30 =	smov.u32 s22;
	[dreg:$0x17] =	wrdreg s19;
	s11 =	sadd.s32 $0x20, s2;
	v11 =	vadd.f32 v37, v37;
	[tilespmem:s0+$0x12120] =	vst v50;
	v53 =	vpop (erf);
	(erf) = vrcp.f32 v51  }
0x55e: {  	[dreg:$0x1b] =	wrdreg s5;
	s19 =	sor.u32 $0x280, s6;
	v6 =	vsub.f32 $1.000000000e+00, v6;
	s21 =	sor.u32 $0x200, s11;
	v9 =	vmul.f32 $1.442695020e+00, v9;
	[tilespmem:s0+$0x121A0] =	vst v52;
	v12 =	vadd.f32 $1.000000000e+00, v53  }
0x55f: {  	s18 =	sor.u32 $0x280, s11;
	s22 =	sor.u32 $0x300, s6;
	s3 =	sor.u32 $0x300, s11;
	v7 =	vadd.f32 v7, v7;
	v55 =	vadd.f32 v8, v8;
	v11 =	vmul.f32 $1.442695020e+00, v11;
	v54 =	vpop (erf);
	v15 =	vld [tilespmem:s21+$0x6000]  }
0x560: {  	s5 =	sor.u32 $0x380, s6;
	s6 =	sor.u32 $0x380, s11;
	s11 =	rddreg [dreg:$0x1d];
	v8 =	vadd.f32 $1.000000000e+00, v54;
	v56 =	vpop (erf);
	v10 =	vadd.f32 v10, v10;
	(erf) = vrcp.f32 v12  }
0x561: {  	v61 =	vmul.f32 $1.442695020e+00, v55;
	[tilespmem:s11+$0x12000] =	vst v6;
	v57 =	vadd.f32 $1.000000000e+00, v56;
	v58 =	vpop (erf);
	(erf) = vpow2.f32 v11  }
0x562: {  	v6 =	vadd.f32 $1.000000000e+00, v2;
	v60 =	vld [tilespmem:s8+$0x6000];
	v59 =	vmul.f32 $1.442695020e+00, v10;
	(erf) = vrcp.f32 v8  }
0x563: {  	v11 =	vadd.f32 $1.000000000e+00, v58;
	v8 =	vadd.f32 $1.000000000e+00, v1;
	(erf) = vrcp.f32 v57;
	v1 =	vpop (erf)  }
0x564: {  	v2 =	vadd.f32 v15, v15;
	(erf) = vpow2.f32 v59;
	v1 =	vadd.f32 $1.000000000e+00, v1  }
0x565: {  	s26 =	sadd.s32 $0x4, s26;
	v10 =	vpop (erf);
	(erf) = vrcp.f32 v11;
	v11 =	vmul.f32 $1.442695020e+00, v7;
	v7 =	vadd.f32 $1.000000000e+00, v0  }
0x566: {  	p1 =	slt.u32 s26, $0xBC;
	[dreg:$0x14] =	wrdreg s29;
	s11 =	smov.u32 s16;
	v10 =	vadd.f32 $1.000000000e+00, v10;
	v2 =	vmul.f32 $1.442695020e+00, v2;
	v62 =	vpop (erf);
	(erf) = vpow2.f32 v9  }
.Ltmp6:
0x567: {  	[dreg:$0x1d] =	wrdreg s11;
	v9 =	vadd.f32 v60, v60;
	v0 =	vadd.f32 v62, v62;
	(erf) = vrcp.f32 v1;
	(pc) =	sbr.rel @p1 .LBB2_9-.Ltmp6, $4  }
0x568: {  	s7 =	sadd.s32 $0x40, s7;
	s11 =	sld [smem:$0x7ED];
	v1 =	vadd.f32 v4, v4;
	(erf) = vpow2.f32 v2;
	v2 =	vadd.f32 v3, v3  }
0x569: {  	[dreg:$0x1a] =	wrdreg s12;
	s28 =	sadd.s32 $0x200, s28;
	s12 =	sor.u32 $0x280, s2;
	v4 =	vpop (erf);
	v3 =	vmul.f32 $1.442695020e+00, v9;
	v63 =	vsub.f32 $1.000000000e+00, v0;
	(erf) = vrcp.f32 v10  }
0x56a: {  	s25 =	sor.u32 $0x300, s2;
	s29 =	smov.u32 s3;
	s2 =	sor.u32 $0x380, s2;
	v10 =	vadd.f32 v4, v4;
	v4 =	vpop (erf);
	v0 =	vadd.f32 v5, v5;
	(erf) = vpow2.f32 v61  }
0x56b: {  	s16 =	smov.u32 s11;
	s11 =	smov.u32 s8;
	v4 =	vadd.f32 $1.000000000e+00, v4;
	v9 =	vpop (erf);
	v2 =	vsub.f32 $1.000000000e+00, v2;
	[tilespmem:s23+$0x12000] =	vst v63;
	s23 =	sor.u32 $0x380, s31;
	(erf) = vpow2.f32 v11  }
0x56c: {  	v5 =	vsub.f32 $1.000000000e+00, v10;
	_ =	sdelay $0x1  }
0x56d: {  	v30 =	vld [tilespmem:s23+$0x6000];
	v31 =	vpop (erf);
	s0 =	sor.u32 $0x280, s24;
	[tilespmem:s9+$0x12000] =	vst v5  }
0x56e: {  	(erf) = vpow2.f32 v3;
	v32 =	vpop (erf);
	v11 =	vld [tilespmem:s0+$0x6000]  }
0x56f: {  	(erf) = vrcp.f32 v4;
	v12 =	vpop (erf)  }
0x570: {  	v3 =	vadd.f32 $1.000000000e+00, v32;
	(erf) = vrcp.f32 v8;
	v33 =	vpop (erf)  }
0x571: {  	(erf) = vrcp.f32 v6;
	v34 =	vpop (erf)  }
0x572: {  	(erf) = vrcp.f32 v3;
	v35 =	vadd.f32 $1.000000000e+00, v33;
	v36 =	vpop (erf);
	v5 =	vadd.f32 v30, v30  }
0x573: {  	(erf) = vrcp.f32 v7;
	v4 =	vadd.f32 $1.000000000e+00, v36;
	v37 =	vadd.f32 v11, v11  }
0x574: {  	v38 =	vpop (erf);
	(erf) = vrcp.f32 v35;
	v39 =	vmul.f32 $1.442695020e+00, v5  }
0x575: {  	v40 =	vpop (erf);
	(erf) = vrcp.f32 v4;
	v41 =	vmul.f32 $1.442695020e+00, v37  }
0x576: {  	v13 =	vpop (erf);
	(erf) = vpow2.f32 v39  }
0x577: {  	v14 =	vpop (erf);
	(erf) = vpow2.f32 v41  }
0x578: {  	v15 =	vpop (erf)  }
0x579: {  	v5 =	vpop (erf)  }
0x57a: {  	v4 =	vpop (erf)  }
0x57b: {  	v16 =	vpop (erf)  }
0x57c: {  	v3 =	vpop (erf)  }
0x57d: {  	v17 =	vpop (erf)  }
0x57e: {  	v18 =	vpop (erf)  }
0x57f: {  	v42 =	vpop (erf)  }
0x580: {  	v6 =	vadd.f32 $1.000000000e+00, v42;
	v19 =	vpop (erf)  }
0x581: {  	v19 =	vadd.f32 $1.000000000e+00, v19  }
0x582: {  	(erf) = vrcp.f32 v6  }
0x583: {  	(erf) = vrcp.f32 v19;
	_ =	sdelay $0x7  }
0x584: {  	v6 =	vpop (erf)  }
0x585: {  	v19 =	vpop (erf)  }
0x586: {  	v19 =	vadd.f32 v19, v19;
	_ =	sdelay $0x1  }
0x587: {  	v19 =	vsub.f32 $1.000000000e+00, v19;
	_ =	sdelay $0x1  }
0x588: {  	s26 =	sor.u32 $0x300, s24;
	[tilespmem:s0+$0x12000] =	vst v19  }
0x589: {  	v19 =	vld [tilespmem:s26+$0x6000];
	_ =	sdelay $0x1  }
0x58a: {  	v15 =	vadd.f32 v15, v15  }
0x58b: {  	v9 =	vadd.f32 v9, v9;
	v16 =	vadd.f32 v16, v16  }
0x58c: {  	v15 =	vsub.f32 $1.000000000e+00, v15;
	v18 =	vadd.f32 v18, v18  }
0x58d: {  	v16 =	vsub.f32 $1.000000000e+00, v16;
	v19 =	vadd.f32 v19, v19  }
0x58e: {  	v10 =	vadd.f32 v31, v31;
	[tilespmem:s15+$0x12000] =	vst v15;
	v43 =	vsub.f32 $1.000000000e+00, v18  }
0x58f: {  	v9 =	vsub.f32 $1.000000000e+00, v9;
	v44 =	vld [tilespmem:s12+$0x6000];
	[tilespmem:s20+$0x12000] =	vst v16;
	v45 =	vmul.f32 $1.442695020e+00, v19  }
0x590: {  	v10 =	vsub.f32 $1.000000000e+00, v10;
	v46 =	vld [tilespmem:s19+$0x6000];
	[tilespmem:s21+$0x12000] =	vst v43  }
0x591: {  	[tilespmem:s17+$0x12000] =	vst v9;
	v47 =	vld [tilespmem:s18+$0x6000];
	(erf) = vpow2.f32 v45  }
0x592: {  	[tilespmem:s10+$0x12000] =	vst v10;
	v48 =	vld [tilespmem:s4+$0x6000]  }
0x593: {  	v49 =	vld [tilespmem:s30+$0x6000]  }
0x594: {  	v16 =	vadd.f32 v44, v44  }
0x595: {  	v15 =	vadd.f32 v46, v46  }
0x596: {  	v16 =	vmul.f32 $1.442695020e+00, v16;
	v9 =	vadd.f32 v47, v47  }
0x597: {  	v10 =	vadd.f32 v48, v48;
	v15 =	vmul.f32 $1.442695020e+00, v15  }
0x598: {  	v18 =	vadd.f32 v49, v49;
	v9 =	vmul.f32 $1.442695020e+00, v9;
	(erf) = vpow2.f32 v16  }
0x599: {  	v10 =	vmul.f32 $1.442695020e+00, v10;
	(erf) = vpow2.f32 v15  }
0x59a: {  	v12 =	vadd.f32 v12, v12;
	v50 =	vmul.f32 $1.442695020e+00, v18;
	(erf) = vpow2.f32 v9;
	v51 =	vpop (erf)  }
0x59b: {  	(erf) = vpow2.f32 v10;
	v52 =	vadd.f32 $1.000000000e+00, v51  }
0x59c: {  	v12 =	vsub.f32 $1.000000000e+00, v12;
	v8 =	vadd.f32 v34, v34;
	(erf) = vpow2.f32 v50  }
0x59d: {  	(erf) = vrcp.f32 v52  }
0x59e: {  	[tilespmem:s14+$0x12000] =	vst v12;
	v7 =	vadd.f32 v38, v38;
	v8 =	vsub.f32 $1.000000000e+00, v8  }
0x59f: {  	v53 =	vld [tilespmem:s16+$0x6000];
	s3 =	rddreg [dreg:$0x17]  }
0x5a0: {  	v7 =	vsub.f32 $1.000000000e+00, v7;
	v55 =	vadd.f32 v17, v17;
	[tilespmem:s3+$0x12000] =	vst v8  }
0x5a1: {  	s3 =	rddreg [dreg:$0x1b];
	v54 =	vpop (erf)  }
0x5a2: {  	v58 =	vsub.f32 $1.000000000e+00, v55;
	[tilespmem:s3+$0x12000] =	vst v7;
	v56 =	vpop (erf)  }
0x5a3: {  	s3 =	rddreg [dreg:$0x1d];
	v10 =	vadd.f32 $1.000000000e+00, v54;
	v57 =	vpop (erf)  }
0x5a4: {  	[tilespmem:s3+$0x12000] =	vst v58;
	v9 =	vadd.f32 v53, v53;
	v59 =	vadd.f32 $1.000000000e+00, v56;
	v60 =	vpop (erf)  }
0x5a5: {  	v61 =	vld [tilespmem:s13+$0x6000];
	s7 =	rddreg [dreg:$0x1f];
	v16 =	vadd.f32 $1.000000000e+00, v57;
	(erf) = vrcp.f32 v10;
	v62 =	vpop (erf)  }
0x5a6: {  	v63 =	vld [tilespmem:s7+$0x6000];
	v9 =	vmul.f32 $1.442695020e+00, v9;
	(erf) = vrcp.f32 v59;
	v20 =	vpop (erf)  }
0x5a7: {  	v21 =	vld [tilespmem:s1+$0x6000];
	(erf) = vrcp.f32 v16;
	v12 =	vadd.f32 v20, v20  }
0x5a8: {  	(erf) = vpow2.f32 v9  }
0x5a9: {  	v22 =	vsub.f32 $1.000000000e+00, v12  }
0x5aa: {  	v7 =	vadd.f32 v61, v61;
	v23 =	vadd.f32 $1.000000000e+00, v60  }
0x5ab: {  	s28 =	sor.u32 $0x380, s24;
	v8 =	vadd.f32 v63, v63;
	v24 =	vadd.f32 $1.000000000e+00, v62;
	[tilespmem:s26+$0x12000] =	vst v22  }
0x5ac: {  	v7 =	vmul.f32 $1.442695020e+00, v7;
	v25 =	vadd.f32 v21, v21;
	(erf) = vrcp.f32 v23;
	v26 =	vld [tilespmem:s28+$0x6000]  }
0x5ad: {  	v8 =	vmul.f32 $1.442695020e+00, v8;
	(erf) = vrcp.f32 v24  }
0x5ae: {  	v27 =	vmul.f32 $1.442695020e+00, v25;
	v28 =	vpop (erf);
	(erf) = vpow2.f32 v7  }
0x5af: {  	v29 =	vadd.f32 $1.000000000e+00, v40;
	v30 =	vpop (erf);
	(erf) = vpow2.f32 v8  }
0x5b0: {  	v31 =	vadd.f32 $1.000000000e+00, v13;
	v32 =	vpop (erf);
	(erf) = vpow2.f32 v27  }
0x5b1: {  	v33 =	vadd.f32 $1.000000000e+00, v14;
	(erf) = vrcp.f32 v29;
	v34 =	vpop (erf);
	v12 =	vadd.f32 v26, v26  }
0x5b2: {  	(erf) = vrcp.f32 v31;
	v10 =	vadd.f32 $1.000000000e+00, v34  }
0x5b3: {  	(erf) = vrcp.f32 v33;
	v35 =	vmul.f32 $1.442695020e+00, v12  }
0x5b4: {  	v7 =	vadd.f32 v28, v28;
	(erf) = vrcp.f32 v10  }
0x5b5: {  	v8 =	vadd.f32 v30, v30;
	v36 =	vpop (erf);
	(erf) = vpow2.f32 v35  }
0x5b6: {  	v7 =	vsub.f32 $1.000000000e+00, v7;
	v37 =	vpop (erf)  }
0x5b7: {  	v8 =	vsub.f32 $1.000000000e+00, v8;
	v38 =	vpop (erf)  }
0x5b8: {  	[tilespmem:s12+$0x12000] =	vst v7;
	v39 =	vpop (erf)  }
0x5b9: {  	[tilespmem:s19+$0x12000] =	vst v8;
	v41 =	vld [tilespmem:s25+$0x6000];
	v40 =	vpop (erf)  }
0x5ba: {  	v42 =	vld [tilespmem:s22+$0x6000];
	v14 =	vpop (erf)  }
0x5bb: {  	v16 =	vpop (erf)  }
0x5bc: {  	v9 =	vadd.f32 v32, v32;
	v17 =	vpop (erf)  }
0x5bd: {  	v43 =	vpop (erf)  }
0x5be: {  	v9 =	vsub.f32 $1.000000000e+00, v9;
	v13 =	vadd.f32 v41, v41;
	v44 =	vpop (erf)  }
0x5bf: {  	v15 =	vadd.f32 v42, v42;
	v19 =	vadd.f32 $1.000000000e+00, v44  }
0x5c0: {  	[tilespmem:s18+$0x12000] =	vst v9;
	v10 =	vadd.f32 v36, v36;
	v45 =	vmul.f32 $1.442695020e+00, v13  }
0x5c1: {  	v46 =	vld [tilespmem:s29+$0x6000];
	v47 =	vadd.f32 v37, v37;
	v15 =	vmul.f32 $1.442695020e+00, v15;
	(erf) = vrcp.f32 v19  }
0x5c2: {  	v10 =	vsub.f32 $1.000000000e+00, v10;
	v48 =	vadd.f32 v43, v43;
	(erf) = vpow2.f32 v45  }
0x5c3: {  	v9 =	vsub.f32 $1.000000000e+00, v47;
	(erf) = vpow2.f32 v15  }
0x5c4: {  	[tilespmem:s4+$0x12000] =	vst v10;
	v11 =	vsub.f32 $1.000000000e+00, v48  }
0x5c5: {  	[tilespmem:s30+$0x12000] =	vst v9  }
0x5c6: {  	v49 =	vadd.f32 v46, v46;
	s9 =	rddreg [dreg:$0x1a];
	[tilespmem:s16+$0x12000] =	vst v11  }
0x5c7: {  	v50 =	vld [tilespmem:s9+$0x6000];
	s8 =	rddreg [dreg:$0x11]  }
0x5c8: {  	v10 =	vmul.f32 $1.442695020e+00, v49;
	s4 =	rddreg [dreg:$0xf];
	v51 =	vld [tilespmem:s8+$0x6000]  }
0x5c9: {  	v52 =	vld [tilespmem:s4+$0x6000]  }
0x5ca: {  	(erf) = vpow2.f32 v10;
	v53 =	vpop (erf)  }
0x5cb: {  	v54 =	vpop (erf)  }
0x5cc: {  	v9 =	vadd.f32 v50, v50;
	v10 =	vadd.f32 $1.000000000e+00, v54;
	v55 =	vpop (erf)  }
0x5cd: {  	v11 =	vadd.f32 v51, v51;
	v18 =	vadd.f32 $1.000000000e+00, v55  }
0x5ce: {  	v9 =	vmul.f32 $1.442695020e+00, v9;
	v56 =	vadd.f32 v52, v52;
	(erf) = vrcp.f32 v10  }
0x5cf: {  	v11 =	vmul.f32 $1.442695020e+00, v11;
	(erf) = vrcp.f32 v18  }
0x5d0: {  	v10 =	vmul.f32 $1.442695020e+00, v56;
	(erf) = vpow2.f32 v9  }
0x5d1: {  	v57 =	vadd.f32 $1.000000000e+00, v38;
	(erf) = vpow2.f32 v11  }
0x5d2: {  	v7 =	vadd.f32 $1.000000000e+00, v39;
	(erf) = vpow2.f32 v10  }
0x5d3: {  	v8 =	vadd.f32 $1.000000000e+00, v40;
	v58 =	vpop (erf);
	(erf) = vrcp.f32 v57  }
0x5d4: {  	v59 =	vadd.f32 $1.000000000e+00, v58;
	(erf) = vrcp.f32 v7  }
0x5d5: {  	(erf) = vrcp.f32 v8  }
0x5d6: {  	(erf) = vrcp.f32 v59  }
0x5d7: {  	v60 =	vpop (erf)  }
0x5d8: {  	v61 =	vpop (erf)  }
0x5d9: {  	v62 =	vpop (erf)  }
0x5da: {  	v63 =	vpop (erf)  }
0x5db: {  	v21 =	vpop (erf)  }
0x5dc: {  	v22 =	vpop (erf)  }
0x5dd: {  	v7 =	vadd.f32 v60, v60;
	v23 =	vpop (erf)  }
0x5de: {  	v24 =	vpop (erf)  }
0x5df: {  	v8 =	vadd.f32 v61, v61;
	v7 =	vsub.f32 $1.000000000e+00, v7;
	v25 =	vpop (erf)  }
0x5e0: {  	v19 =	vadd.f32 v25, v25  }
0x5e1: {  	v8 =	vsub.f32 $1.000000000e+00, v8;
	[tilespmem:s25+$0x12000] =	vst v7  }
0x5e2: {  	v27 =	vld [tilespmem:s2+$0x6000];
	v26 =	vsub.f32 $1.000000000e+00, v19  }
0x5e3: {  	[tilespmem:s22+$0x12000] =	vst v8  }
0x5e4: {  	v28 =	vld [tilespmem:s5+$0x6000];
	[tilespmem:s29+$0x12000] =	vst v26  }
0x5e5: {  	v29 =	vld [tilespmem:s6+$0x6000];
	_ =	sdelay $0x1  }
0x5e6: {  	v8 =	vadd.f32 v27, v27;
	_ =	sdelay $0x1  }
0x5e7: {  	v7 =	vadd.f32 v28, v28;
	v8 =	vmul.f32 $1.442695020e+00, v8  }
0x5e8: {  	v19 =	vadd.f32 v29, v29  }
0x5e9: {  	v7 =	vmul.f32 $1.442695020e+00, v7;
	(erf) = vpow2.f32 v8  }
0x5ea: {  	v30 =	vmul.f32 $1.442695020e+00, v19  }
0x5eb: {  	(erf) = vpow2.f32 v7  }
0x5ec: {  	(erf) = vpow2.f32 v30  }
0x5ed: {  	v6 =	vadd.f32 v6, v6;
	s3 =	rddreg [dreg:$0x5]  }
0x5ee: {  	v1 =	vsub.f32 $1.000000000e+00, v1;
	v0 =	vsub.f32 $1.000000000e+00, v0;
	[tilespmem:s3+$0x12000] =	vst v2  }
0x5ef: {  	v5 =	vadd.f32 v5, v5;
	v6 =	vsub.f32 $1.000000000e+00, v6;
	s3 =	rddreg [dreg:$0x3]  }
0x5f0: {  	v4 =	vadd.f32 v4, v4;
	v31 =	vadd.f32 $1.000000000e+00, v62;
	[tilespmem:s3+$0x12000] =	vst v1  }
0x5f1: {  	v33 =	vadd.f32 v3, v3;
	v32 =	vadd.f32 $1.000000000e+00, v63;
	s3 =	rddreg [dreg:$0x7];
	[tilespmem:s23+$0x12000] =	vst v6  }
0x5f2: {  	v36 =	vsub.f32 $1.000000000e+00, v5;
	v34 =	vadd.f32 $1.000000000e+00, v21;
	[tilespmem:s3+$0x12000] =	vst v0;
	(erf) = vrcp.f32 v31;
	v35 =	vpop (erf)  }
0x5f3: {  	v41 =	vadd.f32 v53, v53;
	s3 =	rddreg [dreg:$0x9];
	(erf) = vrcp.f32 v32;
	v7 =	vadd.f32 $1.000000000e+00, v35  }
0x5f4: {  	v38 =	vsub.f32 $1.000000000e+00, v4;
	v42 =	vsub.f32 $1.000000000e+00, v33;
	[tilespmem:s3+$0x12000] =	vst v36;
	v37 =	vpop (erf);
	(erf) = vrcp.f32 v34  }
0x5f5: {  	v44 =	vsub.f32 $1.000000000e+00, v41;
	s3 =	rddreg [dreg:$0xb];
	v40 =	vadd.f32 $1.000000000e+00, v37;
	(erf) = vrcp.f32 v7;
	v39 =	vpop (erf)  }
0x5f6: {  	v43 =	vadd.f32 v14, v14;
	[tilespmem:s3+$0x12000] =	vst v38;
	v3 =	vadd.f32 $1.000000000e+00, v39  }
0x5f7: {  	v46 =	vadd.f32 v17, v17;
	s3 =	rddreg [dreg:$0xd];
	[tilespmem:s28+$0x12000] =	vst v44;
	(erf) = vrcp.f32 v40  }
0x5f8: {  	v49 =	vadd.f32 v23, v23;
	v2 =	vsub.f32 $1.000000000e+00, v43;
	[tilespmem:s3+$0x12000] =	vst v42;
	(erf) = vrcp.f32 v3  }
0x5f9: {  	v50 =	vadd.f32 v24, v24;
	v1 =	vsub.f32 $1.000000000e+00, v46;
	s0 =	rddreg [dreg:$0x14]  }
0x5fa: {  	v45 =	vadd.f32 v16, v16;
	v52 =	vsub.f32 $1.000000000e+00, v49;
	[tilespmem:s0+$0x12000] =	vst v2  }
0x5fb: {  	v48 =	vadd.f32 v22, v22;
	v0 =	vsub.f32 $1.000000000e+00, v50;
	s0 =	rddreg [dreg:$0x15];
	[tilespmem:s11+$0x12000] =	vst v1;
	v51 =	vpop (erf)  }
0x5fc: {  	v47 =	vsub.f32 $1.000000000e+00, v45;
	[tilespmem:s7+$0x12000] =	vst v52;
	v53 =	vpop (erf);
	v4 =	vadd.f32 v51, v51  }
0x5fd: {  	[tilespmem:s1+$0x12000] =	vst v0;
	v3 =	vsub.f32 $1.000000000e+00, v48;
	v54 =	vpop (erf);
	v2 =	vadd.f32 v53, v53  }
0x5fe: {  	[tilespmem:s0+$0x12000] =	vst v47;
	v55 =	vadd.f32 v54, v54;
	v56 =	vsub.f32 $1.000000000e+00, v4;
	v57 =	vpop (erf)  }
0x5ff: {  	[tilespmem:s13+$0x12000] =	vst v3;
	v58 =	vsub.f32 $1.000000000e+00, v2;
	v4 =	vadd.f32 v57, v57  }
0x600: {  	v59 =	vpop (erf);
	[tilespmem:s9+$0x12000] =	vst v56;
	v1 =	vsub.f32 $1.000000000e+00, v55  }
0x601: {  	v2 =	vadd.f32 v59, v59;
	[tilespmem:s8+$0x12000] =	vst v58;
	v62 =	vsub.f32 $1.000000000e+00, v4;
	v60 =	vpop (erf)  }
0x602: {  	[tilespmem:s4+$0x12000] =	vst v1;
	v61 =	vadd.f32 v60, v60  }
0x603: {  	v63 =	vsub.f32 $1.000000000e+00, v2;
	[tilespmem:s2+$0x12000] =	vst v62  }
0x604: {  	s0 =	sld [smem:$0x7F7];
	v0 =	vsub.f32 $1.000000000e+00, v61  }
0x605: {  	s4 =	sld [smem:$0x7EF];
	[tilespmem:s5+$0x12000] =	vst v63  }
0x606: {  	[tilespmem:s6+$0x12000] =	vst v0  }
0x607: {  	s2 =	sld [smem:$0x7F1];
	_ =	sdelay $0x2  }
0x608: {  	p0 =	seq.s32 s2, $0x2  }
.Ltmp7:
0x609: {  	s1 =	sld [smem:$0x7F5];
	(pc) =	sbr.rel @p0 .LBB2_12-.Ltmp7, $4  }
0x60a: {  	s0 =	sadd.s32 s4, s0  }
0x60b: {  	s0 =	sshrl.u32 s0, $0x3  }
0x60c: {  	s31 =	simm.s32 $0x12000;
	s3 =	simm.s32 $0x0;
	s0 =	sadd.s32 s1, s0  }
0x60d: {  	[hbm4b:s0+s3] =	stream.linear.scatter [tilespmem:s31], [sflag:$0x4], $0x6000, $0x38;
	[tilespmem:$0x18000] =	vst v63  }
0x60e: {  	s0 =	sld [smem:$0x7FC];
	_ =	sdelay $0x1  }
.Ltmp8:
0x60f: {  	s1 =	sld [smem:$0x7F8];
	(pc) =	sbr.rel .LBB2_2-.Ltmp8, $4  }
0x610: {  	s0 =	sadd.s32 s4, s0  }
0x611: {  	s0 =	sshrl.u32 s0, $0x3  }
0x612: {  	s31 =	simm.s32 $0x6000;
	s2 =	sadd.s32 $0x1, s2;
	s0 =	sadd.s32 s1, s0  }
0x613: {  	[tilespmem:s31], [sflag:$0x2] =	stream.linear.gather [hbm4b:s0+s3], $0x6000, $0x38;
	[tilespmem:$0x18000] =	vst v63  }
.LBB2_13:
0x614: {  	_ =	sfence.sel $0x180000  }
0x615: {  	[bflag:$0x0] =	sbarrier.arrive $0xFFFF  }
0x616: {  	_ =	strace $0x90000047  }
0x617: {  	s0 =	stileid.u32;
	[bflag:$0x2] =	sbarrier.arrive $0xFFFF  }
0x618: {  	p0 =	sne.s32 s0, $0x0;
	s0 =	rddreg [dreg:$0x1]  }
0x619: {  	s0 =	sadd.s32 @!p0 $0x100000, s0  }
0x61a: {  	[sflag:s0] =	ssyncadd.tile.s32 @!p0 $0x1;
	_ =	shalt  }
.Lfunc_end2:
_tile_overlayer_lowered:
.L_overlay_start_2:
0x61b: {  	(tag) =	ssettag $0x2  }
0x61c: {  	s0 =	rddreg [dreg:$0x0];
	s2 =	stileid.u32  }
0x61d: {  	s1 =	rddreg [dreg:$0x1];
	p0 =	sne.s32 s2, $0x0  }
0x61e: {  	s3 =	rddreg [dreg:$0x2];
	[bflag:$0x3] =	sbarrier.arrive $0xFFFF;
	s2 =	simm.s32 @!p0 $0x1C05  }
0x61f: {  	[timem:s3], [sflag:s2] =	dma.local @!p0 [hbm:s0], s1  }
0x620: {  	s0 =	simm.s32 @!p0 $0x5  }
0x621: {  	_ =	swait.ge @!p0 [sflag:s0], s1  }
0x622: {  	s1 =	ssub.s32 @!p0 $0x0, s1;
	[sflag:s0] =	ssyncset.done @!p0 $0x0  }
0x623: {  	[sflag:s0] =	ssyncadd.s32 @!p0 s1  }
0x624: {  	[bflag:$0x3] =	sbarrier.arrive $0xFFFF  }
0x625: {  	_ =	shalt  }

</sc_bundles>
